<compile_context>
chip_gen: v7x
topology: tpu7x:2x2x1
jax: 0.10.2.dev20260603
libtpu: 0.0.44.dev20260713+nightly
codegen_flags: <defaults>
</compile_context>

<pallas_src>
import functools

import jax
import jax.numpy as jnp
from jax import lax
from jax.experimental import pallas as pl
from jax.experimental.pallas import tpu as pltpu
from jax.experimental.pallas import tpu_sc as plsc

_SPC = 2
_NBUF = 2
_LANES = 16


@functools.lru_cache(maxsize=None)
def _build_gather(NB, SEQ, V, D):
    info = plsc.get_sparse_core_info()
    nw = info.num_cores * info.num_subcores
    assert NB % (nw * _SPC * _NBUF) == 0
    s_per_w = NB // nw
    b_per_w = s_per_w * SEQ
    rows_c = _SPC * SEQ
    nchunks = s_per_w // _SPC
    niter = nchunks // _NBUF
    ngrp = rows_c // _LANES
    tail = rows_c - ngrp * _LANES

    mesh = plsc.VectorSubcoreMesh(core_axis_name="c", subcore_axis_name="s")

    @functools.partial(
        pl.kernel,
        mesh=mesh,
        out_type=jax.ShapeDtypeStruct((NB, SEQ, D), jnp.float32),
        scratch_types=[
            pltpu.VMEM((b_per_w + _LANES,), jnp.int32),
            pltpu.VMEM((_SPC, SEQ, D), jnp.float32),
            pltpu.VMEM((_SPC, SEQ, D), jnp.float32),
            pltpu.SemaphoreType.DMA,
            pltpu.SemaphoreType.DMA,
            pltpu.SemaphoreType.DMA,
            pltpu.SemaphoreType.DMA,
        ],
    )
    def body(x_hbm, table_hbm, out_hbm, idx_v, rows0, rows1, g0, g1, s0, s1):
        wid = lax.axis_index("s") * info.num_cores + lax.axis_index("c")
        base = wid * b_per_w
        pltpu.sync_copy(x_hbm.at[pl.ds(base, b_per_w)],
                        idx_v.at[pl.ds(0, b_per_w)])

        rows = (rows0, rows1)
        gsem = (g0, g1)
        ssem = (s0, s1)

        def enqueue(vv, j, dst_row, b):
            r = jnp.squeeze(lax.slice(vv, (j,), (j + 1,)))
            q = dst_row // SEQ
            s = dst_row - q * SEQ
            pltpu.async_copy(table_hbm.at[pl.ds(r, 1)],
                             rows[b].at[q].at[pl.ds(s, 1)], gsem[b])

        def fire_gather(c, b):
            def grp_body(g, carry):
                vv = idx_v[pl.ds(c * rows_c + g * _LANES, _LANES)]
                for j in range(_LANES):
                    enqueue(vv, j, g * _LANES + j, b)
                return carry

            lax.fori_loop(0, ngrp, grp_body, 0)
            if tail:
                vv = idx_v[pl.ds(c * rows_c + ngrp * _LANES, _LANES)]
                for j in range(tail):
                    enqueue(vv, j, ngrp * _LANES + j, b)

        def wait_gather(b):
            def row_body(k, carry):
                pltpu.make_async_copy(table_hbm.at[pl.ds(0, 1)],
                                      rows[b].at[0].at[pl.ds(0, 1)],
                                      gsem[b]).wait()
                return carry

            lax.fori_loop(0, rows_c, row_body, 0)

        def fire_scatter(c, b):
            s0_ = wid * s_per_w + c * _SPC
            for q in range(_SPC):
                pltpu.async_copy(rows[b].at[q], out_hbm.at[s0_ + q], ssem[b])

        def wait_scatter(b):
            for q in range(_SPC):
                pltpu.make_async_copy(rows[b].at[0], out_hbm.at[0],
                                      ssem[b]).wait()

        for b in range(_NBUF):
            fire_gather(b, b)

        def iter_body(i, carry):
            for b in range(_NBUF):
                c = _NBUF * i + b
                wait_gather(b)
                fire_scatter(c, b)
                wait_scatter(b)
                fire_gather(c + _NBUF, b)
            return carry

        lax.fori_loop(0, niter - 1, iter_body, 0)

        for b in range(_NBUF):
            wait_gather(b)
            fire_scatter(_NBUF * (niter - 1) + b, b)
        for b in range(_NBUF):
            wait_scatter(b)

    return body


def kernel(x, table):
    NB, SEQ = x.shape
    V, D = table.shape
    return _build_gather(NB, SEQ, V, D)(x.reshape(x.size), table)

# --- scband reference (transcript-rebuilt; emitter-appended) ---
"""Pipeline reference for scband-word-embedding-3959959847495 (READ-ONLY COPY).

The authoritative reference and input builder live on the scoring server;
editing this copy changes nothing except your own understanding.
"""

import jax, jax.numpy as jnp
import numpy as np

VOCAB = 400000
EMBED_DIM = 300
BATCH = 4096
SEQ = 50

def setup_inputs(seed: int = 0) -> dict:
    key = jax.random.key(seed)
    k_idx, k_tab = jax.random.split(key)
    x = jax.random.randint(k_idx, (BATCH, SEQ), 0, VOCAB, dtype=jnp.int32)
    # GloVe pretrained table stand-in: random normal weights, shape [vocab, embedding_dim]
    table = jax.random.normal(k_tab, (VOCAB, EMBED_DIM), dtype=jnp.float32)
    return {"x": x, "table": table}

def reference(x, table):
    # nn.Embedding forward: row gather from the embedding table
    return jnp.take(table, x, axis=0)

if __name__ == "__main__":
    import jax
    _d = setup_inputs()
    print(jax.jit(kernel)(*tuple(_d.values())))

</pallas_src>

<mosaic_0001>
#map = affine_map<(d0, d1) -> (0)>
#map1 = affine_map<(d0, d1) -> (0, 0)>
#map2 = affine_map<(d0, d1) -> (0, 0, 0)>
module attributes {stable_mosaic.version = 14 : i64} {
  func.func @body(%arg0: i32, %arg1: i32, %arg2: memref<204800xi32, #tpu.memory_space<hbm>>, %arg3: memref<400000x300xf32, #tpu.memory_space<hbm>>, %arg4: memref<4096x50x300xf32, #tpu.memory_space<hbm>>, %arg5: memref<6416xi32, #tpu.memory_space<vmem>>, %arg6: memref<2x50x300xf32, #tpu.memory_space<vmem>>, %arg7: memref<2x50x300xf32, #tpu.memory_space<vmem>>, %arg8: memref<!tpu.dma_semaphore, #tpu.memory_space<semaphore_mem>>, %arg9: memref<!tpu.dma_semaphore, #tpu.memory_space<semaphore_mem>>, %arg10: memref<!tpu.dma_semaphore, #tpu.memory_space<semaphore_mem>>, %arg11: memref<!tpu.dma_semaphore, #tpu.memory_space<semaphore_mem>>) attributes {dimension_semantics = [#tpu.dimension_semantics<core_parallel>, #tpu.dimension_semantics<subcore_parallel>], iteration_bounds = array<i64: 2, 16>, scalar_prefetch = 0 : i64, scratch_operands = 7 : i64, tpu.core_type = #tpu.core_type<sc_vector_subcore>, window_params = [{transform_indices = #map}, {transform_indices = #map1}, {transform_indices = #map2}]} {
    %mul3A = arith.constant 2 : i32
    %mul3A_0 = arith.muli %arg1, %mul3A : i32
    %add3A = arith.addi %mul3A_0, %arg0 : i32
    %mul3A_1 = arith.constant 6400 : i32
    %mul3A_2 = arith.muli %add3A, %mul3A_1 : i32
    "tpu.region"() ({
      %run_scoped3A = tpu.sem_alloc : memref<!tpu.dma_semaphore, #tpu.memory_space<semaphore_mem>>
      %dma_start3A_357 = arith.constant 0 : i32
      %dma_start3A_358 = tpu.memref_slice %arg5[%dma_start3A_357] : memref<6416xi32, #tpu.memory_space<vmem>> -> memref<6400xi32, #tpu.memory_space<vmem>>
      %dma_start3A_359 = tpu.memref_slice %arg2[%mul3A_2] : memref<204800xi32, #tpu.memory_space<hbm>> -> memref<6400xi32, #tpu.memory_space<hbm>>
      %dma_start3A_360 = arith.constant 0 : i32
      %dma_start3A_361 = tpu.memref_slice %arg5[%dma_start3A_360] : memref<6416xi32, #tpu.memory_space<vmem>> -> memref<6400xi32, #tpu.memory_space<vmem>>
      %dma_start3A_362 = tpu.memref_slice %arg2[%mul3A_2] : memref<204800xi32, #tpu.memory_space<hbm>> -> memref<6400xi32, #tpu.memory_space<hbm>>
      tpu.enqueue_dma source(%dma_start3A_362 : memref<6400xi32, #tpu.memory_space<hbm>>) target(%dma_start3A_361 : memref<6400xi32, #tpu.memory_space<vmem>>) target_semaphore(%run_scoped3A : memref<!tpu.dma_semaphore, #tpu.memory_space<semaphore_mem>>)
      %dma_wait3A_363 = arith.constant 0 : i32
      %dma_wait3A_364 = tpu.memref_slice %arg5[%dma_wait3A_363] : memref<6416xi32, #tpu.memory_space<vmem>> -> memref<6400xi32, #tpu.memory_space<vmem>>
      %dma_wait3A_365 = tpu.memref_slice %arg2[%mul3A_2] : memref<204800xi32, #tpu.memory_space<hbm>> -> memref<6400xi32, #tpu.memory_space<hbm>>
      %dma_wait3A_366 = arith.constant 0 : i32
      %dma_wait3A_367 = tpu.memref_slice %arg5[%dma_wait3A_366] : memref<6416xi32, #tpu.memory_space<vmem>> -> memref<6400xi32, #tpu.memory_space<vmem>>
      %dma_wait3A_368 = tpu.memref_slice %arg2[%mul3A_2] : memref<204800xi32, #tpu.memory_space<hbm>> -> memref<6400xi32, #tpu.memory_space<hbm>>
      tpu.wait_dma2 semaphore(%run_scoped3A : memref<!tpu.dma_semaphore, #tpu.memory_space<semaphore_mem>>) src(%dma_wait3A_368 : memref<6400xi32, #tpu.memory_space<hbm>>) dst(%dma_wait3A_367 : memref<6400xi32, #tpu.memory_space<vmem>>)
      tpu.yield
    }) : () -> ()
    %scan3A = arith.constant 0 : i32
    %scan3A_3 = arith.constant 0 : i32
    %scan3A_4 = arith.constant 6 : i32
    %scan3A_5 = arith.addi %scan3A_3, %scan3A_4 : i32
    %scan3A_6 = arith.constant 1 : i32
    scf.for %scan3A_357 = %scan3A_3 to %scan3A_5 step %scan3A_6  : i32 {
      %mul3A_358 = arith.constant 16 : i32
      %mul3A_359 = arith.muli %scan3A_357, %mul3A_358 : i32
      %add3A_360 = arith.constant 0 : i32
      %add3A_361 = arith.addi %add3A_360, %mul3A_359 : i32
      %get3A_362 = arith.index_cast %add3A_361 : i32 to index
      %get3A_363 = tpu.vector_load %arg5[%get3A_362] {strides = array<i32>} : memref<6416xi32, #tpu.memory_space<vmem>>, vector<16xi32>,
      %get3A_364 = vector.shape_cast %get3A_363 : vector<16xi32> to vector<16xi32>
      %mul3A_365 = arith.constant 16 : i32
      %mul3A_366 = arith.muli %scan3A_357, %mul3A_365 : i32
      %add3A_367 = arith.constant 0 : i32
      %add3A_368 = arith.addi %mul3A_366, %add3A_367 : i32
      %slice3A_369 = vector.extract_strided_slice %get3A_364 {offsets = [0], sizes = [1], strides = [1]} : vector<16xi32> to vector<1xi32>
      %squeeze3A_370 = vector.extract %slice3A_369[0] : i32 from vector<1xi32>
      %jit3A = arith.constant 50 : i32
      %div3A = arith.divsi %add3A_368, %jit3A : i32
      %sign3A = arith.constant 0 : i32
      %sign3A_371 = arith.cmpi sgt, %add3A_368, %sign3A : i32
      %sign3A_372 = arith.extui %sign3A_371 : i1 to i32
      %sign3A_373 = arith.constant 0 : i32
      %sign3A_374 = arith.cmpi slt, %add3A_368, %sign3A_373 : i32
      %sign3A_375 = arith.extui %sign3A_374 : i1 to i32
      %sign3A_376 = arith.subi %sign3A_372, %sign3A_375 : i32
      %sign3A_377 = arith.constant 0 : i32
      %sign3A_378 = arith.cmpi sgt, %jit3A, %sign3A_377 : i32
      %sign3A_379 = arith.extui %sign3A_378 : i1 to i32
      %sign3A_380 = arith.constant 0 : i32
      %sign3A_381 = arith.cmpi slt, %jit3A, %sign3A_380 : i32
      %sign3A_382 = arith.extui %sign3A_381 : i1 to i32
      %sign3A_383 = arith.subi %sign3A_379, %sign3A_382 : i32
      %ne3A = arith.cmpi ne, %sign3A_376, %sign3A_383 : i32
      %rem3A = arith.remsi %add3A_368, %jit3A : i32
      %ne3A_384 = arith.constant 0 : i32
      %ne3A_385 = arith.cmpi ne, %rem3A, %ne3A_384 : i32
      %and3A = arith.andi %ne3A, %ne3A_385 : i1
      %sub3A = arith.constant 1 : i32
      %sub3A_386 = arith.subi %div3A, %sub3A : i32
      %select_n3A = arith.select %and3A, %sub3A_386, %div3A : i32
      %mul3A_387 = arith.constant 50 : i32
      %mul3A_388 = arith.muli %select_n3A, %mul3A_387 : i32
      %sub3A_389 = arith.subi %add3A_368, %mul3A_388 : i32
      %dma_start3A_390 = arith.constant 0 : i32
      %dma_start3A_391 = arith.constant 0 : i32
      %dma_start3A_392 = tpu.memref_slice %arg6[%select_n3A, %dma_start3A_390, %dma_start3A_391] : memref<2x50x300xf32, #tpu.memory_space<vmem>> -> memref<1x50x300xf32, #tpu.memory_space<vmem>>
      %dma_start3A_393 = tpu.memref_squeeze %dma_start3A_392 : memref<1x50x300xf32, #tpu.memory_space<vmem>> -> memref<50x300xf32, #tpu.memory_space<vmem>>
      %dma_start3A_394 = arith.constant 0 : i32
      %dma_start3A_395 = tpu.memref_slice %dma_start3A_393[%sub3A_389, %dma_start3A_394] : memref<50x300xf32, #tpu.memory_space<vmem>> -> memref<1x300xf32, #tpu.memory_space<vmem>>
      %dma_start3A_396 = arith.constant 0 : i32
      %dma_start3A_397 = tpu.memref_slice %arg3[%squeeze3A_370, %dma_start3A_396] : memref<400000x300xf32, #tpu.memory_space<hbm>> -> memref<1x300xf32, #tpu.memory_space<hbm>>
      %dma_start3A_398 = arith.constant 0 : i32
      %dma_start3A_399 = arith.constant 0 : i32
      %dma_start3A_400 = tpu.memref_slice %arg6[%select_n3A, %dma_start3A_398, %dma_start3A_399] : memref<2x50x300xf32, #tpu.memory_space<vmem>> -> memref<1x50x300xf32, #tpu.memory_space<vmem>>
      %dma_start3A_401 = tpu.memref_squeeze %dma_start3A_400 : memref<1x50x300xf32, #tpu.memory_space<vmem>> -> memref<50x300xf32, #tpu.memory_space<vmem>>
      %dma_start3A_402 = arith.constant 0 : i32
      %dma_start3A_403 = tpu.memref_slice %dma_start3A_401[%sub3A_389, %dma_start3A_402] : memref<50x300xf32, #tpu.memory_space<vmem>> -> memref<1x300xf32, #tpu.memory_space<vmem>>
      %dma_start3A_404 = arith.constant 0 : i32
      %dma_start3A_405 = tpu.memref_slice %arg3[%squeeze3A_370, %dma_start3A_404] : memref<400000x300xf32, #tpu.memory_space<hbm>> -> memref<1x300xf32, #tpu.memory_space<hbm>>
      tpu.enqueue_dma source(%dma_start3A_405 : memref<1x300xf32, #tpu.memory_space<hbm>>) target(%dma_start3A_403 : memref<1x300xf32, #tpu.memory_space<vmem>>) target_semaphore(%arg8 : memref<!tpu.dma_semaphore, #tpu.memory_space<semaphore_mem>>)
      %mul3A_406 = arith.constant 16 : i32
      %mul3A_407 = arith.muli %scan3A_357, %mul3A_406 : i32
      %add3A_408 = arith.constant 1 : i32
      %add3A_409 = arith.addi %mul3A_407, %add3A_408 : i32
      %slice3A_410 = vector.extract_strided_slice %get3A_364 {offsets = [1], sizes = [1], strides = [1]} : vector<16xi32> to vector<1xi32>
      %squeeze3A_411 = vector.extract %slice3A_410[0] : i32 from vector<1xi32>
      %jit3A_412 = arith.constant 50 : i32
      %div3A_413 = arith.divsi %add3A_409, %jit3A_412 : i32
      %sign3A_414 = arith.constant 0 : i32
      %sign3A_415 = arith.cmpi sgt, %add3A_409, %sign3A_414 : i32
      %sign3A_416 = arith.extui %sign3A_415 : i1 to i32
      %sign3A_417 = arith.constant 0 : i32
      %sign3A_418 = arith.cmpi slt, %add3A_409, %sign3A_417 : i32
      %sign3A_419 = arith.extui %sign3A_418 : i1 to i32
      %sign3A_420 = arith.subi %sign3A_416, %sign3A_419 : i32
      %sign3A_421 = arith.constant 0 : i32
      %sign3A_422 = arith.cmpi sgt, %jit3A_412, %sign3A_421 : i32
      %sign3A_423 = arith.extui %sign3A_422 : i1 to i32
      %sign3A_424 = arith.constant 0 : i32
      %sign3A_425 = arith.cmpi slt, %jit3A_412, %sign3A_424 : i32
      %sign3A_426 = arith.extui %sign3A_425 : i1 to i32
      %sign3A_427 = arith.subi %sign3A_423, %sign3A_426 : i32
      %ne3A_428 = arith.cmpi ne, %sign3A_420, %sign3A_427 : i32
      %rem3A_429 = arith.remsi %add3A_409, %jit3A_412 : i32
      %ne3A_430 = arith.constant 0 : i32
      %ne3A_431 = arith.cmpi ne, %rem3A_429, %ne3A_430 : i32
      %and3A_432 = arith.andi %ne3A_428, %ne3A_431 : i1
      %sub3A_433 = arith.constant 1 : i32
      %sub3A_434 = arith.subi %div3A_413, %sub3A_433 : i32
      %select_n3A_435 = arith.select %and3A_432, %sub3A_434, %div3A_413 : i32
      %mul3A_436 = arith.constant 50 : i32
      %mul3A_437 = arith.muli %select_n3A_435, %mul3A_436 : i32
      %sub3A_438 = arith.subi %add3A_409, %mul3A_437 : i32
      %dma_start3A_439 = arith.constant 0 : i32
      %dma_start3A_440 = arith.constant 0 : i32
      %dma_start3A_441 = tpu.memref_slice %arg6[%select_n3A_435, %dma_start3A_439, %dma_start3A_440] : memref<2x50x300xf32, #tpu.memory_space<vmem>> -> memref<1x50x300xf32, #tpu.memory_space<vmem>>
      %dma_start3A_442 = tpu.memref_squeeze %dma_start3A_441 : memref<1x50x300xf32, #tpu.memory_space<vmem>> -> memref<50x300xf32, #tpu.memory_space<vmem>>
      %dma_start3A_443 = arith.constant 0 : i32
      %dma_start3A_444 = tpu.memref_slice %dma_start3A_442[%sub3A_438, %dma_start3A_443] : memref<50x300xf32, #tpu.memory_space<vmem>> -> memref<1x300xf32, #tpu.memory_space<vmem>>
      %dma_start3A_445 = arith.constant 0 : i32
      %dma_start3A_446 = tpu.memref_slice %arg3[%squeeze3A_411, %dma_start3A_445] : memref<400000x300xf32, #tpu.memory_space<hbm>> -> memref<1x300xf32, #tpu.memory_space<hbm>>
      %dma_start3A_447 = arith.constant 0 : i32
      %dma_start3A_448 = arith.constant 0 : i32
      %dma_start3A_449 = tpu.memref_slice %arg6[%select_n3A_435, %dma_start3A_447, %dma_start3A_448] : memref<2x50x300xf32, #tpu.memory_space<vmem>> -> memref<1x50x300xf32, #tpu.memory_space<vmem>>
      %dma_start3A_450 = tpu.memref_squeeze %dma_start3A_449 : memref<1x50x300xf32, #tpu.memory_space<vmem>> -> memref<50x300xf32, #tpu.memory_space<vmem>>
      %dma_start3A_451 = arith.constant 0 : i32
      %dma_start3A_452 = tpu.memref_slice %dma_start3A_450[%sub3A_438, %dma_start3A_451] : memref<50x300xf32, #tpu.memory_space<vmem>> -> memref<1x300xf32, #tpu.memory_space<vmem>>
      %dma_start3A_453 = arith.constant 0 : i32
      %dma_start3A_454 = tpu.memref_slice %arg3[%squeeze3A_411, %dma_start3A_453] : memref<400000x300xf32, #tpu.memory_space<hbm>> -> memref<1x300xf32, #tpu.memory_space<hbm>>
      tpu.enqueue_dma source(%dma_start3A_454 : memref<1x300xf32, #tpu.memory_space<hbm>>) target(%dma_start3A_452 : memref<1x300xf32, #tpu.memory_space<vmem>>) target_semaphore(%arg8 : memref<!tpu.dma_semaphore, #tpu.memory_space<semaphore_mem>>)
      %mul3A_455 = arith.constant 16 : i32
      %mul3A_456 = arith.muli %scan3A_357, %mul3A_455 : i32
      %add3A_457 = arith.constant 2 : i32
      %add3A_458 = arith.addi %mul3A_456, %add3A_457 : i32
      %slice3A_459 = vector.extract_strided_slice %get3A_364 {offsets = [2], sizes = [1], strides = [1]} : vector<16xi32> to vector<1xi32>
      %squeeze3A_460 = vector.extract %slice3A_459[0] : i32 from vector<1xi32>
      %jit3A_461 = arith.constant 50 : i32
      %div3A_462 = arith.divsi %add3A_458, %jit3A_461 : i32
      %sign3A_463 = arith.constant 0 : i32
      %sign3A_464 = arith.cmpi sgt, %add3A_458, %sign3A_463 : i32
      %sign3A_465 = arith.extui %sign3A_464 : i1 to i32
      %sign3A_466 = arith.constant 0 : i32
      %sign3A_467 = arith.cmpi slt, %add3A_458, %sign3A_466 : i32
      %sign3A_468 = arith.extui %sign3A_467 : i1 to i32
      %sign3A_469 = arith.subi %sign3A_465, %sign3A_468 : i32
      %sign3A_470 = arith.constant 0 : i32
      %sign3A_471 = arith.cmpi sgt, %jit3A_461, %sign3A_470 : i32
      %sign3A_472 = arith.extui %sign3A_471 : i1 to i32
      %sign3A_473 = arith.constant 0 : i32
      %sign3A_474 = arith.cmpi slt, %jit3A_461, %sign3A_473 : i32
      %sign3A_475 = arith.extui %sign3A_474 : i1 to i32
      %sign3A_476 = arith.subi %sign3A_472, %sign3A_475 : i32
      %ne3A_477 = arith.cmpi ne, %sign3A_469, %sign3A_476 : i32
      %rem3A_478 = arith.remsi %add3A_458, %jit3A_461 : i32
      %ne3A_479 = arith.constant 0 : i32
      %ne3A_480 = arith.cmpi ne, %rem3A_478, %ne3A_479 : i32
      %and3A_481 = arith.andi %ne3A_477, %ne3A_480 : i1
      %sub3A_482 = arith.constant 1 : i32
      %sub3A_483 = arith.subi %div3A_462, %sub3A_482 : i32
      %select_n3A_484 = arith.select %and3A_481, %sub3A_483, %div3A_462 : i32
      %mul3A_485 = arith.constant 50 : i32
      %mul3A_486 = arith.muli %select_n3A_484, %mul3A_485 : i32
      %sub3A_487 = arith.subi %add3A_458, %mul3A_486 : i32
      %dma_start3A_488 = arith.constant 0 : i32
      %dma_start3A_489 = arith.constant 0 : i32
      %dma_start3A_490 = tpu.memref_slice %arg6[%select_n3A_484, %dma_start3A_488, %dma_start3A_489] : memref<2x50x300xf32, #tpu.memory_space<vmem>> -> memref<1x50x300xf32, #tpu.memory_space<vmem>>
      %dma_start3A_491 = tpu.memref_squeeze %dma_start3A_490 : memref<1x50x300xf32, #tpu.memory_space<vmem>> -> memref<50x300xf32, #tpu.memory_space<vmem>>
      %dma_start3A_492 = arith.constant 0 : i32
      %dma_start3A_493 = tpu.memref_slice %dma_start3A_491[%sub3A_487, %dma_start3A_492] : memref<50x300xf32, #tpu.memory_space<vmem>> -> memref<1x300xf32, #tpu.memory_space<vmem>>
      %dma_start3A_494 = arith.constant 0 : i32
      %dma_start3A_495 = tpu.memref_slice %arg3[%squeeze3A_460, %dma_start3A_494] : memref<400000x300xf32, #tpu.memory_space<hbm>> -> memref<1x300xf32, #tpu.memory_space<hbm>>
      %dma_start3A_496 = arith.constant 0 : i32
      %dma_start3A_497 = arith.constant 0 : i32
      %dma_start3A_498 = tpu.memref_slice %arg6[%select_n3A_484, %dma_start3A_496, %dma_start3A_497] : memref<2x50x300xf32, #tpu.memory_space<vmem>> -> memref<1x50x300xf32, #tpu.memory_space<vmem>>
      %dma_start3A_499 = tpu.memref_squeeze %dma_start3A_498 : memref<1x50x300xf32, #tpu.memory_space<vmem>> -> memref<50x300xf32, #tpu.memory_space<vmem>>
      %dma_start3A_500 = arith.constant 0 : i32
      %dma_start3A_501 = tpu.memref_slice %dma_start3A_499[%sub3A_487, %dma_start3A_500] : memref<50x300xf32, #tpu.memory_space<vmem>> -> memref<1x300xf32, #tpu.memory_space<vmem>>
      %dma_start3A_502 = arith.constant 0 : i32
      %dma_start3A_503 = tpu.memref_slice %arg3[%squeeze3A_460, %dma_start3A_502] : memref<400000x300xf32, #tpu.memory_space<hbm>> -> memref<1x300xf32, #tpu.memory_space<hbm>>
      tpu.enqueue_dma source(%dma_start3A_503 : memref<1x300xf32, #tpu.memory_space<hbm>>) target(%dma_start3A_501 : memref<1x300xf32, #tpu.memory_space<vmem>>) target_semaphore(%arg8 : memref<!tpu.dma_semaphore, #tpu.memory_space<semaphore_mem>>)
      %mul3A_504 = arith.constant 16 : i32
      %mul3A_505 = arith.muli %scan3A_357, %mul3A_504 : i32
      %add3A_506 = arith.constant 3 : i32
      %add3A_507 = arith.addi %mul3A_505, %add3A_506 : i32
      %slice3A_508 = vector.extract_strided_slice %get3A_364 {offsets = [3], sizes = [1], strides = [1]} : vector<16xi32> to vector<1xi32>
      %squeeze3A_509 = vector.extract %slice3A_508[0] : i32 from vector<1xi32>
      %jit3A_510 = arith.constant 50 : i32
      %div3A_511 = arith.divsi %add3A_507, %jit3A_510 : i32
      %sign3A_512 = arith.constant 0 : i32
      %sign3A_513 = arith.cmpi sgt, %add3A_507, %sign3A_512 : i32
      %sign3A_514 = arith.extui %sign3A_513 : i1 to i32
      %sign3A_515 = arith.constant 0 : i32
      %sign3A_516 = arith.cmpi slt, %add3A_507, %sign3A_515 : i32
      %sign3A_517 = arith.extui %sign3A_516 : i1 to i32
      %sign3A_518 = arith.subi %sign3A_514, %sign3A_517 : i32
      %sign3A_519 = arith.constant 0 : i32
      %sign3A_520 = arith.cmpi sgt, %jit3A_510, %sign3A_519 : i32
      %sign3A_521 = arith.extui %sign3A_520 : i1 to i32
      %sign3A_522 = arith.constant 0 : i32
      %sign3A_523 = arith.cmpi slt, %jit3A_510, %sign3A_522 : i32
      %sign3A_524 = arith.extui %sign3A_523 : i1 to i32
      %sign3A_525 = arith.subi %sign3A_521, %sign3A_524 : i32
      %ne3A_526 = arith.cmpi ne, %sign3A_518, %sign3A_525 : i32
      %rem3A_527 = arith.remsi %add3A_507, %jit3A_510 : i32
      %ne3A_528 = arith.constant 0 : i32
      %ne3A_529 = arith.cmpi ne, %rem3A_527, %ne3A_528 : i32
      %and3A_530 = arith.andi %ne3A_526, %ne3A_529 : i1
      %sub3A_531 = arith.constant 1 : i32
      %sub3A_532 = arith.subi %div3A_511, %sub3A_531 : i32
      %select_n3A_533 = arith.select %and3A_530, %sub3A_532, %div3A_511 : i32
      %mul3A_534 = arith.constant 50 : i32
      %mul3A_535 = arith.muli %select_n3A_533, %mul3A_534 : i32
      %sub3A_536 = arith.subi %add3A_507, %mul3A_535 : i32
      %dma_start3A_537 = arith.constant 0 : i32
      %dma_start3A_538 = arith.constant 0 : i32
      %dma_start3A_539 = tpu.memref_slice %arg6[%select_n3A_533, %dma_start3A_537, %dma_start3A_538] : memref<2x50x300xf32, #tpu.memory_space<vmem>> -> memref<1x50x300xf32, #tpu.memory_space<vmem>>
      %dma_start3A_540 = tpu.memref_squeeze %dma_start3A_539 : memref<1x50x300xf32, #tpu.memory_space<vmem>> -> memref<50x300xf32, #tpu.memory_space<vmem>>
      %dma_start3A_541 = arith.constant 0 : i32
      %dma_start3A_542 = tpu.memref_slice %dma_start3A_540[%sub3A_536, %dma_start3A_541] : memref<50x300xf32, #tpu.memory_space<vmem>> -> memref<1x300xf32, #tpu.memory_space<vmem>>
      %dma_start3A_543 = arith.constant 0 : i32
      %dma_start3A_544 = tpu.memref_slice %arg3[%squeeze3A_509, %dma_start3A_543] : memref<400000x300xf32, #tpu.memory_space<hbm>> -> memref<1x300xf32, #tpu.memory_space<hbm>>
      %dma_start3A_545 = arith.constant 0 : i32
      %dma_start3A_546 = arith.constant 0 : i32
      %dma_start3A_547 = tpu.memref_slice %arg6[%select_n3A_533, %dma_start3A_545, %dma_start3A_546] : memref<2x50x300xf32, #tpu.memory_space<vmem>> -> memref<1x50x300xf32, #tpu.memory_space<vmem>>
      %dma_start3A_548 = tpu.memref_squeeze %dma_start3A_547 : memref<1x50x300xf32, #tpu.memory_space<vmem>> -> memref<50x300xf32, #tpu.memory_space<vmem>>
      %dma_start3A_549 = arith.constant 0 : i32
      %dma_start3A_550 = tpu.memref_slice %dma_start3A_548[%sub3A_536, %dma_start3A_549] : memref<50x300xf32, #tpu.memory_space<vmem>> -> memref<1x300xf32, #tpu.memory_space<vmem>>
      %dma_start3A_551 = arith.constant 0 : i32
      %dma_start3A_552 = tpu.memref_slice %arg3[%squeeze3A_509, %dma_start3A_551] : memref<400000x300xf32, #tpu.memory_space<hbm>> -> memref<1x300xf32, #tpu.memory_space<hbm>>
      tpu.enqueue_dma source(%dma_start3A_552 : memref<1x300xf32, #tpu.memory_space<hbm>>) target(%dma_start3A_550 : memref<1x300xf32, #tpu.memory_space<vmem>>) target_semaphore(%arg8 : memref<!tpu.dma_semaphore, #tpu.memory_space<semaphore_mem>>)
      %mul3A_553 = arith.constant 16 : i32
      %mul3A_554 = arith.muli %scan3A_357, %mul3A_553 : i32
      %add3A_555 = arith.constant 4 : i32
      %add3A_556 = arith.addi %mul3A_554, %add3A_555 : i32
      %slice3A_557 = vector.extract_strided_slice %get3A_364 {offsets = [4], sizes = [1], strides = [1]} : vector<16xi32> to vector<1xi32>
      %squeeze3A_558 = vector.extract %slice3A_557[0] : i32 from vector<1xi32>
      %jit3A_559 = arith.constant 50 : i32
      %div3A_560 = arith.divsi %add3A_556, %jit3A_559 : i32
      %sign3A_561 = arith.constant 0 : i32
      %sign3A_562 = arith.cmpi sgt, %add3A_556, %sign3A_561 : i32
      %sign3A_563 = arith.extui %sign3A_562 : i1 to i32
      %sign3A_564 = arith.constant 0 : i32
      %sign3A_565 = arith.cmpi slt, %add3A_556, %sign3A_564 : i32
      %sign3A_566 = arith.extui %sign3A_565 : i1 to i32
      %sign3A_567 = arith.subi %sign3A_563, %sign3A_566 : i32
      %sign3A_568 = arith.constant 0 : i32
      %sign3A_569 = arith.cmpi sgt, %jit3A_559, %sign3A_568 : i32
      %sign3A_570 = arith.extui %sign3A_569 : i1 to i32
      %sign3A_571 = arith.constant 0 : i32
      %sign3A_572 = arith.cmpi slt, %jit3A_559, %sign3A_571 : i32
      %sign3A_573 = arith.extui %sign3A_572 : i1 to i32
      %sign3A_574 = arith.subi %sign3A_570, %sign3A_573 : i32
      %ne3A_575 = arith.cmpi ne, %sign3A_567, %sign3A_574 : i32
      %rem3A_576 = arith.remsi %add3A_556, %jit3A_559 : i32
      %ne3A_577 = arith.constant 0 : i32
      %ne3A_578 = arith.cmpi ne, %rem3A_576, %ne3A_577 : i32
      %and3A_579 = arith.andi %ne3A_575, %ne3A_578 : i1
      %sub3A_580 = arith.constant 1 : i32
      %sub3A_581 = arith.subi %div3A_560, %sub3A_580 : i32
      %select_n3A_582 = arith.select %and3A_579, %sub3A_581, %div3A_560 : i32
      %mul3A_583 = arith.constant 50 : i32
      %mul3A_584 = arith.muli %select_n3A_582, %mul3A_583 : i32
      %sub3A_585 = arith.subi %add3A_556, %mul3A_584 : i32
      %dma_start3A_586 = arith.constant 0 : i32
      %dma_start3A_587 = arith.constant 0 : i32
      %dma_start3A_588 = tpu.memref_slice %arg6[%select_n3A_582, %dma_start3A_586, %dma_start3A_587] : memref<2x50x300xf32, #tpu.memory_space<vmem>> -> memref<1x50x300xf32, #tpu.memory_space<vmem>>
      %dma_start3A_589 = tpu.memref_squeeze %dma_start3A_588 : memref<1x50x300xf32, #tpu.memory_space<vmem>> -> memref<50x300xf32, #tpu.memory_space<vmem>>
      %dma_start3A_590 = arith.constant 0 : i32
      %dma_start3A_591 = tpu.memref_slice %dma_start3A_589[%sub3A_585, %dma_start3A_590] : memref<50x300xf32, #tpu.memory_space<vmem>> -> memref<1x300xf32, #tpu.memory_space<vmem>>
      %dma_start3A_592 = arith.constant 0 : i32
      %dma_start3A_593 = tpu.memref_slice %arg3[%squeeze3A_558, %dma_start3A_592] : memref<400000x300xf32, #tpu.memory_space<hbm>> -> memref<1x300xf32, #tpu.memory_space<hbm>>
      %dma_start3A_594 = arith.constant 0 : i32
      %dma_start3A_595 = arith.constant 0 : i32
      %dma_start3A_596 = tpu.memref_slice %arg6[%select_n3A_582, %dma_start3A_594, %dma_start3A_595] : memref<2x50x300xf32, #tpu.memory_space<vmem>> -> memref<1x50x300xf32, #tpu.memory_space<vmem>>
      %dma_start3A_597 = tpu.memref_squeeze %dma_start3A_596 : memref<1x50x300xf32, #tpu.memory_space<vmem>> -> memref<50x300xf32, #tpu.memory_space<vmem>>
      %dma_start3A_598 = arith.constant 0 : i32
      %dma_start3A_599 = tpu.memref_slice %dma_start3A_597[%sub3A_585, %dma_start3A_598] : memref<50x300xf32, #tpu.memory_space<vmem>> -> memref<1x300xf32, #tpu.memory_space<vmem>>
      %dma_start3A_600 = arith.constant 0 : i32
      %dma_start3A_601 = tpu.memref_slice %arg3[%squeeze3A_558, %dma_start3A_600] : memref<400000x300xf32, #tpu.memory_space<hbm>> -> memref<1x300xf32, #tpu.memory_space<hbm>>
      tpu.enqueue_dma source(%dma_start3A_601 : memref<1x300xf32, #tpu.memory_space<hbm>>) target(%dma_start3A_599 : memref<1x300xf32, #tpu.memory_space<vmem>>) target_semaphore(%arg8 : memref<!tpu.dma_semaphore, #tpu.memory_space<semaphore_mem>>)
      %mul3A_602 = arith.constant 16 : i32
      %mul3A_603 = arith.muli %scan3A_357, %mul3A_602 : i32
      %add3A_604 = arith.constant 5 : i32
      %add3A_605 = arith.addi %mul3A_603, %add3A_604 : i32
      %slice3A_606 = vector.extract_strided_slice %get3A_364 {offsets = [5], sizes = [1], strides = [1]} : vector<16xi32> to vector<1xi32>
      %squeeze3A_607 = vector.extract %slice3A_606[0] : i32 from vector<1xi32>
      %jit3A_608 = arith.constant 50 : i32
      %div3A_609 = arith.divsi %add3A_605, %jit3A_608 : i32
      %sign3A_610 = arith.constant 0 : i32
      %sign3A_611 = arith.cmpi sgt, %add3A_605, %sign3A_610 : i32
      %sign3A_612 = arith.extui %sign3A_611 : i1 to i32
      %sign3A_613 = arith.constant 0 : i32
      %sign3A_614 = arith.cmpi slt, %add3A_605, %sign3A_613 : i32
      %sign3A_615 = arith.extui %sign3A_614 : i1 to i32
      %sign3A_616 = arith.subi %sign3A_612, %sign3A_615 : i32
      %sign3A_617 = arith.constant 0 : i32
      %sign3A_618 = arith.cmpi sgt, %jit3A_608, %sign3A_617 : i32
      %sign3A_619 = arith.extui %sign3A_618 : i1 to i32
      %sign3A_620 = arith.constant 0 : i32
      %sign3A_621 = arith.cmpi slt, %jit3A_608, %sign3A_620 : i32
      %sign3A_622 = arith.extui %sign3A_621 : i1 to i32
      %sign3A_623 = arith.subi %sign3A_619, %sign3A_622 : i32
      %ne3A_624 = arith.cmpi ne, %sign3A_616, %sign3A_623 : i32
      %rem3A_625 = arith.remsi %add3A_605, %jit3A_608 : i32
      %ne3A_626 = arith.constant 0 : i32
      %ne3A_627 = arith.cmpi ne, %rem3A_625, %ne3A_626 : i32
      %and3A_628 = arith.andi %ne3A_624, %ne3A_627 : i1
      %sub3A_629 = arith.constant 1 : i32
      %sub3A_630 = arith.subi %div3A_609, %sub3A_629 : i32
      %select_n3A_631 = arith.select %and3A_628, %sub3A_630, %div3A_609 : i32
      %mul3A_632 = arith.constant 50 : i32
      %mul3A_633 = arith.muli %select_n3A_631, %mul3A_632 : i32
      %sub3A_634 = arith.subi %add3A_605, %mul3A_633 : i32
      %dma_start3A_635 = arith.constant 0 : i32
      %dma_start3A_636 = arith.constant 0 : i32
      %dma_start3A_637 = tpu.memref_slice %arg6[%select_n3A_631, %dma_start3A_635, %dma_start3A_636] : memref<2x50x300xf32, #tpu.memory_space<vmem>> -> memref<1x50x300xf32, #tpu.memory_space<vmem>>
      %dma_start3A_638 = tpu.memref_squeeze %dma_start3A_637 : memref<1x50x300xf32, #tpu.memory_space<vmem>> -> memref<50x300xf32, #tpu.memory_space<vmem>>
      %dma_start3A_639 = arith.constant 0 : i32
      %dma_start3A_640 = tpu.memref_slice %dma_start3A_638[%sub3A_634, %dma_start3A_639] : memref<50x300xf32, #tpu.memory_space<vmem>> -> memref<1x300xf32, #tpu.memory_space<vmem>>
      %dma_start3A_641 = arith.constant 0 : i32
      %dma_start3A_642 = tpu.memref_slice %arg3[%squeeze3A_607, %dma_start3A_641] : memref<400000x300xf32, #tpu.memory_space<hbm>> -> memref<1x300xf32, #tpu.memory_space<hbm>>
      %dma_start3A_643 = arith.constant 0 : i32
      %dma_start3A_644 = arith.constant 0 : i32
      %dma_start3A_645 = tpu.memref_slice %arg6[%select_n3A_631, %dma_start3A_643, %dma_start3A_644] : memref<2x50x300xf32, #tpu.memory_space<vmem>> -> memref<1x50x300xf32, #tpu.memory_space<vmem>>
      %dma_start3A_646 = tpu.memref_squeeze %dma_start3A_645 : memref<1x50x300xf32, #tpu.memory_space<vmem>> -> memref<50x300xf32, #tpu.memory_space<vmem>>
      %dma_start3A_647 = arith.constant 0 : i32
      %dma_start3A_648 = tpu.memref_slice %dma_start3A_646[%sub3A_634, %dma_start3A_647] : memref<50x300xf32, #tpu.memory_space<vmem>> -> memref<1x300xf32, #tpu.memory_space<vmem>>
      %dma_start3A_649 = arith.constant 0 : i32
      %dma_start3A_650 = tpu.memref_slice %arg3[%squeeze3A_607, %dma_start3A_649] : memref<400000x300xf32, #tpu.memory_space<hbm>> -> memref<1x300xf32, #tpu.memory_space<hbm>>
      tpu.enqueue_dma source(%dma_start3A_650 : memref<1x300xf32, #tpu.memory_space<hbm>>) target(%dma_start3A_648 : memref<1x300xf32, #tpu.memory_space<vmem>>) target_semaphore(%arg8 : memref<!tpu.dma_semaphore, #tpu.memory_space<semaphore_mem>>)
      %mul3A_651 = arith.constant 16 : i32
      %mul3A_652 = arith.muli %scan3A_357, %mul3A_651 : i32
      %add3A_653 = arith.constant 6 : i32
      %add3A_654 = arith.addi %mul3A_652, %add3A_653 : i32
      %slice3A_655 = vector.extract_strided_slice %get3A_364 {offsets = [6], sizes = [1], strides = [1]} : vector<16xi32> to vector<1xi32>
      %squeeze3A_656 = vector.extract %slice3A_655[0] : i32 from vector<1xi32>
      %jit3A_657 = arith.constant 50 : i32
      %div3A_658 = arith.divsi %add3A_654, %jit3A_657 : i32
      %sign3A_659 = arith.constant 0 : i32
      %sign3A_660 = arith.cmpi sgt, %add3A_654, %sign3A_659 : i32
      %sign3A_661 = arith.extui %sign3A_660 : i1 to i32
      %sign3A_662 = arith.constant 0 : i32
      %sign3A_663 = arith.cmpi slt, %add3A_654, %sign3A_662 : i32
      %sign3A_664 = arith.extui %sign3A_663 : i1 to i32
      %sign3A_665 = arith.subi %sign3A_661, %sign3A_664 : i32
      %sign3A_666 = arith.constant 0 : i32
      %sign3A_667 = arith.cmpi sgt, %jit3A_657, %sign3A_666 : i32
      %sign3A_668 = arith.extui %sign3A_667 : i1 to i32
      %sign3A_669 = arith.constant 0 : i32
      %sign3A_670 = arith.cmpi slt, %jit3A_657, %sign3A_669 : i32
      %sign3A_671 = arith.extui %sign3A_670 : i1 to i32
      %sign3A_672 = arith.subi %sign3A_668, %sign3A_671 : i32
      %ne3A_673 = arith.cmpi ne, %sign3A_665, %sign3A_672 : i32
      %rem3A_674 = arith.remsi %add3A_654, %jit3A_657 : i32
      %ne3A_675 = arith.constant 0 : i32
      %ne3A_676 = arith.cmpi ne, %rem3A_674, %ne3A_675 : i32
      %and3A_677 = arith.andi %ne3A_673, %ne3A_676 : i1
      %sub3A_678 = arith.constant 1 : i32
      %sub3A_679 = arith.subi %div3A_658, %sub3A_678 : i32
      %select_n3A_680 = arith.select %and3A_677, %sub3A_679, %div3A_658 : i32
      %mul3A_681 = arith.constant 50 : i32
      %mul3A_682 = arith.muli %select_n3A_680, %mul3A_681 : i32
      %sub3A_683 = arith.subi %add3A_654, %mul3A_682 : i32
      %dma_start3A_684 = arith.constant 0 : i32
      %dma_start3A_685 = arith.constant 0 : i32
      %dma_start3A_686 = tpu.memref_slice %arg6[%select_n3A_680, %dma_start3A_684, %dma_start3A_685] : memref<2x50x300xf32, #tpu.memory_space<vmem>> -> memref<1x50x300xf32, #tpu.memory_space<vmem>>
      %dma_start3A_687 = tpu.memref_squeeze %dma_start3A_686 : memref<1x50x300xf32, #tpu.memory_space<vmem>> -> memref<50x300xf32, #tpu.memory_space<vmem>>
      %dma_start3A_688 = arith.constant 0 : i32
      %dma_start3A_689 = tpu.memref_slice %dma_start3A_687[%sub3A_683, %dma_start3A_688] : memref<50x300xf32, #tpu.memory_space<vmem>> -> memref<1x300xf32, #tpu.memory_space<vmem>>
      %dma_start3A_690 = arith.constant 0 : i32
      %dma_start3A_691 = tpu.memref_slice %arg3[%squeeze3A_656, %dma_start3A_690] : memref<400000x300xf32, #tpu.memory_space<hbm>> -> memref<1x300xf32, #tpu.memory_space<hbm>>
      %dma_start3A_692 = arith.constant 0 : i32
      %dma_start3A_693 = arith.constant 0 : i32
      %dma_start3A_694 = tpu.memref_slice %arg6[%select_n3A_680, %dma_start3A_692, %dma_start3A_693] : memref<2x50x300xf32, #tpu.memory_space<vmem>> -> memref<1x50x300xf32, #tpu.memory_space<vmem>>
      %dma_start3A_695 = tpu.memref_squeeze %dma_start3A_694 : memref<1x50x300xf32, #tpu.memory_space<vmem>> -> memref<50x300xf32, #tpu.memory_space<vmem>>
      %dma_start3A_696 = arith.constant 0 : i32
      %dma_start3A_697 = tpu.memref_slice %dma_start3A_695[%sub3A_683, %dma_start3A_696] : memref<50x300xf32, #tpu.memory_space<vmem>> -> memref<1x300xf32, #tpu.memory_space<vmem>>
      %dma_start3A_698 = arith.constant 0 : i32
      %dma_start3A_699 = tpu.memref_slice %arg3[%squeeze3A_656, %dma_start3A_698] : memref<400000x300xf32, #tpu.memory_space<hbm>> -> memref<1x300xf32, #tpu.memory_space<hbm>>
      tpu.enqueue_dma source(%dma_start3A_699 : memref<1x300xf32, #tpu.memory_space<hbm>>) target(%dma_start3A_697 : memref<1x300xf32, #tpu.memory_space<vmem>>) target_semaphore(%arg8 : memref<!tpu.dma_semaphore, #tpu.memory_space<semaphore_mem>>)
      %mul3A_700 = arith.constant 16 : i32
      %mul3A_701 = arith.muli %scan3A_357, %mul3A_700 : i32
      %add3A_702 = arith.constant 7 : i32
      %add3A_703 = arith.addi %mul3A_701, %add3A_702 : i32
      %slice3A_704 = vector.extract_strided_slice %get3A_364 {offsets = [7], sizes = [1], strides = [1]} : vector<16xi32> to vector<1xi32>
      %squeeze3A_705 = vector.extract %slice3A_704[0] : i32 from vector<1xi32>
      %jit3A_706 = arith.constant 50 : i32
      %div3A_707 = arith.divsi %add3A_703, %jit3A_706 : i32
      %sign3A_708 = arith.constant 0 : i32
      %sign3A_709 = arith.cmpi sgt, %add3A_703, %sign3A_708 : i32
      %sign3A_710 = arith.extui %sign3A_709 : i1 to i32
      %sign3A_711 = arith.constant 0 : i32
      %sign3A_712 = arith.cmpi slt, %add3A_703, %sign3A_711 : i32
      %sign3A_713 = arith.extui %sign3A_712 : i1 to i32
      %sign3A_714 = arith.subi %sign3A_710, %sign3A_713 : i32
      %sign3A_715 = arith.constant 0 : i32
      %sign3A_716 = arith.cmpi sgt, %jit3A_706, %sign3A_715 : i32
      %sign3A_717 = arith.extui %sign3A_716 : i1 to i32
      %sign3A_718 = arith.constant 0 : i32
      %sign3A_719 = arith.cmpi slt, %jit3A_706, %sign3A_718 : i32
      %sign3A_720 = arith.extui %sign3A_719 : i1 to i32
      %sign3A_721 = arith.subi %sign3A_717, %sign3A_720 : i32
      %ne3A_722 = arith.cmpi ne, %sign3A_714, %sign3A_721 : i32
      %rem3A_723 = arith.remsi %add3A_703, %jit3A_706 : i32
      %ne3A_724 = arith.constant 0 : i32
      %ne3A_725 = arith.cmpi ne, %rem3A_723, %ne3A_724 : i32
      %and3A_726 = arith.andi %ne3A_722, %ne3A_725 : i1
      %sub3A_727 = arith.constant 1 : i32
      %sub3A_728 = arith.subi %div3A_707, %sub3A_727 : i32
      %select_n3A_729 = arith.select %and3A_726, %sub3A_728, %div3A_707 : i32
      %mul3A_730 = arith.constant 50 : i32
      %mul3A_731 = arith.muli %select_n3A_729, %mul3A_730 : i32
      %sub3A_732 = arith.subi %add3A_703, %mul3A_731 : i32
      %dma_start3A_733 = arith.constant 0 : i32
      %dma_start3A_734 = arith.constant 0 : i32
      %dma_start3A_735 = tpu.memref_slice %arg6[%select_n3A_729, %dma_start3A_733, %dma_start3A_734] : memref<2x50x300xf32, #tpu.memory_space<vmem>> -> memref<1x50x300xf32, #tpu.memory_space<vmem>>
      %dma_start3A_736 = tpu.memref_squeeze %dma_start3A_735 : memref<1x50x300xf32, #tpu.memory_space<vmem>> -> memref<50x300xf32, #tpu.memory_space<vmem>>
      %dma_start3A_737 = arith.constant 0 : i32
      %dma_start3A_738 = tpu.memref_slice %dma_start3A_736[%sub3A_732, %dma_start3A_737] : memref<50x300xf32, #tpu.memory_space<vmem>> -> memref<1x300xf32, #tpu.memory_space<vmem>>
      %dma_start3A_739 = arith.constant 0 : i32
      %dma_start3A_740 = tpu.memref_slice %arg3[%squeeze3A_705, %dma_start3A_739] : memref<400000x300xf32, #tpu.memory_space<hbm>> -> memref<1x300xf32, #tpu.memory_space<hbm>>
      %dma_start3A_741 = arith.constant 0 : i32
      %dma_start3A_742 = arith.constant 0 : i32
      %dma_start3A_743 = tpu.memref_slice %arg6[%select_n3A_729, %dma_start3A_741, %dma_start3A_742] : memref<2x50x300xf32, #tpu.memory_space<vmem>> -> memref<1x50x300xf32, #tpu.memory_space<vmem>>
      %dma_start3A_744 = tpu.memref_squeeze %dma_start3A_743 : memref<1x50x300xf32, #tpu.memory_space<vmem>> -> memref<50x300xf32, #tpu.memory_space<vmem>>
      %dma_start3A_745 = arith.constant 0 : i32
      %dma_start3A_746 = tpu.memref_slice %dma_start3A_744[%sub3A_732, %dma_start3A_745] : memref<50x300xf32, #tpu.memory_space<vmem>> -> memref<1x300xf32, #tpu.memory_space<vmem>>
      %dma_start3A_747 = arith.constant 0 : i32
      %dma_start3A_748 = tpu.memref_slice %arg3[%squeeze3A_705, %dma_start3A_747] : memref<400000x300xf32, #tpu.memory_space<hbm>> -> memref<1x300xf32, #tpu.memory_space<hbm>>
      tpu.enqueue_dma source(%dma_start3A_748 : memref<1x300xf32, #tpu.memory_space<hbm>>) target(%dma_start3A_746 : memref<1x300xf32, #tpu.memory_space<vmem>>) target_semaphore(%arg8 : memref<!tpu.dma_semaphore, #tpu.memory_space<semaphore_mem>>)
      %mul3A_749 = arith.constant 16 : i32
      %mul3A_750 = arith.muli %scan3A_357, %mul3A_749 : i32
      %add3A_751 = arith.constant 8 : i32
      %add3A_752 = arith.addi %mul3A_750, %add3A_751 : i32
      %slice3A_753 = vector.extract_strided_slice %get3A_364 {offsets = [8], sizes = [1], strides = [1]} : vector<16xi32> to vector<1xi32>
      %squeeze3A_754 = vector.extract %slice3A_753[0] : i32 from vector<1xi32>
      %jit3A_755 = arith.constant 50 : i32
      %div3A_756 = arith.divsi %add3A_752, %jit3A_755 : i32
      %sign3A_757 = arith.constant 0 : i32
      %sign3A_758 = arith.cmpi sgt, %add3A_752, %sign3A_757 : i32
      %sign3A_759 = arith.extui %sign3A_758 : i1 to i32
      %sign3A_760 = arith.constant 0 : i32
      %sign3A_761 = arith.cmpi slt, %add3A_752, %sign3A_760 : i32
      %sign3A_762 = arith.extui %sign3A_761 : i1 to i32
      %sign3A_763 = arith.subi %sign3A_759, %sign3A_762 : i32
      %sign3A_764 = arith.constant 0 : i32
      %sign3A_765 = arith.cmpi sgt, %jit3A_755, %sign3A_764 : i32
      %sign3A_766 = arith.extui %sign3A_765 : i1 to i32
      %sign3A_767 = arith.constant 0 : i32
      %sign3A_768 = arith.cmpi slt, %jit3A_755, %sign3A_767 : i32
      %sign3A_769 = arith.extui %sign3A_768 : i1 to i32
      %sign3A_770 = arith.subi %sign3A_766, %sign3A_769 : i32
      %ne3A_771 = arith.cmpi ne, %sign3A_763, %sign3A_770 : i32
      %rem3A_772 = arith.remsi %add3A_752, %jit3A_755 : i32
      %ne3A_773 = arith.constant 0 : i32
      %ne3A_774 = arith.cmpi ne, %rem3A_772, %ne3A_773 : i32
      %and3A_775 = arith.andi %ne3A_771, %ne3A_774 : i1
      %sub3A_776 = arith.constant 1 : i32
      %sub3A_777 = arith.subi %div3A_756, %sub3A_776 : i32
      %select_n3A_778 = arith.select %and3A_775, %sub3A_777, %div3A_756 : i32
      %mul3A_779 = arith.constant 50 : i32
      %mul3A_780 = arith.muli %select_n3A_778, %mul3A_779 : i32
      %sub3A_781 = arith.subi %add3A_752, %mul3A_780 : i32
      %dma_start3A_782 = arith.constant 0 : i32
      %dma_start3A_783 = arith.constant 0 : i32
      %dma_start3A_784 = tpu.memref_slice %arg6[%select_n3A_778, %dma_start3A_782, %dma_start3A_783] : memref<2x50x300xf32, #tpu.memory_space<vmem>> -> memref<1x50x300xf32, #tpu.memory_space<vmem>>
      %dma_start3A_785 = tpu.memref_squeeze %dma_start3A_784 : memref<1x50x300xf32, #tpu.memory_space<vmem>> -> memref<50x300xf32, #tpu.memory_space<vmem>>
      %dma_start3A_786 = arith.constant 0 : i32
      %dma_start3A_787 = tpu.memref_slice %dma_start3A_785[%sub3A_781, %dma_start3A_786] : memref<50x300xf32, #tpu.memory_space<vmem>> -> memref<1x300xf32, #tpu.memory_space<vmem>>
      %dma_start3A_788 = arith.constant 0 : i32
      %dma_start3A_789 = tpu.memref_slice %arg3[%squeeze3A_754, %dma_start3A_788] : memref<400000x300xf32, #tpu.memory_space<hbm>> -> memref<1x300xf32, #tpu.memory_space<hbm>>
      %dma_start3A_790 = arith.constant 0 : i32
      %dma_start3A_791 = arith.constant 0 : i32
      %dma_start3A_792 = tpu.memref_slice %arg6[%select_n3A_778, %dma_start3A_790, %dma_start3A_791] : memref<2x50x300xf32, #tpu.memory_space<vmem>> -> memref<1x50x300xf32, #tpu.memory_space<vmem>>
      %dma_start3A_793 = tpu.memref_squeeze %dma_start3A_792 : memref<1x50x300xf32, #tpu.memory_space<vmem>> -> memref<50x300xf32, #tpu.memory_space<vmem>>
      %dma_start3A_794 = arith.constant 0 : i32
      %dma_start3A_795 = tpu.memref_slice %dma_start3A_793[%sub3A_781, %dma_start3A_794] : memref<50x300xf32, #tpu.memory_space<vmem>> -> memref<1x300xf32, #tpu.memory_space<vmem>>
      %dma_start3A_796 = arith.constant 0 : i32
      %dma_start3A_797 = tpu.memref_slice %arg3[%squeeze3A_754, %dma_start3A_796] : memref<400000x300xf32, #tpu.memory_space<hbm>> -> memref<1x300xf32, #tpu.memory_space<hbm>>
      tpu.enqueue_dma source(%dma_start3A_797 : memref<1x300xf32, #tpu.memory_space<hbm>>) target(%dma_start3A_795 : memref<1x300xf32, #tpu.memory_space<vmem>>) target_semaphore(%arg8 : memref<!tpu.dma_semaphore, #tpu.memory_space<semaphore_mem>>)
      %mul3A_798 = arith.constant 16 : i32
      %mul3A_799 = arith.muli %scan3A_357, %mul3A_798 : i32
      %add3A_800 = arith.constant 9 : i32
      %add3A_801 = arith.addi %mul3A_799, %add3A_800 : i32
      %slice3A_802 = vector.extract_strided_slice %get3A_364 {offsets = [9], sizes = [1], strides = [1]} : vector<16xi32> to vector<1xi32>
      %squeeze3A_803 = vector.extract %slice3A_802[0] : i32 from vector<1xi32>
      %jit3A_804 = arith.constant 50 : i32
      %div3A_805 = arith.divsi %add3A_801, %jit3A_804 : i32
      %sign3A_806 = arith.constant 0 : i32
      %sign3A_807 = arith.cmpi sgt, %add3A_801, %sign3A_806 : i32
      %sign3A_808 = arith.extui %sign3A_807 : i1 to i32
      %sign3A_809 = arith.constant 0 : i32
      %sign3A_810 = arith.cmpi slt, %add3A_801, %sign3A_809 : i32
      %sign3A_811 = arith.extui %sign3A_810 : i1 to i32
      %sign3A_812 = arith.subi %sign3A_808, %sign3A_811 : i32
      %sign3A_813 = arith.constant 0 : i32
      %sign3A_814 = arith.cmpi sgt, %jit3A_804, %sign3A_813 : i32
      %sign3A_815 = arith.extui %sign3A_814 : i1 to i32
      %sign3A_816 = arith.constant 0 : i32
      %sign3A_817 = arith.cmpi slt, %jit3A_804, %sign3A_816 : i32
      %sign3A_818 = arith.extui %sign3A_817 : i1 to i32
      %sign3A_819 = arith.subi %sign3A_815, %sign3A_818 : i32
      %ne3A_820 = arith.cmpi ne, %sign3A_812, %sign3A_819 : i32
      %rem3A_821 = arith.remsi %add3A_801, %jit3A_804 : i32
      %ne3A_822 = arith.constant 0 : i32
      %ne3A_823 = arith.cmpi ne, %rem3A_821, %ne3A_822 : i32
      %and3A_824 = arith.andi %ne3A_820, %ne3A_823 : i1
      %sub3A_825 = arith.constant 1 : i32
      %sub3A_826 = arith.subi %div3A_805, %sub3A_825 : i32
      %select_n3A_827 = arith.select %and3A_824, %sub3A_826, %div3A_805 : i32
      %mul3A_828 = arith.constant 50 : i32
      %mul3A_829 = arith.muli %select_n3A_827, %mul3A_828 : i32
      %sub3A_830 = arith.subi %add3A_801, %mul3A_829 : i32
      %dma_start3A_831 = arith.constant 0 : i32
      %dma_start3A_832 = arith.constant 0 : i32
      %dma_start3A_833 = tpu.memref_slice %arg6[%select_n3A_827, %dma_start3A_831, %dma_start3A_832] : memref<2x50x300xf32, #tpu.memory_space<vmem>> -> memref<1x50x300xf32, #tpu.memory_space<vmem>>
      %dma_start3A_834 = tpu.memref_squeeze %dma_start3A_833 : memref<1x50x300xf32, #tpu.memory_space<vmem>> -> memref<50x300xf32, #tpu.memory_space<vmem>>
      %dma_start3A_835 = arith.constant 0 : i32
      %dma_start3A_836 = tpu.memref_slice %dma_start3A_834[%sub3A_830, %dma_start3A_835] : memref<50x300xf32, #tpu.memory_space<vmem>> -> memref<1x300xf32, #tpu.memory_space<vmem>>
      %dma_start3A_837 = arith.constant 0 : i32
      %dma_start3A_838 = tpu.memref_slice %arg3[%squeeze3A_803, %dma_start3A_837] : memref<400000x300xf32, #tpu.memory_space<hbm>> -> memref<1x300xf32, #tpu.memory_space<hbm>>
      %dma_start3A_839 = arith.constant 0 : i32
      %dma_start3A_840 = arith.constant 0 : i32
      %dma_start3A_841 = tpu.memref_slice %arg6[%select_n3A_827, %dma_start3A_839, %dma_start3A_840] : memref<2x50x300xf32, #tpu.memory_space<vmem>> -> memref<1x50x300xf32, #tpu.memory_space<vmem>>
      %dma_start3A_842 = tpu.memref_squeeze %dma_start3A_841 : memref<1x50x300xf32, #tpu.memory_space<vmem>> -> memref<50x300xf32, #tpu.memory_space<vmem>>
      %dma_start3A_843 = arith.constant 0 : i32
      %dma_start3A_844 = tpu.memref_slice %dma_start3A_842[%sub3A_830, %dma_start3A_843] : memref<50x300xf32, #tpu.memory_space<vmem>> -> memref<1x300xf32, #tpu.memory_space<vmem>>
      %dma_start3A_845 = arith.constant 0 : i32
      %dma_start3A_846 = tpu.memref_slice %arg3[%squeeze3A_803, %dma_start3A_845] : memref<400000x300xf32, #tpu.memory_space<hbm>> -> memref<1x300xf32, #tpu.memory_space<hbm>>
      tpu.enqueue_dma source(%dma_start3A_846 : memref<1x300xf32, #tpu.memory_space<hbm>>) target(%dma_start3A_844 : memref<1x300xf32, #tpu.memory_space<vmem>>) target_semaphore(%arg8 : memref<!tpu.dma_semaphore, #tpu.memory_space<semaphore_mem>>)
      %mul3A_847 = arith.constant 16 : i32
      %mul3A_848 = arith.muli %scan3A_357, %mul3A_847 : i32
      %add3A_849 = arith.constant 10 : i32
      %add3A_850 = arith.addi %mul3A_848, %add3A_849 : i32
      %slice3A_851 = vector.extract_strided_slice %get3A_364 {offsets = [10], sizes = [1], strides = [1]} : vector<16xi32> to vector<1xi32>
      %squeeze3A_852 = vector.extract %slice3A_851[0] : i32 from vector<1xi32>
      %jit3A_853 = arith.constant 50 : i32
      %div3A_854 = arith.divsi %add3A_850, %jit3A_853 : i32
      %sign3A_855 = arith.constant 0 : i32
      %sign3A_856 = arith.cmpi sgt, %add3A_850, %sign3A_855 : i32
      %sign3A_857 = arith.extui %sign3A_856 : i1 to i32
      %sign3A_858 = arith.constant 0 : i32
      %sign3A_859 = arith.cmpi slt, %add3A_850, %sign3A_858 : i32
      %sign3A_860 = arith.extui %sign3A_859 : i1 to i32
      %sign3A_861 = arith.subi %sign3A_857, %sign3A_860 : i32
      %sign3A_862 = arith.constant 0 : i32
      %sign3A_863 = arith.cmpi sgt, %jit3A_853, %sign3A_862 : i32
      %sign3A_864 = arith.extui %sign3A_863 : i1 to i32
      %sign3A_865 = arith.constant 0 : i32
      %sign3A_866 = arith.cmpi slt, %jit3A_853, %sign3A_865 : i32
      %sign3A_867 = arith.extui %sign3A_866 : i1 to i32
      %sign3A_868 = arith.subi %sign3A_864, %sign3A_867 : i32
      %ne3A_869 = arith.cmpi ne, %sign3A_861, %sign3A_868 : i32
      %rem3A_870 = arith.remsi %add3A_850, %jit3A_853 : i32
      %ne3A_871 = arith.constant 0 : i32
      %ne3A_872 = arith.cmpi ne, %rem3A_870, %ne3A_871 : i32
      %and3A_873 = arith.andi %ne3A_869, %ne3A_872 : i1
      %sub3A_874 = arith.constant 1 : i32
      %sub3A_875 = arith.subi %div3A_854, %sub3A_874 : i32
      %select_n3A_876 = arith.select %and3A_873, %sub3A_875, %div3A_854 : i32
      %mul3A_877 = arith.constant 50 : i32
      %mul3A_878 = arith.muli %select_n3A_876, %mul3A_877 : i32
      %sub3A_879 = arith.subi %add3A_850, %mul3A_878 : i32
      %dma_start3A_880 = arith.constant 0 : i32
      %dma_start3A_881 = arith.constant 0 : i32
      %dma_start3A_882 = tpu.memref_slice %arg6[%select_n3A_876, %dma_start3A_880, %dma_start3A_881] : memref<2x50x300xf32, #tpu.memory_space<vmem>> -> memref<1x50x300xf32, #tpu.memory_space<vmem>>
      %dma_start3A_883 = tpu.memref_squeeze %dma_start3A_882 : memref<1x50x300xf32, #tpu.memory_space<vmem>> -> memref<50x300xf32, #tpu.memory_space<vmem>>
      %dma_start3A_884 = arith.constant 0 : i32
      %dma_start3A_885 = tpu.memref_slice %dma_start3A_883[%sub3A_879, %dma_start3A_884] : memref<50x300xf32, #tpu.memory_space<vmem>> -> memref<1x300xf32, #tpu.memory_space<vmem>>
      %dma_start3A_886 = arith.constant 0 : i32
      %dma_start3A_887 = tpu.memref_slice %arg3[%squeeze3A_852, %dma_start3A_886] : memref<400000x300xf32, #tpu.memory_space<hbm>> -> memref<1x300xf32, #tpu.memory_space<hbm>>
      %dma_start3A_888 = arith.constant 0 : i32
      %dma_start3A_889 = arith.constant 0 : i32
      %dma_start3A_890 = tpu.memref_slice %arg6[%select_n3A_876, %dma_start3A_888, %dma_start3A_889] : memref<2x50x300xf32, #tpu.memory_space<vmem>> -> memref<1x50x300xf32, #tpu.memory_space<vmem>>
      %dma_start3A_891 = tpu.memref_squeeze %dma_start3A_890 : memref<1x50x300xf32, #tpu.memory_space<vmem>> -> memref<50x300xf32, #tpu.memory_space<vmem>>
      %dma_start3A_892 = arith.constant 0 : i32
      %dma_start3A_893 = tpu.memref_slice %dma_start3A_891[%sub3A_879, %dma_start3A_892] : memref<50x300xf32, #tpu.memory_space<vmem>> -> memref<1x300xf32, #tpu.memory_space<vmem>>
      %dma_start3A_894 = arith.constant 0 : i32
      %dma_start3A_895 = tpu.memref_slice %arg3[%squeeze3A_852, %dma_start3A_894] : memref<400000x300xf32, #tpu.memory_space<hbm>> -> memref<1x300xf32, #tpu.memory_space<hbm>>
      tpu.enqueue_dma source(%dma_start3A_895 : memref<1x300xf32, #tpu.memory_space<hbm>>) target(%dma_start3A_893 : memref<1x300xf32, #tpu.memory_space<vmem>>) target_semaphore(%arg8 : memref<!tpu.dma_semaphore, #tpu.memory_space<semaphore_mem>>)
      %mul3A_896 = arith.constant 16 : i32
      %mul3A_897 = arith.muli %scan3A_357, %mul3A_896 : i32
      %add3A_898 = arith.constant 11 : i32
      %add3A_899 = arith.addi %mul3A_897, %add3A_898 : i32
      %slice3A_900 = vector.extract_strided_slice %get3A_364 {offsets = [11], sizes = [1], strides = [1]} : vector<16xi32> to vector<1xi32>
      %squeeze3A_901 = vector.extract %slice3A_900[0] : i32 from vector<1xi32>
      %jit3A_902 = arith.constant 50 : i32
      %div3A_903 = arith.divsi %add3A_899, %jit3A_902 : i32
      %sign3A_904 = arith.constant 0 : i32
      %sign3A_905 = arith.cmpi sgt, %add3A_899, %sign3A_904 : i32
      %sign3A_906 = arith.extui %sign3A_905 : i1 to i32
      %sign3A_907 = arith.constant 0 : i32
      %sign3A_908 = arith.cmpi slt, %add3A_899, %sign3A_907 : i32
      %sign3A_909 = arith.extui %sign3A_908 : i1 to i32
      %sign3A_910 = arith.subi %sign3A_906, %sign3A_909 : i32
      %sign3A_911 = arith.constant 0 : i32
      %sign3A_912 = arith.cmpi sgt, %jit3A_902, %sign3A_911 : i32
      %sign3A_913 = arith.extui %sign3A_912 : i1 to i32
      %sign3A_914 = arith.constant 0 : i32
      %sign3A_915 = arith.cmpi slt, %jit3A_902, %sign3A_914 : i32
      %sign3A_916 = arith.extui %sign3A_915 : i1 to i32
      %sign3A_917 = arith.subi %sign3A_913, %sign3A_916 : i32
      %ne3A_918 = arith.cmpi ne, %sign3A_910, %sign3A_917 : i32
      %rem3A_919 = arith.remsi %add3A_899, %jit3A_902 : i32
      %ne3A_920 = arith.constant 0 : i32
      %ne3A_921 = arith.cmpi ne, %rem3A_919, %ne3A_920 : i32
      %and3A_922 = arith.andi %ne3A_918, %ne3A_921 : i1
      %sub3A_923 = arith.constant 1 : i32
      %sub3A_924 = arith.subi %div3A_903, %sub3A_923 : i32
      %select_n3A_925 = arith.select %and3A_922, %sub3A_924, %div3A_903 : i32
      %mul3A_926 = arith.constant 50 : i32
      %mul3A_927 = arith.muli %select_n3A_925, %mul3A_926 : i32
      %sub3A_928 = arith.subi %add3A_899, %mul3A_927 : i32
      %dma_start3A_929 = arith.constant 0 : i32
      %dma_start3A_930 = arith.constant 0 : i32
      %dma_start3A_931 = tpu.memref_slice %arg6[%select_n3A_925, %dma_start3A_929, %dma_start3A_930] : memref<2x50x300xf32, #tpu.memory_space<vmem>> -> memref<1x50x300xf32, #tpu.memory_space<vmem>>
      %dma_start3A_932 = tpu.memref_squeeze %dma_start3A_931 : memref<1x50x300xf32, #tpu.memory_space<vmem>> -> memref<50x300xf32, #tpu.memory_space<vmem>>
      %dma_start3A_933 = arith.constant 0 : i32
      %dma_start3A_934 = tpu.memref_slice %dma_start3A_932[%sub3A_928, %dma_start3A_933] : memref<50x300xf32, #tpu.memory_space<vmem>> -> memref<1x300xf32, #tpu.memory_space<vmem>>
      %dma_start3A_935 = arith.constant 0 : i32
      %dma_start3A_936 = tpu.memref_slice %arg3[%squeeze3A_901, %dma_start3A_935] : memref<400000x300xf32, #tpu.memory_space<hbm>> -> memref<1x300xf32, #tpu.memory_space<hbm>>
      %dma_start3A_937 = arith.constant 0 : i32
      %dma_start3A_938 = arith.constant 0 : i32
      %dma_start3A_939 = tpu.memref_slice %arg6[%select_n3A_925, %dma_start3A_937, %dma_start3A_938] : memref<2x50x300xf32, #tpu.memory_space<vmem>> -> memref<1x50x300xf32, #tpu.memory_space<vmem>>
      %dma_start3A_940 = tpu.memref_squeeze %dma_start3A_939 : memref<1x50x300xf32, #tpu.memory_space<vmem>> -> memref<50x300xf32, #tpu.memory_space<vmem>>
      %dma_start3A_941 = arith.constant 0 : i32
      %dma_start3A_942 = tpu.memref_slice %dma_start3A_940[%sub3A_928, %dma_start3A_941] : memref<50x300xf32, #tpu.memory_space<vmem>> -> memref<1x300xf32, #tpu.memory_space<vmem>>
      %dma_start3A_943 = arith.constant 0 : i32
      %dma_start3A_944 = tpu.memref_slice %arg3[%squeeze3A_901, %dma_start3A_943] : memref<400000x300xf32, #tpu.memory_space<hbm>> -> memref<1x300xf32, #tpu.memory_space<hbm>>
      tpu.enqueue_dma source(%dma_start3A_944 : memref<1x300xf32, #tpu.memory_space<hbm>>) target(%dma_start3A_942 : memref<1x300xf32, #tpu.memory_space<vmem>>) target_semaphore(%arg8 : memref<!tpu.dma_semaphore, #tpu.memory_space<semaphore_mem>>)
      %mul3A_945 = arith.constant 16 : i32
      %mul3A_946 = arith.muli %scan3A_357, %mul3A_945 : i32
      %add3A_947 = arith.constant 12 : i32
      %add3A_948 = arith.addi %mul3A_946, %add3A_947 : i32
      %slice3A_949 = vector.extract_strided_slice %get3A_364 {offsets = [12], sizes = [1], strides = [1]} : vector<16xi32> to vector<1xi32>
      %squeeze3A_950 = vector.extract %slice3A_949[0] : i32 from vector<1xi32>
      %jit3A_951 = arith.constant 50 : i32
      %div3A_952 = arith.divsi %add3A_948, %jit3A_951 : i32
      %sign3A_953 = arith.constant 0 : i32
      %sign3A_954 = arith.cmpi sgt, %add3A_948, %sign3A_953 : i32
      %sign3A_955 = arith.extui %sign3A_954 : i1 to i32
      %sign3A_956 = arith.constant 0 : i32
      %sign3A_957 = arith.cmpi slt, %add3A_948, %sign3A_956 : i32
      %sign3A_958 = arith.extui %sign3A_957 : i1 to i32
      %sign3A_959 = arith.subi %sign3A_955, %sign3A_958 : i32
      %sign3A_960 = arith.constant 0 : i32
      %sign3A_961 = arith.cmpi sgt, %jit3A_951, %sign3A_960 : i32
      %sign3A_962 = arith.extui %sign3A_961 : i1 to i32
      %sign3A_963 = arith.constant 0 : i32
      %sign3A_964 = arith.cmpi slt, %jit3A_951, %sign3A_963 : i32
      %sign3A_965 = arith.extui %sign3A_964 : i1 to i32
      %sign3A_966 = arith.subi %sign3A_962, %sign3A_965 : i32
      %ne3A_967 = arith.cmpi ne, %sign3A_959, %sign3A_966 : i32
      %rem3A_968 = arith.remsi %add3A_948, %jit3A_951 : i32
      %ne3A_969 = arith.constant 0 : i32
      %ne3A_970 = arith.cmpi ne, %rem3A_968, %ne3A_969 : i32
      %and3A_971 = arith.andi %ne3A_967, %ne3A_970 : i1
      %sub3A_972 = arith.constant 1 : i32
      %sub3A_973 = arith.subi %div3A_952, %sub3A_972 : i32
      %select_n3A_974 = arith.select %and3A_971, %sub3A_973, %div3A_952 : i32
      %mul3A_975 = arith.constant 50 : i32
      %mul3A_976 = arith.muli %select_n3A_974, %mul3A_975 : i32
      %sub3A_977 = arith.subi %add3A_948, %mul3A_976 : i32
      %dma_start3A_978 = arith.constant 0 : i32
      %dma_start3A_979 = arith.constant 0 : i32
      %dma_start3A_980 = tpu.memref_slice %arg6[%select_n3A_974, %dma_start3A_978, %dma_start3A_979] : memref<2x50x300xf32, #tpu.memory_space<vmem>> -> memref<1x50x300xf32, #tpu.memory_space<vmem>>
      %dma_start3A_981 = tpu.memref_squeeze %dma_start3A_980 : memref<1x50x300xf32, #tpu.memory_space<vmem>> -> memref<50x300xf32, #tpu.memory_space<vmem>>
      %dma_start3A_982 = arith.constant 0 : i32
      %dma_start3A_983 = tpu.memref_slice %dma_start3A_981[%sub3A_977, %dma_start3A_982] : memref<50x300xf32, #tpu.memory_space<vmem>> -> memref<1x300xf32, #tpu.memory_space<vmem>>
      %dma_start3A_984 = arith.constant 0 : i32
      %dma_start3A_985 = tpu.memref_slice %arg3[%squeeze3A_950, %dma_start3A_984] : memref<400000x300xf32, #tpu.memory_space<hbm>> -> memref<1x300xf32, #tpu.memory_space<hbm>>
      %dma_start3A_986 = arith.constant 0 : i32
      %dma_start3A_987 = arith.constant 0 : i32
      %dma_start3A_988 = tpu.memref_slice %arg6[%select_n3A_974, %dma_start3A_986, %dma_start3A_987] : memref<2x50x300xf32, #tpu.memory_space<vmem>> -> memref<1x50x300xf32, #tpu.memory_space<vmem>>
      %dma_start3A_989 = tpu.memref_squeeze %dma_start3A_988 : memref<1x50x300xf32, #tpu.memory_space<vmem>> -> memref<50x300xf32, #tpu.memory_space<vmem>>
      %dma_start3A_990 = arith.constant 0 : i32
      %dma_start3A_991 = tpu.memref_slice %dma_start3A_989[%sub3A_977, %dma_start3A_990] : memref<50x300xf32, #tpu.memory_space<vmem>> -> memref<1x300xf32, #tpu.memory_space<vmem>>
      %dma_start3A_992 = arith.constant 0 : i32
      %dma_start3A_993 = tpu.memref_slice %arg3[%squeeze3A_950, %dma_start3A_992] : memref<400000x300xf32, #tpu.memory_space<hbm>> -> memref<1x300xf32, #tpu.memory_space<hbm>>
      tpu.enqueue_dma source(%dma_start3A_993 : memref<1x300xf32, #tpu.memory_space<hbm>>) target(%dma_start3A_991 : memref<1x300xf32, #tpu.memory_space<vmem>>) target_semaphore(%arg8 : memref<!tpu.dma_semaphore, #tpu.memory_space<semaphore_mem>>)
      %mul3A_994 = arith.constant 16 : i32
      %mul3A_995 = arith.muli %scan3A_357, %mul3A_994 : i32
      %add3A_996 = arith.constant 13 : i32
      %add3A_997 = arith.addi %mul3A_995, %add3A_996 : i32
      %slice3A_998 = vector.extract_strided_slice %get3A_364 {offsets = [13], sizes = [1], strides = [1]} : vector<16xi32> to vector<1xi32>
      %squeeze3A_999 = vector.extract %slice3A_998[0] : i32 from vector<1xi32>
      %jit3A_1000 = arith.constant 50 : i32
      %div3A_1001 = arith.divsi %add3A_997, %jit3A_1000 : i32
      %sign3A_1002 = arith.constant 0 : i32
      %sign3A_1003 = arith.cmpi sgt, %add3A_997, %sign3A_1002 : i32
      %sign3A_1004 = arith.extui %sign3A_1003 : i1 to i32
      %sign3A_1005 = arith.constant 0 : i32
      %sign3A_1006 = arith.cmpi slt, %add3A_997, %sign3A_1005 : i32
      %sign3A_1007 = arith.extui %sign3A_1006 : i1 to i32
      %sign3A_1008 = arith.subi %sign3A_1004, %sign3A_1007 : i32
      %sign3A_1009 = arith.constant 0 : i32
      %sign3A_1010 = arith.cmpi sgt, %jit3A_1000, %sign3A_1009 : i32
      %sign3A_1011 = arith.extui %sign3A_1010 : i1 to i32
      %sign3A_1012 = arith.constant 0 : i32
      %sign3A_1013 = arith.cmpi slt, %jit3A_1000, %sign3A_1012 : i32
      %sign3A_1014 = arith.extui %sign3A_1013 : i1 to i32
      %sign3A_1015 = arith.subi %sign3A_1011, %sign3A_1014 : i32
      %ne3A_1016 = arith.cmpi ne, %sign3A_1008, %sign3A_1015 : i32
      %rem3A_1017 = arith.remsi %add3A_997, %jit3A_1000 : i32
      %ne3A_1018 = arith.constant 0 : i32
      %ne3A_1019 = arith.cmpi ne, %rem3A_1017, %ne3A_1018 : i32
      %and3A_1020 = arith.andi %ne3A_1016, %ne3A_1019 : i1
      %sub3A_1021 = arith.constant 1 : i32
      %sub3A_1022 = arith.subi %div3A_1001, %sub3A_1021 : i32
      %select_n3A_1023 = arith.select %and3A_1020, %sub3A_1022, %div3A_1001 : i32
      %mul3A_1024 = arith.constant 50 : i32
      %mul3A_1025 = arith.muli %select_n3A_1023, %mul3A_1024 : i32
      %sub3A_1026 = arith.subi %add3A_997, %mul3A_1025 : i32
      %dma_start3A_1027 = arith.constant 0 : i32
      %dma_start3A_1028 = arith.constant 0 : i32
      %dma_start3A_1029 = tpu.memref_slice %arg6[%select_n3A_1023, %dma_start3A_1027, %dma_start3A_1028] : memref<2x50x300xf32, #tpu.memory_space<vmem>> -> memref<1x50x300xf32, #tpu.memory_space<vmem>>
      %dma_start3A_1030 = tpu.memref_squeeze %dma_start3A_1029 : memref<1x50x300xf32, #tpu.memory_space<vmem>> -> memref<50x300xf32, #tpu.memory_space<vmem>>
      %dma_start3A_1031 = arith.constant 0 : i32
      %dma_start3A_1032 = tpu.memref_slice %dma_start3A_1030[%sub3A_1026, %dma_start3A_1031] : memref<50x300xf32, #tpu.memory_space<vmem>> -> memref<1x300xf32, #tpu.memory_space<vmem>>
      %dma_start3A_1033 = arith.constant 0 : i32
      %dma_start3A_1034 = tpu.memref_slice %arg3[%squeeze3A_999, %dma_start3A_1033] : memref<400000x300xf32, #tpu.memory_space<hbm>> -> memref<1x300xf32, #tpu.memory_space<hbm>>
      %dma_start3A_1035 = arith.constant 0 : i32
      %dma_start3A_1036 = arith.constant 0 : i32
      %dma_start3A_1037 = tpu.memref_slice %arg6[%select_n3A_1023, %dma_start3A_1035, %dma_start3A_1036] : memref<2x50x300xf32, #tpu.memory_space<vmem>> -> memref<1x50x300xf32, #tpu.memory_space<vmem>>
      %dma_start3A_1038 = tpu.memref_squeeze %dma_start3A_1037 : memref<1x50x300xf32, #tpu.memory_space<vmem>> -> memref<50x300xf32, #tpu.memory_space<vmem>>
      %dma_start3A_1039 = arith.constant 0 : i32
      %dma_start3A_1040 = tpu.memref_slice %dma_start3A_1038[%sub3A_1026, %dma_start3A_1039] : memref<50x300xf32, #tpu.memory_space<vmem>> -> memref<1x300xf32, #tpu.memory_space<vmem>>
      %dma_start3A_1041 = arith.constant 0 : i32
      %dma_start3A_1042 = tpu.memref_slice %arg3[%squeeze3A_999, %dma_start3A_1041] : memref<400000x300xf32, #tpu.memory_space<hbm>> -> memref<1x300xf32, #tpu.memory_space<hbm>>
      tpu.enqueue_dma source(%dma_start3A_1042 : memref<1x300xf32, #tpu.memory_space<hbm>>) target(%dma_start3A_1040 : memref<1x300xf32, #tpu.memory_space<vmem>>) target_semaphore(%arg8 : memref<!tpu.dma_semaphore, #tpu.memory_space<semaphore_mem>>)
      %mul3A_1043 = arith.constant 16 : i32
      %mul3A_1044 = arith.muli %scan3A_357, %mul3A_1043 : i32
      %add3A_1045 = arith.constant 14 : i32
      %add3A_1046 = arith.addi %mul3A_1044, %add3A_1045 : i32
      %slice3A_1047 = vector.extract_strided_slice %get3A_364 {offsets = [14], sizes = [1], strides = [1]} : vector<16xi32> to vector<1xi32>
      %squeeze3A_1048 = vector.extract %slice3A_1047[0] : i32 from vector<1xi32>
      %jit3A_1049 = arith.constant 50 : i32
      %div3A_1050 = arith.divsi %add3A_1046, %jit3A_1049 : i32
      %sign3A_1051 = arith.constant 0 : i32
      %sign3A_1052 = arith.cmpi sgt, %add3A_1046, %sign3A_1051 : i32
      %sign3A_1053 = arith.extui %sign3A_1052 : i1 to i32
      %sign3A_1054 = arith.constant 0 : i32
      %sign3A_1055 = arith.cmpi slt, %add3A_1046, %sign3A_1054 : i32
      %sign3A_1056 = arith.extui %sign3A_1055 : i1 to i32
      %sign3A_1057 = arith.subi %sign3A_1053, %sign3A_1056 : i32
      %sign3A_1058 = arith.constant 0 : i32
      %sign3A_1059 = arith.cmpi sgt, %jit3A_1049, %sign3A_1058 : i32
      %sign3A_1060 = arith.extui %sign3A_1059 : i1 to i32
      %sign3A_1061 = arith.constant 0 : i32
      %sign3A_1062 = arith.cmpi slt, %jit3A_1049, %sign3A_1061 : i32
      %sign3A_1063 = arith.extui %sign3A_1062 : i1 to i32
      %sign3A_1064 = arith.subi %sign3A_1060, %sign3A_1063 : i32
      %ne3A_1065 = arith.cmpi ne, %sign3A_1057, %sign3A_1064 : i32
      %rem3A_1066 = arith.remsi %add3A_1046, %jit3A_1049 : i32
      %ne3A_1067 = arith.constant 0 : i32
      %ne3A_1068 = arith.cmpi ne, %rem3A_1066, %ne3A_1067 : i32
      %and3A_1069 = arith.andi %ne3A_1065, %ne3A_1068 : i1
      %sub3A_1070 = arith.constant 1 : i32
      %sub3A_1071 = arith.subi %div3A_1050, %sub3A_1070 : i32
      %select_n3A_1072 = arith.select %and3A_1069, %sub3A_1071, %div3A_1050 : i32
      %mul3A_1073 = arith.constant 50 : i32
      %mul3A_1074 = arith.muli %select_n3A_1072, %mul3A_1073 : i32
      %sub3A_1075 = arith.subi %add3A_1046, %mul3A_1074 : i32
      %dma_start3A_1076 = arith.constant 0 : i32
      %dma_start3A_1077 = arith.constant 0 : i32
      %dma_start3A_1078 = tpu.memref_slice %arg6[%select_n3A_1072, %dma_start3A_1076, %dma_start3A_1077] : memref<2x50x300xf32, #tpu.memory_space<vmem>> -> memref<1x50x300xf32, #tpu.memory_space<vmem>>
      %dma_start3A_1079 = tpu.memref_squeeze %dma_start3A_1078 : memref<1x50x300xf32, #tpu.memory_space<vmem>> -> memref<50x300xf32, #tpu.memory_space<vmem>>
      %dma_start3A_1080 = arith.constant 0 : i32
      %dma_start3A_1081 = tpu.memref_slice %dma_start3A_1079[%sub3A_1075, %dma_start3A_1080] : memref<50x300xf32, #tpu.memory_space<vmem>> -> memref<1x300xf32, #tpu.memory_space<vmem>>
      %dma_start3A_1082 = arith.constant 0 : i32
      %dma_start3A_1083 = tpu.memref_slice %arg3[%squeeze3A_1048, %dma_start3A_1082] : memref<400000x300xf32, #tpu.memory_space<hbm>> -> memref<1x300xf32, #tpu.memory_space<hbm>>
      %dma_start3A_1084 = arith.constant 0 : i32
      %dma_start3A_1085 = arith.constant 0 : i32
      %dma_start3A_1086 = tpu.memref_slice %arg6[%select_n3A_1072, %dma_start3A_1084, %dma_start3A_1085] : memref<2x50x300xf32, #tpu.memory_space<vmem>> -> memref<1x50x300xf32, #tpu.memory_space<vmem>>
      %dma_start3A_1087 = tpu.memref_squeeze %dma_start3A_1086 : memref<1x50x300xf32, #tpu.memory_space<vmem>> -> memref<50x300xf32, #tpu.memory_space<vmem>>
      %dma_start3A_1088 = arith.constant 0 : i32
      %dma_start3A_1089 = tpu.memref_slice %dma_start3A_1087[%sub3A_1075, %dma_start3A_1088] : memref<50x300xf32, #tpu.memory_space<vmem>> -> memref<1x300xf32, #tpu.memory_space<vmem>>
      %dma_start3A_1090 = arith.constant 0 : i32
      %dma_start3A_1091 = tpu.memref_slice %arg3[%squeeze3A_1048, %dma_start3A_1090] : memref<400000x300xf32, #tpu.memory_space<hbm>> -> memref<1x300xf32, #tpu.memory_space<hbm>>
      tpu.enqueue_dma source(%dma_start3A_1091 : memref<1x300xf32, #tpu.memory_space<hbm>>) target(%dma_start3A_1089 : memref<1x300xf32, #tpu.memory_space<vmem>>) target_semaphore(%arg8 : memref<!tpu.dma_semaphore, #tpu.memory_space<semaphore_mem>>)
      %mul3A_1092 = arith.constant 16 : i32
      %mul3A_1093 = arith.muli %scan3A_357, %mul3A_1092 : i32
      %add3A_1094 = arith.constant 15 : i32
      %add3A_1095 = arith.addi %mul3A_1093, %add3A_1094 : i32
      %slice3A_1096 = vector.extract_strided_slice %get3A_364 {offsets = [15], sizes = [1], strides = [1]} : vector<16xi32> to vector<1xi32>
      %squeeze3A_1097 = vector.extract %slice3A_1096[0] : i32 from vector<1xi32>
      %jit3A_1098 = arith.constant 50 : i32
      %div3A_1099 = arith.divsi %add3A_1095, %jit3A_1098 : i32
      %sign3A_1100 = arith.constant 0 : i32
      %sign3A_1101 = arith.cmpi sgt, %add3A_1095, %sign3A_1100 : i32
      %sign3A_1102 = arith.extui %sign3A_1101 : i1 to i32
      %sign3A_1103 = arith.constant 0 : i32
      %sign3A_1104 = arith.cmpi slt, %add3A_1095, %sign3A_1103 : i32
      %sign3A_1105 = arith.extui %sign3A_1104 : i1 to i32
      %sign3A_1106 = arith.subi %sign3A_1102, %sign3A_1105 : i32
      %sign3A_1107 = arith.constant 0 : i32
      %sign3A_1108 = arith.cmpi sgt, %jit3A_1098, %sign3A_1107 : i32
      %sign3A_1109 = arith.extui %sign3A_1108 : i1 to i32
      %sign3A_1110 = arith.constant 0 : i32
      %sign3A_1111 = arith.cmpi slt, %jit3A_1098, %sign3A_1110 : i32
      %sign3A_1112 = arith.extui %sign3A_1111 : i1 to i32
      %sign3A_1113 = arith.subi %sign3A_1109, %sign3A_1112 : i32
      %ne3A_1114 = arith.cmpi ne, %sign3A_1106, %sign3A_1113 : i32
      %rem3A_1115 = arith.remsi %add3A_1095, %jit3A_1098 : i32
      %ne3A_1116 = arith.constant 0 : i32
      %ne3A_1117 = arith.cmpi ne, %rem3A_1115, %ne3A_1116 : i32
      %and3A_1118 = arith.andi %ne3A_1114, %ne3A_1117 : i1
      %sub3A_1119 = arith.constant 1 : i32
      %sub3A_1120 = arith.subi %div3A_1099, %sub3A_1119 : i32
      %select_n3A_1121 = arith.select %and3A_1118, %sub3A_1120, %div3A_1099 : i32
      %mul3A_1122 = arith.constant 50 : i32
      %mul3A_1123 = arith.muli %select_n3A_1121, %mul3A_1122 : i32
      %sub3A_1124 = arith.subi %add3A_1095, %mul3A_1123 : i32
      %dma_start3A_1125 = arith.constant 0 : i32
      %dma_start3A_1126 = arith.constant 0 : i32
      %dma_start3A_1127 = tpu.memref_slice %arg6[%select_n3A_1121, %dma_start3A_1125, %dma_start3A_1126] : memref<2x50x300xf32, #tpu.memory_space<vmem>> -> memref<1x50x300xf32, #tpu.memory_space<vmem>>
      %dma_start3A_1128 = tpu.memref_squeeze %dma_start3A_1127 : memref<1x50x300xf32, #tpu.memory_space<vmem>> -> memref<50x300xf32, #tpu.memory_space<vmem>>
      %dma_start3A_1129 = arith.constant 0 : i32
      %dma_start3A_1130 = tpu.memref_slice %dma_start3A_1128[%sub3A_1124, %dma_start3A_1129] : memref<50x300xf32, #tpu.memory_space<vmem>> -> memref<1x300xf32, #tpu.memory_space<vmem>>
      %dma_start3A_1131 = arith.constant 0 : i32
      %dma_start3A_1132 = tpu.memref_slice %arg3[%squeeze3A_1097, %dma_start3A_1131] : memref<400000x300xf32, #tpu.memory_space<hbm>> -> memref<1x300xf32, #tpu.memory_space<hbm>>
      %dma_start3A_1133 = arith.constant 0 : i32
      %dma_start3A_1134 = arith.constant 0 : i32
      %dma_start3A_1135 = tpu.memref_slice %arg6[%select_n3A_1121, %dma_start3A_1133, %dma_start3A_1134] : memref<2x50x300xf32, #tpu.memory_space<vmem>> -> memref<1x50x300xf32, #tpu.memory_space<vmem>>
      %dma_start3A_1136 = tpu.memref_squeeze %dma_start3A_1135 : memref<1x50x300xf32, #tpu.memory_space<vmem>> -> memref<50x300xf32, #tpu.memory_space<vmem>>
      %dma_start3A_1137 = arith.constant 0 : i32
      %dma_start3A_1138 = tpu.memref_slice %dma_start3A_1136[%sub3A_1124, %dma_start3A_1137] : memref<50x300xf32, #tpu.memory_space<vmem>> -> memref<1x300xf32, #tpu.memory_space<vmem>>
      %dma_start3A_1139 = arith.constant 0 : i32
      %dma_start3A_1140 = tpu.memref_slice %arg3[%squeeze3A_1097, %dma_start3A_1139] : memref<400000x300xf32, #tpu.memory_space<hbm>> -> memref<1x300xf32, #tpu.memory_space<hbm>>
      tpu.enqueue_dma source(%dma_start3A_1140 : memref<1x300xf32, #tpu.memory_space<hbm>>) target(%dma_start3A_1138 : memref<1x300xf32, #tpu.memory_space<vmem>>) target_semaphore(%arg8 : memref<!tpu.dma_semaphore, #tpu.memory_space<semaphore_mem>>)
    }
    %scan3A_7 = arith.constant 6 : i32
    %get3A = arith.constant 96 : index
    %get3A_8 = tpu.vector_load %arg5[%get3A] {strides = array<i32>} : memref<6416xi32, #tpu.memory_space<vmem>>, vector<16xi32>,
    %get3A_9 = vector.shape_cast %get3A_8 : vector<16xi32> to vector<16xi32>
    %slice3A = vector.extract_strided_slice %get3A_9 {offsets = [0], sizes = [1], strides = [1]} : vector<16xi32> to vector<1xi32>
    %squeeze3A = vector.extract %slice3A[0] : i32 from vector<1xi32>
    %dma_start3A = arith.constant 1 : i32
    %dma_start3A_10 = arith.constant 0 : i32
    %dma_start3A_11 = arith.constant 0 : i32
    %dma_start3A_12 = tpu.memref_slice %arg6[%dma_start3A, %dma_start3A_10, %dma_start3A_11] : memref<2x50x300xf32, #tpu.memory_space<vmem>> -> memref<1x50x300xf32, #tpu.memory_space<vmem>>
    %dma_start3A_13 = tpu.memref_squeeze %dma_start3A_12 : memref<1x50x300xf32, #tpu.memory_space<vmem>> -> memref<50x300xf32, #tpu.memory_space<vmem>>
    %dma_start3A_14 = arith.constant 46 : i32
    %dma_start3A_15 = arith.constant 0 : i32
    %dma_start3A_16 = tpu.memref_slice %dma_start3A_13[%dma_start3A_14, %dma_start3A_15] : memref<50x300xf32, #tpu.memory_space<vmem>> -> memref<1x300xf32, #tpu.memory_space<vmem>>
    %dma_start3A_17 = arith.constant 0 : i32
    %dma_start3A_18 = tpu.memref_slice %arg3[%squeeze3A, %dma_start3A_17] : memref<400000x300xf32, #tpu.memory_space<hbm>> -> memref<1x300xf32, #tpu.memory_space<hbm>>
    %dma_start3A_19 = arith.constant 0 : i32
    %dma_start3A_20 = arith.constant 0 : i32
    %dma_start3A_21 = tpu.memref_slice %arg6[%dma_start3A, %dma_start3A_19, %dma_start3A_20] : memref<2x50x300xf32, #tpu.memory_space<vmem>> -> memref<1x50x300xf32, #tpu.memory_space<vmem>>
    %dma_start3A_22 = tpu.memref_squeeze %dma_start3A_21 : memref<1x50x300xf32, #tpu.memory_space<vmem>> -> memref<50x300xf32, #tpu.memory_space<vmem>>
    %dma_start3A_23 = arith.constant 46 : i32
    %dma_start3A_24 = arith.constant 0 : i32
    %dma_start3A_25 = tpu.memref_slice %dma_start3A_22[%dma_start3A_23, %dma_start3A_24] : memref<50x300xf32, #tpu.memory_space<vmem>> -> memref<1x300xf32, #tpu.memory_space<vmem>>
    %dma_start3A_26 = arith.constant 0 : i32
    %dma_start3A_27 = tpu.memref_slice %arg3[%squeeze3A, %dma_start3A_26] : memref<400000x300xf32, #tpu.memory_space<hbm>> -> memref<1x300xf32, #tpu.memory_space<hbm>>
    tpu.enqueue_dma source(%dma_start3A_27 : memref<1x300xf32, #tpu.memory_space<hbm>>) target(%dma_start3A_25 : memref<1x300xf32, #tpu.memory_space<vmem>>) target_semaphore(%arg8 : memref<!tpu.dma_semaphore, #tpu.memory_space<semaphore_mem>>)
    %slice3A_28 = vector.extract_strided_slice %get3A_9 {offsets = [1], sizes = [1], strides = [1]} : vector<16xi32> to vector<1xi32>
    %squeeze3A_29 = vector.extract %slice3A_28[0] : i32 from vector<1xi32>
    %dma_start3A_30 = arith.constant 1 : i32
    %dma_start3A_31 = arith.constant 0 : i32
    %dma_start3A_32 = arith.constant 0 : i32
    %dma_start3A_33 = tpu.memref_slice %arg6[%dma_start3A_30, %dma_start3A_31, %dma_start3A_32] : memref<2x50x300xf32, #tpu.memory_space<vmem>> -> memref<1x50x300xf32, #tpu.memory_space<vmem>>
    %dma_start3A_34 = tpu.memref_squeeze %dma_start3A_33 : memref<1x50x300xf32, #tpu.memory_space<vmem>> -> memref<50x300xf32, #tpu.memory_space<vmem>>
    %dma_start3A_35 = arith.constant 47 : i32
    %dma_start3A_36 = arith.constant 0 : i32
    %dma_start3A_37 = tpu.memref_slice %dma_start3A_34[%dma_start3A_35, %dma_start3A_36] : memref<50x300xf32, #tpu.memory_space<vmem>> -> memref<1x300xf32, #tpu.memory_space<vmem>>
    %dma_start3A_38 = arith.constant 0 : i32
    %dma_start3A_39 = tpu.memref_slice %arg3[%squeeze3A_29, %dma_start3A_38] : memref<400000x300xf32, #tpu.memory_space<hbm>> -> memref<1x300xf32, #tpu.memory_space<hbm>>
    %dma_start3A_40 = arith.constant 0 : i32
    %dma_start3A_41 = arith.constant 0 : i32
    %dma_start3A_42 = tpu.memref_slice %arg6[%dma_start3A_30, %dma_start3A_40, %dma_start3A_41] : memref<2x50x300xf32, #tpu.memory_space<vmem>> -> memref<1x50x300xf32, #tpu.memory_space<vmem>>
    %dma_start3A_43 = tpu.memref_squeeze %dma_start3A_42 : memref<1x50x300xf32, #tpu.memory_space<vmem>> -> memref<50x300xf32, #tpu.memory_space<vmem>>
    %dma_start3A_44 = arith.constant 47 : i32
    %dma_start3A_45 = arith.constant 0 : i32
    %dma_start3A_46 = tpu.memref_slice %dma_start3A_43[%dma_start3A_44, %dma_start3A_45] : memref<50x300xf32, #tpu.memory_space<vmem>> -> memref<1x300xf32, #tpu.memory_space<vmem>>
    %dma_start3A_47 = arith.constant 0 : i32
    %dma_start3A_48 = tpu.memref_slice %arg3[%squeeze3A_29, %dma_start3A_47] : memref<400000x300xf32, #tpu.memory_space<hbm>> -> memref<1x300xf32, #tpu.memory_space<hbm>>
    tpu.enqueue_dma source(%dma_start3A_48 : memref<1x300xf32, #tpu.memory_space<hbm>>) target(%dma_start3A_46 : memref<1x300xf32, #tpu.memory_space<vmem>>) target_semaphore(%arg8 : memref<!tpu.dma_semaphore, #tpu.memory_space<semaphore_mem>>)
    %slice3A_49 = vector.extract_strided_slice %get3A_9 {offsets = [2], sizes = [1], strides = [1]} : vector<16xi32> to vector<1xi32>
    %squeeze3A_50 = vector.extract %slice3A_49[0] : i32 from vector<1xi32>
    %dma_start3A_51 = arith.constant 1 : i32
    %dma_start3A_52 = arith.constant 0 : i32
    %dma_start3A_53 = arith.constant 0 : i32
    %dma_start3A_54 = tpu.memref_slice %arg6[%dma_start3A_51, %dma_start3A_52, %dma_start3A_53] : memref<2x50x300xf32, #tpu.memory_space<vmem>> -> memref<1x50x300xf32, #tpu.memory_space<vmem>>
    %dma_start3A_55 = tpu.memref_squeeze %dma_start3A_54 : memref<1x50x300xf32, #tpu.memory_space<vmem>> -> memref<50x300xf32, #tpu.memory_space<vmem>>
    %dma_start3A_56 = arith.constant 48 : i32
    %dma_start3A_57 = arith.constant 0 : i32
    %dma_start3A_58 = tpu.memref_slice %dma_start3A_55[%dma_start3A_56, %dma_start3A_57] : memref<50x300xf32, #tpu.memory_space<vmem>> -> memref<1x300xf32, #tpu.memory_space<vmem>>
    %dma_start3A_59 = arith.constant 0 : i32
    %dma_start3A_60 = tpu.memref_slice %arg3[%squeeze3A_50, %dma_start3A_59] : memref<400000x300xf32, #tpu.memory_space<hbm>> -> memref<1x300xf32, #tpu.memory_space<hbm>>
    %dma_start3A_61 = arith.constant 0 : i32
    %dma_start3A_62 = arith.constant 0 : i32
    %dma_start3A_63 = tpu.memref_slice %arg6[%dma_start3A_51, %dma_start3A_61, %dma_start3A_62] : memref<2x50x300xf32, #tpu.memory_space<vmem>> -> memref<1x50x300xf32, #tpu.memory_space<vmem>>
    %dma_start3A_64 = tpu.memref_squeeze %dma_start3A_63 : memref<1x50x300xf32, #tpu.memory_space<vmem>> -> memref<50x300xf32, #tpu.memory_space<vmem>>
    %dma_start3A_65 = arith.constant 48 : i32
    %dma_start3A_66 = arith.constant 0 : i32
    %dma_start3A_67 = tpu.memref_slice %dma_start3A_64[%dma_start3A_65, %dma_start3A_66] : memref<50x300xf32, #tpu.memory_space<vmem>> -> memref<1x300xf32, #tpu.memory_space<vmem>>
    %dma_start3A_68 = arith.constant 0 : i32
    %dma_start3A_69 = tpu.memref_slice %arg3[%squeeze3A_50, %dma_start3A_68] : memref<400000x300xf32, #tpu.memory_space<hbm>> -> memref<1x300xf32, #tpu.memory_space<hbm>>
    tpu.enqueue_dma source(%dma_start3A_69 : memref<1x300xf32, #tpu.memory_space<hbm>>) target(%dma_start3A_67 : memref<1x300xf32, #tpu.memory_space<vmem>>) target_semaphore(%arg8 : memref<!tpu.dma_semaphore, #tpu.memory_space<semaphore_mem>>)
    %slice3A_70 = vector.extract_strided_slice %get3A_9 {offsets = [3], sizes = [1], strides = [1]} : vector<16xi32> to vector<1xi32>
    %squeeze3A_71 = vector.extract %slice3A_70[0] : i32 from vector<1xi32>
    %dma_start3A_72 = arith.constant 1 : i32
    %dma_start3A_73 = arith.constant 0 : i32
    %dma_start3A_74 = arith.constant 0 : i32
    %dma_start3A_75 = tpu.memref_slice %arg6[%dma_start3A_72, %dma_start3A_73, %dma_start3A_74] : memref<2x50x300xf32, #tpu.memory_space<vmem>> -> memref<1x50x300xf32, #tpu.memory_space<vmem>>
    %dma_start3A_76 = tpu.memref_squeeze %dma_start3A_75 : memref<1x50x300xf32, #tpu.memory_space<vmem>> -> memref<50x300xf32, #tpu.memory_space<vmem>>
    %dma_start3A_77 = arith.constant 49 : i32
    %dma_start3A_78 = arith.constant 0 : i32
    %dma_start3A_79 = tpu.memref_slice %dma_start3A_76[%dma_start3A_77, %dma_start3A_78] : memref<50x300xf32, #tpu.memory_space<vmem>> -> memref<1x300xf32, #tpu.memory_space<vmem>>
    %dma_start3A_80 = arith.constant 0 : i32
    %dma_start3A_81 = tpu.memref_slice %arg3[%squeeze3A_71, %dma_start3A_80] : memref<400000x300xf32, #tpu.memory_space<hbm>> -> memref<1x300xf32, #tpu.memory_space<hbm>>
    %dma_start3A_82 = arith.constant 0 : i32
    %dma_start3A_83 = arith.constant 0 : i32
    %dma_start3A_84 = tpu.memref_slice %arg6[%dma_start3A_72, %dma_start3A_82, %dma_start3A_83] : memref<2x50x300xf32, #tpu.memory_space<vmem>> -> memref<1x50x300xf32, #tpu.memory_space<vmem>>
    %dma_start3A_85 = tpu.memref_squeeze %dma_start3A_84 : memref<1x50x300xf32, #tpu.memory_space<vmem>> -> memref<50x300xf32, #tpu.memory_space<vmem>>
    %dma_start3A_86 = arith.constant 49 : i32
    %dma_start3A_87 = arith.constant 0 : i32
    %dma_start3A_88 = tpu.memref_slice %dma_start3A_85[%dma_start3A_86, %dma_start3A_87] : memref<50x300xf32, #tpu.memory_space<vmem>> -> memref<1x300xf32, #tpu.memory_space<vmem>>
    %dma_start3A_89 = arith.constant 0 : i32
    %dma_start3A_90 = tpu.memref_slice %arg3[%squeeze3A_71, %dma_start3A_89] : memref<400000x300xf32, #tpu.memory_space<hbm>> -> memref<1x300xf32, #tpu.memory_space<hbm>>
    tpu.enqueue_dma source(%dma_start3A_90 : memref<1x300xf32, #tpu.memory_space<hbm>>) target(%dma_start3A_88 : memref<1x300xf32, #tpu.memory_space<vmem>>) target_semaphore(%arg8 : memref<!tpu.dma_semaphore, #tpu.memory_space<semaphore_mem>>)
    %scan3A_91 = arith.constant 0 : i32
    %scan3A_92 = arith.constant 0 : i32
    %scan3A_93 = arith.constant 6 : i32
    %scan3A_94 = arith.addi %scan3A_92, %scan3A_93 : i32
    %scan3A_95 = arith.constant 1 : i32
    scf.for %scan3A_357 = %scan3A_92 to %scan3A_94 step %scan3A_95  : i32 {
      %mul3A_358 = arith.constant 16 : i32
      %mul3A_359 = arith.muli %scan3A_357, %mul3A_358 : i32
      %add3A_360 = arith.constant 100 : i32
      %add3A_361 = arith.addi %add3A_360, %mul3A_359 : i32
      %get3A_362 = arith.index_cast %add3A_361 : i32 to index
      %get3A_363 = tpu.vector_load %arg5[%get3A_362] {strides = array<i32>} : memref<6416xi32, #tpu.memory_space<vmem>>, vector<16xi32>,
      %get3A_364 = vector.shape_cast %get3A_363 : vector<16xi32> to vector<16xi32>
      %mul3A_365 = arith.constant 16 : i32
      %mul3A_366 = arith.muli %scan3A_357, %mul3A_365 : i32
      %add3A_367 = arith.constant 0 : i32
      %add3A_368 = arith.addi %mul3A_366, %add3A_367 : i32
      %slice3A_369 = vector.extract_strided_slice %get3A_364 {offsets = [0], sizes = [1], strides = [1]} : vector<16xi32> to vector<1xi32>
      %squeeze3A_370 = vector.extract %slice3A_369[0] : i32 from vector<1xi32>
      %jit3A = arith.constant 50 : i32
      %div3A = arith.divsi %add3A_368, %jit3A : i32
      %sign3A = arith.constant 0 : i32
      %sign3A_371 = arith.cmpi sgt, %add3A_368, %sign3A : i32
      %sign3A_372 = arith.extui %sign3A_371 : i1 to i32
      %sign3A_373 = arith.constant 0 : i32
      %sign3A_374 = arith.cmpi slt, %add3A_368, %sign3A_373 : i32
      %sign3A_375 = arith.extui %sign3A_374 : i1 to i32
      %sign3A_376 = arith.subi %sign3A_372, %sign3A_375 : i32
      %sign3A_377 = arith.constant 0 : i32
      %sign3A_378 = arith.cmpi sgt, %jit3A, %sign3A_377 : i32
      %sign3A_379 = arith.extui %sign3A_378 : i1 to i32
      %sign3A_380 = arith.constant 0 : i32
      %sign3A_381 = arith.cmpi slt, %jit3A, %sign3A_380 : i32
      %sign3A_382 = arith.extui %sign3A_381 : i1 to i32
      %sign3A_383 = arith.subi %sign3A_379, %sign3A_382 : i32
      %ne3A = arith.cmpi ne, %sign3A_376, %sign3A_383 : i32
      %rem3A = arith.remsi %add3A_368, %jit3A : i32
      %ne3A_384 = arith.constant 0 : i32
      %ne3A_385 = arith.cmpi ne, %rem3A, %ne3A_384 : i32
      %and3A = arith.andi %ne3A, %ne3A_385 : i1
      %sub3A = arith.constant 1 : i32
      %sub3A_386 = arith.subi %div3A, %sub3A : i32
      %select_n3A = arith.select %and3A, %sub3A_386, %div3A : i32
      %mul3A_387 = arith.constant 50 : i32
      %mul3A_388 = arith.muli %select_n3A, %mul3A_387 : i32
      %sub3A_389 = arith.subi %add3A_368, %mul3A_388 : i32
      %dma_start3A_390 = arith.constant 0 : i32
      %dma_start3A_391 = arith.constant 0 : i32
      %dma_start3A_392 = tpu.memref_slice %arg7[%select_n3A, %dma_start3A_390, %dma_start3A_391] : memref<2x50x300xf32, #tpu.memory_space<vmem>> -> memref<1x50x300xf32, #tpu.memory_space<vmem>>
      %dma_start3A_393 = tpu.memref_squeeze %dma_start3A_392 : memref<1x50x300xf32, #tpu.memory_space<vmem>> -> memref<50x300xf32, #tpu.memory_space<vmem>>
      %dma_start3A_394 = arith.constant 0 : i32
      %dma_start3A_395 = tpu.memref_slice %dma_start3A_393[%sub3A_389, %dma_start3A_394] : memref<50x300xf32, #tpu.memory_space<vmem>> -> memref<1x300xf32, #tpu.memory_space<vmem>>
      %dma_start3A_396 = arith.constant 0 : i32
      %dma_start3A_397 = tpu.memref_slice %arg3[%squeeze3A_370, %dma_start3A_396] : memref<400000x300xf32, #tpu.memory_space<hbm>> -> memref<1x300xf32, #tpu.memory_space<hbm>>
      %dma_start3A_398 = arith.constant 0 : i32
      %dma_start3A_399 = arith.constant 0 : i32
      %dma_start3A_400 = tpu.memref_slice %arg7[%select_n3A, %dma_start3A_398, %dma_start3A_399] : memref<2x50x300xf32, #tpu.memory_space<vmem>> -> memref<1x50x300xf32, #tpu.memory_space<vmem>>
      %dma_start3A_401 = tpu.memref_squeeze %dma_start3A_400 : memref<1x50x300xf32, #tpu.memory_space<vmem>> -> memref<50x300xf32, #tpu.memory_space<vmem>>
      %dma_start3A_402 = arith.constant 0 : i32
      %dma_start3A_403 = tpu.memref_slice %dma_start3A_401[%sub3A_389, %dma_start3A_402] : memref<50x300xf32, #tpu.memory_space<vmem>> -> memref<1x300xf32, #tpu.memory_space<vmem>>
      %dma_start3A_404 = arith.constant 0 : i32
      %dma_start3A_405 = tpu.memref_slice %arg3[%squeeze3A_370, %dma_start3A_404] : memref<400000x300xf32, #tpu.memory_space<hbm>> -> memref<1x300xf32, #tpu.memory_space<hbm>>
      tpu.enqueue_dma source(%dma_start3A_405 : memref<1x300xf32, #tpu.memory_space<hbm>>) target(%dma_start3A_403 : memref<1x300xf32, #tpu.memory_space<vmem>>) target_semaphore(%arg9 : memref<!tpu.dma_semaphore, #tpu.memory_space<semaphore_mem>>)
      %mul3A_406 = arith.constant 16 : i32
      %mul3A_407 = arith.muli %scan3A_357, %mul3A_406 : i32
      %add3A_408 = arith.constant 1 : i32
      %add3A_409 = arith.addi %mul3A_407, %add3A_408 : i32
      %slice3A_410 = vector.extract_strided_slice %get3A_364 {offsets = [1], sizes = [1], strides = [1]} : vector<16xi32> to vector<1xi32>
      %squeeze3A_411 = vector.extract %slice3A_410[0] : i32 from vector<1xi32>
      %jit3A_412 = arith.constant 50 : i32
      %div3A_413 = arith.divsi %add3A_409, %jit3A_412 : i32
      %sign3A_414 = arith.constant 0 : i32
      %sign3A_415 = arith.cmpi sgt, %add3A_409, %sign3A_414 : i32
      %sign3A_416 = arith.extui %sign3A_415 : i1 to i32
      %sign3A_417 = arith.constant 0 : i32
      %sign3A_418 = arith.cmpi slt, %add3A_409, %sign3A_417 : i32
      %sign3A_419 = arith.extui %sign3A_418 : i1 to i32
      %sign3A_420 = arith.subi %sign3A_416, %sign3A_419 : i32
      %sign3A_421 = arith.constant 0 : i32
      %sign3A_422 = arith.cmpi sgt, %jit3A_412, %sign3A_421 : i32
      %sign3A_423 = arith.extui %sign3A_422 : i1 to i32
      %sign3A_424 = arith.constant 0 : i32
      %sign3A_425 = arith.cmpi slt, %jit3A_412, %sign3A_424 : i32
      %sign3A_426 = arith.extui %sign3A_425 : i1 to i32
      %sign3A_427 = arith.subi %sign3A_423, %sign3A_426 : i32
      %ne3A_428 = arith.cmpi ne, %sign3A_420, %sign3A_427 : i32
      %rem3A_429 = arith.remsi %add3A_409, %jit3A_412 : i32
      %ne3A_430 = arith.constant 0 : i32
      %ne3A_431 = arith.cmpi ne, %rem3A_429, %ne3A_430 : i32
      %and3A_432 = arith.andi %ne3A_428, %ne3A_431 : i1
      %sub3A_433 = arith.constant 1 : i32
      %sub3A_434 = arith.subi %div3A_413, %sub3A_433 : i32
      %select_n3A_435 = arith.select %and3A_432, %sub3A_434, %div3A_413 : i32
      %mul3A_436 = arith.constant 50 : i32
      %mul3A_437 = arith.muli %select_n3A_435, %mul3A_436 : i32
      %sub3A_438 = arith.subi %add3A_409, %mul3A_437 : i32
      %dma_start3A_439 = arith.constant 0 : i32
      %dma_start3A_440 = arith.constant 0 : i32
      %dma_start3A_441 = tpu.memref_slice %arg7[%select_n3A_435, %dma_start3A_439, %dma_start3A_440] : memref<2x50x300xf32, #tpu.memory_space<vmem>> -> memref<1x50x300xf32, #tpu.memory_space<vmem>>
      %dma_start3A_442 = tpu.memref_squeeze %dma_start3A_441 : memref<1x50x300xf32, #tpu.memory_space<vmem>> -> memref<50x300xf32, #tpu.memory_space<vmem>>
      %dma_start3A_443 = arith.constant 0 : i32
      %dma_start3A_444 = tpu.memref_slice %dma_start3A_442[%sub3A_438, %dma_start3A_443] : memref<50x300xf32, #tpu.memory_space<vmem>> -> memref<1x300xf32, #tpu.memory_space<vmem>>
      %dma_start3A_445 = arith.constant 0 : i32
      %dma_start3A_446 = tpu.memref_slice %arg3[%squeeze3A_411, %dma_start3A_445] : memref<400000x300xf32, #tpu.memory_space<hbm>> -> memref<1x300xf32, #tpu.memory_space<hbm>>
      %dma_start3A_447 = arith.constant 0 : i32
      %dma_start3A_448 = arith.constant 0 : i32
      %dma_start3A_449 = tpu.memref_slice %arg7[%select_n3A_435, %dma_start3A_447, %dma_start3A_448] : memref<2x50x300xf32, #tpu.memory_space<vmem>> -> memref<1x50x300xf32, #tpu.memory_space<vmem>>
      %dma_start3A_450 = tpu.memref_squeeze %dma_start3A_449 : memref<1x50x300xf32, #tpu.memory_space<vmem>> -> memref<50x300xf32, #tpu.memory_space<vmem>>
      %dma_start3A_451 = arith.constant 0 : i32
      %dma_start3A_452 = tpu.memref_slice %dma_start3A_450[%sub3A_438, %dma_start3A_451] : memref<50x300xf32, #tpu.memory_space<vmem>> -> memref<1x300xf32, #tpu.memory_space<vmem>>
      %dma_start3A_453 = arith.constant 0 : i32
      %dma_start3A_454 = tpu.memref_slice %arg3[%squeeze3A_411, %dma_start3A_453] : memref<400000x300xf32, #tpu.memory_space<hbm>> -> memref<1x300xf32, #tpu.memory_space<hbm>>
      tpu.enqueue_dma source(%dma_start3A_454 : memref<1x300xf32, #tpu.memory_space<hbm>>) target(%dma_start3A_452 : memref<1x300xf32, #tpu.memory_space<vmem>>) target_semaphore(%arg9 : memref<!tpu.dma_semaphore, #tpu.memory_space<semaphore_mem>>)
      %mul3A_455 = arith.constant 16 : i32
      %mul3A_456 = arith.muli %scan3A_357, %mul3A_455 : i32
      %add3A_457 = arith.constant 2 : i32
      %add3A_458 = arith.addi %mul3A_456, %add3A_457 : i32
      %slice3A_459 = vector.extract_strided_slice %get3A_364 {offsets = [2], sizes = [1], strides = [1]} : vector<16xi32> to vector<1xi32>
      %squeeze3A_460 = vector.extract %slice3A_459[0] : i32 from vector<1xi32>
      %jit3A_461 = arith.constant 50 : i32
      %div3A_462 = arith.divsi %add3A_458, %jit3A_461 : i32
      %sign3A_463 = arith.constant 0 : i32
      %sign3A_464 = arith.cmpi sgt, %add3A_458, %sign3A_463 : i32
      %sign3A_465 = arith.extui %sign3A_464 : i1 to i32
      %sign3A_466 = arith.constant 0 : i32
      %sign3A_467 = arith.cmpi slt, %add3A_458, %sign3A_466 : i32
      %sign3A_468 = arith.extui %sign3A_467 : i1 to i32
      %sign3A_469 = arith.subi %sign3A_465, %sign3A_468 : i32
      %sign3A_470 = arith.constant 0 : i32
      %sign3A_471 = arith.cmpi sgt, %jit3A_461, %sign3A_470 : i32
      %sign3A_472 = arith.extui %sign3A_471 : i1 to i32
      %sign3A_473 = arith.constant 0 : i32
      %sign3A_474 = arith.cmpi slt, %jit3A_461, %sign3A_473 : i32
      %sign3A_475 = arith.extui %sign3A_474 : i1 to i32
      %sign3A_476 = arith.subi %sign3A_472, %sign3A_475 : i32
      %ne3A_477 = arith.cmpi ne, %sign3A_469, %sign3A_476 : i32
      %rem3A_478 = arith.remsi %add3A_458, %jit3A_461 : i32
      %ne3A_479 = arith.constant 0 : i32
      %ne3A_480 = arith.cmpi ne, %rem3A_478, %ne3A_479 : i32
      %and3A_481 = arith.andi %ne3A_477, %ne3A_480 : i1
      %sub3A_482 = arith.constant 1 : i32
      %sub3A_483 = arith.subi %div3A_462, %sub3A_482 : i32
      %select_n3A_484 = arith.select %and3A_481, %sub3A_483, %div3A_462 : i32
      %mul3A_485 = arith.constant 50 : i32
      %mul3A_486 = arith.muli %select_n3A_484, %mul3A_485 : i32
      %sub3A_487 = arith.subi %add3A_458, %mul3A_486 : i32
      %dma_start3A_488 = arith.constant 0 : i32
      %dma_start3A_489 = arith.constant 0 : i32
      %dma_start3A_490 = tpu.memref_slice %arg7[%select_n3A_484, %dma_start3A_488, %dma_start3A_489] : memref<2x50x300xf32, #tpu.memory_space<vmem>> -> memref<1x50x300xf32, #tpu.memory_space<vmem>>
      %dma_start3A_491 = tpu.memref_squeeze %dma_start3A_490 : memref<1x50x300xf32, #tpu.memory_space<vmem>> -> memref<50x300xf32, #tpu.memory_space<vmem>>
      %dma_start3A_492 = arith.constant 0 : i32
      %dma_start3A_493 = tpu.memref_slice %dma_start3A_491[%sub3A_487, %dma_start3A_492] : memref<50x300xf32, #tpu.memory_space<vmem>> -> memref<1x300xf32, #tpu.memory_space<vmem>>
      %dma_start3A_494 = arith.constant 0 : i32
      %dma_start3A_495 = tpu.memref_slice %arg3[%squeeze3A_460, %dma_start3A_494] : memref<400000x300xf32, #tpu.memory_space<hbm>> -> memref<1x300xf32, #tpu.memory_space<hbm>>
      %dma_start3A_496 = arith.constant 0 : i32
      %dma_start3A_497 = arith.constant 0 : i32
      %dma_start3A_498 = tpu.memref_slice %arg7[%select_n3A_484, %dma_start3A_496, %dma_start3A_497] : memref<2x50x300xf32, #tpu.memory_space<vmem>> -> memref<1x50x300xf32, #tpu.memory_space<vmem>>
      %dma_start3A_499 = tpu.memref_squeeze %dma_start3A_498 : memref<1x50x300xf32, #tpu.memory_space<vmem>> -> memref<50x300xf32, #tpu.memory_space<vmem>>
      %dma_start3A_500 = arith.constant 0 : i32
      %dma_start3A_501 = tpu.memref_slice %dma_start3A_499[%sub3A_487, %dma_start3A_500] : memref<50x300xf32, #tpu.memory_space<vmem>> -> memref<1x300xf32, #tpu.memory_space<vmem>>
      %dma_start3A_502 = arith.constant 0 : i32
      %dma_start3A_503 = tpu.memref_slice %arg3[%squeeze3A_460, %dma_start3A_502] : memref<400000x300xf32, #tpu.memory_space<hbm>> -> memref<1x300xf32, #tpu.memory_space<hbm>>
      tpu.enqueue_dma source(%dma_start3A_503 : memref<1x300xf32, #tpu.memory_space<hbm>>) target(%dma_start3A_501 : memref<1x300xf32, #tpu.memory_space<vmem>>) target_semaphore(%arg9 : memref<!tpu.dma_semaphore, #tpu.memory_space<semaphore_mem>>)
      %mul3A_504 = arith.constant 16 : i32
      %mul3A_505 = arith.muli %scan3A_357, %mul3A_504 : i32
      %add3A_506 = arith.constant 3 : i32
      %add3A_507 = arith.addi %mul3A_505, %add3A_506 : i32
      %slice3A_508 = vector.extract_strided_slice %get3A_364 {offsets = [3], sizes = [1], strides = [1]} : vector<16xi32> to vector<1xi32>
      %squeeze3A_509 = vector.extract %slice3A_508[0] : i32 from vector<1xi32>
      %jit3A_510 = arith.constant 50 : i32
      %div3A_511 = arith.divsi %add3A_507, %jit3A_510 : i32
      %sign3A_512 = arith.constant 0 : i32
      %sign3A_513 = arith.cmpi sgt, %add3A_507, %sign3A_512 : i32
      %sign3A_514 = arith.extui %sign3A_513 : i1 to i32
      %sign3A_515 = arith.constant 0 : i32
      %sign3A_516 = arith.cmpi slt, %add3A_507, %sign3A_515 : i32
      %sign3A_517 = arith.extui %sign3A_516 : i1 to i32
      %sign3A_518 = arith.subi %sign3A_514, %sign3A_517 : i32
      %sign3A_519 = arith.constant 0 : i32
      %sign3A_520 = arith.cmpi sgt, %jit3A_510, %sign3A_519 : i32
      %sign3A_521 = arith.extui %sign3A_520 : i1 to i32
      %sign3A_522 = arith.constant 0 : i32
      %sign3A_523 = arith.cmpi slt, %jit3A_510, %sign3A_522 : i32
      %sign3A_524 = arith.extui %sign3A_523 : i1 to i32
      %sign3A_525 = arith.subi %sign3A_521, %sign3A_524 : i32
      %ne3A_526 = arith.cmpi ne, %sign3A_518, %sign3A_525 : i32
      %rem3A_527 = arith.remsi %add3A_507, %jit3A_510 : i32
      %ne3A_528 = arith.constant 0 : i32
      %ne3A_529 = arith.cmpi ne, %rem3A_527, %ne3A_528 : i32
      %and3A_530 = arith.andi %ne3A_526, %ne3A_529 : i1
      %sub3A_531 = arith.constant 1 : i32
      %sub3A_532 = arith.subi %div3A_511, %sub3A_531 : i32
      %select_n3A_533 = arith.select %and3A_530, %sub3A_532, %div3A_511 : i32
      %mul3A_534 = arith.constant 50 : i32
      %mul3A_535 = arith.muli %select_n3A_533, %mul3A_534 : i32
      %sub3A_536 = arith.subi %add3A_507, %mul3A_535 : i32
      %dma_start3A_537 = arith.constant 0 : i32
      %dma_start3A_538 = arith.constant 0 : i32
      %dma_start3A_539 = tpu.memref_slice %arg7[%select_n3A_533, %dma_start3A_537, %dma_start3A_538] : memref<2x50x300xf32, #tpu.memory_space<vmem>> -> memref<1x50x300xf32, #tpu.memory_space<vmem>>
      %dma_start3A_540 = tpu.memref_squeeze %dma_start3A_539 : memref<1x50x300xf32, #tpu.memory_space<vmem>> -> memref<50x300xf32, #tpu.memory_space<vmem>>
      %dma_start3A_541 = arith.constant 0 : i32
      %dma_start3A_542 = tpu.memref_slice %dma_start3A_540[%sub3A_536, %dma_start3A_541] : memref<50x300xf32, #tpu.memory_space<vmem>> -> memref<1x300xf32, #tpu.memory_space<vmem>>
      %dma_start3A_543 = arith.constant 0 : i32
      %dma_start3A_544 = tpu.memref_slice %arg3[%squeeze3A_509, %dma_start3A_543] : memref<400000x300xf32, #tpu.memory_space<hbm>> -> memref<1x300xf32, #tpu.memory_space<hbm>>
      %dma_start3A_545 = arith.constant 0 : i32
      %dma_start3A_546 = arith.constant 0 : i32
      %dma_start3A_547 = tpu.memref_slice %arg7[%select_n3A_533, %dma_start3A_545, %dma_start3A_546] : memref<2x50x300xf32, #tpu.memory_space<vmem>> -> memref<1x50x300xf32, #tpu.memory_space<vmem>>
      %dma_start3A_548 = tpu.memref_squeeze %dma_start3A_547 : memref<1x50x300xf32, #tpu.memory_space<vmem>> -> memref<50x300xf32, #tpu.memory_space<vmem>>
      %dma_start3A_549 = arith.constant 0 : i32
      %dma_start3A_550 = tpu.memref_slice %dma_start3A_548[%sub3A_536, %dma_start3A_549] : memref<50x300xf32, #tpu.memory_space<vmem>> -> memref<1x300xf32, #tpu.memory_space<vmem>>
      %dma_start3A_551 = arith.constant 0 : i32
      %dma_start3A_552 = tpu.memref_slice %arg3[%squeeze3A_509, %dma_start3A_551] : memref<400000x300xf32, #tpu.memory_space<hbm>> -> memref<1x300xf32, #tpu.memory_space<hbm>>
      tpu.enqueue_dma source(%dma_start3A_552 : memref<1x300xf32, #tpu.memory_space<hbm>>) target(%dma_start3A_550 : memref<1x300xf32, #tpu.memory_space<vmem>>) target_semaphore(%arg9 : memref<!tpu.dma_semaphore, #tpu.memory_space<semaphore_mem>>)
      %mul3A_553 = arith.constant 16 : i32
      %mul3A_554 = arith.muli %scan3A_357, %mul3A_553 : i32
      %add3A_555 = arith.constant 4 : i32
      %add3A_556 = arith.addi %mul3A_554, %add3A_555 : i32
      %slice3A_557 = vector.extract_strided_slice %get3A_364 {offsets = [4], sizes = [1], strides = [1]} : vector<16xi32> to vector<1xi32>
      %squeeze3A_558 = vector.extract %slice3A_557[0] : i32 from vector<1xi32>
      %jit3A_559 = arith.constant 50 : i32
      %div3A_560 = arith.divsi %add3A_556, %jit3A_559 : i32
      %sign3A_561 = arith.constant 0 : i32
      %sign3A_562 = arith.cmpi sgt, %add3A_556, %sign3A_561 : i32
      %sign3A_563 = arith.extui %sign3A_562 : i1 to i32
      %sign3A_564 = arith.constant 0 : i32
      %sign3A_565 = arith.cmpi slt, %add3A_556, %sign3A_564 : i32
      %sign3A_566 = arith.extui %sign3A_565 : i1 to i32
      %sign3A_567 = arith.subi %sign3A_563, %sign3A_566 : i32
      %sign3A_568 = arith.constant 0 : i32
      %sign3A_569 = arith.cmpi sgt, %jit3A_559, %sign3A_568 : i32
      %sign3A_570 = arith.extui %sign3A_569 : i1 to i32
      %sign3A_571 = arith.constant 0 : i32
      %sign3A_572 = arith.cmpi slt, %jit3A_559, %sign3A_571 : i32
      %sign3A_573 = arith.extui %sign3A_572 : i1 to i32
      %sign3A_574 = arith.subi %sign3A_570, %sign3A_573 : i32
      %ne3A_575 = arith.cmpi ne, %sign3A_567, %sign3A_574 : i32
      %rem3A_576 = arith.remsi %add3A_556, %jit3A_559 : i32
      %ne3A_577 = arith.constant 0 : i32
      %ne3A_578 = arith.cmpi ne, %rem3A_576, %ne3A_577 : i32
      %and3A_579 = arith.andi %ne3A_575, %ne3A_578 : i1
      %sub3A_580 = arith.constant 1 : i32
      %sub3A_581 = arith.subi %div3A_560, %sub3A_580 : i32
      %select_n3A_582 = arith.select %and3A_579, %sub3A_581, %div3A_560 : i32
      %mul3A_583 = arith.constant 50 : i32
      %mul3A_584 = arith.muli %select_n3A_582, %mul3A_583 : i32
      %sub3A_585 = arith.subi %add3A_556, %mul3A_584 : i32
      %dma_start3A_586 = arith.constant 0 : i32
      %dma_start3A_587 = arith.constant 0 : i32
      %dma_start3A_588 = tpu.memref_slice %arg7[%select_n3A_582, %dma_start3A_586, %dma_start3A_587] : memref<2x50x300xf32, #tpu.memory_space<vmem>> -> memref<1x50x300xf32, #tpu.memory_space<vmem>>
      %dma_start3A_589 = tpu.memref_squeeze %dma_start3A_588 : memref<1x50x300xf32, #tpu.memory_space<vmem>> -> memref<50x300xf32, #tpu.memory_space<vmem>>
      %dma_start3A_590 = arith.constant 0 : i32
      %dma_start3A_591 = tpu.memref_slice %dma_start3A_589[%sub3A_585, %dma_start3A_590] : memref<50x300xf32, #tpu.memory_space<vmem>> -> memref<1x300xf32, #tpu.memory_space<vmem>>
      %dma_start3A_592 = arith.constant 0 : i32
      %dma_start3A_593 = tpu.memref_slice %arg3[%squeeze3A_558, %dma_start3A_592] : memref<400000x300xf32, #tpu.memory_space<hbm>> -> memref<1x300xf32, #tpu.memory_space<hbm>>
      %dma_start3A_594 = arith.constant 0 : i32
      %dma_start3A_595 = arith.constant 0 : i32
      %dma_start3A_596 = tpu.memref_slice %arg7[%select_n3A_582, %dma_start3A_594, %dma_start3A_595] : memref<2x50x300xf32, #tpu.memory_space<vmem>> -> memref<1x50x300xf32, #tpu.memory_space<vmem>>
      %dma_start3A_597 = tpu.memref_squeeze %dma_start3A_596 : memref<1x50x300xf32, #tpu.memory_space<vmem>> -> memref<50x300xf32, #tpu.memory_space<vmem>>
      %dma_start3A_598 = arith.constant 0 : i32
      %dma_start3A_599 = tpu.memref_slice %dma_start3A_597[%sub3A_585, %dma_start3A_598] : memref<50x300xf32, #tpu.memory_space<vmem>> -> memref<1x300xf32, #tpu.memory_space<vmem>>
      %dma_start3A_600 = arith.constant 0 : i32
      %dma_start3A_601 = tpu.memref_slice %arg3[%squeeze3A_558, %dma_start3A_600] : memref<400000x300xf32, #tpu.memory_space<hbm>> -> memref<1x300xf32, #tpu.memory_space<hbm>>
      tpu.enqueue_dma source(%dma_start3A_601 : memref<1x300xf32, #tpu.memory_space<hbm>>) target(%dma_start3A_599 : memref<1x300xf32, #tpu.memory_space<vmem>>) target_semaphore(%arg9 : memref<!tpu.dma_semaphore, #tpu.memory_space<semaphore_mem>>)
      %mul3A_602 = arith.constant 16 : i32
      %mul3A_603 = arith.muli %scan3A_357, %mul3A_602 : i32
      %add3A_604 = arith.constant 5 : i32
      %add3A_605 = arith.addi %mul3A_603, %add3A_604 : i32
      %slice3A_606 = vector.extract_strided_slice %get3A_364 {offsets = [5], sizes = [1], strides = [1]} : vector<16xi32> to vector<1xi32>
      %squeeze3A_607 = vector.extract %slice3A_606[0] : i32 from vector<1xi32>
      %jit3A_608 = arith.constant 50 : i32
      %div3A_609 = arith.divsi %add3A_605, %jit3A_608 : i32
      %sign3A_610 = arith.constant 0 : i32
      %sign3A_611 = arith.cmpi sgt, %add3A_605, %sign3A_610 : i32
      %sign3A_612 = arith.extui %sign3A_611 : i1 to i32
      %sign3A_613 = arith.constant 0 : i32
      %sign3A_614 = arith.cmpi slt, %add3A_605, %sign3A_613 : i32
      %sign3A_615 = arith.extui %sign3A_614 : i1 to i32
      %sign3A_616 = arith.subi %sign3A_612, %sign3A_615 : i32
      %sign3A_617 = arith.constant 0 : i32
      %sign3A_618 = arith.cmpi sgt, %jit3A_608, %sign3A_617 : i32
      %sign3A_619 = arith.extui %sign3A_618 : i1 to i32
      %sign3A_620 = arith.constant 0 : i32
      %sign3A_621 = arith.cmpi slt, %jit3A_608, %sign3A_620 : i32
      %sign3A_622 = arith.extui %sign3A_621 : i1 to i32
      %sign3A_623 = arith.subi %sign3A_619, %sign3A_622 : i32
      %ne3A_624 = arith.cmpi ne, %sign3A_616, %sign3A_623 : i32
      %rem3A_625 = arith.remsi %add3A_605, %jit3A_608 : i32
      %ne3A_626 = arith.constant 0 : i32
      %ne3A_627 = arith.cmpi ne, %rem3A_625, %ne3A_626 : i32
      %and3A_628 = arith.andi %ne3A_624, %ne3A_627 : i1
      %sub3A_629 = arith.constant 1 : i32
      %sub3A_630 = arith.subi %div3A_609, %sub3A_629 : i32
      %select_n3A_631 = arith.select %and3A_628, %sub3A_630, %div3A_609 : i32
      %mul3A_632 = arith.constant 50 : i32
      %mul3A_633 = arith.muli %select_n3A_631, %mul3A_632 : i32
      %sub3A_634 = arith.subi %add3A_605, %mul3A_633 : i32
      %dma_start3A_635 = arith.constant 0 : i32
      %dma_start3A_636 = arith.constant 0 : i32
      %dma_start3A_637 = tpu.memref_slice %arg7[%select_n3A_631, %dma_start3A_635, %dma_start3A_636] : memref<2x50x300xf32, #tpu.memory_space<vmem>> -> memref<1x50x300xf32, #tpu.memory_space<vmem>>
      %dma_start3A_638 = tpu.memref_squeeze %dma_start3A_637 : memref<1x50x300xf32, #tpu.memory_space<vmem>> -> memref<50x300xf32, #tpu.memory_space<vmem>>
      %dma_start3A_639 = arith.constant 0 : i32
      %dma_start3A_640 = tpu.memref_slice %dma_start3A_638[%sub3A_634, %dma_start3A_639] : memref<50x300xf32, #tpu.memory_space<vmem>> -> memref<1x300xf32, #tpu.memory_space<vmem>>
      %dma_start3A_641 = arith.constant 0 : i32
      %dma_start3A_642 = tpu.memref_slice %arg3[%squeeze3A_607, %dma_start3A_641] : memref<400000x300xf32, #tpu.memory_space<hbm>> -> memref<1x300xf32, #tpu.memory_space<hbm>>
      %dma_start3A_643 = arith.constant 0 : i32
      %dma_start3A_644 = arith.constant 0 : i32
      %dma_start3A_645 = tpu.memref_slice %arg7[%select_n3A_631, %dma_start3A_643, %dma_start3A_644] : memref<2x50x300xf32, #tpu.memory_space<vmem>> -> memref<1x50x300xf32, #tpu.memory_space<vmem>>
      %dma_start3A_646 = tpu.memref_squeeze %dma_start3A_645 : memref<1x50x300xf32, #tpu.memory_space<vmem>> -> memref<50x300xf32, #tpu.memory_space<vmem>>
      %dma_start3A_647 = arith.constant 0 : i32
      %dma_start3A_648 = tpu.memref_slice %dma_start3A_646[%sub3A_634, %dma_start3A_647] : memref<50x300xf32, #tpu.memory_space<vmem>> -> memref<1x300xf32, #tpu.memory_space<vmem>>
      %dma_start3A_649 = arith.constant 0 : i32
      %dma_start3A_650 = tpu.memref_slice %arg3[%squeeze3A_607, %dma_start3A_649] : memref<400000x300xf32, #tpu.memory_space<hbm>> -> memref<1x300xf32, #tpu.memory_space<hbm>>
      tpu.enqueue_dma source(%dma_start3A_650 : memref<1x300xf32, #tpu.memory_space<hbm>>) target(%dma_start3A_648 : memref<1x300xf32, #tpu.memory_space<vmem>>) target_semaphore(%arg9 : memref<!tpu.dma_semaphore, #tpu.memory_space<semaphore_mem>>)
      %mul3A_651 = arith.constant 16 : i32
      %mul3A_652 = arith.muli %scan3A_357, %mul3A_651 : i32
      %add3A_653 = arith.constant 6 : i32
      %add3A_654 = arith.addi %mul3A_652, %add3A_653 : i32
      %slice3A_655 = vector.extract_strided_slice %get3A_364 {offsets = [6], sizes = [1], strides = [1]} : vector<16xi32> to vector<1xi32>
      %squeeze3A_656 = vector.extract %slice3A_655[0] : i32 from vector<1xi32>
      %jit3A_657 = arith.constant 50 : i32
      %div3A_658 = arith.divsi %add3A_654, %jit3A_657 : i32
      %sign3A_659 = arith.constant 0 : i32
      %sign3A_660 = arith.cmpi sgt, %add3A_654, %sign3A_659 : i32
      %sign3A_661 = arith.extui %sign3A_660 : i1 to i32
      %sign3A_662 = arith.constant 0 : i32
      %sign3A_663 = arith.cmpi slt, %add3A_654, %sign3A_662 : i32
      %sign3A_664 = arith.extui %sign3A_663 : i1 to i32
      %sign3A_665 = arith.subi %sign3A_661, %sign3A_664 : i32
      %sign3A_666 = arith.constant 0 : i32
      %sign3A_667 = arith.cmpi sgt, %jit3A_657, %sign3A_666 : i32
      %sign3A_668 = arith.extui %sign3A_667 : i1 to i32
      %sign3A_669 = arith.constant 0 : i32
      %sign3A_670 = arith.cmpi slt, %jit3A_657, %sign3A_669 : i32
      %sign3A_671 = arith.extui %sign3A_670 : i1 to i32
      %sign3A_672 = arith.subi %sign3A_668, %sign3A_671 : i32
      %ne3A_673 = arith.cmpi ne, %sign3A_665, %sign3A_672 : i32
      %rem3A_674 = arith.remsi %add3A_654, %jit3A_657 : i32
      %ne3A_675 = arith.constant 0 : i32
      %ne3A_676 = arith.cmpi ne, %rem3A_674, %ne3A_675 : i32
      %and3A_677 = arith.andi %ne3A_673, %ne3A_676 : i1
      %sub3A_678 = arith.constant 1 : i32
      %sub3A_679 = arith.subi %div3A_658, %sub3A_678 : i32
      %select_n3A_680 = arith.select %and3A_677, %sub3A_679, %div3A_658 : i32
      %mul3A_681 = arith.constant 50 : i32
      %mul3A_682 = arith.muli %select_n3A_680, %mul3A_681 : i32
      %sub3A_683 = arith.subi %add3A_654, %mul3A_682 : i32
      %dma_start3A_684 = arith.constant 0 : i32
      %dma_start3A_685 = arith.constant 0 : i32
      %dma_start3A_686 = tpu.memref_slice %arg7[%select_n3A_680, %dma_start3A_684, %dma_start3A_685] : memref<2x50x300xf32, #tpu.memory_space<vmem>> -> memref<1x50x300xf32, #tpu.memory_space<vmem>>
      %dma_start3A_687 = tpu.memref_squeeze %dma_start3A_686 : memref<1x50x300xf32, #tpu.memory_space<vmem>> -> memref<50x300xf32, #tpu.memory_space<vmem>>
      %dma_start3A_688 = arith.constant 0 : i32
      %dma_start3A_689 = tpu.memref_slice %dma_start3A_687[%sub3A_683, %dma_start3A_688] : memref<50x300xf32, #tpu.memory_space<vmem>> -> memref<1x300xf32, #tpu.memory_space<vmem>>
      %dma_start3A_690 = arith.constant 0 : i32
      %dma_start3A_691 = tpu.memref_slice %arg3[%squeeze3A_656, %dma_start3A_690] : memref<400000x300xf32, #tpu.memory_space<hbm>> -> memref<1x300xf32, #tpu.memory_space<hbm>>
      %dma_start3A_692 = arith.constant 0 : i32
      %dma_start3A_693 = arith.constant 0 : i32
      %dma_start3A_694 = tpu.memref_slice %arg7[%select_n3A_680, %dma_start3A_692, %dma_start3A_693] : memref<2x50x300xf32, #tpu.memory_space<vmem>> -> memref<1x50x300xf32, #tpu.memory_space<vmem>>
      %dma_start3A_695 = tpu.memref_squeeze %dma_start3A_694 : memref<1x50x300xf32, #tpu.memory_space<vmem>> -> memref<50x300xf32, #tpu.memory_space<vmem>>
      %dma_start3A_696 = arith.constant 0 : i32
      %dma_start3A_697 = tpu.memref_slice %dma_start3A_695[%sub3A_683, %dma_start3A_696] : memref<50x300xf32, #tpu.memory_space<vmem>> -> memref<1x300xf32, #tpu.memory_space<vmem>>
      %dma_start3A_698 = arith.constant 0 : i32
      %dma_start3A_699 = tpu.memref_slice %arg3[%squeeze3A_656, %dma_start3A_698] : memref<400000x300xf32, #tpu.memory_space<hbm>> -> memref<1x300xf32, #tpu.memory_space<hbm>>
      tpu.enqueue_dma source(%dma_start3A_699 : memref<1x300xf32, #tpu.memory_space<hbm>>) target(%dma_start3A_697 : memref<1x300xf32, #tpu.memory_space<vmem>>) target_semaphore(%arg9 : memref<!tpu.dma_semaphore, #tpu.memory_space<semaphore_mem>>)
      %mul3A_700 = arith.constant 16 : i32
      %mul3A_701 = arith.muli %scan3A_357, %mul3A_700 : i32
      %add3A_702 = arith.constant 7 : i32
      %add3A_703 = arith.addi %mul3A_701, %add3A_702 : i32
      %slice3A_704 = vector.extract_strided_slice %get3A_364 {offsets = [7], sizes = [1], strides = [1]} : vector<16xi32> to vector<1xi32>
      %squeeze3A_705 = vector.extract %slice3A_704[0] : i32 from vector<1xi32>
      %jit3A_706 = arith.constant 50 : i32
      %div3A_707 = arith.divsi %add3A_703, %jit3A_706 : i32
      %sign3A_708 = arith.constant 0 : i32
      %sign3A_709 = arith.cmpi sgt, %add3A_703, %sign3A_708 : i32
      %sign3A_710 = arith.extui %sign3A_709 : i1 to i32
      %sign3A_711 = arith.constant 0 : i32
      %sign3A_712 = arith.cmpi slt, %add3A_703, %sign3A_711 : i32
      %sign3A_713 = arith.extui %sign3A_712 : i1 to i32
      %sign3A_714 = arith.subi %sign3A_710, %sign3A_713 : i32
      %sign3A_715 = arith.constant 0 : i32
      %sign3A_716 = arith.cmpi sgt, %jit3A_706, %sign3A_715 : i32
      %sign3A_717 = arith.extui %sign3A_716 : i1 to i32
      %sign3A_718 = arith.constant 0 : i32
      %sign3A_719 = arith.cmpi slt, %jit3A_706, %sign3A_718 : i32
      %sign3A_720 = arith.extui %sign3A_719 : i1 to i32
      %sign3A_721 = arith.subi %sign3A_717, %sign3A_720 : i32
      %ne3A_722 = arith.cmpi ne, %sign3A_714, %sign3A_721 : i32
      %rem3A_723 = arith.remsi %add3A_703, %jit3A_706 : i32
      %ne3A_724 = arith.constant 0 : i32
      %ne3A_725 = arith.cmpi ne, %rem3A_723, %ne3A_724 : i32
      %and3A_726 = arith.andi %ne3A_722, %ne3A_725 : i1
      %sub3A_727 = arith.constant 1 : i32
      %sub3A_728 = arith.subi %div3A_707, %sub3A_727 : i32
      %select_n3A_729 = arith.select %and3A_726, %sub3A_728, %div3A_707 : i32
      %mul3A_730 = arith.constant 50 : i32
      %mul3A_731 = arith.muli %select_n3A_729, %mul3A_730 : i32
      %sub3A_732 = arith.subi %add3A_703, %mul3A_731 : i32
      %dma_start3A_733 = arith.constant 0 : i32
      %dma_start3A_734 = arith.constant 0 : i32
      %dma_start3A_735 = tpu.memref_slice %arg7[%select_n3A_729, %dma_start3A_733, %dma_start3A_734] : memref<2x50x300xf32, #tpu.memory_space<vmem>> -> memref<1x50x300xf32, #tpu.memory_space<vmem>>
      %dma_start3A_736 = tpu.memref_squeeze %dma_start3A_735 : memref<1x50x300xf32, #tpu.memory_space<vmem>> -> memref<50x300xf32, #tpu.memory_space<vmem>>
      %dma_start3A_737 = arith.constant 0 : i32
      %dma_start3A_738 = tpu.memref_slice %dma_start3A_736[%sub3A_732, %dma_start3A_737] : memref<50x300xf32, #tpu.memory_space<vmem>> -> memref<1x300xf32, #tpu.memory_space<vmem>>
      %dma_start3A_739 = arith.constant 0 : i32
      %dma_start3A_740 = tpu.memref_slice %arg3[%squeeze3A_705, %dma_start3A_739] : memref<400000x300xf32, #tpu.memory_space<hbm>> -> memref<1x300xf32, #tpu.memory_space<hbm>>
      %dma_start3A_741 = arith.constant 0 : i32
      %dma_start3A_742 = arith.constant 0 : i32
      %dma_start3A_743 = tpu.memref_slice %arg7[%select_n3A_729, %dma_start3A_741, %dma_start3A_742] : memref<2x50x300xf32, #tpu.memory_space<vmem>> -> memref<1x50x300xf32, #tpu.memory_space<vmem>>
      %dma_start3A_744 = tpu.memref_squeeze %dma_start3A_743 : memref<1x50x300xf32, #tpu.memory_space<vmem>> -> memref<50x300xf32, #tpu.memory_space<vmem>>
      %dma_start3A_745 = arith.constant 0 : i32
      %dma_start3A_746 = tpu.memref_slice %dma_start3A_744[%sub3A_732, %dma_start3A_745] : memref<50x300xf32, #tpu.memory_space<vmem>> -> memref<1x300xf32, #tpu.memory_space<vmem>>
      %dma_start3A_747 = arith.constant 0 : i32
      %dma_start3A_748 = tpu.memref_slice %arg3[%squeeze3A_705, %dma_start3A_747] : memref<400000x300xf32, #tpu.memory_space<hbm>> -> memref<1x300xf32, #tpu.memory_space<hbm>>
      tpu.enqueue_dma source(%dma_start3A_748 : memref<1x300xf32, #tpu.memory_space<hbm>>) target(%dma_start3A_746 : memref<1x300xf32, #tpu.memory_space<vmem>>) target_semaphore(%arg9 : memref<!tpu.dma_semaphore, #tpu.memory_space<semaphore_mem>>)
      %mul3A_749 = arith.constant 16 : i32
      %mul3A_750 = arith.muli %scan3A_357, %mul3A_749 : i32
      %add3A_751 = arith.constant 8 : i32
      %add3A_752 = arith.addi %mul3A_750, %add3A_751 : i32
      %slice3A_753 = vector.extract_strided_slice %get3A_364 {offsets = [8], sizes = [1], strides = [1]} : vector<16xi32> to vector<1xi32>
      %squeeze3A_754 = vector.extract %slice3A_753[0] : i32 from vector<1xi32>
      %jit3A_755 = arith.constant 50 : i32
      %div3A_756 = arith.divsi %add3A_752, %jit3A_755 : i32
      %sign3A_757 = arith.constant 0 : i32
      %sign3A_758 = arith.cmpi sgt, %add3A_752, %sign3A_757 : i32
      %sign3A_759 = arith.extui %sign3A_758 : i1 to i32
      %sign3A_760 = arith.constant 0 : i32
      %sign3A_761 = arith.cmpi slt, %add3A_752, %sign3A_760 : i32
      %sign3A_762 = arith.extui %sign3A_761 : i1 to i32
      %sign3A_763 = arith.subi %sign3A_759, %sign3A_762 : i32
      %sign3A_764 = arith.constant 0 : i32
      %sign3A_765 = arith.cmpi sgt, %jit3A_755, %sign3A_764 : i32
      %sign3A_766 = arith.extui %sign3A_765 : i1 to i32
      %sign3A_767 = arith.constant 0 : i32
      %sign3A_768 = arith.cmpi slt, %jit3A_755, %sign3A_767 : i32
      %sign3A_769 = arith.extui %sign3A_768 : i1 to i32
      %sign3A_770 = arith.subi %sign3A_766, %sign3A_769 : i32
      %ne3A_771 = arith.cmpi ne, %sign3A_763, %sign3A_770 : i32
      %rem3A_772 = arith.remsi %add3A_752, %jit3A_755 : i32
      %ne3A_773 = arith.constant 0 : i32
      %ne3A_774 = arith.cmpi ne, %rem3A_772, %ne3A_773 : i32
      %and3A_775 = arith.andi %ne3A_771, %ne3A_774 : i1
      %sub3A_776 = arith.constant 1 : i32
      %sub3A_777 = arith.subi %div3A_756, %sub3A_776 : i32
      %select_n3A_778 = arith.select %and3A_775, %sub3A_777, %div3A_756 : i32
      %mul3A_779 = arith.constant 50 : i32
      %mul3A_780 = arith.muli %select_n3A_778, %mul3A_779 : i32
      %sub3A_781 = arith.subi %add3A_752, %mul3A_780 : i32
      %dma_start3A_782 = arith.constant 0 : i32
      %dma_start3A_783 = arith.constant 0 : i32
      %dma_start3A_784 = tpu.memref_slice %arg7[%select_n3A_778, %dma_start3A_782, %dma_start3A_783] : memref<2x50x300xf32, #tpu.memory_space<vmem>> -> memref<1x50x300xf32, #tpu.memory_space<vmem>>
      %dma_start3A_785 = tpu.memref_squeeze %dma_start3A_784 : memref<1x50x300xf32, #tpu.memory_space<vmem>> -> memref<50x300xf32, #tpu.memory_space<vmem>>
      %dma_start3A_786 = arith.constant 0 : i32
      %dma_start3A_787 = tpu.memref_slice %dma_start3A_785[%sub3A_781, %dma_start3A_786] : memref<50x300xf32, #tpu.memory_space<vmem>> -> memref<1x300xf32, #tpu.memory_space<vmem>>
      %dma_start3A_788 = arith.constant 0 : i32
      %dma_start3A_789 = tpu.memref_slice %arg3[%squeeze3A_754, %dma_start3A_788] : memref<400000x300xf32, #tpu.memory_space<hbm>> -> memref<1x300xf32, #tpu.memory_space<hbm>>
      %dma_start3A_790 = arith.constant 0 : i32
      %dma_start3A_791 = arith.constant 0 : i32
      %dma_start3A_792 = tpu.memref_slice %arg7[%select_n3A_778, %dma_start3A_790, %dma_start3A_791] : memref<2x50x300xf32, #tpu.memory_space<vmem>> -> memref<1x50x300xf32, #tpu.memory_space<vmem>>
      %dma_start3A_793 = tpu.memref_squeeze %dma_start3A_792 : memref<1x50x300xf32, #tpu.memory_space<vmem>> -> memref<50x300xf32, #tpu.memory_space<vmem>>
      %dma_start3A_794 = arith.constant 0 : i32
      %dma_start3A_795 = tpu.memref_slice %dma_start3A_793[%sub3A_781, %dma_start3A_794] : memref<50x300xf32, #tpu.memory_space<vmem>> -> memref<1x300xf32, #tpu.memory_space<vmem>>
      %dma_start3A_796 = arith.constant 0 : i32
      %dma_start3A_797 = tpu.memref_slice %arg3[%squeeze3A_754, %dma_start3A_796] : memref<400000x300xf32, #tpu.memory_space<hbm>> -> memref<1x300xf32, #tpu.memory_space<hbm>>
      tpu.enqueue_dma source(%dma_start3A_797 : memref<1x300xf32, #tpu.memory_space<hbm>>) target(%dma_start3A_795 : memref<1x300xf32, #tpu.memory_space<vmem>>) target_semaphore(%arg9 : memref<!tpu.dma_semaphore, #tpu.memory_space<semaphore_mem>>)
      %mul3A_798 = arith.constant 16 : i32
      %mul3A_799 = arith.muli %scan3A_357, %mul3A_798 : i32
      %add3A_800 = arith.constant 9 : i32
      %add3A_801 = arith.addi %mul3A_799, %add3A_800 : i32
      %slice3A_802 = vector.extract_strided_slice %get3A_364 {offsets = [9], sizes = [1], strides = [1]} : vector<16xi32> to vector<1xi32>
      %squeeze3A_803 = vector.extract %slice3A_802[0] : i32 from vector<1xi32>
      %jit3A_804 = arith.constant 50 : i32
      %div3A_805 = arith.divsi %add3A_801, %jit3A_804 : i32
      %sign3A_806 = arith.constant 0 : i32
      %sign3A_807 = arith.cmpi sgt, %add3A_801, %sign3A_806 : i32
      %sign3A_808 = arith.extui %sign3A_807 : i1 to i32
      %sign3A_809 = arith.constant 0 : i32
      %sign3A_810 = arith.cmpi slt, %add3A_801, %sign3A_809 : i32
      %sign3A_811 = arith.extui %sign3A_810 : i1 to i32
      %sign3A_812 = arith.subi %sign3A_808, %sign3A_811 : i32
      %sign3A_813 = arith.constant 0 : i32
      %sign3A_814 = arith.cmpi sgt, %jit3A_804, %sign3A_813 : i32
      %sign3A_815 = arith.extui %sign3A_814 : i1 to i32
      %sign3A_816 = arith.constant 0 : i32
      %sign3A_817 = arith.cmpi slt, %jit3A_804, %sign3A_816 : i32
      %sign3A_818 = arith.extui %sign3A_817 : i1 to i32
      %sign3A_819 = arith.subi %sign3A_815, %sign3A_818 : i32
      %ne3A_820 = arith.cmpi ne, %sign3A_812, %sign3A_819 : i32
      %rem3A_821 = arith.remsi %add3A_801, %jit3A_804 : i32
      %ne3A_822 = arith.constant 0 : i32
      %ne3A_823 = arith.cmpi ne, %rem3A_821, %ne3A_822 : i32
      %and3A_824 = arith.andi %ne3A_820, %ne3A_823 : i1
      %sub3A_825 = arith.constant 1 : i32
      %sub3A_826 = arith.subi %div3A_805, %sub3A_825 : i32
      %select_n3A_827 = arith.select %and3A_824, %sub3A_826, %div3A_805 : i32
      %mul3A_828 = arith.constant 50 : i32
      %mul3A_829 = arith.muli %select_n3A_827, %mul3A_828 : i32
      %sub3A_830 = arith.subi %add3A_801, %mul3A_829 : i32
      %dma_start3A_831 = arith.constant 0 : i32
      %dma_start3A_832 = arith.constant 0 : i32
      %dma_start3A_833 = tpu.memref_slice %arg7[%select_n3A_827, %dma_start3A_831, %dma_start3A_832] : memref<2x50x300xf32, #tpu.memory_space<vmem>> -> memref<1x50x300xf32, #tpu.memory_space<vmem>>
      %dma_start3A_834 = tpu.memref_squeeze %dma_start3A_833 : memref<1x50x300xf32, #tpu.memory_space<vmem>> -> memref<50x300xf32, #tpu.memory_space<vmem>>
      %dma_start3A_835 = arith.constant 0 : i32
      %dma_start3A_836 = tpu.memref_slice %dma_start3A_834[%sub3A_830, %dma_start3A_835] : memref<50x300xf32, #tpu.memory_space<vmem>> -> memref<1x300xf32, #tpu.memory_space<vmem>>
      %dma_start3A_837 = arith.constant 0 : i32
      %dma_start3A_838 = tpu.memref_slice %arg3[%squeeze3A_803, %dma_start3A_837] : memref<400000x300xf32, #tpu.memory_space<hbm>> -> memref<1x300xf32, #tpu.memory_space<hbm>>
      %dma_start3A_839 = arith.constant 0 : i32
      %dma_start3A_840 = arith.constant 0 : i32
      %dma_start3A_841 = tpu.memref_slice %arg7[%select_n3A_827, %dma_start3A_839, %dma_start3A_840] : memref<2x50x300xf32, #tpu.memory_space<vmem>> -> memref<1x50x300xf32, #tpu.memory_space<vmem>>
      %dma_start3A_842 = tpu.memref_squeeze %dma_start3A_841 : memref<1x50x300xf32, #tpu.memory_space<vmem>> -> memref<50x300xf32, #tpu.memory_space<vmem>>
      %dma_start3A_843 = arith.constant 0 : i32
      %dma_start3A_844 = tpu.memref_slice %dma_start3A_842[%sub3A_830, %dma_start3A_843] : memref<50x300xf32, #tpu.memory_space<vmem>> -> memref<1x300xf32, #tpu.memory_space<vmem>>
      %dma_start3A_845 = arith.constant 0 : i32
      %dma_start3A_846 = tpu.memref_slice %arg3[%squeeze3A_803, %dma_start3A_845] : memref<400000x300xf32, #tpu.memory_space<hbm>> -> memref<1x300xf32, #tpu.memory_space<hbm>>
      tpu.enqueue_dma source(%dma_start3A_846 : memref<1x300xf32, #tpu.memory_space<hbm>>) target(%dma_start3A_844 : memref<1x300xf32, #tpu.memory_space<vmem>>) target_semaphore(%arg9 : memref<!tpu.dma_semaphore, #tpu.memory_space<semaphore_mem>>)
      %mul3A_847 = arith.constant 16 : i32
      %mul3A_848 = arith.muli %scan3A_357, %mul3A_847 : i32
      %add3A_849 = arith.constant 10 : i32
      %add3A_850 = arith.addi %mul3A_848, %add3A_849 : i32
      %slice3A_851 = vector.extract_strided_slice %get3A_364 {offsets = [10], sizes = [1], strides = [1]} : vector<16xi32> to vector<1xi32>
      %squeeze3A_852 = vector.extract %slice3A_851[0] : i32 from vector<1xi32>
      %jit3A_853 = arith.constant 50 : i32
      %div3A_854 = arith.divsi %add3A_850, %jit3A_853 : i32
      %sign3A_855 = arith.constant 0 : i32
      %sign3A_856 = arith.cmpi sgt, %add3A_850, %sign3A_855 : i32
      %sign3A_857 = arith.extui %sign3A_856 : i1 to i32
      %sign3A_858 = arith.constant 0 : i32
      %sign3A_859 = arith.cmpi slt, %add3A_850, %sign3A_858 : i32
      %sign3A_860 = arith.extui %sign3A_859 : i1 to i32
      %sign3A_861 = arith.subi %sign3A_857, %sign3A_860 : i32
      %sign3A_862 = arith.constant 0 : i32
      %sign3A_863 = arith.cmpi sgt, %jit3A_853, %sign3A_862 : i32
      %sign3A_864 = arith.extui %sign3A_863 : i1 to i32
      %sign3A_865 = arith.constant 0 : i32
      %sign3A_866 = arith.cmpi slt, %jit3A_853, %sign3A_865 : i32
      %sign3A_867 = arith.extui %sign3A_866 : i1 to i32
      %sign3A_868 = arith.subi %sign3A_864, %sign3A_867 : i32
      %ne3A_869 = arith.cmpi ne, %sign3A_861, %sign3A_868 : i32
      %rem3A_870 = arith.remsi %add3A_850, %jit3A_853 : i32
      %ne3A_871 = arith.constant 0 : i32
      %ne3A_872 = arith.cmpi ne, %rem3A_870, %ne3A_871 : i32
      %and3A_873 = arith.andi %ne3A_869, %ne3A_872 : i1
      %sub3A_874 = arith.constant 1 : i32
      %sub3A_875 = arith.subi %div3A_854, %sub3A_874 : i32
      %select_n3A_876 = arith.select %and3A_873, %sub3A_875, %div3A_854 : i32
      %mul3A_877 = arith.constant 50 : i32
      %mul3A_878 = arith.muli %select_n3A_876, %mul3A_877 : i32
      %sub3A_879 = arith.subi %add3A_850, %mul3A_878 : i32
      %dma_start3A_880 = arith.constant 0 : i32
      %dma_start3A_881 = arith.constant 0 : i32
      %dma_start3A_882 = tpu.memref_slice %arg7[%select_n3A_876, %dma_start3A_880, %dma_start3A_881] : memref<2x50x300xf32, #tpu.memory_space<vmem>> -> memref<1x50x300xf32, #tpu.memory_space<vmem>>
      %dma_start3A_883 = tpu.memref_squeeze %dma_start3A_882 : memref<1x50x300xf32, #tpu.memory_space<vmem>> -> memref<50x300xf32, #tpu.memory_space<vmem>>
      %dma_start3A_884 = arith.constant 0 : i32
      %dma_start3A_885 = tpu.memref_slice %dma_start3A_883[%sub3A_879, %dma_start3A_884] : memref<50x300xf32, #tpu.memory_space<vmem>> -> memref<1x300xf32, #tpu.memory_space<vmem>>
      %dma_start3A_886 = arith.constant 0 : i32
      %dma_start3A_887 = tpu.memref_slice %arg3[%squeeze3A_852, %dma_start3A_886] : memref<400000x300xf32, #tpu.memory_space<hbm>> -> memref<1x300xf32, #tpu.memory_space<hbm>>
      %dma_start3A_888 = arith.constant 0 : i32
      %dma_start3A_889 = arith.constant 0 : i32
      %dma_start3A_890 = tpu.memref_slice %arg7[%select_n3A_876, %dma_start3A_888, %dma_start3A_889] : memref<2x50x300xf32, #tpu.memory_space<vmem>> -> memref<1x50x300xf32, #tpu.memory_space<vmem>>
      %dma_start3A_891 = tpu.memref_squeeze %dma_start3A_890 : memref<1x50x300xf32, #tpu.memory_space<vmem>> -> memref<50x300xf32, #tpu.memory_space<vmem>>
      %dma_start3A_892 = arith.constant 0 : i32
      %dma_start3A_893 = tpu.memref_slice %dma_start3A_891[%sub3A_879, %dma_start3A_892] : memref<50x300xf32, #tpu.memory_space<vmem>> -> memref<1x300xf32, #tpu.memory_space<vmem>>
      %dma_start3A_894 = arith.constant 0 : i32
      %dma_start3A_895 = tpu.memref_slice %arg3[%squeeze3A_852, %dma_start3A_894] : memref<400000x300xf32, #tpu.memory_space<hbm>> -> memref<1x300xf32, #tpu.memory_space<hbm>>
      tpu.enqueue_dma source(%dma_start3A_895 : memref<1x300xf32, #tpu.memory_space<hbm>>) target(%dma_start3A_893 : memref<1x300xf32, #tpu.memory_space<vmem>>) target_semaphore(%arg9 : memref<!tpu.dma_semaphore, #tpu.memory_space<semaphore_mem>>)
      %mul3A_896 = arith.constant 16 : i32
      %mul3A_897 = arith.muli %scan3A_357, %mul3A_896 : i32
      %add3A_898 = arith.constant 11 : i32
      %add3A_899 = arith.addi %mul3A_897, %add3A_898 : i32
      %slice3A_900 = vector.extract_strided_slice %get3A_364 {offsets = [11], sizes = [1], strides = [1]} : vector<16xi32> to vector<1xi32>
      %squeeze3A_901 = vector.extract %slice3A_900[0] : i32 from vector<1xi32>
      %jit3A_902 = arith.constant 50 : i32
      %div3A_903 = arith.divsi %add3A_899, %jit3A_902 : i32
      %sign3A_904 = arith.constant 0 : i32
      %sign3A_905 = arith.cmpi sgt, %add3A_899, %sign3A_904 : i32
      %sign3A_906 = arith.extui %sign3A_905 : i1 to i32
      %sign3A_907 = arith.constant 0 : i32
      %sign3A_908 = arith.cmpi slt, %add3A_899, %sign3A_907 : i32
      %sign3A_909 = arith.extui %sign3A_908 : i1 to i32
      %sign3A_910 = arith.subi %sign3A_906, %sign3A_909 : i32
      %sign3A_911 = arith.constant 0 : i32
      %sign3A_912 = arith.cmpi sgt, %jit3A_902, %sign3A_911 : i32
      %sign3A_913 = arith.extui %sign3A_912 : i1 to i32
      %sign3A_914 = arith.constant 0 : i32
      %sign3A_915 = arith.cmpi slt, %jit3A_902, %sign3A_914 : i32
      %sign3A_916 = arith.extui %sign3A_915 : i1 to i32
      %sign3A_917 = arith.subi %sign3A_913, %sign3A_916 : i32
      %ne3A_918 = arith.cmpi ne, %sign3A_910, %sign3A_917 : i32
      %rem3A_919 = arith.remsi %add3A_899, %jit3A_902 : i32
      %ne3A_920 = arith.constant 0 : i32
      %ne3A_921 = arith.cmpi ne, %rem3A_919, %ne3A_920 : i32
      %and3A_922 = arith.andi %ne3A_918, %ne3A_921 : i1
      %sub3A_923 = arith.constant 1 : i32
      %sub3A_924 = arith.subi %div3A_903, %sub3A_923 : i32
      %select_n3A_925 = arith.select %and3A_922, %sub3A_924, %div3A_903 : i32
      %mul3A_926 = arith.constant 50 : i32
      %mul3A_927 = arith.muli %select_n3A_925, %mul3A_926 : i32
      %sub3A_928 = arith.subi %add3A_899, %mul3A_927 : i32
      %dma_start3A_929 = arith.constant 0 : i32
      %dma_start3A_930 = arith.constant 0 : i32
      %dma_start3A_931 = tpu.memref_slice %arg7[%select_n3A_925, %dma_start3A_929, %dma_start3A_930] : memref<2x50x300xf32, #tpu.memory_space<vmem>> -> memref<1x50x300xf32, #tpu.memory_space<vmem>>
      %dma_start3A_932 = tpu.memref_squeeze %dma_start3A_931 : memref<1x50x300xf32, #tpu.memory_space<vmem>> -> memref<50x300xf32, #tpu.memory_space<vmem>>
      %dma_start3A_933 = arith.constant 0 : i32
      %dma_start3A_934 = tpu.memref_slice %dma_start3A_932[%sub3A_928, %dma_start3A_933] : memref<50x300xf32, #tpu.memory_space<vmem>> -> memref<1x300xf32, #tpu.memory_space<vmem>>
      %dma_start3A_935 = arith.constant 0 : i32
      %dma_start3A_936 = tpu.memref_slice %arg3[%squeeze3A_901, %dma_start3A_935] : memref<400000x300xf32, #tpu.memory_space<hbm>> -> memref<1x300xf32, #tpu.memory_space<hbm>>
      %dma_start3A_937 = arith.constant 0 : i32
      %dma_start3A_938 = arith.constant 0 : i32
      %dma_start3A_939 = tpu.memref_slice %arg7[%select_n3A_925, %dma_start3A_937, %dma_start3A_938] : memref<2x50x300xf32, #tpu.memory_space<vmem>> -> memref<1x50x300xf32, #tpu.memory_space<vmem>>
      %dma_start3A_940 = tpu.memref_squeeze %dma_start3A_939 : memref<1x50x300xf32, #tpu.memory_space<vmem>> -> memref<50x300xf32, #tpu.memory_space<vmem>>
      %dma_start3A_941 = arith.constant 0 : i32
      %dma_start3A_942 = tpu.memref_slice %dma_start3A_940[%sub3A_928, %dma_start3A_941] : memref<50x300xf32, #tpu.memory_space<vmem>> -> memref<1x300xf32, #tpu.memory_space<vmem>>
      %dma_start3A_943 = arith.constant 0 : i32
      %dma_start3A_944 = tpu.memref_slice %arg3[%squeeze3A_901, %dma_start3A_943] : memref<400000x300xf32, #tpu.memory_space<hbm>> -> memref<1x300xf32, #tpu.memory_space<hbm>>
      tpu.enqueue_dma source(%dma_start3A_944 : memref<1x300xf32, #tpu.memory_space<hbm>>) target(%dma_start3A_942 : memref<1x300xf32, #tpu.memory_space<vmem>>) target_semaphore(%arg9 : memref<!tpu.dma_semaphore, #tpu.memory_space<semaphore_mem>>)
      %mul3A_945 = arith.constant 16 : i32
      %mul3A_946 = arith.muli %scan3A_357, %mul3A_945 : i32
      %add3A_947 = arith.constant 12 : i32
      %add3A_948 = arith.addi %mul3A_946, %add3A_947 : i32
      %slice3A_949 = vector.extract_strided_slice %get3A_364 {offsets = [12], sizes = [1], strides = [1]} : vector<16xi32> to vector<1xi32>
      %squeeze3A_950 = vector.extract %slice3A_949[0] : i32 from vector<1xi32>
      %jit3A_951 = arith.constant 50 : i32
      %div3A_952 = arith.divsi %add3A_948, %jit3A_951 : i32
      %sign3A_953 = arith.constant 0 : i32
      %sign3A_954 = arith.cmpi sgt, %add3A_948, %sign3A_953 : i32
      %sign3A_955 = arith.extui %sign3A_954 : i1 to i32
      %sign3A_956 = arith.constant 0 : i32
      %sign3A_957 = arith.cmpi slt, %add3A_948, %sign3A_956 : i32
      %sign3A_958 = arith.extui %sign3A_957 : i1 to i32
      %sign3A_959 = arith.subi %sign3A_955, %sign3A_958 : i32
      %sign3A_960 = arith.constant 0 : i32
      %sign3A_961 = arith.cmpi sgt, %jit3A_951, %sign3A_960 : i32
      %sign3A_962 = arith.extui %sign3A_961 : i1 to i32
      %sign3A_963 = arith.constant 0 : i32
      %sign3A_964 = arith.cmpi slt, %jit3A_951, %sign3A_963 : i32
      %sign3A_965 = arith.extui %sign3A_964 : i1 to i32
      %sign3A_966 = arith.subi %sign3A_962, %sign3A_965 : i32
      %ne3A_967 = arith.cmpi ne, %sign3A_959, %sign3A_966 : i32
      %rem3A_968 = arith.remsi %add3A_948, %jit3A_951 : i32
      %ne3A_969 = arith.constant 0 : i32
      %ne3A_970 = arith.cmpi ne, %rem3A_968, %ne3A_969 : i32
      %and3A_971 = arith.andi %ne3A_967, %ne3A_970 : i1
      %sub3A_972 = arith.constant 1 : i32
      %sub3A_973 = arith.subi %div3A_952, %sub3A_972 : i32
      %select_n3A_974 = arith.select %and3A_971, %sub3A_973, %div3A_952 : i32
      %mul3A_975 = arith.constant 50 : i32
      %mul3A_976 = arith.muli %select_n3A_974, %mul3A_975 : i32
      %sub3A_977 = arith.subi %add3A_948, %mul3A_976 : i32
      %dma_start3A_978 = arith.constant 0 : i32
      %dma_start3A_979 = arith.constant 0 : i32
      %dma_start3A_980 = tpu.memref_slice %arg7[%select_n3A_974, %dma_start3A_978, %dma_start3A_979] : memref<2x50x300xf32, #tpu.memory_space<vmem>> -> memref<1x50x300xf32, #tpu.memory_space<vmem>>
      %dma_start3A_981 = tpu.memref_squeeze %dma_start3A_980 : memref<1x50x300xf32, #tpu.memory_space<vmem>> -> memref<50x300xf32, #tpu.memory_space<vmem>>
      %dma_start3A_982 = arith.constant 0 : i32
      %dma_start3A_983 = tpu.memref_slice %dma_start3A_981[%sub3A_977, %dma_start3A_982] : memref<50x300xf32, #tpu.memory_space<vmem>> -> memref<1x300xf32, #tpu.memory_space<vmem>>
      %dma_start3A_984 = arith.constant 0 : i32
      %dma_start3A_985 = tpu.memref_slice %arg3[%squeeze3A_950, %dma_start3A_984] : memref<400000x300xf32, #tpu.memory_space<hbm>> -> memref<1x300xf32, #tpu.memory_space<hbm>>
      %dma_start3A_986 = arith.constant 0 : i32
      %dma_start3A_987 = arith.constant 0 : i32
      %dma_start3A_988 = tpu.memref_slice %arg7[%select_n3A_974, %dma_start3A_986, %dma_start3A_987] : memref<2x50x300xf32, #tpu.memory_space<vmem>> -> memref<1x50x300xf32, #tpu.memory_space<vmem>>
      %dma_start3A_989 = tpu.memref_squeeze %dma_start3A_988 : memref<1x50x300xf32, #tpu.memory_space<vmem>> -> memref<50x300xf32, #tpu.memory_space<vmem>>
      %dma_start3A_990 = arith.constant 0 : i32
      %dma_start3A_991 = tpu.memref_slice %dma_start3A_989[%sub3A_977, %dma_start3A_990] : memref<50x300xf32, #tpu.memory_space<vmem>> -> memref<1x300xf32, #tpu.memory_space<vmem>>
      %dma_start3A_992 = arith.constant 0 : i32
      %dma_start3A_993 = tpu.memref_slice %arg3[%squeeze3A_950, %dma_start3A_992] : memref<400000x300xf32, #tpu.memory_space<hbm>> -> memref<1x300xf32, #tpu.memory_space<hbm>>
      tpu.enqueue_dma source(%dma_start3A_993 : memref<1x300xf32, #tpu.memory_space<hbm>>) target(%dma_start3A_991 : memref<1x300xf32, #tpu.memory_space<vmem>>) target_semaphore(%arg9 : memref<!tpu.dma_semaphore, #tpu.memory_space<semaphore_mem>>)
      %mul3A_994 = arith.constant 16 : i32
      %mul3A_995 = arith.muli %scan3A_357, %mul3A_994 : i32
      %add3A_996 = arith.constant 13 : i32
      %add3A_997 = arith.addi %mul3A_995, %add3A_996 : i32
      %slice3A_998 = vector.extract_strided_slice %get3A_364 {offsets = [13], sizes = [1], strides = [1]} : vector<16xi32> to vector<1xi32>
      %squeeze3A_999 = vector.extract %slice3A_998[0] : i32 from vector<1xi32>
      %jit3A_1000 = arith.constant 50 : i32
      %div3A_1001 = arith.divsi %add3A_997, %jit3A_1000 : i32
      %sign3A_1002 = arith.constant 0 : i32
      %sign3A_1003 = arith.cmpi sgt, %add3A_997, %sign3A_1002 : i32
      %sign3A_1004 = arith.extui %sign3A_1003 : i1 to i32
      %sign3A_1005 = arith.constant 0 : i32
      %sign3A_1006 = arith.cmpi slt, %add3A_997, %sign3A_1005 : i32
      %sign3A_1007 = arith.extui %sign3A_1006 : i1 to i32
      %sign3A_1008 = arith.subi %sign3A_1004, %sign3A_1007 : i32
      %sign3A_1009 = arith.constant 0 : i32
      %sign3A_1010 = arith.cmpi sgt, %jit3A_1000, %sign3A_1009 : i32
      %sign3A_1011 = arith.extui %sign3A_1010 : i1 to i32
      %sign3A_1012 = arith.constant 0 : i32
      %sign3A_1013 = arith.cmpi slt, %jit3A_1000, %sign3A_1012 : i32
      %sign3A_1014 = arith.extui %sign3A_1013 : i1 to i32
      %sign3A_1015 = arith.subi %sign3A_1011, %sign3A_1014 : i32
      %ne3A_1016 = arith.cmpi ne, %sign3A_1008, %sign3A_1015 : i32
      %rem3A_1017 = arith.remsi %add3A_997, %jit3A_1000 : i32
      %ne3A_1018 = arith.constant 0 : i32
      %ne3A_1019 = arith.cmpi ne, %rem3A_1017, %ne3A_1018 : i32
      %and3A_1020 = arith.andi %ne3A_1016, %ne3A_1019 : i1
      %sub3A_1021 = arith.constant 1 : i32
      %sub3A_1022 = arith.subi %div3A_1001, %sub3A_1021 : i32
      %select_n3A_1023 = arith.select %and3A_1020, %sub3A_1022, %div3A_1001 : i32
      %mul3A_1024 = arith.constant 50 : i32
      %mul3A_1025 = arith.muli %select_n3A_1023, %mul3A_1024 : i32
      %sub3A_1026 = arith.subi %add3A_997, %mul3A_1025 : i32
      %dma_start3A_1027 = arith.constant 0 : i32
      %dma_start3A_1028 = arith.constant 0 : i32
      %dma_start3A_1029 = tpu.memref_slice %arg7[%select_n3A_1023, %dma_start3A_1027, %dma_start3A_1028] : memref<2x50x300xf32, #tpu.memory_space<vmem>> -> memref<1x50x300xf32, #tpu.memory_space<vmem>>
      %dma_start3A_1030 = tpu.memref_squeeze %dma_start3A_1029 : memref<1x50x300xf32, #tpu.memory_space<vmem>> -> memref<50x300xf32, #tpu.memory_space<vmem>>
      %dma_start3A_1031 = arith.constant 0 : i32
      %dma_start3A_1032 = tpu.memref_slice %dma_start3A_1030[%sub3A_1026, %dma_start3A_1031] : memref<50x300xf32, #tpu.memory_space<vmem>> -> memref<1x300xf32, #tpu.memory_space<vmem>>
      %dma_start3A_1033 = arith.constant 0 : i32
      %dma_start3A_1034 = tpu.memref_slice %arg3[%squeeze3A_999, %dma_start3A_1033] : memref<400000x300xf32, #tpu.memory_space<hbm>> -> memref<1x300xf32, #tpu.memory_space<hbm>>
      %dma_start3A_1035 = arith.constant 0 : i32
      %dma_start3A_1036 = arith.constant 0 : i32
      %dma_start3A_1037 = tpu.memref_slice %arg7[%select_n3A_1023, %dma_start3A_1035, %dma_start3A_1036] : memref<2x50x300xf32, #tpu.memory_space<vmem>> -> memref<1x50x300xf32, #tpu.memory_space<vmem>>
      %dma_start3A_1038 = tpu.memref_squeeze %dma_start3A_1037 : memref<1x50x300xf32, #tpu.memory_space<vmem>> -> memref<50x300xf32, #tpu.memory_space<vmem>>
      %dma_start3A_1039 = arith.constant 0 : i32
      %dma_start3A_1040 = tpu.memref_slice %dma_start3A_1038[%sub3A_1026, %dma_start3A_1039] : memref<50x300xf32, #tpu.memory_space<vmem>> -> memref<1x300xf32, #tpu.memory_space<vmem>>
      %dma_start3A_1041 = arith.constant 0 : i32
      %dma_start3A_1042 = tpu.memref_slice %arg3[%squeeze3A_999, %dma_start3A_1041] : memref<400000x300xf32, #tpu.memory_space<hbm>> -> memref<1x300xf32, #tpu.memory_space<hbm>>
      tpu.enqueue_dma source(%dma_start3A_1042 : memref<1x300xf32, #tpu.memory_space<hbm>>) target(%dma_start3A_1040 : memref<1x300xf32, #tpu.memory_space<vmem>>) target_semaphore(%arg9 : memref<!tpu.dma_semaphore, #tpu.memory_space<semaphore_mem>>)
      %mul3A_1043 = arith.constant 16 : i32
      %mul3A_1044 = arith.muli %scan3A_357, %mul3A_1043 : i32
      %add3A_1045 = arith.constant 14 : i32
      %add3A_1046 = arith.addi %mul3A_1044, %add3A_1045 : i32
      %slice3A_1047 = vector.extract_strided_slice %get3A_364 {offsets = [14], sizes = [1], strides = [1]} : vector<16xi32> to vector<1xi32>
      %squeeze3A_1048 = vector.extract %slice3A_1047[0] : i32 from vector<1xi32>
      %jit3A_1049 = arith.constant 50 : i32
      %div3A_1050 = arith.divsi %add3A_1046, %jit3A_1049 : i32
      %sign3A_1051 = arith.constant 0 : i32
      %sign3A_1052 = arith.cmpi sgt, %add3A_1046, %sign3A_1051 : i32
      %sign3A_1053 = arith.extui %sign3A_1052 : i1 to i32
      %sign3A_1054 = arith.constant 0 : i32
      %sign3A_1055 = arith.cmpi slt, %add3A_1046, %sign3A_1054 : i32
      %sign3A_1056 = arith.extui %sign3A_1055 : i1 to i32
      %sign3A_1057 = arith.subi %sign3A_1053, %sign3A_1056 : i32
      %sign3A_1058 = arith.constant 0 : i32
      %sign3A_1059 = arith.cmpi sgt, %jit3A_1049, %sign3A_1058 : i32
      %sign3A_1060 = arith.extui %sign3A_1059 : i1 to i32
      %sign3A_1061 = arith.constant 0 : i32
      %sign3A_1062 = arith.cmpi slt, %jit3A_1049, %sign3A_1061 : i32
      %sign3A_1063 = arith.extui %sign3A_1062 : i1 to i32
      %sign3A_1064 = arith.subi %sign3A_1060, %sign3A_1063 : i32
      %ne3A_1065 = arith.cmpi ne, %sign3A_1057, %sign3A_1064 : i32
      %rem3A_1066 = arith.remsi %add3A_1046, %jit3A_1049 : i32
      %ne3A_1067 = arith.constant 0 : i32
      %ne3A_1068 = arith.cmpi ne, %rem3A_1066, %ne3A_1067 : i32
      %and3A_1069 = arith.andi %ne3A_1065, %ne3A_1068 : i1
      %sub3A_1070 = arith.constant 1 : i32
      %sub3A_1071 = arith.subi %div3A_1050, %sub3A_1070 : i32
      %select_n3A_1072 = arith.select %and3A_1069, %sub3A_1071, %div3A_1050 : i32
      %mul3A_1073 = arith.constant 50 : i32
      %mul3A_1074 = arith.muli %select_n3A_1072, %mul3A_1073 : i32
      %sub3A_1075 = arith.subi %add3A_1046, %mul3A_1074 : i32
      %dma_start3A_1076 = arith.constant 0 : i32
      %dma_start3A_1077 = arith.constant 0 : i32
      %dma_start3A_1078 = tpu.memref_slice %arg7[%select_n3A_1072, %dma_start3A_1076, %dma_start3A_1077] : memref<2x50x300xf32, #tpu.memory_space<vmem>> -> memref<1x50x300xf32, #tpu.memory_space<vmem>>
      %dma_start3A_1079 = tpu.memref_squeeze %dma_start3A_1078 : memref<1x50x300xf32, #tpu.memory_space<vmem>> -> memref<50x300xf32, #tpu.memory_space<vmem>>
      %dma_start3A_1080 = arith.constant 0 : i32
      %dma_start3A_1081 = tpu.memref_slice %dma_start3A_1079[%sub3A_1075, %dma_start3A_1080] : memref<50x300xf32, #tpu.memory_space<vmem>> -> memref<1x300xf32, #tpu.memory_space<vmem>>
      %dma_start3A_1082 = arith.constant 0 : i32
      %dma_start3A_1083 = tpu.memref_slice %arg3[%squeeze3A_1048, %dma_start3A_1082] : memref<400000x300xf32, #tpu.memory_space<hbm>> -> memref<1x300xf32, #tpu.memory_space<hbm>>
      %dma_start3A_1084 = arith.constant 0 : i32
      %dma_start3A_1085 = arith.constant 0 : i32
      %dma_start3A_1086 = tpu.memref_slice %arg7[%select_n3A_1072, %dma_start3A_1084, %dma_start3A_1085] : memref<2x50x300xf32, #tpu.memory_space<vmem>> -> memref<1x50x300xf32, #tpu.memory_space<vmem>>
      %dma_start3A_1087 = tpu.memref_squeeze %dma_start3A_1086 : memref<1x50x300xf32, #tpu.memory_space<vmem>> -> memref<50x300xf32, #tpu.memory_space<vmem>>
      %dma_start3A_1088 = arith.constant 0 : i32
      %dma_start3A_1089 = tpu.memref_slice %dma_start3A_1087[%sub3A_1075, %dma_start3A_1088] : memref<50x300xf32, #tpu.memory_space<vmem>> -> memref<1x300xf32, #tpu.memory_space<vmem>>
      %dma_start3A_1090 = arith.constant 0 : i32
      %dma_start3A_1091 = tpu.memref_slice %arg3[%squeeze3A_1048, %dma_start3A_1090] : memref<400000x300xf32, #tpu.memory_space<hbm>> -> memref<1x300xf32, #tpu.memory_space<hbm>>
      tpu.enqueue_dma source(%dma_start3A_1091 : memref<1x300xf32, #tpu.memory_space<hbm>>) target(%dma_start3A_1089 : memref<1x300xf32, #tpu.memory_space<vmem>>) target_semaphore(%arg9 : memref<!tpu.dma_semaphore, #tpu.memory_space<semaphore_mem>>)
      %mul3A_1092 = arith.constant 16 : i32
      %mul3A_1093 = arith.muli %scan3A_357, %mul3A_1092 : i32
      %add3A_1094 = arith.constant 15 : i32
      %add3A_1095 = arith.addi %mul3A_1093, %add3A_1094 : i32
      %slice3A_1096 = vector.extract_strided_slice %get3A_364 {offsets = [15], sizes = [1], strides = [1]} : vector<16xi32> to vector<1xi32>
      %squeeze3A_1097 = vector.extract %slice3A_1096[0] : i32 from vector<1xi32>
      %jit3A_1098 = arith.constant 50 : i32
      %div3A_1099 = arith.divsi %add3A_1095, %jit3A_1098 : i32
      %sign3A_1100 = arith.constant 0 : i32
      %sign3A_1101 = arith.cmpi sgt, %add3A_1095, %sign3A_1100 : i32
      %sign3A_1102 = arith.extui %sign3A_1101 : i1 to i32
      %sign3A_1103 = arith.constant 0 : i32
      %sign3A_1104 = arith.cmpi slt, %add3A_1095, %sign3A_1103 : i32
      %sign3A_1105 = arith.extui %sign3A_1104 : i1 to i32
      %sign3A_1106 = arith.subi %sign3A_1102, %sign3A_1105 : i32
      %sign3A_1107 = arith.constant 0 : i32
      %sign3A_1108 = arith.cmpi sgt, %jit3A_1098, %sign3A_1107 : i32
      %sign3A_1109 = arith.extui %sign3A_1108 : i1 to i32
      %sign3A_1110 = arith.constant 0 : i32
      %sign3A_1111 = arith.cmpi slt, %jit3A_1098, %sign3A_1110 : i32
      %sign3A_1112 = arith.extui %sign3A_1111 : i1 to i32
      %sign3A_1113 = arith.subi %sign3A_1109, %sign3A_1112 : i32
      %ne3A_1114 = arith.cmpi ne, %sign3A_1106, %sign3A_1113 : i32
      %rem3A_1115 = arith.remsi %add3A_1095, %jit3A_1098 : i32
      %ne3A_1116 = arith.constant 0 : i32
      %ne3A_1117 = arith.cmpi ne, %rem3A_1115, %ne3A_1116 : i32
      %and3A_1118 = arith.andi %ne3A_1114, %ne3A_1117 : i1
      %sub3A_1119 = arith.constant 1 : i32
      %sub3A_1120 = arith.subi %div3A_1099, %sub3A_1119 : i32
      %select_n3A_1121 = arith.select %and3A_1118, %sub3A_1120, %div3A_1099 : i32
      %mul3A_1122 = arith.constant 50 : i32
      %mul3A_1123 = arith.muli %select_n3A_1121, %mul3A_1122 : i32
      %sub3A_1124 = arith.subi %add3A_1095, %mul3A_1123 : i32
      %dma_start3A_1125 = arith.constant 0 : i32
      %dma_start3A_1126 = arith.constant 0 : i32
      %dma_start3A_1127 = tpu.memref_slice %arg7[%select_n3A_1121, %dma_start3A_1125, %dma_start3A_1126] : memref<2x50x300xf32, #tpu.memory_space<vmem>> -> memref<1x50x300xf32, #tpu.memory_space<vmem>>
      %dma_start3A_1128 = tpu.memref_squeeze %dma_start3A_1127 : memref<1x50x300xf32, #tpu.memory_space<vmem>> -> memref<50x300xf32, #tpu.memory_space<vmem>>
      %dma_start3A_1129 = arith.constant 0 : i32
      %dma_start3A_1130 = tpu.memref_slice %dma_start3A_1128[%sub3A_1124, %dma_start3A_1129] : memref<50x300xf32, #tpu.memory_space<vmem>> -> memref<1x300xf32, #tpu.memory_space<vmem>>
      %dma_start3A_1131 = arith.constant 0 : i32
      %dma_start3A_1132 = tpu.memref_slice %arg3[%squeeze3A_1097, %dma_start3A_1131] : memref<400000x300xf32, #tpu.memory_space<hbm>> -> memref<1x300xf32, #tpu.memory_space<hbm>>
      %dma_start3A_1133 = arith.constant 0 : i32
      %dma_start3A_1134 = arith.constant 0 : i32
      %dma_start3A_1135 = tpu.memref_slice %arg7[%select_n3A_1121, %dma_start3A_1133, %dma_start3A_1134] : memref<2x50x300xf32, #tpu.memory_space<vmem>> -> memref<1x50x300xf32, #tpu.memory_space<vmem>>
      %dma_start3A_1136 = tpu.memref_squeeze %dma_start3A_1135 : memref<1x50x300xf32, #tpu.memory_space<vmem>> -> memref<50x300xf32, #tpu.memory_space<vmem>>
      %dma_start3A_1137 = arith.constant 0 : i32
      %dma_start3A_1138 = tpu.memref_slice %dma_start3A_1136[%sub3A_1124, %dma_start3A_1137] : memref<50x300xf32, #tpu.memory_space<vmem>> -> memref<1x300xf32, #tpu.memory_space<vmem>>
      %dma_start3A_1139 = arith.constant 0 : i32
      %dma_start3A_1140 = tpu.memref_slice %arg3[%squeeze3A_1097, %dma_start3A_1139] : memref<400000x300xf32, #tpu.memory_space<hbm>> -> memref<1x300xf32, #tpu.memory_space<hbm>>
      tpu.enqueue_dma source(%dma_start3A_1140 : memref<1x300xf32, #tpu.memory_space<hbm>>) target(%dma_start3A_1138 : memref<1x300xf32, #tpu.memory_space<vmem>>) target_semaphore(%arg9 : memref<!tpu.dma_semaphore, #tpu.memory_space<semaphore_mem>>)
    }
    %scan3A_96 = arith.constant 6 : i32
    %get3A_97 = arith.constant 196 : index
    %get3A_98 = tpu.vector_load %arg5[%get3A_97] {strides = array<i32>} : memref<6416xi32, #tpu.memory_space<vmem>>, vector<16xi32>,
    %get3A_99 = vector.shape_cast %get3A_98 : vector<16xi32> to vector<16xi32>
    %slice3A_100 = vector.extract_strided_slice %get3A_99 {offsets = [0], sizes = [1], strides = [1]} : vector<16xi32> to vector<1xi32>
    %squeeze3A_101 = vector.extract %slice3A_100[0] : i32 from vector<1xi32>
    %dma_start3A_102 = arith.constant 1 : i32
    %dma_start3A_103 = arith.constant 0 : i32
    %dma_start3A_104 = arith.constant 0 : i32
    %dma_start3A_105 = tpu.memref_slice %arg7[%dma_start3A_102, %dma_start3A_103, %dma_start3A_104] : memref<2x50x300xf32, #tpu.memory_space<vmem>> -> memref<1x50x300xf32, #tpu.memory_space<vmem>>
    %dma_start3A_106 = tpu.memref_squeeze %dma_start3A_105 : memref<1x50x300xf32, #tpu.memory_space<vmem>> -> memref<50x300xf32, #tpu.memory_space<vmem>>
    %dma_start3A_107 = arith.constant 46 : i32
    %dma_start3A_108 = arith.constant 0 : i32
    %dma_start3A_109 = tpu.memref_slice %dma_start3A_106[%dma_start3A_107, %dma_start3A_108] : memref<50x300xf32, #tpu.memory_space<vmem>> -> memref<1x300xf32, #tpu.memory_space<vmem>>
    %dma_start3A_110 = arith.constant 0 : i32
    %dma_start3A_111 = tpu.memref_slice %arg3[%squeeze3A_101, %dma_start3A_110] : memref<400000x300xf32, #tpu.memory_space<hbm>> -> memref<1x300xf32, #tpu.memory_space<hbm>>
    %dma_start3A_112 = arith.constant 0 : i32
    %dma_start3A_113 = arith.constant 0 : i32
    %dma_start3A_114 = tpu.memref_slice %arg7[%dma_start3A_102, %dma_start3A_112, %dma_start3A_113] : memref<2x50x300xf32, #tpu.memory_space<vmem>> -> memref<1x50x300xf32, #tpu.memory_space<vmem>>
    %dma_start3A_115 = tpu.memref_squeeze %dma_start3A_114 : memref<1x50x300xf32, #tpu.memory_space<vmem>> -> memref<50x300xf32, #tpu.memory_space<vmem>>
    %dma_start3A_116 = arith.constant 46 : i32
    %dma_start3A_117 = arith.constant 0 : i32
    %dma_start3A_118 = tpu.memref_slice %dma_start3A_115[%dma_start3A_116, %dma_start3A_117] : memref<50x300xf32, #tpu.memory_space<vmem>> -> memref<1x300xf32, #tpu.memory_space<vmem>>
    %dma_start3A_119 = arith.constant 0 : i32
    %dma_start3A_120 = tpu.memref_slice %arg3[%squeeze3A_101, %dma_start3A_119] : memref<400000x300xf32, #tpu.memory_space<hbm>> -> memref<1x300xf32, #tpu.memory_space<hbm>>
    tpu.enqueue_dma source(%dma_start3A_120 : memref<1x300xf32, #tpu.memory_space<hbm>>) target(%dma_start3A_118 : memref<1x300xf32, #tpu.memory_space<vmem>>) target_semaphore(%arg9 : memref<!tpu.dma_semaphore, #tpu.memory_space<semaphore_mem>>)
    %slice3A_121 = vector.extract_strided_slice %get3A_99 {offsets = [1], sizes = [1], strides = [1]} : vector<16xi32> to vector<1xi32>
    %squeeze3A_122 = vector.extract %slice3A_121[0] : i32 from vector<1xi32>
    %dma_start3A_123 = arith.constant 1 : i32
    %dma_start3A_124 = arith.constant 0 : i32
    %dma_start3A_125 = arith.constant 0 : i32
    %dma_start3A_126 = tpu.memref_slice %arg7[%dma_start3A_123, %dma_start3A_124, %dma_start3A_125] : memref<2x50x300xf32, #tpu.memory_space<vmem>> -> memref<1x50x300xf32, #tpu.memory_space<vmem>>
    %dma_start3A_127 = tpu.memref_squeeze %dma_start3A_126 : memref<1x50x300xf32, #tpu.memory_space<vmem>> -> memref<50x300xf32, #tpu.memory_space<vmem>>
    %dma_start3A_128 = arith.constant 47 : i32
    %dma_start3A_129 = arith.constant 0 : i32
    %dma_start3A_130 = tpu.memref_slice %dma_start3A_127[%dma_start3A_128, %dma_start3A_129] : memref<50x300xf32, #tpu.memory_space<vmem>> -> memref<1x300xf32, #tpu.memory_space<vmem>>
    %dma_start3A_131 = arith.constant 0 : i32
    %dma_start3A_132 = tpu.memref_slice %arg3[%squeeze3A_122, %dma_start3A_131] : memref<400000x300xf32, #tpu.memory_space<hbm>> -> memref<1x300xf32, #tpu.memory_space<hbm>>
    %dma_start3A_133 = arith.constant 0 : i32
    %dma_start3A_134 = arith.constant 0 : i32
    %dma_start3A_135 = tpu.memref_slice %arg7[%dma_start3A_123, %dma_start3A_133, %dma_start3A_134] : memref<2x50x300xf32, #tpu.memory_space<vmem>> -> memref<1x50x300xf32, #tpu.memory_space<vmem>>
    %dma_start3A_136 = tpu.memref_squeeze %dma_start3A_135 : memref<1x50x300xf32, #tpu.memory_space<vmem>> -> memref<50x300xf32, #tpu.memory_space<vmem>>
    %dma_start3A_137 = arith.constant 47 : i32
    %dma_start3A_138 = arith.constant 0 : i32
    %dma_start3A_139 = tpu.memref_slice %dma_start3A_136[%dma_start3A_137, %dma_start3A_138] : memref<50x300xf32, #tpu.memory_space<vmem>> -> memref<1x300xf32, #tpu.memory_space<vmem>>
    %dma_start3A_140 = arith.constant 0 : i32
    %dma_start3A_141 = tpu.memref_slice %arg3[%squeeze3A_122, %dma_start3A_140] : memref<400000x300xf32, #tpu.memory_space<hbm>> -> memref<1x300xf32, #tpu.memory_space<hbm>>
    tpu.enqueue_dma source(%dma_start3A_141 : memref<1x300xf32, #tpu.memory_space<hbm>>) target(%dma_start3A_139 : memref<1x300xf32, #tpu.memory_space<vmem>>) target_semaphore(%arg9 : memref<!tpu.dma_semaphore, #tpu.memory_space<semaphore_mem>>)
    %slice3A_142 = vector.extract_strided_slice %get3A_99 {offsets = [2], sizes = [1], strides = [1]} : vector<16xi32> to vector<1xi32>
    %squeeze3A_143 = vector.extract %slice3A_142[0] : i32 from vector<1xi32>
    %dma_start3A_144 = arith.constant 1 : i32
    %dma_start3A_145 = arith.constant 0 : i32
    %dma_start3A_146 = arith.constant 0 : i32
    %dma_start3A_147 = tpu.memref_slice %arg7[%dma_start3A_144, %dma_start3A_145, %dma_start3A_146] : memref<2x50x300xf32, #tpu.memory_space<vmem>> -> memref<1x50x300xf32, #tpu.memory_space<vmem>>
    %dma_start3A_148 = tpu.memref_squeeze %dma_start3A_147 : memref<1x50x300xf32, #tpu.memory_space<vmem>> -> memref<50x300xf32, #tpu.memory_space<vmem>>
    %dma_start3A_149 = arith.constant 48 : i32
    %dma_start3A_150 = arith.constant 0 : i32
    %dma_start3A_151 = tpu.memref_slice %dma_start3A_148[%dma_start3A_149, %dma_start3A_150] : memref<50x300xf32, #tpu.memory_space<vmem>> -> memref<1x300xf32, #tpu.memory_space<vmem>>
    %dma_start3A_152 = arith.constant 0 : i32
    %dma_start3A_153 = tpu.memref_slice %arg3[%squeeze3A_143, %dma_start3A_152] : memref<400000x300xf32, #tpu.memory_space<hbm>> -> memref<1x300xf32, #tpu.memory_space<hbm>>
    %dma_start3A_154 = arith.constant 0 : i32
    %dma_start3A_155 = arith.constant 0 : i32
    %dma_start3A_156 = tpu.memref_slice %arg7[%dma_start3A_144, %dma_start3A_154, %dma_start3A_155] : memref<2x50x300xf32, #tpu.memory_space<vmem>> -> memref<1x50x300xf32, #tpu.memory_space<vmem>>
    %dma_start3A_157 = tpu.memref_squeeze %dma_start3A_156 : memref<1x50x300xf32, #tpu.memory_space<vmem>> -> memref<50x300xf32, #tpu.memory_space<vmem>>
    %dma_start3A_158 = arith.constant 48 : i32
    %dma_start3A_159 = arith.constant 0 : i32
    %dma_start3A_160 = tpu.memref_slice %dma_start3A_157[%dma_start3A_158, %dma_start3A_159] : memref<50x300xf32, #tpu.memory_space<vmem>> -> memref<1x300xf32, #tpu.memory_space<vmem>>
    %dma_start3A_161 = arith.constant 0 : i32
    %dma_start3A_162 = tpu.memref_slice %arg3[%squeeze3A_143, %dma_start3A_161] : memref<400000x300xf32, #tpu.memory_space<hbm>> -> memref<1x300xf32, #tpu.memory_space<hbm>>
    tpu.enqueue_dma source(%dma_start3A_162 : memref<1x300xf32, #tpu.memory_space<hbm>>) target(%dma_start3A_160 : memref<1x300xf32, #tpu.memory_space<vmem>>) target_semaphore(%arg9 : memref<!tpu.dma_semaphore, #tpu.memory_space<semaphore_mem>>)
    %slice3A_163 = vector.extract_strided_slice %get3A_99 {offsets = [3], sizes = [1], strides = [1]} : vector<16xi32> to vector<1xi32>
    %squeeze3A_164 = vector.extract %slice3A_163[0] : i32 from vector<1xi32>
    %dma_start3A_165 = arith.constant 1 : i32
    %dma_start3A_166 = arith.constant 0 : i32
    %dma_start3A_167 = arith.constant 0 : i32
    %dma_start3A_168 = tpu.memref_slice %arg7[%dma_start3A_165, %dma_start3A_166, %dma_start3A_167] : memref<2x50x300xf32, #tpu.memory_space<vmem>> -> memref<1x50x300xf32, #tpu.memory_space<vmem>>
    %dma_start3A_169 = tpu.memref_squeeze %dma_start3A_168 : memref<1x50x300xf32, #tpu.memory_space<vmem>> -> memref<50x300xf32, #tpu.memory_space<vmem>>
    %dma_start3A_170 = arith.constant 49 : i32
    %dma_start3A_171 = arith.constant 0 : i32
    %dma_start3A_172 = tpu.memref_slice %dma_start3A_169[%dma_start3A_170, %dma_start3A_171] : memref<50x300xf32, #tpu.memory_space<vmem>> -> memref<1x300xf32, #tpu.memory_space<vmem>>
    %dma_start3A_173 = arith.constant 0 : i32
    %dma_start3A_174 = tpu.memref_slice %arg3[%squeeze3A_164, %dma_start3A_173] : memref<400000x300xf32, #tpu.memory_space<hbm>> -> memref<1x300xf32, #tpu.memory_space<hbm>>
    %dma_start3A_175 = arith.constant 0 : i32
    %dma_start3A_176 = arith.constant 0 : i32
    %dma_start3A_177 = tpu.memref_slice %arg7[%dma_start3A_165, %dma_start3A_175, %dma_start3A_176] : memref<2x50x300xf32, #tpu.memory_space<vmem>> -> memref<1x50x300xf32, #tpu.memory_space<vmem>>
    %dma_start3A_178 = tpu.memref_squeeze %dma_start3A_177 : memref<1x50x300xf32, #tpu.memory_space<vmem>> -> memref<50x300xf32, #tpu.memory_space<vmem>>
    %dma_start3A_179 = arith.constant 49 : i32
    %dma_start3A_180 = arith.constant 0 : i32
    %dma_start3A_181 = tpu.memref_slice %dma_start3A_178[%dma_start3A_179, %dma_start3A_180] : memref<50x300xf32, #tpu.memory_space<vmem>> -> memref<1x300xf32, #tpu.memory_space<vmem>>
    %dma_start3A_182 = arith.constant 0 : i32
    %dma_start3A_183 = tpu.memref_slice %arg3[%squeeze3A_164, %dma_start3A_182] : memref<400000x300xf32, #tpu.memory_space<hbm>> -> memref<1x300xf32, #tpu.memory_space<hbm>>
    tpu.enqueue_dma source(%dma_start3A_183 : memref<1x300xf32, #tpu.memory_space<hbm>>) target(%dma_start3A_181 : memref<1x300xf32, #tpu.memory_space<vmem>>) target_semaphore(%arg9 : memref<!tpu.dma_semaphore, #tpu.memory_space<semaphore_mem>>)
    %scan3A_184 = arith.constant 0 : i32
    %scan3A_185 = arith.constant 0 : i32
    %scan3A_186 = arith.constant 31 : i32
    %scan3A_187 = arith.addi %scan3A_185, %scan3A_186 : i32
    %scan3A_188 = arith.constant 1 : i32
    scf.for %scan3A_357 = %scan3A_185 to %scan3A_187 step %scan3A_188  : i32 {
      %mul3A_358 = arith.constant 2 : i32
      %mul3A_359 = arith.muli %mul3A_358, %scan3A_357 : i32
      %add3A_360 = arith.constant 0 : i32
      %add3A_361 = arith.addi %mul3A_359, %add3A_360 : i32
      %scan3A_362 = arith.constant 0 : i32
      %scan3A_363 = arith.constant 0 : i32
      %scan3A_364 = arith.constant 100 : i32
      %scan3A_365 = arith.addi %scan3A_363, %scan3A_364 : i32
      %scan3A_366 = arith.constant 1 : i32
      scf.for %scan3A_734 = %scan3A_363 to %scan3A_365 step %scan3A_366  : i32 {
        %dma_wait3A_735 = arith.constant 0 : i32
        %dma_wait3A_736 = arith.constant 0 : i32
        %dma_wait3A_737 = arith.constant 0 : i32
        %dma_wait3A_738 = tpu.memref_slice %arg6[%dma_wait3A_735, %dma_wait3A_736, %dma_wait3A_737] : memref<2x50x300xf32, #tpu.memory_space<vmem>> -> memref<1x50x300xf32, #tpu.memory_space<vmem>>
        %dma_wait3A_739 = tpu.memref_squeeze %dma_wait3A_738 : memref<1x50x300xf32, #tpu.memory_space<vmem>> -> memref<50x300xf32, #tpu.memory_space<vmem>>
        %dma_wait3A_740 = arith.constant 0 : i32
        %dma_wait3A_741 = arith.constant 0 : i32
        %dma_wait3A_742 = tpu.memref_slice %dma_wait3A_739[%dma_wait3A_740, %dma_wait3A_741] : memref<50x300xf32, #tpu.memory_space<vmem>> -> memref<1x300xf32, #tpu.memory_space<vmem>>
        %dma_wait3A_743 = arith.constant 0 : i32
        %dma_wait3A_744 = arith.constant 0 : i32
        %dma_wait3A_745 = tpu.memref_slice %arg3[%dma_wait3A_743, %dma_wait3A_744] : memref<400000x300xf32, #tpu.memory_space<hbm>> -> memref<1x300xf32, #tpu.memory_space<hbm>>
        %dma_wait3A_746 = arith.constant 0 : i32
        %dma_wait3A_747 = arith.constant 0 : i32
        %dma_wait3A_748 = tpu.memref_slice %arg6[%dma_wait3A_735, %dma_wait3A_746, %dma_wait3A_747] : memref<2x50x300xf32, #tpu.memory_space<vmem>> -> memref<1x50x300xf32, #tpu.memory_space<vmem>>
        %dma_wait3A_749 = tpu.memref_squeeze %dma_wait3A_748 : memref<1x50x300xf32, #tpu.memory_space<vmem>> -> memref<50x300xf32, #tpu.memory_space<vmem>>
        %dma_wait3A_750 = arith.constant 0 : i32
        %dma_wait3A_751 = arith.constant 0 : i32
        %dma_wait3A_752 = tpu.memref_slice %dma_wait3A_749[%dma_wait3A_750, %dma_wait3A_751] : memref<50x300xf32, #tpu.memory_space<vmem>> -> memref<1x300xf32, #tpu.memory_space<vmem>>
        %dma_wait3A_753 = arith.constant 0 : i32
        %dma_wait3A_754 = arith.constant 0 : i32
        %dma_wait3A_755 = tpu.memref_slice %arg3[%dma_wait3A_753, %dma_wait3A_754] : memref<400000x300xf32, #tpu.memory_space<hbm>> -> memref<1x300xf32, #tpu.memory_space<hbm>>
        tpu.wait_dma2 semaphore(%arg8 : memref<!tpu.dma_semaphore, #tpu.memory_space<semaphore_mem>>) src(%dma_wait3A_755 : memref<1x300xf32, #tpu.memory_space<hbm>>) dst(%dma_wait3A_752 : memref<1x300xf32, #tpu.memory_space<vmem>>)
      }
      %scan3A_367 = arith.constant 100 : i32
      %mul3A_368 = arith.constant 128 : i32
      %mul3A_369 = arith.muli %add3A, %mul3A_368 : i32
      %mul3A_370 = arith.constant 2 : i32
      %mul3A_371 = arith.muli %add3A_361, %mul3A_370 : i32
      %add3A_372 = arith.addi %mul3A_369, %mul3A_371 : i32
      %add3A_373 = arith.constant 0 : i32
      %add3A_374 = arith.addi %add3A_372, %add3A_373 : i32
      %dma_start3A_375 = arith.constant 0 : i32
      %dma_start3A_376 = arith.constant 0 : i32
      %dma_start3A_377 = arith.constant 0 : i32
      %dma_start3A_378 = tpu.memref_slice %arg6[%dma_start3A_375, %dma_start3A_376, %dma_start3A_377] : memref<2x50x300xf32, #tpu.memory_space<vmem>> -> memref<1x50x300xf32, #tpu.memory_space<vmem>>
      %dma_start3A_379 = tpu.memref_squeeze %dma_start3A_378 : memref<1x50x300xf32, #tpu.memory_space<vmem>> -> memref<50x300xf32, #tpu.memory_space<vmem>>
      %dma_start3A_380 = arith.constant 0 : i32
      %dma_start3A_381 = arith.constant 0 : i32
      %dma_start3A_382 = tpu.memref_slice %arg4[%add3A_374, %dma_start3A_380, %dma_start3A_381] : memref<4096x50x300xf32, #tpu.memory_space<hbm>> -> memref<1x50x300xf32, #tpu.memory_space<hbm>>
      %dma_start3A_383 = tpu.memref_squeeze %dma_start3A_382 : memref<1x50x300xf32, #tpu.memory_space<hbm>> -> memref<50x300xf32, #tpu.memory_space<hbm>>
      %dma_start3A_384 = arith.constant 0 : i32
      %dma_start3A_385 = arith.constant 0 : i32
      %dma_start3A_386 = tpu.memref_slice %arg4[%add3A_374, %dma_start3A_384, %dma_start3A_385] : memref<4096x50x300xf32, #tpu.memory_space<hbm>> -> memref<1x50x300xf32, #tpu.memory_space<hbm>>
      %dma_start3A_387 = tpu.memref_squeeze %dma_start3A_386 : memref<1x50x300xf32, #tpu.memory_space<hbm>> -> memref<50x300xf32, #tpu.memory_space<hbm>>
      %dma_start3A_388 = arith.constant 0 : i32
      %dma_start3A_389 = arith.constant 0 : i32
      %dma_start3A_390 = tpu.memref_slice %arg6[%dma_start3A_375, %dma_start3A_388, %dma_start3A_389] : memref<2x50x300xf32, #tpu.memory_space<vmem>> -> memref<1x50x300xf32, #tpu.memory_space<vmem>>
      %dma_start3A_391 = tpu.memref_squeeze %dma_start3A_390 : memref<1x50x300xf32, #tpu.memory_space<vmem>> -> memref<50x300xf32, #tpu.memory_space<vmem>>
      tpu.enqueue_dma source(%dma_start3A_391 : memref<50x300xf32, #tpu.memory_space<vmem>>) target(%dma_start3A_387 : memref<50x300xf32, #tpu.memory_space<hbm>>) target_semaphore(%arg10 : memref<!tpu.dma_semaphore, #tpu.memory_space<semaphore_mem>>)
      %add3A_392 = arith.constant 1 : i32
      %add3A_393 = arith.addi %add3A_372, %add3A_392 : i32
      %dma_start3A_394 = arith.constant 1 : i32
      %dma_start3A_395 = arith.constant 0 : i32
      %dma_start3A_396 = arith.constant 0 : i32
      %dma_start3A_397 = tpu.memref_slice %arg6[%dma_start3A_394, %dma_start3A_395, %dma_start3A_396] : memref<2x50x300xf32, #tpu.memory_space<vmem>> -> memref<1x50x300xf32, #tpu.memory_space<vmem>>
      %dma_start3A_398 = tpu.memref_squeeze %dma_start3A_397 : memref<1x50x300xf32, #tpu.memory_space<vmem>> -> memref<50x300xf32, #tpu.memory_space<vmem>>
      %dma_start3A_399 = arith.constant 0 : i32
      %dma_start3A_400 = arith.constant 0 : i32
      %dma_start3A_401 = tpu.memref_slice %arg4[%add3A_393, %dma_start3A_399, %dma_start3A_400] : memref<4096x50x300xf32, #tpu.memory_space<hbm>> -> memref<1x50x300xf32, #tpu.memory_space<hbm>>
      %dma_start3A_402 = tpu.memref_squeeze %dma_start3A_401 : memref<1x50x300xf32, #tpu.memory_space<hbm>> -> memref<50x300xf32, #tpu.memory_space<hbm>>
      %dma_start3A_403 = arith.constant 0 : i32
      %dma_start3A_404 = arith.constant 0 : i32
      %dma_start3A_405 = tpu.memref_slice %arg4[%add3A_393, %dma_start3A_403, %dma_start3A_404] : memref<4096x50x300xf32, #tpu.memory_space<hbm>> -> memref<1x50x300xf32, #tpu.memory_space<hbm>>
      %dma_start3A_406 = tpu.memref_squeeze %dma_start3A_405 : memref<1x50x300xf32, #tpu.memory_space<hbm>> -> memref<50x300xf32, #tpu.memory_space<hbm>>
      %dma_start3A_407 = arith.constant 0 : i32
      %dma_start3A_408 = arith.constant 0 : i32
      %dma_start3A_409 = tpu.memref_slice %arg6[%dma_start3A_394, %dma_start3A_407, %dma_start3A_408] : memref<2x50x300xf32, #tpu.memory_space<vmem>> -> memref<1x50x300xf32, #tpu.memory_space<vmem>>
      %dma_start3A_410 = tpu.memref_squeeze %dma_start3A_409 : memref<1x50x300xf32, #tpu.memory_space<vmem>> -> memref<50x300xf32, #tpu.memory_space<vmem>>
      tpu.enqueue_dma source(%dma_start3A_410 : memref<50x300xf32, #tpu.memory_space<vmem>>) target(%dma_start3A_406 : memref<50x300xf32, #tpu.memory_space<hbm>>) target_semaphore(%arg10 : memref<!tpu.dma_semaphore, #tpu.memory_space<semaphore_mem>>)
      %dma_wait3A_411 = arith.constant 0 : i32
      %dma_wait3A_412 = arith.constant 0 : i32
      %dma_wait3A_413 = arith.constant 0 : i32
      %dma_wait3A_414 = arith.constant 0 : i32
      %dma_wait3A_415 = tpu.memref_slice %arg6[%dma_wait3A_411, %dma_wait3A_413, %dma_wait3A_414] : memref<2x50x300xf32, #tpu.memory_space<vmem>> -> memref<1x50x300xf32, #tpu.memory_space<vmem>>
      %dma_wait3A_416 = tpu.memref_squeeze %dma_wait3A_415 : memref<1x50x300xf32, #tpu.memory_space<vmem>> -> memref<50x300xf32, #tpu.memory_space<vmem>>
      %dma_wait3A_417 = arith.constant 0 : i32
      %dma_wait3A_418 = arith.constant 0 : i32
      %dma_wait3A_419 = tpu.memref_slice %arg4[%dma_wait3A_412, %dma_wait3A_417, %dma_wait3A_418] : memref<4096x50x300xf32, #tpu.memory_space<hbm>> -> memref<1x50x300xf32, #tpu.memory_space<hbm>>
      %dma_wait3A_420 = tpu.memref_squeeze %dma_wait3A_419 : memref<1x50x300xf32, #tpu.memory_space<hbm>> -> memref<50x300xf32, #tpu.memory_space<hbm>>
      %dma_wait3A_421 = arith.constant 0 : i32
      %dma_wait3A_422 = arith.constant 0 : i32
      %dma_wait3A_423 = tpu.memref_slice %arg4[%dma_wait3A_412, %dma_wait3A_421, %dma_wait3A_422] : memref<4096x50x300xf32, #tpu.memory_space<hbm>> -> memref<1x50x300xf32, #tpu.memory_space<hbm>>
      %dma_wait3A_424 = tpu.memref_squeeze %dma_wait3A_423 : memref<1x50x300xf32, #tpu.memory_space<hbm>> -> memref<50x300xf32, #tpu.memory_space<hbm>>
      %dma_wait3A_425 = arith.constant 0 : i32
      %dma_wait3A_426 = arith.constant 0 : i32
      %dma_wait3A_427 = tpu.memref_slice %arg6[%dma_wait3A_411, %dma_wait3A_425, %dma_wait3A_426] : memref<2x50x300xf32, #tpu.memory_space<vmem>> -> memref<1x50x300xf32, #tpu.memory_space<vmem>>
      %dma_wait3A_428 = tpu.memref_squeeze %dma_wait3A_427 : memref<1x50x300xf32, #tpu.memory_space<vmem>> -> memref<50x300xf32, #tpu.memory_space<vmem>>
      tpu.wait_dma2 semaphore(%arg10 : memref<!tpu.dma_semaphore, #tpu.memory_space<semaphore_mem>>) src(%dma_wait3A_428 : memref<50x300xf32, #tpu.memory_space<vmem>>) dst(%dma_wait3A_424 : memref<50x300xf32, #tpu.memory_space<hbm>>)
      %dma_wait3A_429 = arith.constant 0 : i32
      %dma_wait3A_430 = arith.constant 0 : i32
      %dma_wait3A_431 = arith.constant 0 : i32
      %dma_wait3A_432 = arith.constant 0 : i32
      %dma_wait3A_433 = tpu.memref_slice %arg6[%dma_wait3A_429, %dma_wait3A_431, %dma_wait3A_432] : memref<2x50x300xf32, #tpu.memory_space<vmem>> -> memref<1x50x300xf32, #tpu.memory_space<vmem>>
      %dma_wait3A_434 = tpu.memref_squeeze %dma_wait3A_433 : memref<1x50x300xf32, #tpu.memory_space<vmem>> -> memref<50x300xf32, #tpu.memory_space<vmem>>
      %dma_wait3A_435 = arith.constant 0 : i32
      %dma_wait3A_436 = arith.constant 0 : i32
      %dma_wait3A_437 = tpu.memref_slice %arg4[%dma_wait3A_430, %dma_wait3A_435, %dma_wait3A_436] : memref<4096x50x300xf32, #tpu.memory_space<hbm>> -> memref<1x50x300xf32, #tpu.memory_space<hbm>>
      %dma_wait3A_438 = tpu.memref_squeeze %dma_wait3A_437 : memref<1x50x300xf32, #tpu.memory_space<hbm>> -> memref<50x300xf32, #tpu.memory_space<hbm>>
      %dma_wait3A_439 = arith.constant 0 : i32
      %dma_wait3A_440 = arith.constant 0 : i32
      %dma_wait3A_441 = tpu.memref_slice %arg4[%dma_wait3A_430, %dma_wait3A_439, %dma_wait3A_440] : memref<4096x50x300xf32, #tpu.memory_space<hbm>> -> memref<1x50x300xf32, #tpu.memory_space<hbm>>
      %dma_wait3A_442 = tpu.memref_squeeze %dma_wait3A_441 : memref<1x50x300xf32, #tpu.memory_space<hbm>> -> memref<50x300xf32, #tpu.memory_space<hbm>>
      %dma_wait3A_443 = arith.constant 0 : i32
      %dma_wait3A_444 = arith.constant 0 : i32
      %dma_wait3A_445 = tpu.memref_slice %arg6[%dma_wait3A_429, %dma_wait3A_443, %dma_wait3A_444] : memref<2x50x300xf32, #tpu.memory_space<vmem>> -> memref<1x50x300xf32, #tpu.memory_space<vmem>>
      %dma_wait3A_446 = tpu.memref_squeeze %dma_wait3A_445 : memref<1x50x300xf32, #tpu.memory_space<vmem>> -> memref<50x300xf32, #tpu.memory_space<vmem>>
      tpu.wait_dma2 semaphore(%arg10 : memref<!tpu.dma_semaphore, #tpu.memory_space<semaphore_mem>>) src(%dma_wait3A_446 : memref<50x300xf32, #tpu.memory_space<vmem>>) dst(%dma_wait3A_442 : memref<50x300xf32, #tpu.memory_space<hbm>>)
      %add3A_447 = arith.constant 2 : i32
      %add3A_448 = arith.addi %add3A_361, %add3A_447 : i32
      %scan3A_449 = arith.constant 0 : i32
      %scan3A_450 = arith.constant 0 : i32
      %scan3A_451 = arith.constant 6 : i32
      %scan3A_452 = arith.addi %scan3A_450, %scan3A_451 : i32
      %scan3A_453 = arith.constant 1 : i32
      scf.for %scan3A_734 = %scan3A_450 to %scan3A_452 step %scan3A_453  : i32 {
        %mul3A_735 = arith.constant 100 : i32
        %mul3A_736 = arith.muli %add3A_448, %mul3A_735 : i32
        %mul3A_737 = arith.constant 16 : i32
        %mul3A_738 = arith.muli %scan3A_734, %mul3A_737 : i32
        %add3A_739 = arith.addi %mul3A_736, %mul3A_738 : i32
        %get3A_740 = arith.index_cast %add3A_739 : i32 to index
        %get3A_741 = tpu.vector_load %arg5[%get3A_740] {strides = array<i32>} : memref<6416xi32, #tpu.memory_space<vmem>>, vector<16xi32>,
        %get3A_742 = vector.shape_cast %get3A_741 : vector<16xi32> to vector<16xi32>
        %mul3A_743 = arith.constant 16 : i32
        %mul3A_744 = arith.muli %scan3A_734, %mul3A_743 : i32
        %add3A_745 = arith.constant 0 : i32
        %add3A_746 = arith.addi %mul3A_744, %add3A_745 : i32
        %slice3A_747 = vector.extract_strided_slice %get3A_742 {offsets = [0], sizes = [1], strides = [1]} : vector<16xi32> to vector<1xi32>
        %squeeze3A_748 = vector.extract %slice3A_747[0] : i32 from vector<1xi32>
        %jit3A = arith.constant 50 : i32
        %div3A = arith.divsi %add3A_746, %jit3A : i32
        %sign3A = arith.constant 0 : i32
        %sign3A_749 = arith.cmpi sgt, %add3A_746, %sign3A : i32
        %sign3A_750 = arith.extui %sign3A_749 : i1 to i32
        %sign3A_751 = arith.constant 0 : i32
        %sign3A_752 = arith.cmpi slt, %add3A_746, %sign3A_751 : i32
        %sign3A_753 = arith.extui %sign3A_752 : i1 to i32
        %sign3A_754 = arith.subi %sign3A_750, %sign3A_753 : i32
        %sign3A_755 = arith.constant 0 : i32
        %sign3A_756 = arith.cmpi sgt, %jit3A, %sign3A_755 : i32
        %sign3A_757 = arith.extui %sign3A_756 : i1 to i32
        %sign3A_758 = arith.constant 0 : i32
        %sign3A_759 = arith.cmpi slt, %jit3A, %sign3A_758 : i32
        %sign3A_760 = arith.extui %sign3A_759 : i1 to i32
        %sign3A_761 = arith.subi %sign3A_757, %sign3A_760 : i32
        %ne3A = arith.cmpi ne, %sign3A_754, %sign3A_761 : i32
        %rem3A = arith.remsi %add3A_746, %jit3A : i32
        %ne3A_762 = arith.constant 0 : i32
        %ne3A_763 = arith.cmpi ne, %rem3A, %ne3A_762 : i32
        %and3A = arith.andi %ne3A, %ne3A_763 : i1
        %sub3A = arith.constant 1 : i32
        %sub3A_764 = arith.subi %div3A, %sub3A : i32
        %select_n3A = arith.select %and3A, %sub3A_764, %div3A : i32
        %mul3A_765 = arith.constant 50 : i32
        %mul3A_766 = arith.muli %select_n3A, %mul3A_765 : i32
        %sub3A_767 = arith.subi %add3A_746, %mul3A_766 : i32
        %dma_start3A_768 = arith.constant 0 : i32
        %dma_start3A_769 = arith.constant 0 : i32
        %dma_start3A_770 = tpu.memref_slice %arg6[%select_n3A, %dma_start3A_768, %dma_start3A_769] : memref<2x50x300xf32, #tpu.memory_space<vmem>> -> memref<1x50x300xf32, #tpu.memory_space<vmem>>
        %dma_start3A_771 = tpu.memref_squeeze %dma_start3A_770 : memref<1x50x300xf32, #tpu.memory_space<vmem>> -> memref<50x300xf32, #tpu.memory_space<vmem>>
        %dma_start3A_772 = arith.constant 0 : i32
        %dma_start3A_773 = tpu.memref_slice %dma_start3A_771[%sub3A_767, %dma_start3A_772] : memref<50x300xf32, #tpu.memory_space<vmem>> -> memref<1x300xf32, #tpu.memory_space<vmem>>
        %dma_start3A_774 = arith.constant 0 : i32
        %dma_start3A_775 = tpu.memref_slice %arg3[%squeeze3A_748, %dma_start3A_774] : memref<400000x300xf32, #tpu.memory_space<hbm>> -> memref<1x300xf32, #tpu.memory_space<hbm>>
        %dma_start3A_776 = arith.constant 0 : i32
        %dma_start3A_777 = arith.constant 0 : i32
        %dma_start3A_778 = tpu.memref_slice %arg6[%select_n3A, %dma_start3A_776, %dma_start3A_777] : memref<2x50x300xf32, #tpu.memory_space<vmem>> -> memref<1x50x300xf32, #tpu.memory_space<vmem>>
        %dma_start3A_779 = tpu.memref_squeeze %dma_start3A_778 : memref<1x50x300xf32, #tpu.memory_space<vmem>> -> memref<50x300xf32, #tpu.memory_space<vmem>>
        %dma_start3A_780 = arith.constant 0 : i32
        %dma_start3A_781 = tpu.memref_slice %dma_start3A_779[%sub3A_767, %dma_start3A_780] : memref<50x300xf32, #tpu.memory_space<vmem>> -> memref<1x300xf32, #tpu.memory_space<vmem>>
        %dma_start3A_782 = arith.constant 0 : i32
        %dma_start3A_783 = tpu.memref_slice %arg3[%squeeze3A_748, %dma_start3A_782] : memref<400000x300xf32, #tpu.memory_space<hbm>> -> memref<1x300xf32, #tpu.memory_space<hbm>>
        tpu.enqueue_dma source(%dma_start3A_783 : memref<1x300xf32, #tpu.memory_space<hbm>>) target(%dma_start3A_781 : memref<1x300xf32, #tpu.memory_space<vmem>>) target_semaphore(%arg8 : memref<!tpu.dma_semaphore, #tpu.memory_space<semaphore_mem>>)
        %mul3A_784 = arith.constant 16 : i32
        %mul3A_785 = arith.muli %scan3A_734, %mul3A_784 : i32
        %add3A_786 = arith.constant 1 : i32
        %add3A_787 = arith.addi %mul3A_785, %add3A_786 : i32
        %slice3A_788 = vector.extract_strided_slice %get3A_742 {offsets = [1], sizes = [1], strides = [1]} : vector<16xi32> to vector<1xi32>
        %squeeze3A_789 = vector.extract %slice3A_788[0] : i32 from vector<1xi32>
        %jit3A_790 = arith.constant 50 : i32
        %div3A_791 = arith.divsi %add3A_787, %jit3A_790 : i32
        %sign3A_792 = arith.constant 0 : i32
        %sign3A_793 = arith.cmpi sgt, %add3A_787, %sign3A_792 : i32
        %sign3A_794 = arith.extui %sign3A_793 : i1 to i32
        %sign3A_795 = arith.constant 0 : i32
        %sign3A_796 = arith.cmpi slt, %add3A_787, %sign3A_795 : i32
        %sign3A_797 = arith.extui %sign3A_796 : i1 to i32
        %sign3A_798 = arith.subi %sign3A_794, %sign3A_797 : i32
        %sign3A_799 = arith.constant 0 : i32
        %sign3A_800 = arith.cmpi sgt, %jit3A_790, %sign3A_799 : i32
        %sign3A_801 = arith.extui %sign3A_800 : i1 to i32
        %sign3A_802 = arith.constant 0 : i32
        %sign3A_803 = arith.cmpi slt, %jit3A_790, %sign3A_802 : i32
        %sign3A_804 = arith.extui %sign3A_803 : i1 to i32
        %sign3A_805 = arith.subi %sign3A_801, %sign3A_804 : i32
        %ne3A_806 = arith.cmpi ne, %sign3A_798, %sign3A_805 : i32
        %rem3A_807 = arith.remsi %add3A_787, %jit3A_790 : i32
        %ne3A_808 = arith.constant 0 : i32
        %ne3A_809 = arith.cmpi ne, %rem3A_807, %ne3A_808 : i32
        %and3A_810 = arith.andi %ne3A_806, %ne3A_809 : i1
        %sub3A_811 = arith.constant 1 : i32
        %sub3A_812 = arith.subi %div3A_791, %sub3A_811 : i32
        %select_n3A_813 = arith.select %and3A_810, %sub3A_812, %div3A_791 : i32
        %mul3A_814 = arith.constant 50 : i32
        %mul3A_815 = arith.muli %select_n3A_813, %mul3A_814 : i32
        %sub3A_816 = arith.subi %add3A_787, %mul3A_815 : i32
        %dma_start3A_817 = arith.constant 0 : i32
        %dma_start3A_818 = arith.constant 0 : i32
        %dma_start3A_819 = tpu.memref_slice %arg6[%select_n3A_813, %dma_start3A_817, %dma_start3A_818] : memref<2x50x300xf32, #tpu.memory_space<vmem>> -> memref<1x50x300xf32, #tpu.memory_space<vmem>>
        %dma_start3A_820 = tpu.memref_squeeze %dma_start3A_819 : memref<1x50x300xf32, #tpu.memory_space<vmem>> -> memref<50x300xf32, #tpu.memory_space<vmem>>
        %dma_start3A_821 = arith.constant 0 : i32
        %dma_start3A_822 = tpu.memref_slice %dma_start3A_820[%sub3A_816, %dma_start3A_821] : memref<50x300xf32, #tpu.memory_space<vmem>> -> memref<1x300xf32, #tpu.memory_space<vmem>>
        %dma_start3A_823 = arith.constant 0 : i32
        %dma_start3A_824 = tpu.memref_slice %arg3[%squeeze3A_789, %dma_start3A_823] : memref<400000x300xf32, #tpu.memory_space<hbm>> -> memref<1x300xf32, #tpu.memory_space<hbm>>
        %dma_start3A_825 = arith.constant 0 : i32
        %dma_start3A_826 = arith.constant 0 : i32
        %dma_start3A_827 = tpu.memref_slice %arg6[%select_n3A_813, %dma_start3A_825, %dma_start3A_826] : memref<2x50x300xf32, #tpu.memory_space<vmem>> -> memref<1x50x300xf32, #tpu.memory_space<vmem>>
        %dma_start3A_828 = tpu.memref_squeeze %dma_start3A_827 : memref<1x50x300xf32, #tpu.memory_space<vmem>> -> memref<50x300xf32, #tpu.memory_space<vmem>>
        %dma_start3A_829 = arith.constant 0 : i32
        %dma_start3A_830 = tpu.memref_slice %dma_start3A_828[%sub3A_816, %dma_start3A_829] : memref<50x300xf32, #tpu.memory_space<vmem>> -> memref<1x300xf32, #tpu.memory_space<vmem>>
        %dma_start3A_831 = arith.constant 0 : i32
        %dma_start3A_832 = tpu.memref_slice %arg3[%squeeze3A_789, %dma_start3A_831] : memref<400000x300xf32, #tpu.memory_space<hbm>> -> memref<1x300xf32, #tpu.memory_space<hbm>>
        tpu.enqueue_dma source(%dma_start3A_832 : memref<1x300xf32, #tpu.memory_space<hbm>>) target(%dma_start3A_830 : memref<1x300xf32, #tpu.memory_space<vmem>>) target_semaphore(%arg8 : memref<!tpu.dma_semaphore, #tpu.memory_space<semaphore_mem>>)
        %mul3A_833 = arith.constant 16 : i32
        %mul3A_834 = arith.muli %scan3A_734, %mul3A_833 : i32
        %add3A_835 = arith.constant 2 : i32
        %add3A_836 = arith.addi %mul3A_834, %add3A_835 : i32
        %slice3A_837 = vector.extract_strided_slice %get3A_742 {offsets = [2], sizes = [1], strides = [1]} : vector<16xi32> to vector<1xi32>
        %squeeze3A_838 = vector.extract %slice3A_837[0] : i32 from vector<1xi32>
        %jit3A_839 = arith.constant 50 : i32
        %div3A_840 = arith.divsi %add3A_836, %jit3A_839 : i32
        %sign3A_841 = arith.constant 0 : i32
        %sign3A_842 = arith.cmpi sgt, %add3A_836, %sign3A_841 : i32
        %sign3A_843 = arith.extui %sign3A_842 : i1 to i32
        %sign3A_844 = arith.constant 0 : i32
        %sign3A_845 = arith.cmpi slt, %add3A_836, %sign3A_844 : i32
        %sign3A_846 = arith.extui %sign3A_845 : i1 to i32
        %sign3A_847 = arith.subi %sign3A_843, %sign3A_846 : i32
        %sign3A_848 = arith.constant 0 : i32
        %sign3A_849 = arith.cmpi sgt, %jit3A_839, %sign3A_848 : i32
        %sign3A_850 = arith.extui %sign3A_849 : i1 to i32
        %sign3A_851 = arith.constant 0 : i32
        %sign3A_852 = arith.cmpi slt, %jit3A_839, %sign3A_851 : i32
        %sign3A_853 = arith.extui %sign3A_852 : i1 to i32
        %sign3A_854 = arith.subi %sign3A_850, %sign3A_853 : i32
        %ne3A_855 = arith.cmpi ne, %sign3A_847, %sign3A_854 : i32
        %rem3A_856 = arith.remsi %add3A_836, %jit3A_839 : i32
        %ne3A_857 = arith.constant 0 : i32
        %ne3A_858 = arith.cmpi ne, %rem3A_856, %ne3A_857 : i32
        %and3A_859 = arith.andi %ne3A_855, %ne3A_858 : i1
        %sub3A_860 = arith.constant 1 : i32
        %sub3A_861 = arith.subi %div3A_840, %sub3A_860 : i32
        %select_n3A_862 = arith.select %and3A_859, %sub3A_861, %div3A_840 : i32
        %mul3A_863 = arith.constant 50 : i32
        %mul3A_864 = arith.muli %select_n3A_862, %mul3A_863 : i32
        %sub3A_865 = arith.subi %add3A_836, %mul3A_864 : i32
        %dma_start3A_866 = arith.constant 0 : i32
        %dma_start3A_867 = arith.constant 0 : i32
        %dma_start3A_868 = tpu.memref_slice %arg6[%select_n3A_862, %dma_start3A_866, %dma_start3A_867] : memref<2x50x300xf32, #tpu.memory_space<vmem>> -> memref<1x50x300xf32, #tpu.memory_space<vmem>>
        %dma_start3A_869 = tpu.memref_squeeze %dma_start3A_868 : memref<1x50x300xf32, #tpu.memory_space<vmem>> -> memref<50x300xf32, #tpu.memory_space<vmem>>
        %dma_start3A_870 = arith.constant 0 : i32
        %dma_start3A_871 = tpu.memref_slice %dma_start3A_869[%sub3A_865, %dma_start3A_870] : memref<50x300xf32, #tpu.memory_space<vmem>> -> memref<1x300xf32, #tpu.memory_space<vmem>>
        %dma_start3A_872 = arith.constant 0 : i32
        %dma_start3A_873 = tpu.memref_slice %arg3[%squeeze3A_838, %dma_start3A_872] : memref<400000x300xf32, #tpu.memory_space<hbm>> -> memref<1x300xf32, #tpu.memory_space<hbm>>
        %dma_start3A_874 = arith.constant 0 : i32
        %dma_start3A_875 = arith.constant 0 : i32
        %dma_start3A_876 = tpu.memref_slice %arg6[%select_n3A_862, %dma_start3A_874, %dma_start3A_875] : memref<2x50x300xf32, #tpu.memory_space<vmem>> -> memref<1x50x300xf32, #tpu.memory_space<vmem>>
        %dma_start3A_877 = tpu.memref_squeeze %dma_start3A_876 : memref<1x50x300xf32, #tpu.memory_space<vmem>> -> memref<50x300xf32, #tpu.memory_space<vmem>>
        %dma_start3A_878 = arith.constant 0 : i32
        %dma_start3A_879 = tpu.memref_slice %dma_start3A_877[%sub3A_865, %dma_start3A_878] : memref<50x300xf32, #tpu.memory_space<vmem>> -> memref<1x300xf32, #tpu.memory_space<vmem>>
        %dma_start3A_880 = arith.constant 0 : i32
        %dma_start3A_881 = tpu.memref_slice %arg3[%squeeze3A_838, %dma_start3A_880] : memref<400000x300xf32, #tpu.memory_space<hbm>> -> memref<1x300xf32, #tpu.memory_space<hbm>>
        tpu.enqueue_dma source(%dma_start3A_881 : memref<1x300xf32, #tpu.memory_space<hbm>>) target(%dma_start3A_879 : memref<1x300xf32, #tpu.memory_space<vmem>>) target_semaphore(%arg8 : memref<!tpu.dma_semaphore, #tpu.memory_space<semaphore_mem>>)
        %mul3A_882 = arith.constant 16 : i32
        %mul3A_883 = arith.muli %scan3A_734, %mul3A_882 : i32
        %add3A_884 = arith.constant 3 : i32
        %add3A_885 = arith.addi %mul3A_883, %add3A_884 : i32
        %slice3A_886 = vector.extract_strided_slice %get3A_742 {offsets = [3], sizes = [1], strides = [1]} : vector<16xi32> to vector<1xi32>
        %squeeze3A_887 = vector.extract %slice3A_886[0] : i32 from vector<1xi32>
        %jit3A_888 = arith.constant 50 : i32
        %div3A_889 = arith.divsi %add3A_885, %jit3A_888 : i32
        %sign3A_890 = arith.constant 0 : i32
        %sign3A_891 = arith.cmpi sgt, %add3A_885, %sign3A_890 : i32
        %sign3A_892 = arith.extui %sign3A_891 : i1 to i32
        %sign3A_893 = arith.constant 0 : i32
        %sign3A_894 = arith.cmpi slt, %add3A_885, %sign3A_893 : i32
        %sign3A_895 = arith.extui %sign3A_894 : i1 to i32
        %sign3A_896 = arith.subi %sign3A_892, %sign3A_895 : i32
        %sign3A_897 = arith.constant 0 : i32
        %sign3A_898 = arith.cmpi sgt, %jit3A_888, %sign3A_897 : i32
        %sign3A_899 = arith.extui %sign3A_898 : i1 to i32
        %sign3A_900 = arith.constant 0 : i32
        %sign3A_901 = arith.cmpi slt, %jit3A_888, %sign3A_900 : i32
        %sign3A_902 = arith.extui %sign3A_901 : i1 to i32
        %sign3A_903 = arith.subi %sign3A_899, %sign3A_902 : i32
        %ne3A_904 = arith.cmpi ne, %sign3A_896, %sign3A_903 : i32
        %rem3A_905 = arith.remsi %add3A_885, %jit3A_888 : i32
        %ne3A_906 = arith.constant 0 : i32
        %ne3A_907 = arith.cmpi ne, %rem3A_905, %ne3A_906 : i32
        %and3A_908 = arith.andi %ne3A_904, %ne3A_907 : i1
        %sub3A_909 = arith.constant 1 : i32
        %sub3A_910 = arith.subi %div3A_889, %sub3A_909 : i32
        %select_n3A_911 = arith.select %and3A_908, %sub3A_910, %div3A_889 : i32
        %mul3A_912 = arith.constant 50 : i32
        %mul3A_913 = arith.muli %select_n3A_911, %mul3A_912 : i32
        %sub3A_914 = arith.subi %add3A_885, %mul3A_913 : i32
        %dma_start3A_915 = arith.constant 0 : i32
        %dma_start3A_916 = arith.constant 0 : i32
        %dma_start3A_917 = tpu.memref_slice %arg6[%select_n3A_911, %dma_start3A_915, %dma_start3A_916] : memref<2x50x300xf32, #tpu.memory_space<vmem>> -> memref<1x50x300xf32, #tpu.memory_space<vmem>>
        %dma_start3A_918 = tpu.memref_squeeze %dma_start3A_917 : memref<1x50x300xf32, #tpu.memory_space<vmem>> -> memref<50x300xf32, #tpu.memory_space<vmem>>
        %dma_start3A_919 = arith.constant 0 : i32
        %dma_start3A_920 = tpu.memref_slice %dma_start3A_918[%sub3A_914, %dma_start3A_919] : memref<50x300xf32, #tpu.memory_space<vmem>> -> memref<1x300xf32, #tpu.memory_space<vmem>>
        %dma_start3A_921 = arith.constant 0 : i32
        %dma_start3A_922 = tpu.memref_slice %arg3[%squeeze3A_887, %dma_start3A_921] : memref<400000x300xf32, #tpu.memory_space<hbm>> -> memref<1x300xf32, #tpu.memory_space<hbm>>
        %dma_start3A_923 = arith.constant 0 : i32
        %dma_start3A_924 = arith.constant 0 : i32
        %dma_start3A_925 = tpu.memref_slice %arg6[%select_n3A_911, %dma_start3A_923, %dma_start3A_924] : memref<2x50x300xf32, #tpu.memory_space<vmem>> -> memref<1x50x300xf32, #tpu.memory_space<vmem>>
        %dma_start3A_926 = tpu.memref_squeeze %dma_start3A_925 : memref<1x50x300xf32, #tpu.memory_space<vmem>> -> memref<50x300xf32, #tpu.memory_space<vmem>>
        %dma_start3A_927 = arith.constant 0 : i32
        %dma_start3A_928 = tpu.memref_slice %dma_start3A_926[%sub3A_914, %dma_start3A_927] : memref<50x300xf32, #tpu.memory_space<vmem>> -> memref<1x300xf32, #tpu.memory_space<vmem>>
        %dma_start3A_929 = arith.constant 0 : i32
        %dma_start3A_930 = tpu.memref_slice %arg3[%squeeze3A_887, %dma_start3A_929] : memref<400000x300xf32, #tpu.memory_space<hbm>> -> memref<1x300xf32, #tpu.memory_space<hbm>>
        tpu.enqueue_dma source(%dma_start3A_930 : memref<1x300xf32, #tpu.memory_space<hbm>>) target(%dma_start3A_928 : memref<1x300xf32, #tpu.memory_space<vmem>>) target_semaphore(%arg8 : memref<!tpu.dma_semaphore, #tpu.memory_space<semaphore_mem>>)
        %mul3A_931 = arith.constant 16 : i32
        %mul3A_932 = arith.muli %scan3A_734, %mul3A_931 : i32
        %add3A_933 = arith.constant 4 : i32
        %add3A_934 = arith.addi %mul3A_932, %add3A_933 : i32
        %slice3A_935 = vector.extract_strided_slice %get3A_742 {offsets = [4], sizes = [1], strides = [1]} : vector<16xi32> to vector<1xi32>
        %squeeze3A_936 = vector.extract %slice3A_935[0] : i32 from vector<1xi32>
        %jit3A_937 = arith.constant 50 : i32
        %div3A_938 = arith.divsi %add3A_934, %jit3A_937 : i32
        %sign3A_939 = arith.constant 0 : i32
        %sign3A_940 = arith.cmpi sgt, %add3A_934, %sign3A_939 : i32
        %sign3A_941 = arith.extui %sign3A_940 : i1 to i32
        %sign3A_942 = arith.constant 0 : i32
        %sign3A_943 = arith.cmpi slt, %add3A_934, %sign3A_942 : i32
        %sign3A_944 = arith.extui %sign3A_943 : i1 to i32
        %sign3A_945 = arith.subi %sign3A_941, %sign3A_944 : i32
        %sign3A_946 = arith.constant 0 : i32
        %sign3A_947 = arith.cmpi sgt, %jit3A_937, %sign3A_946 : i32
        %sign3A_948 = arith.extui %sign3A_947 : i1 to i32
        %sign3A_949 = arith.constant 0 : i32
        %sign3A_950 = arith.cmpi slt, %jit3A_937, %sign3A_949 : i32
        %sign3A_951 = arith.extui %sign3A_950 : i1 to i32
        %sign3A_952 = arith.subi %sign3A_948, %sign3A_951 : i32
        %ne3A_953 = arith.cmpi ne, %sign3A_945, %sign3A_952 : i32
        %rem3A_954 = arith.remsi %add3A_934, %jit3A_937 : i32
        %ne3A_955 = arith.constant 0 : i32
        %ne3A_956 = arith.cmpi ne, %rem3A_954, %ne3A_955 : i32
        %and3A_957 = arith.andi %ne3A_953, %ne3A_956 : i1
        %sub3A_958 = arith.constant 1 : i32
        %sub3A_959 = arith.subi %div3A_938, %sub3A_958 : i32
        %select_n3A_960 = arith.select %and3A_957, %sub3A_959, %div3A_938 : i32
        %mul3A_961 = arith.constant 50 : i32
        %mul3A_962 = arith.muli %select_n3A_960, %mul3A_961 : i32
        %sub3A_963 = arith.subi %add3A_934, %mul3A_962 : i32
        %dma_start3A_964 = arith.constant 0 : i32
        %dma_start3A_965 = arith.constant 0 : i32
        %dma_start3A_966 = tpu.memref_slice %arg6[%select_n3A_960, %dma_start3A_964, %dma_start3A_965] : memref<2x50x300xf32, #tpu.memory_space<vmem>> -> memref<1x50x300xf32, #tpu.memory_space<vmem>>
        %dma_start3A_967 = tpu.memref_squeeze %dma_start3A_966 : memref<1x50x300xf32, #tpu.memory_space<vmem>> -> memref<50x300xf32, #tpu.memory_space<vmem>>
        %dma_start3A_968 = arith.constant 0 : i32
        %dma_start3A_969 = tpu.memref_slice %dma_start3A_967[%sub3A_963, %dma_start3A_968] : memref<50x300xf32, #tpu.memory_space<vmem>> -> memref<1x300xf32, #tpu.memory_space<vmem>>
        %dma_start3A_970 = arith.constant 0 : i32
        %dma_start3A_971 = tpu.memref_slice %arg3[%squeeze3A_936, %dma_start3A_970] : memref<400000x300xf32, #tpu.memory_space<hbm>> -> memref<1x300xf32, #tpu.memory_space<hbm>>
        %dma_start3A_972 = arith.constant 0 : i32
        %dma_start3A_973 = arith.constant 0 : i32
        %dma_start3A_974 = tpu.memref_slice %arg6[%select_n3A_960, %dma_start3A_972, %dma_start3A_973] : memref<2x50x300xf32, #tpu.memory_space<vmem>> -> memref<1x50x300xf32, #tpu.memory_space<vmem>>
        %dma_start3A_975 = tpu.memref_squeeze %dma_start3A_974 : memref<1x50x300xf32, #tpu.memory_space<vmem>> -> memref<50x300xf32, #tpu.memory_space<vmem>>
        %dma_start3A_976 = arith.constant 0 : i32
        %dma_start3A_977 = tpu.memref_slice %dma_start3A_975[%sub3A_963, %dma_start3A_976] : memref<50x300xf32, #tpu.memory_space<vmem>> -> memref<1x300xf32, #tpu.memory_space<vmem>>
        %dma_start3A_978 = arith.constant 0 : i32
        %dma_start3A_979 = tpu.memref_slice %arg3[%squeeze3A_936, %dma_start3A_978] : memref<400000x300xf32, #tpu.memory_space<hbm>> -> memref<1x300xf32, #tpu.memory_space<hbm>>
        tpu.enqueue_dma source(%dma_start3A_979 : memref<1x300xf32, #tpu.memory_space<hbm>>) target(%dma_start3A_977 : memref<1x300xf32, #tpu.memory_space<vmem>>) target_semaphore(%arg8 : memref<!tpu.dma_semaphore, #tpu.memory_space<semaphore_mem>>)
        %mul3A_980 = arith.constant 16 : i32
        %mul3A_981 = arith.muli %scan3A_734, %mul3A_980 : i32
        %add3A_982 = arith.constant 5 : i32
        %add3A_983 = arith.addi %mul3A_981, %add3A_982 : i32
        %slice3A_984 = vector.extract_strided_slice %get3A_742 {offsets = [5], sizes = [1], strides = [1]} : vector<16xi32> to vector<1xi32>
        %squeeze3A_985 = vector.extract %slice3A_984[0] : i32 from vector<1xi32>
        %jit3A_986 = arith.constant 50 : i32
        %div3A_987 = arith.divsi %add3A_983, %jit3A_986 : i32
        %sign3A_988 = arith.constant 0 : i32
        %sign3A_989 = arith.cmpi sgt, %add3A_983, %sign3A_988 : i32
        %sign3A_990 = arith.extui %sign3A_989 : i1 to i32
        %sign3A_991 = arith.constant 0 : i32
        %sign3A_992 = arith.cmpi slt, %add3A_983, %sign3A_991 : i32
        %sign3A_993 = arith.extui %sign3A_992 : i1 to i32
        %sign3A_994 = arith.subi %sign3A_990, %sign3A_993 : i32
        %sign3A_995 = arith.constant 0 : i32
        %sign3A_996 = arith.cmpi sgt, %jit3A_986, %sign3A_995 : i32
        %sign3A_997 = arith.extui %sign3A_996 : i1 to i32
        %sign3A_998 = arith.constant 0 : i32
        %sign3A_999 = arith.cmpi slt, %jit3A_986, %sign3A_998 : i32
        %sign3A_1000 = arith.extui %sign3A_999 : i1 to i32
        %sign3A_1001 = arith.subi %sign3A_997, %sign3A_1000 : i32
        %ne3A_1002 = arith.cmpi ne, %sign3A_994, %sign3A_1001 : i32
        %rem3A_1003 = arith.remsi %add3A_983, %jit3A_986 : i32
        %ne3A_1004 = arith.constant 0 : i32
        %ne3A_1005 = arith.cmpi ne, %rem3A_1003, %ne3A_1004 : i32
        %and3A_1006 = arith.andi %ne3A_1002, %ne3A_1005 : i1
        %sub3A_1007 = arith.constant 1 : i32
        %sub3A_1008 = arith.subi %div3A_987, %sub3A_1007 : i32
        %select_n3A_1009 = arith.select %and3A_1006, %sub3A_1008, %div3A_987 : i32
        %mul3A_1010 = arith.constant 50 : i32
        %mul3A_1011 = arith.muli %select_n3A_1009, %mul3A_1010 : i32
        %sub3A_1012 = arith.subi %add3A_983, %mul3A_1011 : i32
        %dma_start3A_1013 = arith.constant 0 : i32
        %dma_start3A_1014 = arith.constant 0 : i32
        %dma_start3A_1015 = tpu.memref_slice %arg6[%select_n3A_1009, %dma_start3A_1013, %dma_start3A_1014] : memref<2x50x300xf32, #tpu.memory_space<vmem>> -> memref<1x50x300xf32, #tpu.memory_space<vmem>>
        %dma_start3A_1016 = tpu.memref_squeeze %dma_start3A_1015 : memref<1x50x300xf32, #tpu.memory_space<vmem>> -> memref<50x300xf32, #tpu.memory_space<vmem>>
        %dma_start3A_1017 = arith.constant 0 : i32
        %dma_start3A_1018 = tpu.memref_slice %dma_start3A_1016[%sub3A_1012, %dma_start3A_1017] : memref<50x300xf32, #tpu.memory_space<vmem>> -> memref<1x300xf32, #tpu.memory_space<vmem>>
        %dma_start3A_1019 = arith.constant 0 : i32
        %dma_start3A_1020 = tpu.memref_slice %arg3[%squeeze3A_985, %dma_start3A_1019] : memref<400000x300xf32, #tpu.memory_space<hbm>> -> memref<1x300xf32, #tpu.memory_space<hbm>>
        %dma_start3A_1021 = arith.constant 0 : i32
        %dma_start3A_1022 = arith.constant 0 : i32
        %dma_start3A_1023 = tpu.memref_slice %arg6[%select_n3A_1009, %dma_start3A_1021, %dma_start3A_1022] : memref<2x50x300xf32, #tpu.memory_space<vmem>> -> memref<1x50x300xf32, #tpu.memory_space<vmem>>
        %dma_start3A_1024 = tpu.memref_squeeze %dma_start3A_1023 : memref<1x50x300xf32, #tpu.memory_space<vmem>> -> memref<50x300xf32, #tpu.memory_space<vmem>>
        %dma_start3A_1025 = arith.constant 0 : i32
        %dma_start3A_1026 = tpu.memref_slice %dma_start3A_1024[%sub3A_1012, %dma_start3A_1025] : memref<50x300xf32, #tpu.memory_space<vmem>> -> memref<1x300xf32, #tpu.memory_space<vmem>>
        %dma_start3A_1027 = arith.constant 0 : i32
        %dma_start3A_1028 = tpu.memref_slice %arg3[%squeeze3A_985, %dma_start3A_1027] : memref<400000x300xf32, #tpu.memory_space<hbm>> -> memref<1x300xf32, #tpu.memory_space<hbm>>
        tpu.enqueue_dma source(%dma_start3A_1028 : memref<1x300xf32, #tpu.memory_space<hbm>>) target(%dma_start3A_1026 : memref<1x300xf32, #tpu.memory_space<vmem>>) target_semaphore(%arg8 : memref<!tpu.dma_semaphore, #tpu.memory_space<semaphore_mem>>)
        %mul3A_1029 = arith.constant 16 : i32
        %mul3A_1030 = arith.muli %scan3A_734, %mul3A_1029 : i32
        %add3A_1031 = arith.constant 6 : i32
        %add3A_1032 = arith.addi %mul3A_1030, %add3A_1031 : i32
        %slice3A_1033 = vector.extract_strided_slice %get3A_742 {offsets = [6], sizes = [1], strides = [1]} : vector<16xi32> to vector<1xi32>
        %squeeze3A_1034 = vector.extract %slice3A_1033[0] : i32 from vector<1xi32>
        %jit3A_1035 = arith.constant 50 : i32
        %div3A_1036 = arith.divsi %add3A_1032, %jit3A_1035 : i32
        %sign3A_1037 = arith.constant 0 : i32
        %sign3A_1038 = arith.cmpi sgt, %add3A_1032, %sign3A_1037 : i32
        %sign3A_1039 = arith.extui %sign3A_1038 : i1 to i32
        %sign3A_1040 = arith.constant 0 : i32
        %sign3A_1041 = arith.cmpi slt, %add3A_1032, %sign3A_1040 : i32
        %sign3A_1042 = arith.extui %sign3A_1041 : i1 to i32
        %sign3A_1043 = arith.subi %sign3A_1039, %sign3A_1042 : i32
        %sign3A_1044 = arith.constant 0 : i32
        %sign3A_1045 = arith.cmpi sgt, %jit3A_1035, %sign3A_1044 : i32
        %sign3A_1046 = arith.extui %sign3A_1045 : i1 to i32
        %sign3A_1047 = arith.constant 0 : i32
        %sign3A_1048 = arith.cmpi slt, %jit3A_1035, %sign3A_1047 : i32
        %sign3A_1049 = arith.extui %sign3A_1048 : i1 to i32
        %sign3A_1050 = arith.subi %sign3A_1046, %sign3A_1049 : i32
        %ne3A_1051 = arith.cmpi ne, %sign3A_1043, %sign3A_1050 : i32
        %rem3A_1052 = arith.remsi %add3A_1032, %jit3A_1035 : i32
        %ne3A_1053 = arith.constant 0 : i32
        %ne3A_1054 = arith.cmpi ne, %rem3A_1052, %ne3A_1053 : i32
        %and3A_1055 = arith.andi %ne3A_1051, %ne3A_1054 : i1
        %sub3A_1056 = arith.constant 1 : i32
        %sub3A_1057 = arith.subi %div3A_1036, %sub3A_1056 : i32
        %select_n3A_1058 = arith.select %and3A_1055, %sub3A_1057, %div3A_1036 : i32
        %mul3A_1059 = arith.constant 50 : i32
        %mul3A_1060 = arith.muli %select_n3A_1058, %mul3A_1059 : i32
        %sub3A_1061 = arith.subi %add3A_1032, %mul3A_1060 : i32
        %dma_start3A_1062 = arith.constant 0 : i32
        %dma_start3A_1063 = arith.constant 0 : i32
        %dma_start3A_1064 = tpu.memref_slice %arg6[%select_n3A_1058, %dma_start3A_1062, %dma_start3A_1063] : memref<2x50x300xf32, #tpu.memory_space<vmem>> -> memref<1x50x300xf32, #tpu.memory_space<vmem>>
        %dma_start3A_1065 = tpu.memref_squeeze %dma_start3A_1064 : memref<1x50x300xf32, #tpu.memory_space<vmem>> -> memref<50x300xf32, #tpu.memory_space<vmem>>
        %dma_start3A_1066 = arith.constant 0 : i32
        %dma_start3A_1067 = tpu.memref_slice %dma_start3A_1065[%sub3A_1061, %dma_start3A_1066] : memref<50x300xf32, #tpu.memory_space<vmem>> -> memref<1x300xf32, #tpu.memory_space<vmem>>
        %dma_start3A_1068 = arith.constant 0 : i32
        %dma_start3A_1069 = tpu.memref_slice %arg3[%squeeze3A_1034, %dma_start3A_1068] : memref<400000x300xf32, #tpu.memory_space<hbm>> -> memref<1x300xf32, #tpu.memory_space<hbm>>
        %dma_start3A_1070 = arith.constant 0 : i32
        %dma_start3A_1071 = arith.constant 0 : i32
        %dma_start3A_1072 = tpu.memref_slice %arg6[%select_n3A_1058, %dma_start3A_1070, %dma_start3A_1071] : memref<2x50x300xf32, #tpu.memory_space<vmem>> -> memref<1x50x300xf32, #tpu.memory_space<vmem>>
        %dma_start3A_1073 = tpu.memref_squeeze %dma_start3A_1072 : memref<1x50x300xf32, #tpu.memory_space<vmem>> -> memref<50x300xf32, #tpu.memory_space<vmem>>
        %dma_start3A_1074 = arith.constant 0 : i32
        %dma_start3A_1075 = tpu.memref_slice %dma_start3A_1073[%sub3A_1061, %dma_start3A_1074] : memref<50x300xf32, #tpu.memory_space<vmem>> -> memref<1x300xf32, #tpu.memory_space<vmem>>
        %dma_start3A_1076 = arith.constant 0 : i32
        %dma_start3A_1077 = tpu.memref_slice %arg3[%squeeze3A_1034, %dma_start3A_1076] : memref<400000x300xf32, #tpu.memory_space<hbm>> -> memref<1x300xf32, #tpu.memory_space<hbm>>
        tpu.enqueue_dma source(%dma_start3A_1077 : memref<1x300xf32, #tpu.memory_space<hbm>>) target(%dma_start3A_1075 : memref<1x300xf32, #tpu.memory_space<vmem>>) target_semaphore(%arg8 : memref<!tpu.dma_semaphore, #tpu.memory_space<semaphore_mem>>)
        %mul3A_1078 = arith.constant 16 : i32
        %mul3A_1079 = arith.muli %scan3A_734, %mul3A_1078 : i32
        %add3A_1080 = arith.constant 7 : i32
        %add3A_1081 = arith.addi %mul3A_1079, %add3A_1080 : i32
        %slice3A_1082 = vector.extract_strided_slice %get3A_742 {offsets = [7], sizes = [1], strides = [1]} : vector<16xi32> to vector<1xi32>
        %squeeze3A_1083 = vector.extract %slice3A_1082[0] : i32 from vector<1xi32>
        %jit3A_1084 = arith.constant 50 : i32
        %div3A_1085 = arith.divsi %add3A_1081, %jit3A_1084 : i32
        %sign3A_1086 = arith.constant 0 : i32
        %sign3A_1087 = arith.cmpi sgt, %add3A_1081, %sign3A_1086 : i32
        %sign3A_1088 = arith.extui %sign3A_1087 : i1 to i32
        %sign3A_1089 = arith.constant 0 : i32
        %sign3A_1090 = arith.cmpi slt, %add3A_1081, %sign3A_1089 : i32
        %sign3A_1091 = arith.extui %sign3A_1090 : i1 to i32
        %sign3A_1092 = arith.subi %sign3A_1088, %sign3A_1091 : i32
        %sign3A_1093 = arith.constant 0 : i32
        %sign3A_1094 = arith.cmpi sgt, %jit3A_1084, %sign3A_1093 : i32
        %sign3A_1095 = arith.extui %sign3A_1094 : i1 to i32
        %sign3A_1096 = arith.constant 0 : i32
        %sign3A_1097 = arith.cmpi slt, %jit3A_1084, %sign3A_1096 : i32
        %sign3A_1098 = arith.extui %sign3A_1097 : i1 to i32
        %sign3A_1099 = arith.subi %sign3A_1095, %sign3A_1098 : i32
        %ne3A_1100 = arith.cmpi ne, %sign3A_1092, %sign3A_1099 : i32
        %rem3A_1101 = arith.remsi %add3A_1081, %jit3A_1084 : i32
        %ne3A_1102 = arith.constant 0 : i32
        %ne3A_1103 = arith.cmpi ne, %rem3A_1101, %ne3A_1102 : i32
        %and3A_1104 = arith.andi %ne3A_1100, %ne3A_1103 : i1
        %sub3A_1105 = arith.constant 1 : i32
        %sub3A_1106 = arith.subi %div3A_1085, %sub3A_1105 : i32
        %select_n3A_1107 = arith.select %and3A_1104, %sub3A_1106, %div3A_1085 : i32
        %mul3A_1108 = arith.constant 50 : i32
        %mul3A_1109 = arith.muli %select_n3A_1107, %mul3A_1108 : i32
        %sub3A_1110 = arith.subi %add3A_1081, %mul3A_1109 : i32
        %dma_start3A_1111 = arith.constant 0 : i32
        %dma_start3A_1112 = arith.constant 0 : i32
        %dma_start3A_1113 = tpu.memref_slice %arg6[%select_n3A_1107, %dma_start3A_1111, %dma_start3A_1112] : memref<2x50x300xf32, #tpu.memory_space<vmem>> -> memref<1x50x300xf32, #tpu.memory_space<vmem>>
        %dma_start3A_1114 = tpu.memref_squeeze %dma_start3A_1113 : memref<1x50x300xf32, #tpu.memory_space<vmem>> -> memref<50x300xf32, #tpu.memory_space<vmem>>
        %dma_start3A_1115 = arith.constant 0 : i32
        %dma_start3A_1116 = tpu.memref_slice %dma_start3A_1114[%sub3A_1110, %dma_start3A_1115] : memref<50x300xf32, #tpu.memory_space<vmem>> -> memref<1x300xf32, #tpu.memory_space<vmem>>
        %dma_start3A_1117 = arith.constant 0 : i32
        %dma_start3A_1118 = tpu.memref_slice %arg3[%squeeze3A_1083, %dma_start3A_1117] : memref<400000x300xf32, #tpu.memory_space<hbm>> -> memref<1x300xf32, #tpu.memory_space<hbm>>
        %dma_start3A_1119 = arith.constant 0 : i32
        %dma_start3A_1120 = arith.constant 0 : i32
        %dma_start3A_1121 = tpu.memref_slice %arg6[%select_n3A_1107, %dma_start3A_1119, %dma_start3A_1120] : memref<2x50x300xf32, #tpu.memory_space<vmem>> -> memref<1x50x300xf32, #tpu.memory_space<vmem>>
        %dma_start3A_1122 = tpu.memref_squeeze %dma_start3A_1121 : memref<1x50x300xf32, #tpu.memory_space<vmem>> -> memref<50x300xf32, #tpu.memory_space<vmem>>
        %dma_start3A_1123 = arith.constant 0 : i32
        %dma_start3A_1124 = tpu.memref_slice %dma_start3A_1122[%sub3A_1110, %dma_start3A_1123] : memref<50x300xf32, #tpu.memory_space<vmem>> -> memref<1x300xf32, #tpu.memory_space<vmem>>
        %dma_start3A_1125 = arith.constant 0 : i32
        %dma_start3A_1126 = tpu.memref_slice %arg3[%squeeze3A_1083, %dma_start3A_1125] : memref<400000x300xf32, #tpu.memory_space<hbm>> -> memref<1x300xf32, #tpu.memory_space<hbm>>
        tpu.enqueue_dma source(%dma_start3A_1126 : memref<1x300xf32, #tpu.memory_space<hbm>>) target(%dma_start3A_1124 : memref<1x300xf32, #tpu.memory_space<vmem>>) target_semaphore(%arg8 : memref<!tpu.dma_semaphore, #tpu.memory_space<semaphore_mem>>)
        %mul3A_1127 = arith.constant 16 : i32
        %mul3A_1128 = arith.muli %scan3A_734, %mul3A_1127 : i32
        %add3A_1129 = arith.constant 8 : i32
        %add3A_1130 = arith.addi %mul3A_1128, %add3A_1129 : i32
        %slice3A_1131 = vector.extract_strided_slice %get3A_742 {offsets = [8], sizes = [1], strides = [1]} : vector<16xi32> to vector<1xi32>
        %squeeze3A_1132 = vector.extract %slice3A_1131[0] : i32 from vector<1xi32>
        %jit3A_1133 = arith.constant 50 : i32
        %div3A_1134 = arith.divsi %add3A_1130, %jit3A_1133 : i32
        %sign3A_1135 = arith.constant 0 : i32
        %sign3A_1136 = arith.cmpi sgt, %add3A_1130, %sign3A_1135 : i32
        %sign3A_1137 = arith.extui %sign3A_1136 : i1 to i32
        %sign3A_1138 = arith.constant 0 : i32
        %sign3A_1139 = arith.cmpi slt, %add3A_1130, %sign3A_1138 : i32
        %sign3A_1140 = arith.extui %sign3A_1139 : i1 to i32
        %sign3A_1141 = arith.subi %sign3A_1137, %sign3A_1140 : i32
        %sign3A_1142 = arith.constant 0 : i32
        %sign3A_1143 = arith.cmpi sgt, %jit3A_1133, %sign3A_1142 : i32
        %sign3A_1144 = arith.extui %sign3A_1143 : i1 to i32
        %sign3A_1145 = arith.constant 0 : i32
        %sign3A_1146 = arith.cmpi slt, %jit3A_1133, %sign3A_1145 : i32
        %sign3A_1147 = arith.extui %sign3A_1146 : i1 to i32
        %sign3A_1148 = arith.subi %sign3A_1144, %sign3A_1147 : i32
        %ne3A_1149 = arith.cmpi ne, %sign3A_1141, %sign3A_1148 : i32
        %rem3A_1150 = arith.remsi %add3A_1130, %jit3A_1133 : i32
        %ne3A_1151 = arith.constant 0 : i32
        %ne3A_1152 = arith.cmpi ne, %rem3A_1150, %ne3A_1151 : i32
        %and3A_1153 = arith.andi %ne3A_1149, %ne3A_1152 : i1
        %sub3A_1154 = arith.constant 1 : i32
        %sub3A_1155 = arith.subi %div3A_1134, %sub3A_1154 : i32
        %select_n3A_1156 = arith.select %and3A_1153, %sub3A_1155, %div3A_1134 : i32
        %mul3A_1157 = arith.constant 50 : i32
        %mul3A_1158 = arith.muli %select_n3A_1156, %mul3A_1157 : i32
        %sub3A_1159 = arith.subi %add3A_1130, %mul3A_1158 : i32
        %dma_start3A_1160 = arith.constant 0 : i32
        %dma_start3A_1161 = arith.constant 0 : i32
        %dma_start3A_1162 = tpu.memref_slice %arg6[%select_n3A_1156, %dma_start3A_1160, %dma_start3A_1161] : memref<2x50x300xf32, #tpu.memory_space<vmem>> -> memref<1x50x300xf32, #tpu.memory_space<vmem>>
        %dma_start3A_1163 = tpu.memref_squeeze %dma_start3A_1162 : memref<1x50x300xf32, #tpu.memory_space<vmem>> -> memref<50x300xf32, #tpu.memory_space<vmem>>
        %dma_start3A_1164 = arith.constant 0 : i32
        %dma_start3A_1165 = tpu.memref_slice %dma_start3A_1163[%sub3A_1159, %dma_start3A_1164] : memref<50x300xf32, #tpu.memory_space<vmem>> -> memref<1x300xf32, #tpu.memory_space<vmem>>
        %dma_start3A_1166 = arith.constant 0 : i32
        %dma_start3A_1167 = tpu.memref_slice %arg3[%squeeze3A_1132, %dma_start3A_1166] : memref<400000x300xf32, #tpu.memory_space<hbm>> -> memref<1x300xf32, #tpu.memory_space<hbm>>
        %dma_start3A_1168 = arith.constant 0 : i32
        %dma_start3A_1169 = arith.constant 0 : i32
        %dma_start3A_1170 = tpu.memref_slice %arg6[%select_n3A_1156, %dma_start3A_1168, %dma_start3A_1169] : memref<2x50x300xf32, #tpu.memory_space<vmem>> -> memref<1x50x300xf32, #tpu.memory_space<vmem>>
        %dma_start3A_1171 = tpu.memref_squeeze %dma_start3A_1170 : memref<1x50x300xf32, #tpu.memory_space<vmem>> -> memref<50x300xf32, #tpu.memory_space<vmem>>
        %dma_start3A_1172 = arith.constant 0 : i32
        %dma_start3A_1173 = tpu.memref_slice %dma_start3A_1171[%sub3A_1159, %dma_start3A_1172] : memref<50x300xf32, #tpu.memory_space<vmem>> -> memref<1x300xf32, #tpu.memory_space<vmem>>
        %dma_start3A_1174 = arith.constant 0 : i32
        %dma_start3A_1175 = tpu.memref_slice %arg3[%squeeze3A_1132, %dma_start3A_1174] : memref<400000x300xf32, #tpu.memory_space<hbm>> -> memref<1x300xf32, #tpu.memory_space<hbm>>
        tpu.enqueue_dma source(%dma_start3A_1175 : memref<1x300xf32, #tpu.memory_space<hbm>>) target(%dma_start3A_1173 : memref<1x300xf32, #tpu.memory_space<vmem>>) target_semaphore(%arg8 : memref<!tpu.dma_semaphore, #tpu.memory_space<semaphore_mem>>)
        %mul3A_1176 = arith.constant 16 : i32
        %mul3A_1177 = arith.muli %scan3A_734, %mul3A_1176 : i32
        %add3A_1178 = arith.constant 9 : i32
        %add3A_1179 = arith.addi %mul3A_1177, %add3A_1178 : i32
        %slice3A_1180 = vector.extract_strided_slice %get3A_742 {offsets = [9], sizes = [1], strides = [1]} : vector<16xi32> to vector<1xi32>
        %squeeze3A_1181 = vector.extract %slice3A_1180[0] : i32 from vector<1xi32>
        %jit3A_1182 = arith.constant 50 : i32
        %div3A_1183 = arith.divsi %add3A_1179, %jit3A_1182 : i32
        %sign3A_1184 = arith.constant 0 : i32
        %sign3A_1185 = arith.cmpi sgt, %add3A_1179, %sign3A_1184 : i32
        %sign3A_1186 = arith.extui %sign3A_1185 : i1 to i32
        %sign3A_1187 = arith.constant 0 : i32
        %sign3A_1188 = arith.cmpi slt, %add3A_1179, %sign3A_1187 : i32
        %sign3A_1189 = arith.extui %sign3A_1188 : i1 to i32
        %sign3A_1190 = arith.subi %sign3A_1186, %sign3A_1189 : i32
        %sign3A_1191 = arith.constant 0 : i32
        %sign3A_1192 = arith.cmpi sgt, %jit3A_1182, %sign3A_1191 : i32
        %sign3A_1193 = arith.extui %sign3A_1192 : i1 to i32
        %sign3A_1194 = arith.constant 0 : i32
        %sign3A_1195 = arith.cmpi slt, %jit3A_1182, %sign3A_1194 : i32
        %sign3A_1196 = arith.extui %sign3A_1195 : i1 to i32
        %sign3A_1197 = arith.subi %sign3A_1193, %sign3A_1196 : i32
        %ne3A_1198 = arith.cmpi ne, %sign3A_1190, %sign3A_1197 : i32
        %rem3A_1199 = arith.remsi %add3A_1179, %jit3A_1182 : i32
        %ne3A_1200 = arith.constant 0 : i32
        %ne3A_1201 = arith.cmpi ne, %rem3A_1199, %ne3A_1200 : i32
        %and3A_1202 = arith.andi %ne3A_1198, %ne3A_1201 : i1
        %sub3A_1203 = arith.constant 1 : i32
        %sub3A_1204 = arith.subi %div3A_1183, %sub3A_1203 : i32
        %select_n3A_1205 = arith.select %and3A_1202, %sub3A_1204, %div3A_1183 : i32
        %mul3A_1206 = arith.constant 50 : i32
        %mul3A_1207 = arith.muli %select_n3A_1205, %mul3A_1206 : i32
        %sub3A_1208 = arith.subi %add3A_1179, %mul3A_1207 : i32
        %dma_start3A_1209 = arith.constant 0 : i32
        %dma_start3A_1210 = arith.constant 0 : i32
        %dma_start3A_1211 = tpu.memref_slice %arg6[%select_n3A_1205, %dma_start3A_1209, %dma_start3A_1210] : memref<2x50x300xf32, #tpu.memory_space<vmem>> -> memref<1x50x300xf32, #tpu.memory_space<vmem>>
        %dma_start3A_1212 = tpu.memref_squeeze %dma_start3A_1211 : memref<1x50x300xf32, #tpu.memory_space<vmem>> -> memref<50x300xf32, #tpu.memory_space<vmem>>
        %dma_start3A_1213 = arith.constant 0 : i32
        %dma_start3A_1214 = tpu.memref_slice %dma_start3A_1212[%sub3A_1208, %dma_start3A_1213] : memref<50x300xf32, #tpu.memory_space<vmem>> -> memref<1x300xf32, #tpu.memory_space<vmem>>
        %dma_start3A_1215 = arith.constant 0 : i32
        %dma_start3A_1216 = tpu.memref_slice %arg3[%squeeze3A_1181, %dma_start3A_1215] : memref<400000x300xf32, #tpu.memory_space<hbm>> -> memref<1x300xf32, #tpu.memory_space<hbm>>
        %dma_start3A_1217 = arith.constant 0 : i32
        %dma_start3A_1218 = arith.constant 0 : i32
        %dma_start3A_1219 = tpu.memref_slice %arg6[%select_n3A_1205, %dma_start3A_1217, %dma_start3A_1218] : memref<2x50x300xf32, #tpu.memory_space<vmem>> -> memref<1x50x300xf32, #tpu.memory_space<vmem>>
        %dma_start3A_1220 = tpu.memref_squeeze %dma_start3A_1219 : memref<1x50x300xf32, #tpu.memory_space<vmem>> -> memref<50x300xf32, #tpu.memory_space<vmem>>
        %dma_start3A_1221 = arith.constant 0 : i32
        %dma_start3A_1222 = tpu.memref_slice %dma_start3A_1220[%sub3A_1208, %dma_start3A_1221] : memref<50x300xf32, #tpu.memory_space<vmem>> -> memref<1x300xf32, #tpu.memory_space<vmem>>
        %dma_start3A_1223 = arith.constant 0 : i32
        %dma_start3A_1224 = tpu.memref_slice %arg3[%squeeze3A_1181, %dma_start3A_1223] : memref<400000x300xf32, #tpu.memory_space<hbm>> -> memref<1x300xf32, #tpu.memory_space<hbm>>
        tpu.enqueue_dma source(%dma_start3A_1224 : memref<1x300xf32, #tpu.memory_space<hbm>>) target(%dma_start3A_1222 : memref<1x300xf32, #tpu.memory_space<vmem>>) target_semaphore(%arg8 : memref<!tpu.dma_semaphore, #tpu.memory_space<semaphore_mem>>)
        %mul3A_1225 = arith.constant 16 : i32
        %mul3A_1226 = arith.muli %scan3A_734, %mul3A_1225 : i32
        %add3A_1227 = arith.constant 10 : i32
        %add3A_1228 = arith.addi %mul3A_1226, %add3A_1227 : i32
        %slice3A_1229 = vector.extract_strided_slice %get3A_742 {offsets = [10], sizes = [1], strides = [1]} : vector<16xi32> to vector<1xi32>
        %squeeze3A_1230 = vector.extract %slice3A_1229[0] : i32 from vector<1xi32>
        %jit3A_1231 = arith.constant 50 : i32
        %div3A_1232 = arith.divsi %add3A_1228, %jit3A_1231 : i32
        %sign3A_1233 = arith.constant 0 : i32
        %sign3A_1234 = arith.cmpi sgt, %add3A_1228, %sign3A_1233 : i32
        %sign3A_1235 = arith.extui %sign3A_1234 : i1 to i32
        %sign3A_1236 = arith.constant 0 : i32
        %sign3A_1237 = arith.cmpi slt, %add3A_1228, %sign3A_1236 : i32
        %sign3A_1238 = arith.extui %sign3A_1237 : i1 to i32
        %sign3A_1239 = arith.subi %sign3A_1235, %sign3A_1238 : i32
        %sign3A_1240 = arith.constant 0 : i32
        %sign3A_1241 = arith.cmpi sgt, %jit3A_1231, %sign3A_1240 : i32
        %sign3A_1242 = arith.extui %sign3A_1241 : i1 to i32
        %sign3A_1243 = arith.constant 0 : i32
        %sign3A_1244 = arith.cmpi slt, %jit3A_1231, %sign3A_1243 : i32
        %sign3A_1245 = arith.extui %sign3A_1244 : i1 to i32
        %sign3A_1246 = arith.subi %sign3A_1242, %sign3A_1245 : i32
        %ne3A_1247 = arith.cmpi ne, %sign3A_1239, %sign3A_1246 : i32
        %rem3A_1248 = arith.remsi %add3A_1228, %jit3A_1231 : i32
        %ne3A_1249 = arith.constant 0 : i32
        %ne3A_1250 = arith.cmpi ne, %rem3A_1248, %ne3A_1249 : i32
        %and3A_1251 = arith.andi %ne3A_1247, %ne3A_1250 : i1
        %sub3A_1252 = arith.constant 1 : i32
        %sub3A_1253 = arith.subi %div3A_1232, %sub3A_1252 : i32
        %select_n3A_1254 = arith.select %and3A_1251, %sub3A_1253, %div3A_1232 : i32
        %mul3A_1255 = arith.constant 50 : i32
        %mul3A_1256 = arith.muli %select_n3A_1254, %mul3A_1255 : i32
        %sub3A_1257 = arith.subi %add3A_1228, %mul3A_1256 : i32
        %dma_start3A_1258 = arith.constant 0 : i32
        %dma_start3A_1259 = arith.constant 0 : i32
        %dma_start3A_1260 = tpu.memref_slice %arg6[%select_n3A_1254, %dma_start3A_1258, %dma_start3A_1259] : memref<2x50x300xf32, #tpu.memory_space<vmem>> -> memref<1x50x300xf32, #tpu.memory_space<vmem>>
        %dma_start3A_1261 = tpu.memref_squeeze %dma_start3A_1260 : memref<1x50x300xf32, #tpu.memory_space<vmem>> -> memref<50x300xf32, #tpu.memory_space<vmem>>
        %dma_start3A_1262 = arith.constant 0 : i32
        %dma_start3A_1263 = tpu.memref_slice %dma_start3A_1261[%sub3A_1257, %dma_start3A_1262] : memref<50x300xf32, #tpu.memory_space<vmem>> -> memref<1x300xf32, #tpu.memory_space<vmem>>
        %dma_start3A_1264 = arith.constant 0 : i32
        %dma_start3A_1265 = tpu.memref_slice %arg3[%squeeze3A_1230, %dma_start3A_1264] : memref<400000x300xf32, #tpu.memory_space<hbm>> -> memref<1x300xf32, #tpu.memory_space<hbm>>
        %dma_start3A_1266 = arith.constant 0 : i32
        %dma_start3A_1267 = arith.constant 0 : i32
        %dma_start3A_1268 = tpu.memref_slice %arg6[%select_n3A_1254, %dma_start3A_1266, %dma_start3A_1267] : memref<2x50x300xf32, #tpu.memory_space<vmem>> -> memref<1x50x300xf32, #tpu.memory_space<vmem>>
        %dma_start3A_1269 = tpu.memref_squeeze %dma_start3A_1268 : memref<1x50x300xf32, #tpu.memory_space<vmem>> -> memref<50x300xf32, #tpu.memory_space<vmem>>
        %dma_start3A_1270 = arith.constant 0 : i32
        %dma_start3A_1271 = tpu.memref_slice %dma_start3A_1269[%sub3A_1257, %dma_start3A_1270] : memref<50x300xf32, #tpu.memory_space<vmem>> -> memref<1x300xf32, #tpu.memory_space<vmem>>
        %dma_start3A_1272 = arith.constant 0 : i32
        %dma_start3A_1273 = tpu.memref_slice %arg3[%squeeze3A_1230, %dma_start3A_1272] : memref<400000x300xf32, #tpu.memory_space<hbm>> -> memref<1x300xf32, #tpu.memory_space<hbm>>
        tpu.enqueue_dma source(%dma_start3A_1273 : memref<1x300xf32, #tpu.memory_space<hbm>>) target(%dma_start3A_1271 : memref<1x300xf32, #tpu.memory_space<vmem>>) target_semaphore(%arg8 : memref<!tpu.dma_semaphore, #tpu.memory_space<semaphore_mem>>)
        %mul3A_1274 = arith.constant 16 : i32
        %mul3A_1275 = arith.muli %scan3A_734, %mul3A_1274 : i32
        %add3A_1276 = arith.constant 11 : i32
        %add3A_1277 = arith.addi %mul3A_1275, %add3A_1276 : i32
        %slice3A_1278 = vector.extract_strided_slice %get3A_742 {offsets = [11], sizes = [1], strides = [1]} : vector<16xi32> to vector<1xi32>
        %squeeze3A_1279 = vector.extract %slice3A_1278[0] : i32 from vector<1xi32>
        %jit3A_1280 = arith.constant 50 : i32
        %div3A_1281 = arith.divsi %add3A_1277, %jit3A_1280 : i32
        %sign3A_1282 = arith.constant 0 : i32
        %sign3A_1283 = arith.cmpi sgt, %add3A_1277, %sign3A_1282 : i32
        %sign3A_1284 = arith.extui %sign3A_1283 : i1 to i32
        %sign3A_1285 = arith.constant 0 : i32
        %sign3A_1286 = arith.cmpi slt, %add3A_1277, %sign3A_1285 : i32
        %sign3A_1287 = arith.extui %sign3A_1286 : i1 to i32
        %sign3A_1288 = arith.subi %sign3A_1284, %sign3A_1287 : i32
        %sign3A_1289 = arith.constant 0 : i32
        %sign3A_1290 = arith.cmpi sgt, %jit3A_1280, %sign3A_1289 : i32
        %sign3A_1291 = arith.extui %sign3A_1290 : i1 to i32
        %sign3A_1292 = arith.constant 0 : i32
        %sign3A_1293 = arith.cmpi slt, %jit3A_1280, %sign3A_1292 : i32
        %sign3A_1294 = arith.extui %sign3A_1293 : i1 to i32
        %sign3A_1295 = arith.subi %sign3A_1291, %sign3A_1294 : i32
        %ne3A_1296 = arith.cmpi ne, %sign3A_1288, %sign3A_1295 : i32
        %rem3A_1297 = arith.remsi %add3A_1277, %jit3A_1280 : i32
        %ne3A_1298 = arith.constant 0 : i32
        %ne3A_1299 = arith.cmpi ne, %rem3A_1297, %ne3A_1298 : i32
        %and3A_1300 = arith.andi %ne3A_1296, %ne3A_1299 : i1
        %sub3A_1301 = arith.constant 1 : i32
        %sub3A_1302 = arith.subi %div3A_1281, %sub3A_1301 : i32
        %select_n3A_1303 = arith.select %and3A_1300, %sub3A_1302, %div3A_1281 : i32
        %mul3A_1304 = arith.constant 50 : i32
        %mul3A_1305 = arith.muli %select_n3A_1303, %mul3A_1304 : i32
        %sub3A_1306 = arith.subi %add3A_1277, %mul3A_1305 : i32
        %dma_start3A_1307 = arith.constant 0 : i32
        %dma_start3A_1308 = arith.constant 0 : i32
        %dma_start3A_1309 = tpu.memref_slice %arg6[%select_n3A_1303, %dma_start3A_1307, %dma_start3A_1308] : memref<2x50x300xf32, #tpu.memory_space<vmem>> -> memref<1x50x300xf32, #tpu.memory_space<vmem>>
        %dma_start3A_1310 = tpu.memref_squeeze %dma_start3A_1309 : memref<1x50x300xf32, #tpu.memory_space<vmem>> -> memref<50x300xf32, #tpu.memory_space<vmem>>
        %dma_start3A_1311 = arith.constant 0 : i32
        %dma_start3A_1312 = tpu.memref_slice %dma_start3A_1310[%sub3A_1306, %dma_start3A_1311] : memref<50x300xf32, #tpu.memory_space<vmem>> -> memref<1x300xf32, #tpu.memory_space<vmem>>
        %dma_start3A_1313 = arith.constant 0 : i32
        %dma_start3A_1314 = tpu.memref_slice %arg3[%squeeze3A_1279, %dma_start3A_1313] : memref<400000x300xf32, #tpu.memory_space<hbm>> -> memref<1x300xf32, #tpu.memory_space<hbm>>
        %dma_start3A_1315 = arith.constant 0 : i32
        %dma_start3A_1316 = arith.constant 0 : i32
        %dma_start3A_1317 = tpu.memref_slice %arg6[%select_n3A_1303, %dma_start3A_1315, %dma_start3A_1316] : memref<2x50x300xf32, #tpu.memory_space<vmem>> -> memref<1x50x300xf32, #tpu.memory_space<vmem>>
        %dma_start3A_1318 = tpu.memref_squeeze %dma_start3A_1317 : memref<1x50x300xf32, #tpu.memory_space<vmem>> -> memref<50x300xf32, #tpu.memory_space<vmem>>
        %dma_start3A_1319 = arith.constant 0 : i32
        %dma_start3A_1320 = tpu.memref_slice %dma_start3A_1318[%sub3A_1306, %dma_start3A_1319] : memref<50x300xf32, #tpu.memory_space<vmem>> -> memref<1x300xf32, #tpu.memory_space<vmem>>
        %dma_start3A_1321 = arith.constant 0 : i32
        %dma_start3A_1322 = tpu.memref_slice %arg3[%squeeze3A_1279, %dma_start3A_1321] : memref<400000x300xf32, #tpu.memory_space<hbm>> -> memref<1x300xf32, #tpu.memory_space<hbm>>
        tpu.enqueue_dma source(%dma_start3A_1322 : memref<1x300xf32, #tpu.memory_space<hbm>>) target(%dma_start3A_1320 : memref<1x300xf32, #tpu.memory_space<vmem>>) target_semaphore(%arg8 : memref<!tpu.dma_semaphore, #tpu.memory_space<semaphore_mem>>)
        %mul3A_1323 = arith.constant 16 : i32
        %mul3A_1324 = arith.muli %scan3A_734, %mul3A_1323 : i32
        %add3A_1325 = arith.constant 12 : i32
        %add3A_1326 = arith.addi %mul3A_1324, %add3A_1325 : i32
        %slice3A_1327 = vector.extract_strided_slice %get3A_742 {offsets = [12], sizes = [1], strides = [1]} : vector<16xi32> to vector<1xi32>
        %squeeze3A_1328 = vector.extract %slice3A_1327[0] : i32 from vector<1xi32>
        %jit3A_1329 = arith.constant 50 : i32
        %div3A_1330 = arith.divsi %add3A_1326, %jit3A_1329 : i32
        %sign3A_1331 = arith.constant 0 : i32
        %sign3A_1332 = arith.cmpi sgt, %add3A_1326, %sign3A_1331 : i32
        %sign3A_1333 = arith.extui %sign3A_1332 : i1 to i32
        %sign3A_1334 = arith.constant 0 : i32
        %sign3A_1335 = arith.cmpi slt, %add3A_1326, %sign3A_1334 : i32
        %sign3A_1336 = arith.extui %sign3A_1335 : i1 to i32
        %sign3A_1337 = arith.subi %sign3A_1333, %sign3A_1336 : i32
        %sign3A_1338 = arith.constant 0 : i32
        %sign3A_1339 = arith.cmpi sgt, %jit3A_1329, %sign3A_1338 : i32
        %sign3A_1340 = arith.extui %sign3A_1339 : i1 to i32
        %sign3A_1341 = arith.constant 0 : i32
        %sign3A_1342 = arith.cmpi slt, %jit3A_1329, %sign3A_1341 : i32
        %sign3A_1343 = arith.extui %sign3A_1342 : i1 to i32
        %sign3A_1344 = arith.subi %sign3A_1340, %sign3A_1343 : i32
        %ne3A_1345 = arith.cmpi ne, %sign3A_1337, %sign3A_1344 : i32
        %rem3A_1346 = arith.remsi %add3A_1326, %jit3A_1329 : i32
        %ne3A_1347 = arith.constant 0 : i32
        %ne3A_1348 = arith.cmpi ne, %rem3A_1346, %ne3A_1347 : i32
        %and3A_1349 = arith.andi %ne3A_1345, %ne3A_1348 : i1
        %sub3A_1350 = arith.constant 1 : i32
        %sub3A_1351 = arith.subi %div3A_1330, %sub3A_1350 : i32
        %select_n3A_1352 = arith.select %and3A_1349, %sub3A_1351, %div3A_1330 : i32
        %mul3A_1353 = arith.constant 50 : i32
        %mul3A_1354 = arith.muli %select_n3A_1352, %mul3A_1353 : i32
        %sub3A_1355 = arith.subi %add3A_1326, %mul3A_1354 : i32
        %dma_start3A_1356 = arith.constant 0 : i32
        %dma_start3A_1357 = arith.constant 0 : i32
        %dma_start3A_1358 = tpu.memref_slice %arg6[%select_n3A_1352, %dma_start3A_1356, %dma_start3A_1357] : memref<2x50x300xf32, #tpu.memory_space<vmem>> -> memref<1x50x300xf32, #tpu.memory_space<vmem>>
        %dma_start3A_1359 = tpu.memref_squeeze %dma_start3A_1358 : memref<1x50x300xf32, #tpu.memory_space<vmem>> -> memref<50x300xf32, #tpu.memory_space<vmem>>
        %dma_start3A_1360 = arith.constant 0 : i32
        %dma_start3A_1361 = tpu.memref_slice %dma_start3A_1359[%sub3A_1355, %dma_start3A_1360] : memref<50x300xf32, #tpu.memory_space<vmem>> -> memref<1x300xf32, #tpu.memory_space<vmem>>
        %dma_start3A_1362 = arith.constant 0 : i32
        %dma_start3A_1363 = tpu.memref_slice %arg3[%squeeze3A_1328, %dma_start3A_1362] : memref<400000x300xf32, #tpu.memory_space<hbm>> -> memref<1x300xf32, #tpu.memory_space<hbm>>
        %dma_start3A_1364 = arith.constant 0 : i32
        %dma_start3A_1365 = arith.constant 0 : i32
        %dma_start3A_1366 = tpu.memref_slice %arg6[%select_n3A_1352, %dma_start3A_1364, %dma_start3A_1365] : memref<2x50x300xf32, #tpu.memory_space<vmem>> -> memref<1x50x300xf32, #tpu.memory_space<vmem>>
        %dma_start3A_1367 = tpu.memref_squeeze %dma_start3A_1366 : memref<1x50x300xf32, #tpu.memory_space<vmem>> -> memref<50x300xf32, #tpu.memory_space<vmem>>
        %dma_start3A_1368 = arith.constant 0 : i32
        %dma_start3A_1369 = tpu.memref_slice %dma_start3A_1367[%sub3A_1355, %dma_start3A_1368] : memref<50x300xf32, #tpu.memory_space<vmem>> -> memref<1x300xf32, #tpu.memory_space<vmem>>
        %dma_start3A_1370 = arith.constant 0 : i32
        %dma_start3A_1371 = tpu.memref_slice %arg3[%squeeze3A_1328, %dma_start3A_1370] : memref<400000x300xf32, #tpu.memory_space<hbm>> -> memref<1x300xf32, #tpu.memory_space<hbm>>
        tpu.enqueue_dma source(%dma_start3A_1371 : memref<1x300xf32, #tpu.memory_space<hbm>>) target(%dma_start3A_1369 : memref<1x300xf32, #tpu.memory_space<vmem>>) target_semaphore(%arg8 : memref<!tpu.dma_semaphore, #tpu.memory_space<semaphore_mem>>)
        %mul3A_1372 = arith.constant 16 : i32
        %mul3A_1373 = arith.muli %scan3A_734, %mul3A_1372 : i32
        %add3A_1374 = arith.constant 13 : i32
        %add3A_1375 = arith.addi %mul3A_1373, %add3A_1374 : i32
        %slice3A_1376 = vector.extract_strided_slice %get3A_742 {offsets = [13], sizes = [1], strides = [1]} : vector<16xi32> to vector<1xi32>
        %squeeze3A_1377 = vector.extract %slice3A_1376[0] : i32 from vector<1xi32>
        %jit3A_1378 = arith.constant 50 : i32
        %div3A_1379 = arith.divsi %add3A_1375, %jit3A_1378 : i32
        %sign3A_1380 = arith.constant 0 : i32
        %sign3A_1381 = arith.cmpi sgt, %add3A_1375, %sign3A_1380 : i32
        %sign3A_1382 = arith.extui %sign3A_1381 : i1 to i32
        %sign3A_1383 = arith.constant 0 : i32
        %sign3A_1384 = arith.cmpi slt, %add3A_1375, %sign3A_1383 : i32
        %sign3A_1385 = arith.extui %sign3A_1384 : i1 to i32
        %sign3A_1386 = arith.subi %sign3A_1382, %sign3A_1385 : i32
        %sign3A_1387 = arith.constant 0 : i32
        %sign3A_1388 = arith.cmpi sgt, %jit3A_1378, %sign3A_1387 : i32
        %sign3A_1389 = arith.extui %sign3A_1388 : i1 to i32
        %sign3A_1390 = arith.constant 0 : i32
        %sign3A_1391 = arith.cmpi slt, %jit3A_1378, %sign3A_1390 : i32
        %sign3A_1392 = arith.extui %sign3A_1391 : i1 to i32
        %sign3A_1393 = arith.subi %sign3A_1389, %sign3A_1392 : i32
        %ne3A_1394 = arith.cmpi ne, %sign3A_1386, %sign3A_1393 : i32
        %rem3A_1395 = arith.remsi %add3A_1375, %jit3A_1378 : i32
        %ne3A_1396 = arith.constant 0 : i32
        %ne3A_1397 = arith.cmpi ne, %rem3A_1395, %ne3A_1396 : i32
        %and3A_1398 = arith.andi %ne3A_1394, %ne3A_1397 : i1
        %sub3A_1399 = arith.constant 1 : i32
        %sub3A_1400 = arith.subi %div3A_1379, %sub3A_1399 : i32
        %select_n3A_1401 = arith.select %and3A_1398, %sub3A_1400, %div3A_1379 : i32
        %mul3A_1402 = arith.constant 50 : i32
        %mul3A_1403 = arith.muli %select_n3A_1401, %mul3A_1402 : i32
        %sub3A_1404 = arith.subi %add3A_1375, %mul3A_1403 : i32
        %dma_start3A_1405 = arith.constant 0 : i32
        %dma_start3A_1406 = arith.constant 0 : i32
        %dma_start3A_1407 = tpu.memref_slice %arg6[%select_n3A_1401, %dma_start3A_1405, %dma_start3A_1406] : memref<2x50x300xf32, #tpu.memory_space<vmem>> -> memref<1x50x300xf32, #tpu.memory_space<vmem>>
        %dma_start3A_1408 = tpu.memref_squeeze %dma_start3A_1407 : memref<1x50x300xf32, #tpu.memory_space<vmem>> -> memref<50x300xf32, #tpu.memory_space<vmem>>
        %dma_start3A_1409 = arith.constant 0 : i32
        %dma_start3A_1410 = tpu.memref_slice %dma_start3A_1408[%sub3A_1404, %dma_start3A_1409] : memref<50x300xf32, #tpu.memory_space<vmem>> -> memref<1x300xf32, #tpu.memory_space<vmem>>
        %dma_start3A_1411 = arith.constant 0 : i32
        %dma_start3A_1412 = tpu.memref_slice %arg3[%squeeze3A_1377, %dma_start3A_1411] : memref<400000x300xf32, #tpu.memory_space<hbm>> -> memref<1x300xf32, #tpu.memory_space<hbm>>
        %dma_start3A_1413 = arith.constant 0 : i32
        %dma_start3A_1414 = arith.constant 0 : i32
        %dma_start3A_1415 = tpu.memref_slice %arg6[%select_n3A_1401, %dma_start3A_1413, %dma_start3A_1414] : memref<2x50x300xf32, #tpu.memory_space<vmem>> -> memref<1x50x300xf32, #tpu.memory_space<vmem>>
        %dma_start3A_1416 = tpu.memref_squeeze %dma_start3A_1415 : memref<1x50x300xf32, #tpu.memory_space<vmem>> -> memref<50x300xf32, #tpu.memory_space<vmem>>
        %dma_start3A_1417 = arith.constant 0 : i32
        %dma_start3A_1418 = tpu.memref_slice %dma_start3A_1416[%sub3A_1404, %dma_start3A_1417] : memref<50x300xf32, #tpu.memory_space<vmem>> -> memref<1x300xf32, #tpu.memory_space<vmem>>
        %dma_start3A_1419 = arith.constant 0 : i32
        %dma_start3A_1420 = tpu.memref_slice %arg3[%squeeze3A_1377, %dma_start3A_1419] : memref<400000x300xf32, #tpu.memory_space<hbm>> -> memref<1x300xf32, #tpu.memory_space<hbm>>
        tpu.enqueue_dma source(%dma_start3A_1420 : memref<1x300xf32, #tpu.memory_space<hbm>>) target(%dma_start3A_1418 : memref<1x300xf32, #tpu.memory_space<vmem>>) target_semaphore(%arg8 : memref<!tpu.dma_semaphore, #tpu.memory_space<semaphore_mem>>)
        %mul3A_1421 = arith.constant 16 : i32
        %mul3A_1422 = arith.muli %scan3A_734, %mul3A_1421 : i32
        %add3A_1423 = arith.constant 14 : i32
        %add3A_1424 = arith.addi %mul3A_1422, %add3A_1423 : i32
        %slice3A_1425 = vector.extract_strided_slice %get3A_742 {offsets = [14], sizes = [1], strides = [1]} : vector<16xi32> to vector<1xi32>
        %squeeze3A_1426 = vector.extract %slice3A_1425[0] : i32 from vector<1xi32>
        %jit3A_1427 = arith.constant 50 : i32
        %div3A_1428 = arith.divsi %add3A_1424, %jit3A_1427 : i32
        %sign3A_1429 = arith.constant 0 : i32
        %sign3A_1430 = arith.cmpi sgt, %add3A_1424, %sign3A_1429 : i32
        %sign3A_1431 = arith.extui %sign3A_1430 : i1 to i32
        %sign3A_1432 = arith.constant 0 : i32
        %sign3A_1433 = arith.cmpi slt, %add3A_1424, %sign3A_1432 : i32
        %sign3A_1434 = arith.extui %sign3A_1433 : i1 to i32
        %sign3A_1435 = arith.subi %sign3A_1431, %sign3A_1434 : i32
        %sign3A_1436 = arith.constant 0 : i32
        %sign3A_1437 = arith.cmpi sgt, %jit3A_1427, %sign3A_1436 : i32
        %sign3A_1438 = arith.extui %sign3A_1437 : i1 to i32
        %sign3A_1439 = arith.constant 0 : i32
        %sign3A_1440 = arith.cmpi slt, %jit3A_1427, %sign3A_1439 : i32
        %sign3A_1441 = arith.extui %sign3A_1440 : i1 to i32
        %sign3A_1442 = arith.subi %sign3A_1438, %sign3A_1441 : i32
        %ne3A_1443 = arith.cmpi ne, %sign3A_1435, %sign3A_1442 : i32
        %rem3A_1444 = arith.remsi %add3A_1424, %jit3A_1427 : i32
        %ne3A_1445 = arith.constant 0 : i32
        %ne3A_1446 = arith.cmpi ne, %rem3A_1444, %ne3A_1445 : i32
        %and3A_1447 = arith.andi %ne3A_1443, %ne3A_1446 : i1
        %sub3A_1448 = arith.constant 1 : i32
        %sub3A_1449 = arith.subi %div3A_1428, %sub3A_1448 : i32
        %select_n3A_1450 = arith.select %and3A_1447, %sub3A_1449, %div3A_1428 : i32
        %mul3A_1451 = arith.constant 50 : i32
        %mul3A_1452 = arith.muli %select_n3A_1450, %mul3A_1451 : i32
        %sub3A_1453 = arith.subi %add3A_1424, %mul3A_1452 : i32
        %dma_start3A_1454 = arith.constant 0 : i32
        %dma_start3A_1455 = arith.constant 0 : i32
        %dma_start3A_1456 = tpu.memref_slice %arg6[%select_n3A_1450, %dma_start3A_1454, %dma_start3A_1455] : memref<2x50x300xf32, #tpu.memory_space<vmem>> -> memref<1x50x300xf32, #tpu.memory_space<vmem>>
        %dma_start3A_1457 = tpu.memref_squeeze %dma_start3A_1456 : memref<1x50x300xf32, #tpu.memory_space<vmem>> -> memref<50x300xf32, #tpu.memory_space<vmem>>
        %dma_start3A_1458 = arith.constant 0 : i32
        %dma_start3A_1459 = tpu.memref_slice %dma_start3A_1457[%sub3A_1453, %dma_start3A_1458] : memref<50x300xf32, #tpu.memory_space<vmem>> -> memref<1x300xf32, #tpu.memory_space<vmem>>
        %dma_start3A_1460 = arith.constant 0 : i32
        %dma_start3A_1461 = tpu.memref_slice %arg3[%squeeze3A_1426, %dma_start3A_1460] : memref<400000x300xf32, #tpu.memory_space<hbm>> -> memref<1x300xf32, #tpu.memory_space<hbm>>
        %dma_start3A_1462 = arith.constant 0 : i32
        %dma_start3A_1463 = arith.constant 0 : i32
        %dma_start3A_1464 = tpu.memref_slice %arg6[%select_n3A_1450, %dma_start3A_1462, %dma_start3A_1463] : memref<2x50x300xf32, #tpu.memory_space<vmem>> -> memref<1x50x300xf32, #tpu.memory_space<vmem>>
        %dma_start3A_1465 = tpu.memref_squeeze %dma_start3A_1464 : memref<1x50x300xf32, #tpu.memory_space<vmem>> -> memref<50x300xf32, #tpu.memory_space<vmem>>
        %dma_start3A_1466 = arith.constant 0 : i32
        %dma_start3A_1467 = tpu.memref_slice %dma_start3A_1465[%sub3A_1453, %dma_start3A_1466] : memref<50x300xf32, #tpu.memory_space<vmem>> -> memref<1x300xf32, #tpu.memory_space<vmem>>
        %dma_start3A_1468 = arith.constant 0 : i32
        %dma_start3A_1469 = tpu.memref_slice %arg3[%squeeze3A_1426, %dma_start3A_1468] : memref<400000x300xf32, #tpu.memory_space<hbm>> -> memref<1x300xf32, #tpu.memory_space<hbm>>
        tpu.enqueue_dma source(%dma_start3A_1469 : memref<1x300xf32, #tpu.memory_space<hbm>>) target(%dma_start3A_1467 : memref<1x300xf32, #tpu.memory_space<vmem>>) target_semaphore(%arg8 : memref<!tpu.dma_semaphore, #tpu.memory_space<semaphore_mem>>)
        %mul3A_1470 = arith.constant 16 : i32
        %mul3A_1471 = arith.muli %scan3A_734, %mul3A_1470 : i32
        %add3A_1472 = arith.constant 15 : i32
        %add3A_1473 = arith.addi %mul3A_1471, %add3A_1472 : i32
        %slice3A_1474 = vector.extract_strided_slice %get3A_742 {offsets = [15], sizes = [1], strides = [1]} : vector<16xi32> to vector<1xi32>
        %squeeze3A_1475 = vector.extract %slice3A_1474[0] : i32 from vector<1xi32>
        %jit3A_1476 = arith.constant 50 : i32
        %div3A_1477 = arith.divsi %add3A_1473, %jit3A_1476 : i32
        %sign3A_1478 = arith.constant 0 : i32
        %sign3A_1479 = arith.cmpi sgt, %add3A_1473, %sign3A_1478 : i32
        %sign3A_1480 = arith.extui %sign3A_1479 : i1 to i32
        %sign3A_1481 = arith.constant 0 : i32
        %sign3A_1482 = arith.cmpi slt, %add3A_1473, %sign3A_1481 : i32
        %sign3A_1483 = arith.extui %sign3A_1482 : i1 to i32
        %sign3A_1484 = arith.subi %sign3A_1480, %sign3A_1483 : i32
        %sign3A_1485 = arith.constant 0 : i32
        %sign3A_1486 = arith.cmpi sgt, %jit3A_1476, %sign3A_1485 : i32
        %sign3A_1487 = arith.extui %sign3A_1486 : i1 to i32
        %sign3A_1488 = arith.constant 0 : i32
        %sign3A_1489 = arith.cmpi slt, %jit3A_1476, %sign3A_1488 : i32
        %sign3A_1490 = arith.extui %sign3A_1489 : i1 to i32
        %sign3A_1491 = arith.subi %sign3A_1487, %sign3A_1490 : i32
        %ne3A_1492 = arith.cmpi ne, %sign3A_1484, %sign3A_1491 : i32
        %rem3A_1493 = arith.remsi %add3A_1473, %jit3A_1476 : i32
        %ne3A_1494 = arith.constant 0 : i32
        %ne3A_1495 = arith.cmpi ne, %rem3A_1493, %ne3A_1494 : i32
        %and3A_1496 = arith.andi %ne3A_1492, %ne3A_1495 : i1
        %sub3A_1497 = arith.constant 1 : i32
        %sub3A_1498 = arith.subi %div3A_1477, %sub3A_1497 : i32
        %select_n3A_1499 = arith.select %and3A_1496, %sub3A_1498, %div3A_1477 : i32
        %mul3A_1500 = arith.constant 50 : i32
        %mul3A_1501 = arith.muli %select_n3A_1499, %mul3A_1500 : i32
        %sub3A_1502 = arith.subi %add3A_1473, %mul3A_1501 : i32
        %dma_start3A_1503 = arith.constant 0 : i32
        %dma_start3A_1504 = arith.constant 0 : i32
        %dma_start3A_1505 = tpu.memref_slice %arg6[%select_n3A_1499, %dma_start3A_1503, %dma_start3A_1504] : memref<2x50x300xf32, #tpu.memory_space<vmem>> -> memref<1x50x300xf32, #tpu.memory_space<vmem>>
        %dma_start3A_1506 = tpu.memref_squeeze %dma_start3A_1505 : memref<1x50x300xf32, #tpu.memory_space<vmem>> -> memref<50x300xf32, #tpu.memory_space<vmem>>
        %dma_start3A_1507 = arith.constant 0 : i32
        %dma_start3A_1508 = tpu.memref_slice %dma_start3A_1506[%sub3A_1502, %dma_start3A_1507] : memref<50x300xf32, #tpu.memory_space<vmem>> -> memref<1x300xf32, #tpu.memory_space<vmem>>
        %dma_start3A_1509 = arith.constant 0 : i32
        %dma_start3A_1510 = tpu.memref_slice %arg3[%squeeze3A_1475, %dma_start3A_1509] : memref<400000x300xf32, #tpu.memory_space<hbm>> -> memref<1x300xf32, #tpu.memory_space<hbm>>
        %dma_start3A_1511 = arith.constant 0 : i32
        %dma_start3A_1512 = arith.constant 0 : i32
        %dma_start3A_1513 = tpu.memref_slice %arg6[%select_n3A_1499, %dma_start3A_1511, %dma_start3A_1512] : memref<2x50x300xf32, #tpu.memory_space<vmem>> -> memref<1x50x300xf32, #tpu.memory_space<vmem>>
        %dma_start3A_1514 = tpu.memref_squeeze %dma_start3A_1513 : memref<1x50x300xf32, #tpu.memory_space<vmem>> -> memref<50x300xf32, #tpu.memory_space<vmem>>
        %dma_start3A_1515 = arith.constant 0 : i32
        %dma_start3A_1516 = tpu.memref_slice %dma_start3A_1514[%sub3A_1502, %dma_start3A_1515] : memref<50x300xf32, #tpu.memory_space<vmem>> -> memref<1x300xf32, #tpu.memory_space<vmem>>
        %dma_start3A_1517 = arith.constant 0 : i32
        %dma_start3A_1518 = tpu.memref_slice %arg3[%squeeze3A_1475, %dma_start3A_1517] : memref<400000x300xf32, #tpu.memory_space<hbm>> -> memref<1x300xf32, #tpu.memory_space<hbm>>
        tpu.enqueue_dma source(%dma_start3A_1518 : memref<1x300xf32, #tpu.memory_space<hbm>>) target(%dma_start3A_1516 : memref<1x300xf32, #tpu.memory_space<vmem>>) target_semaphore(%arg8 : memref<!tpu.dma_semaphore, #tpu.memory_space<semaphore_mem>>)
      }
      %scan3A_454 = arith.constant 6 : i32
      %mul3A_455 = arith.constant 100 : i32
      %mul3A_456 = arith.muli %add3A_448, %mul3A_455 : i32
      %add3A_457 = arith.constant 96 : i32
      %add3A_458 = arith.addi %mul3A_456, %add3A_457 : i32
      %get3A_459 = arith.index_cast %add3A_458 : i32 to index
      %get3A_460 = tpu.vector_load %arg5[%get3A_459] {strides = array<i32>} : memref<6416xi32, #tpu.memory_space<vmem>>, vector<16xi32>,
      %get3A_461 = vector.shape_cast %get3A_460 : vector<16xi32> to vector<16xi32>
      %slice3A_462 = vector.extract_strided_slice %get3A_461 {offsets = [0], sizes = [1], strides = [1]} : vector<16xi32> to vector<1xi32>
      %squeeze3A_463 = vector.extract %slice3A_462[0] : i32 from vector<1xi32>
      %dma_start3A_464 = arith.constant 1 : i32
      %dma_start3A_465 = arith.constant 0 : i32
      %dma_start3A_466 = arith.constant 0 : i32
      %dma_start3A_467 = tpu.memref_slice %arg6[%dma_start3A_464, %dma_start3A_465, %dma_start3A_466] : memref<2x50x300xf32, #tpu.memory_space<vmem>> -> memref<1x50x300xf32, #tpu.memory_space<vmem>>
      %dma_start3A_468 = tpu.memref_squeeze %dma_start3A_467 : memref<1x50x300xf32, #tpu.memory_space<vmem>> -> memref<50x300xf32, #tpu.memory_space<vmem>>
      %dma_start3A_469 = arith.constant 46 : i32
      %dma_start3A_470 = arith.constant 0 : i32
      %dma_start3A_471 = tpu.memref_slice %dma_start3A_468[%dma_start3A_469, %dma_start3A_470] : memref<50x300xf32, #tpu.memory_space<vmem>> -> memref<1x300xf32, #tpu.memory_space<vmem>>
      %dma_start3A_472 = arith.constant 0 : i32
      %dma_start3A_473 = tpu.memref_slice %arg3[%squeeze3A_463, %dma_start3A_472] : memref<400000x300xf32, #tpu.memory_space<hbm>> -> memref<1x300xf32, #tpu.memory_space<hbm>>
      %dma_start3A_474 = arith.constant 0 : i32
      %dma_start3A_475 = arith.constant 0 : i32
      %dma_start3A_476 = tpu.memref_slice %arg6[%dma_start3A_464, %dma_start3A_474, %dma_start3A_475] : memref<2x50x300xf32, #tpu.memory_space<vmem>> -> memref<1x50x300xf32, #tpu.memory_space<vmem>>
      %dma_start3A_477 = tpu.memref_squeeze %dma_start3A_476 : memref<1x50x300xf32, #tpu.memory_space<vmem>> -> memref<50x300xf32, #tpu.memory_space<vmem>>
      %dma_start3A_478 = arith.constant 46 : i32
      %dma_start3A_479 = arith.constant 0 : i32
      %dma_start3A_480 = tpu.memref_slice %dma_start3A_477[%dma_start3A_478, %dma_start3A_479] : memref<50x300xf32, #tpu.memory_space<vmem>> -> memref<1x300xf32, #tpu.memory_space<vmem>>
      %dma_start3A_481 = arith.constant 0 : i32
      %dma_start3A_482 = tpu.memref_slice %arg3[%squeeze3A_463, %dma_start3A_481] : memref<400000x300xf32, #tpu.memory_space<hbm>> -> memref<1x300xf32, #tpu.memory_space<hbm>>
      tpu.enqueue_dma source(%dma_start3A_482 : memref<1x300xf32, #tpu.memory_space<hbm>>) target(%dma_start3A_480 : memref<1x300xf32, #tpu.memory_space<vmem>>) target_semaphore(%arg8 : memref<!tpu.dma_semaphore, #tpu.memory_space<semaphore_mem>>)
      %slice3A_483 = vector.extract_strided_slice %get3A_461 {offsets = [1], sizes = [1], strides = [1]} : vector<16xi32> to vector<1xi32>
      %squeeze3A_484 = vector.extract %slice3A_483[0] : i32 from vector<1xi32>
      %dma_start3A_485 = arith.constant 1 : i32
      %dma_start3A_486 = arith.constant 0 : i32
      %dma_start3A_487 = arith.constant 0 : i32
      %dma_start3A_488 = tpu.memref_slice %arg6[%dma_start3A_485, %dma_start3A_486, %dma_start3A_487] : memref<2x50x300xf32, #tpu.memory_space<vmem>> -> memref<1x50x300xf32, #tpu.memory_space<vmem>>
      %dma_start3A_489 = tpu.memref_squeeze %dma_start3A_488 : memref<1x50x300xf32, #tpu.memory_space<vmem>> -> memref<50x300xf32, #tpu.memory_space<vmem>>
      %dma_start3A_490 = arith.constant 47 : i32
      %dma_start3A_491 = arith.constant 0 : i32
      %dma_start3A_492 = tpu.memref_slice %dma_start3A_489[%dma_start3A_490, %dma_start3A_491] : memref<50x300xf32, #tpu.memory_space<vmem>> -> memref<1x300xf32, #tpu.memory_space<vmem>>
      %dma_start3A_493 = arith.constant 0 : i32
      %dma_start3A_494 = tpu.memref_slice %arg3[%squeeze3A_484, %dma_start3A_493] : memref<400000x300xf32, #tpu.memory_space<hbm>> -> memref<1x300xf32, #tpu.memory_space<hbm>>
      %dma_start3A_495 = arith.constant 0 : i32
      %dma_start3A_496 = arith.constant 0 : i32
      %dma_start3A_497 = tpu.memref_slice %arg6[%dma_start3A_485, %dma_start3A_495, %dma_start3A_496] : memref<2x50x300xf32, #tpu.memory_space<vmem>> -> memref<1x50x300xf32, #tpu.memory_space<vmem>>
      %dma_start3A_498 = tpu.memref_squeeze %dma_start3A_497 : memref<1x50x300xf32, #tpu.memory_space<vmem>> -> memref<50x300xf32, #tpu.memory_space<vmem>>
      %dma_start3A_499 = arith.constant 47 : i32
      %dma_start3A_500 = arith.constant 0 : i32
      %dma_start3A_501 = tpu.memref_slice %dma_start3A_498[%dma_start3A_499, %dma_start3A_500] : memref<50x300xf32, #tpu.memory_space<vmem>> -> memref<1x300xf32, #tpu.memory_space<vmem>>
      %dma_start3A_502 = arith.constant 0 : i32
      %dma_start3A_503 = tpu.memref_slice %arg3[%squeeze3A_484, %dma_start3A_502] : memref<400000x300xf32, #tpu.memory_space<hbm>> -> memref<1x300xf32, #tpu.memory_space<hbm>>
      tpu.enqueue_dma source(%dma_start3A_503 : memref<1x300xf32, #tpu.memory_space<hbm>>) target(%dma_start3A_501 : memref<1x300xf32, #tpu.memory_space<vmem>>) target_semaphore(%arg8 : memref<!tpu.dma_semaphore, #tpu.memory_space<semaphore_mem>>)
      %slice3A_504 = vector.extract_strided_slice %get3A_461 {offsets = [2], sizes = [1], strides = [1]} : vector<16xi32> to vector<1xi32>
      %squeeze3A_505 = vector.extract %slice3A_504[0] : i32 from vector<1xi32>
      %dma_start3A_506 = arith.constant 1 : i32
      %dma_start3A_507 = arith.constant 0 : i32
      %dma_start3A_508 = arith.constant 0 : i32
      %dma_start3A_509 = tpu.memref_slice %arg6[%dma_start3A_506, %dma_start3A_507, %dma_start3A_508] : memref<2x50x300xf32, #tpu.memory_space<vmem>> -> memref<1x50x300xf32, #tpu.memory_space<vmem>>
      %dma_start3A_510 = tpu.memref_squeeze %dma_start3A_509 : memref<1x50x300xf32, #tpu.memory_space<vmem>> -> memref<50x300xf32, #tpu.memory_space<vmem>>
      %dma_start3A_511 = arith.constant 48 : i32
      %dma_start3A_512 = arith.constant 0 : i32
      %dma_start3A_513 = tpu.memref_slice %dma_start3A_510[%dma_start3A_511, %dma_start3A_512] : memref<50x300xf32, #tpu.memory_space<vmem>> -> memref<1x300xf32, #tpu.memory_space<vmem>>
      %dma_start3A_514 = arith.constant 0 : i32
      %dma_start3A_515 = tpu.memref_slice %arg3[%squeeze3A_505, %dma_start3A_514] : memref<400000x300xf32, #tpu.memory_space<hbm>> -> memref<1x300xf32, #tpu.memory_space<hbm>>
      %dma_start3A_516 = arith.constant 0 : i32
      %dma_start3A_517 = arith.constant 0 : i32
      %dma_start3A_518 = tpu.memref_slice %arg6[%dma_start3A_506, %dma_start3A_516, %dma_start3A_517] : memref<2x50x300xf32, #tpu.memory_space<vmem>> -> memref<1x50x300xf32, #tpu.memory_space<vmem>>
      %dma_start3A_519 = tpu.memref_squeeze %dma_start3A_518 : memref<1x50x300xf32, #tpu.memory_space<vmem>> -> memref<50x300xf32, #tpu.memory_space<vmem>>
      %dma_start3A_520 = arith.constant 48 : i32
      %dma_start3A_521 = arith.constant 0 : i32
      %dma_start3A_522 = tpu.memref_slice %dma_start3A_519[%dma_start3A_520, %dma_start3A_521] : memref<50x300xf32, #tpu.memory_space<vmem>> -> memref<1x300xf32, #tpu.memory_space<vmem>>
      %dma_start3A_523 = arith.constant 0 : i32
      %dma_start3A_524 = tpu.memref_slice %arg3[%squeeze3A_505, %dma_start3A_523] : memref<400000x300xf32, #tpu.memory_space<hbm>> -> memref<1x300xf32, #tpu.memory_space<hbm>>
      tpu.enqueue_dma source(%dma_start3A_524 : memref<1x300xf32, #tpu.memory_space<hbm>>) target(%dma_start3A_522 : memref<1x300xf32, #tpu.memory_space<vmem>>) target_semaphore(%arg8 : memref<!tpu.dma_semaphore, #tpu.memory_space<semaphore_mem>>)
      %slice3A_525 = vector.extract_strided_slice %get3A_461 {offsets = [3], sizes = [1], strides = [1]} : vector<16xi32> to vector<1xi32>
      %squeeze3A_526 = vector.extract %slice3A_525[0] : i32 from vector<1xi32>
      %dma_start3A_527 = arith.constant 1 : i32
      %dma_start3A_528 = arith.constant 0 : i32
      %dma_start3A_529 = arith.constant 0 : i32
      %dma_start3A_530 = tpu.memref_slice %arg6[%dma_start3A_527, %dma_start3A_528, %dma_start3A_529] : memref<2x50x300xf32, #tpu.memory_space<vmem>> -> memref<1x50x300xf32, #tpu.memory_space<vmem>>
      %dma_start3A_531 = tpu.memref_squeeze %dma_start3A_530 : memref<1x50x300xf32, #tpu.memory_space<vmem>> -> memref<50x300xf32, #tpu.memory_space<vmem>>
      %dma_start3A_532 = arith.constant 49 : i32
      %dma_start3A_533 = arith.constant 0 : i32
      %dma_start3A_534 = tpu.memref_slice %dma_start3A_531[%dma_start3A_532, %dma_start3A_533] : memref<50x300xf32, #tpu.memory_space<vmem>> -> memref<1x300xf32, #tpu.memory_space<vmem>>
      %dma_start3A_535 = arith.constant 0 : i32
      %dma_start3A_536 = tpu.memref_slice %arg3[%squeeze3A_526, %dma_start3A_535] : memref<400000x300xf32, #tpu.memory_space<hbm>> -> memref<1x300xf32, #tpu.memory_space<hbm>>
      %dma_start3A_537 = arith.constant 0 : i32
      %dma_start3A_538 = arith.constant 0 : i32
      %dma_start3A_539 = tpu.memref_slice %arg6[%dma_start3A_527, %dma_start3A_537, %dma_start3A_538] : memref<2x50x300xf32, #tpu.memory_space<vmem>> -> memref<1x50x300xf32, #tpu.memory_space<vmem>>
      %dma_start3A_540 = tpu.memref_squeeze %dma_start3A_539 : memref<1x50x300xf32, #tpu.memory_space<vmem>> -> memref<50x300xf32, #tpu.memory_space<vmem>>
      %dma_start3A_541 = arith.constant 49 : i32
      %dma_start3A_542 = arith.constant 0 : i32
      %dma_start3A_543 = tpu.memref_slice %dma_start3A_540[%dma_start3A_541, %dma_start3A_542] : memref<50x300xf32, #tpu.memory_space<vmem>> -> memref<1x300xf32, #tpu.memory_space<vmem>>
      %dma_start3A_544 = arith.constant 0 : i32
      %dma_start3A_545 = tpu.memref_slice %arg3[%squeeze3A_526, %dma_start3A_544] : memref<400000x300xf32, #tpu.memory_space<hbm>> -> memref<1x300xf32, #tpu.memory_space<hbm>>
      tpu.enqueue_dma source(%dma_start3A_545 : memref<1x300xf32, #tpu.memory_space<hbm>>) target(%dma_start3A_543 : memref<1x300xf32, #tpu.memory_space<vmem>>) target_semaphore(%arg8 : memref<!tpu.dma_semaphore, #tpu.memory_space<semaphore_mem>>)
      %mul3A_546 = arith.constant 2 : i32
      %mul3A_547 = arith.muli %mul3A_546, %scan3A_357 : i32
      %add3A_548 = arith.constant 1 : i32
      %add3A_549 = arith.addi %mul3A_547, %add3A_548 : i32
      %scan3A_550 = arith.constant 0 : i32
      %scan3A_551 = arith.constant 0 : i32
      %scan3A_552 = arith.constant 100 : i32
      %scan3A_553 = arith.addi %scan3A_551, %scan3A_552 : i32
      %scan3A_554 = arith.constant 1 : i32
      scf.for %scan3A_734 = %scan3A_551 to %scan3A_553 step %scan3A_554  : i32 {
        %dma_wait3A_735 = arith.constant 0 : i32
        %dma_wait3A_736 = arith.constant 0 : i32
        %dma_wait3A_737 = arith.constant 0 : i32
        %dma_wait3A_738 = tpu.memref_slice %arg7[%dma_wait3A_735, %dma_wait3A_736, %dma_wait3A_737] : memref<2x50x300xf32, #tpu.memory_space<vmem>> -> memref<1x50x300xf32, #tpu.memory_space<vmem>>
        %dma_wait3A_739 = tpu.memref_squeeze %dma_wait3A_738 : memref<1x50x300xf32, #tpu.memory_space<vmem>> -> memref<50x300xf32, #tpu.memory_space<vmem>>
        %dma_wait3A_740 = arith.constant 0 : i32
        %dma_wait3A_741 = arith.constant 0 : i32
        %dma_wait3A_742 = tpu.memref_slice %dma_wait3A_739[%dma_wait3A_740, %dma_wait3A_741] : memref<50x300xf32, #tpu.memory_space<vmem>> -> memref<1x300xf32, #tpu.memory_space<vmem>>
        %dma_wait3A_743 = arith.constant 0 : i32
        %dma_wait3A_744 = arith.constant 0 : i32
        %dma_wait3A_745 = tpu.memref_slice %arg3[%dma_wait3A_743, %dma_wait3A_744] : memref<400000x300xf32, #tpu.memory_space<hbm>> -> memref<1x300xf32, #tpu.memory_space<hbm>>
        %dma_wait3A_746 = arith.constant 0 : i32
        %dma_wait3A_747 = arith.constant 0 : i32
        %dma_wait3A_748 = tpu.memref_slice %arg7[%dma_wait3A_735, %dma_wait3A_746, %dma_wait3A_747] : memref<2x50x300xf32, #tpu.memory_space<vmem>> -> memref<1x50x300xf32, #tpu.memory_space<vmem>>
        %dma_wait3A_749 = tpu.memref_squeeze %dma_wait3A_748 : memref<1x50x300xf32, #tpu.memory_space<vmem>> -> memref<50x300xf32, #tpu.memory_space<vmem>>
        %dma_wait3A_750 = arith.constant 0 : i32
        %dma_wait3A_751 = arith.constant 0 : i32
        %dma_wait3A_752 = tpu.memref_slice %dma_wait3A_749[%dma_wait3A_750, %dma_wait3A_751] : memref<50x300xf32, #tpu.memory_space<vmem>> -> memref<1x300xf32, #tpu.memory_space<vmem>>
        %dma_wait3A_753 = arith.constant 0 : i32
        %dma_wait3A_754 = arith.constant 0 : i32
        %dma_wait3A_755 = tpu.memref_slice %arg3[%dma_wait3A_753, %dma_wait3A_754] : memref<400000x300xf32, #tpu.memory_space<hbm>> -> memref<1x300xf32, #tpu.memory_space<hbm>>
        tpu.wait_dma2 semaphore(%arg9 : memref<!tpu.dma_semaphore, #tpu.memory_space<semaphore_mem>>) src(%dma_wait3A_755 : memref<1x300xf32, #tpu.memory_space<hbm>>) dst(%dma_wait3A_752 : memref<1x300xf32, #tpu.memory_space<vmem>>)
      }
      %scan3A_555 = arith.constant 100 : i32
      %mul3A_556 = arith.constant 128 : i32
      %mul3A_557 = arith.muli %add3A, %mul3A_556 : i32
      %mul3A_558 = arith.constant 2 : i32
      %mul3A_559 = arith.muli %add3A_549, %mul3A_558 : i32
      %add3A_560 = arith.addi %mul3A_557, %mul3A_559 : i32
      %add3A_561 = arith.constant 0 : i32
      %add3A_562 = arith.addi %add3A_560, %add3A_561 : i32
      %dma_start3A_563 = arith.constant 0 : i32
      %dma_start3A_564 = arith.constant 0 : i32
      %dma_start3A_565 = arith.constant 0 : i32
      %dma_start3A_566 = tpu.memref_slice %arg7[%dma_start3A_563, %dma_start3A_564, %dma_start3A_565] : memref<2x50x300xf32, #tpu.memory_space<vmem>> -> memref<1x50x300xf32, #tpu.memory_space<vmem>>
      %dma_start3A_567 = tpu.memref_squeeze %dma_start3A_566 : memref<1x50x300xf32, #tpu.memory_space<vmem>> -> memref<50x300xf32, #tpu.memory_space<vmem>>
      %dma_start3A_568 = arith.constant 0 : i32
      %dma_start3A_569 = arith.constant 0 : i32
      %dma_start3A_570 = tpu.memref_slice %arg4[%add3A_562, %dma_start3A_568, %dma_start3A_569] : memref<4096x50x300xf32, #tpu.memory_space<hbm>> -> memref<1x50x300xf32, #tpu.memory_space<hbm>>
      %dma_start3A_571 = tpu.memref_squeeze %dma_start3A_570 : memref<1x50x300xf32, #tpu.memory_space<hbm>> -> memref<50x300xf32, #tpu.memory_space<hbm>>
      %dma_start3A_572 = arith.constant 0 : i32
      %dma_start3A_573 = arith.constant 0 : i32
      %dma_start3A_574 = tpu.memref_slice %arg4[%add3A_562, %dma_start3A_572, %dma_start3A_573] : memref<4096x50x300xf32, #tpu.memory_space<hbm>> -> memref<1x50x300xf32, #tpu.memory_space<hbm>>
      %dma_start3A_575 = tpu.memref_squeeze %dma_start3A_574 : memref<1x50x300xf32, #tpu.memory_space<hbm>> -> memref<50x300xf32, #tpu.memory_space<hbm>>
      %dma_start3A_576 = arith.constant 0 : i32
      %dma_start3A_577 = arith.constant 0 : i32
      %dma_start3A_578 = tpu.memref_slice %arg7[%dma_start3A_563, %dma_start3A_576, %dma_start3A_577] : memref<2x50x300xf32, #tpu.memory_space<vmem>> -> memref<1x50x300xf32, #tpu.memory_space<vmem>>
      %dma_start3A_579 = tpu.memref_squeeze %dma_start3A_578 : memref<1x50x300xf32, #tpu.memory_space<vmem>> -> memref<50x300xf32, #tpu.memory_space<vmem>>
      tpu.enqueue_dma source(%dma_start3A_579 : memref<50x300xf32, #tpu.memory_space<vmem>>) target(%dma_start3A_575 : memref<50x300xf32, #tpu.memory_space<hbm>>) target_semaphore(%arg11 : memref<!tpu.dma_semaphore, #tpu.memory_space<semaphore_mem>>)
      %add3A_580 = arith.constant 1 : i32
      %add3A_581 = arith.addi %add3A_560, %add3A_580 : i32
      %dma_start3A_582 = arith.constant 1 : i32
      %dma_start3A_583 = arith.constant 0 : i32
      %dma_start3A_584 = arith.constant 0 : i32
      %dma_start3A_585 = tpu.memref_slice %arg7[%dma_start3A_582, %dma_start3A_583, %dma_start3A_584] : memref<2x50x300xf32, #tpu.memory_space<vmem>> -> memref<1x50x300xf32, #tpu.memory_space<vmem>>
      %dma_start3A_586 = tpu.memref_squeeze %dma_start3A_585 : memref<1x50x300xf32, #tpu.memory_space<vmem>> -> memref<50x300xf32, #tpu.memory_space<vmem>>
      %dma_start3A_587 = arith.constant 0 : i32
      %dma_start3A_588 = arith.constant 0 : i32
      %dma_start3A_589 = tpu.memref_slice %arg4[%add3A_581, %dma_start3A_587, %dma_start3A_588] : memref<4096x50x300xf32, #tpu.memory_space<hbm>> -> memref<1x50x300xf32, #tpu.memory_space<hbm>>
      %dma_start3A_590 = tpu.memref_squeeze %dma_start3A_589 : memref<1x50x300xf32, #tpu.memory_space<hbm>> -> memref<50x300xf32, #tpu.memory_space<hbm>>
      %dma_start3A_591 = arith.constant 0 : i32
      %dma_start3A_592 = arith.constant 0 : i32
      %dma_start3A_593 = tpu.memref_slice %arg4[%add3A_581, %dma_start3A_591, %dma_start3A_592] : memref<4096x50x300xf32, #tpu.memory_space<hbm>> -> memref<1x50x300xf32, #tpu.memory_space<hbm>>
      %dma_start3A_594 = tpu.memref_squeeze %dma_start3A_593 : memref<1x50x300xf32, #tpu.memory_space<hbm>> -> memref<50x300xf32, #tpu.memory_space<hbm>>
      %dma_start3A_595 = arith.constant 0 : i32
      %dma_start3A_596 = arith.constant 0 : i32
      %dma_start3A_597 = tpu.memref_slice %arg7[%dma_start3A_582, %dma_start3A_595, %dma_start3A_596] : memref<2x50x300xf32, #tpu.memory_space<vmem>> -> memref<1x50x300xf32, #tpu.memory_space<vmem>>
      %dma_start3A_598 = tpu.memref_squeeze %dma_start3A_597 : memref<1x50x300xf32, #tpu.memory_space<vmem>> -> memref<50x300xf32, #tpu.memory_space<vmem>>
      tpu.enqueue_dma source(%dma_start3A_598 : memref<50x300xf32, #tpu.memory_space<vmem>>) target(%dma_start3A_594 : memref<50x300xf32, #tpu.memory_space<hbm>>) target_semaphore(%arg11 : memref<!tpu.dma_semaphore, #tpu.memory_space<semaphore_mem>>)
      %dma_wait3A_599 = arith.constant 0 : i32
      %dma_wait3A_600 = arith.constant 0 : i32
      %dma_wait3A_601 = arith.constant 0 : i32
      %dma_wait3A_602 = arith.constant 0 : i32
      %dma_wait3A_603 = tpu.memref_slice %arg7[%dma_wait3A_599, %dma_wait3A_601, %dma_wait3A_602] : memref<2x50x300xf32, #tpu.memory_space<vmem>> -> memref<1x50x300xf32, #tpu.memory_space<vmem>>
      %dma_wait3A_604 = tpu.memref_squeeze %dma_wait3A_603 : memref<1x50x300xf32, #tpu.memory_space<vmem>> -> memref<50x300xf32, #tpu.memory_space<vmem>>
      %dma_wait3A_605 = arith.constant 0 : i32
      %dma_wait3A_606 = arith.constant 0 : i32
      %dma_wait3A_607 = tpu.memref_slice %arg4[%dma_wait3A_600, %dma_wait3A_605, %dma_wait3A_606] : memref<4096x50x300xf32, #tpu.memory_space<hbm>> -> memref<1x50x300xf32, #tpu.memory_space<hbm>>
      %dma_wait3A_608 = tpu.memref_squeeze %dma_wait3A_607 : memref<1x50x300xf32, #tpu.memory_space<hbm>> -> memref<50x300xf32, #tpu.memory_space<hbm>>
      %dma_wait3A_609 = arith.constant 0 : i32
      %dma_wait3A_610 = arith.constant 0 : i32
      %dma_wait3A_611 = tpu.memref_slice %arg4[%dma_wait3A_600, %dma_wait3A_609, %dma_wait3A_610] : memref<4096x50x300xf32, #tpu.memory_space<hbm>> -> memref<1x50x300xf32, #tpu.memory_space<hbm>>
      %dma_wait3A_612 = tpu.memref_squeeze %dma_wait3A_611 : memref<1x50x300xf32, #tpu.memory_space<hbm>> -> memref<50x300xf32, #tpu.memory_space<hbm>>
      %dma_wait3A_613 = arith.constant 0 : i32
      %dma_wait3A_614 = arith.constant 0 : i32
      %dma_wait3A_615 = tpu.memref_slice %arg7[%dma_wait3A_599, %dma_wait3A_613, %dma_wait3A_614] : memref<2x50x300xf32, #tpu.memory_space<vmem>> -> memref<1x50x300xf32, #tpu.memory_space<vmem>>
      %dma_wait3A_616 = tpu.memref_squeeze %dma_wait3A_615 : memref<1x50x300xf32, #tpu.memory_space<vmem>> -> memref<50x300xf32, #tpu.memory_space<vmem>>
      tpu.wait_dma2 semaphore(%arg11 : memref<!tpu.dma_semaphore, #tpu.memory_space<semaphore_mem>>) src(%dma_wait3A_616 : memref<50x300xf32, #tpu.memory_space<vmem>>) dst(%dma_wait3A_612 : memref<50x300xf32, #tpu.memory_space<hbm>>)
      %dma_wait3A_617 = arith.constant 0 : i32
      %dma_wait3A_618 = arith.constant 0 : i32
      %dma_wait3A_619 = arith.constant 0 : i32
      %dma_wait3A_620 = arith.constant 0 : i32
      %dma_wait3A_621 = tpu.memref_slice %arg7[%dma_wait3A_617, %dma_wait3A_619, %dma_wait3A_620] : memref<2x50x300xf32, #tpu.memory_space<vmem>> -> memref<1x50x300xf32, #tpu.memory_space<vmem>>
      %dma_wait3A_622 = tpu.memref_squeeze %dma_wait3A_621 : memref<1x50x300xf32, #tpu.memory_space<vmem>> -> memref<50x300xf32, #tpu.memory_space<vmem>>
      %dma_wait3A_623 = arith.constant 0 : i32
      %dma_wait3A_624 = arith.constant 0 : i32
      %dma_wait3A_625 = tpu.memref_slice %arg4[%dma_wait3A_618, %dma_wait3A_623, %dma_wait3A_624] : memref<4096x50x300xf32, #tpu.memory_space<hbm>> -> memref<1x50x300xf32, #tpu.memory_space<hbm>>
      %dma_wait3A_626 = tpu.memref_squeeze %dma_wait3A_625 : memref<1x50x300xf32, #tpu.memory_space<hbm>> -> memref<50x300xf32, #tpu.memory_space<hbm>>
      %dma_wait3A_627 = arith.constant 0 : i32
      %dma_wait3A_628 = arith.constant 0 : i32
      %dma_wait3A_629 = tpu.memref_slice %arg4[%dma_wait3A_618, %dma_wait3A_627, %dma_wait3A_628] : memref<4096x50x300xf32, #tpu.memory_space<hbm>> -> memref<1x50x300xf32, #tpu.memory_space<hbm>>
      %dma_wait3A_630 = tpu.memref_squeeze %dma_wait3A_629 : memref<1x50x300xf32, #tpu.memory_space<hbm>> -> memref<50x300xf32, #tpu.memory_space<hbm>>
      %dma_wait3A_631 = arith.constant 0 : i32
      %dma_wait3A_632 = arith.constant 0 : i32
      %dma_wait3A_633 = tpu.memref_slice %arg7[%dma_wait3A_617, %dma_wait3A_631, %dma_wait3A_632] : memref<2x50x300xf32, #tpu.memory_space<vmem>> -> memref<1x50x300xf32, #tpu.memory_space<vmem>>
      %dma_wait3A_634 = tpu.memref_squeeze %dma_wait3A_633 : memref<1x50x300xf32, #tpu.memory_space<vmem>> -> memref<50x300xf32, #tpu.memory_space<vmem>>
      tpu.wait_dma2 semaphore(%arg11 : memref<!tpu.dma_semaphore, #tpu.memory_space<semaphore_mem>>) src(%dma_wait3A_634 : memref<50x300xf32, #tpu.memory_space<vmem>>) dst(%dma_wait3A_630 : memref<50x300xf32, #tpu.memory_space<hbm>>)
      %add3A_635 = arith.constant 2 : i32
      %add3A_636 = arith.addi %add3A_549, %add3A_635 : i32
      %scan3A_637 = arith.constant 0 : i32
      %scan3A_638 = arith.constant 0 : i32
      %scan3A_639 = arith.constant 6 : i32
      %scan3A_640 = arith.addi %scan3A_638, %scan3A_639 : i32
      %scan3A_641 = arith.constant 1 : i32
      scf.for %scan3A_734 = %scan3A_638 to %scan3A_640 step %scan3A_641  : i32 {
        %mul3A_735 = arith.constant 100 : i32
        %mul3A_736 = arith.muli %add3A_636, %mul3A_735 : i32
        %mul3A_737 = arith.constant 16 : i32
        %mul3A_738 = arith.muli %scan3A_734, %mul3A_737 : i32
        %add3A_739 = arith.addi %mul3A_736, %mul3A_738 : i32
        %get3A_740 = arith.index_cast %add3A_739 : i32 to index
        %get3A_741 = tpu.vector_load %arg5[%get3A_740] {strides = array<i32>} : memref<6416xi32, #tpu.memory_space<vmem>>, vector<16xi32>,
        %get3A_742 = vector.shape_cast %get3A_741 : vector<16xi32> to vector<16xi32>
        %mul3A_743 = arith.constant 16 : i32
        %mul3A_744 = arith.muli %scan3A_734, %mul3A_743 : i32
        %add3A_745 = arith.constant 0 : i32
        %add3A_746 = arith.addi %mul3A_744, %add3A_745 : i32
        %slice3A_747 = vector.extract_strided_slice %get3A_742 {offsets = [0], sizes = [1], strides = [1]} : vector<16xi32> to vector<1xi32>
        %squeeze3A_748 = vector.extract %slice3A_747[0] : i32 from vector<1xi32>
        %jit3A = arith.constant 50 : i32
        %div3A = arith.divsi %add3A_746, %jit3A : i32
        %sign3A = arith.constant 0 : i32
        %sign3A_749 = arith.cmpi sgt, %add3A_746, %sign3A : i32
        %sign3A_750 = arith.extui %sign3A_749 : i1 to i32
        %sign3A_751 = arith.constant 0 : i32
        %sign3A_752 = arith.cmpi slt, %add3A_746, %sign3A_751 : i32
        %sign3A_753 = arith.extui %sign3A_752 : i1 to i32
        %sign3A_754 = arith.subi %sign3A_750, %sign3A_753 : i32
        %sign3A_755 = arith.constant 0 : i32
        %sign3A_756 = arith.cmpi sgt, %jit3A, %sign3A_755 : i32
        %sign3A_757 = arith.extui %sign3A_756 : i1 to i32
        %sign3A_758 = arith.constant 0 : i32
        %sign3A_759 = arith.cmpi slt, %jit3A, %sign3A_758 : i32
        %sign3A_760 = arith.extui %sign3A_759 : i1 to i32
        %sign3A_761 = arith.subi %sign3A_757, %sign3A_760 : i32
        %ne3A = arith.cmpi ne, %sign3A_754, %sign3A_761 : i32
        %rem3A = arith.remsi %add3A_746, %jit3A : i32
        %ne3A_762 = arith.constant 0 : i32
        %ne3A_763 = arith.cmpi ne, %rem3A, %ne3A_762 : i32
        %and3A = arith.andi %ne3A, %ne3A_763 : i1
        %sub3A = arith.constant 1 : i32
        %sub3A_764 = arith.subi %div3A, %sub3A : i32
        %select_n3A = arith.select %and3A, %sub3A_764, %div3A : i32
        %mul3A_765 = arith.constant 50 : i32
        %mul3A_766 = arith.muli %select_n3A, %mul3A_765 : i32
        %sub3A_767 = arith.subi %add3A_746, %mul3A_766 : i32
        %dma_start3A_768 = arith.constant 0 : i32
        %dma_start3A_769 = arith.constant 0 : i32
        %dma_start3A_770 = tpu.memref_slice %arg7[%select_n3A, %dma_start3A_768, %dma_start3A_769] : memref<2x50x300xf32, #tpu.memory_space<vmem>> -> memref<1x50x300xf32, #tpu.memory_space<vmem>>
        %dma_start3A_771 = tpu.memref_squeeze %dma_start3A_770 : memref<1x50x300xf32, #tpu.memory_space<vmem>> -> memref<50x300xf32, #tpu.memory_space<vmem>>
        %dma_start3A_772 = arith.constant 0 : i32
        %dma_start3A_773 = tpu.memref_slice %dma_start3A_771[%sub3A_767, %dma_start3A_772] : memref<50x300xf32, #tpu.memory_space<vmem>> -> memref<1x300xf32, #tpu.memory_space<vmem>>
        %dma_start3A_774 = arith.constant 0 : i32
        %dma_start3A_775 = tpu.memref_slice %arg3[%squeeze3A_748, %dma_start3A_774] : memref<400000x300xf32, #tpu.memory_space<hbm>> -> memref<1x300xf32, #tpu.memory_space<hbm>>
        %dma_start3A_776 = arith.constant 0 : i32
        %dma_start3A_777 = arith.constant 0 : i32
        %dma_start3A_778 = tpu.memref_slice %arg7[%select_n3A, %dma_start3A_776, %dma_start3A_777] : memref<2x50x300xf32, #tpu.memory_space<vmem>> -> memref<1x50x300xf32, #tpu.memory_space<vmem>>
        %dma_start3A_779 = tpu.memref_squeeze %dma_start3A_778 : memref<1x50x300xf32, #tpu.memory_space<vmem>> -> memref<50x300xf32, #tpu.memory_space<vmem>>
        %dma_start3A_780 = arith.constant 0 : i32
        %dma_start3A_781 = tpu.memref_slice %dma_start3A_779[%sub3A_767, %dma_start3A_780] : memref<50x300xf32, #tpu.memory_space<vmem>> -> memref<1x300xf32, #tpu.memory_space<vmem>>
        %dma_start3A_782 = arith.constant 0 : i32
        %dma_start3A_783 = tpu.memref_slice %arg3[%squeeze3A_748, %dma_start3A_782] : memref<400000x300xf32, #tpu.memory_space<hbm>> -> memref<1x300xf32, #tpu.memory_space<hbm>>
        tpu.enqueue_dma source(%dma_start3A_783 : memref<1x300xf32, #tpu.memory_space<hbm>>) target(%dma_start3A_781 : memref<1x300xf32, #tpu.memory_space<vmem>>) target_semaphore(%arg9 : memref<!tpu.dma_semaphore, #tpu.memory_space<semaphore_mem>>)
        %mul3A_784 = arith.constant 16 : i32
        %mul3A_785 = arith.muli %scan3A_734, %mul3A_784 : i32
        %add3A_786 = arith.constant 1 : i32
        %add3A_787 = arith.addi %mul3A_785, %add3A_786 : i32
        %slice3A_788 = vector.extract_strided_slice %get3A_742 {offsets = [1], sizes = [1], strides = [1]} : vector<16xi32> to vector<1xi32>
        %squeeze3A_789 = vector.extract %slice3A_788[0] : i32 from vector<1xi32>
        %jit3A_790 = arith.constant 50 : i32
        %div3A_791 = arith.divsi %add3A_787, %jit3A_790 : i32
        %sign3A_792 = arith.constant 0 : i32
        %sign3A_793 = arith.cmpi sgt, %add3A_787, %sign3A_792 : i32
        %sign3A_794 = arith.extui %sign3A_793 : i1 to i32
        %sign3A_795 = arith.constant 0 : i32
        %sign3A_796 = arith.cmpi slt, %add3A_787, %sign3A_795 : i32
        %sign3A_797 = arith.extui %sign3A_796 : i1 to i32
        %sign3A_798 = arith.subi %sign3A_794, %sign3A_797 : i32
        %sign3A_799 = arith.constant 0 : i32
        %sign3A_800 = arith.cmpi sgt, %jit3A_790, %sign3A_799 : i32
        %sign3A_801 = arith.extui %sign3A_800 : i1 to i32
        %sign3A_802 = arith.constant 0 : i32
        %sign3A_803 = arith.cmpi slt, %jit3A_790, %sign3A_802 : i32
        %sign3A_804 = arith.extui %sign3A_803 : i1 to i32
        %sign3A_805 = arith.subi %sign3A_801, %sign3A_804 : i32
        %ne3A_806 = arith.cmpi ne, %sign3A_798, %sign3A_805 : i32
        %rem3A_807 = arith.remsi %add3A_787, %jit3A_790 : i32
        %ne3A_808 = arith.constant 0 : i32
        %ne3A_809 = arith.cmpi ne, %rem3A_807, %ne3A_808 : i32
        %and3A_810 = arith.andi %ne3A_806, %ne3A_809 : i1
        %sub3A_811 = arith.constant 1 : i32
        %sub3A_812 = arith.subi %div3A_791, %sub3A_811 : i32
        %select_n3A_813 = arith.select %and3A_810, %sub3A_812, %div3A_791 : i32
        %mul3A_814 = arith.constant 50 : i32
        %mul3A_815 = arith.muli %select_n3A_813, %mul3A_814 : i32
        %sub3A_816 = arith.subi %add3A_787, %mul3A_815 : i32
        %dma_start3A_817 = arith.constant 0 : i32
        %dma_start3A_818 = arith.constant 0 : i32
        %dma_start3A_819 = tpu.memref_slice %arg7[%select_n3A_813, %dma_start3A_817, %dma_start3A_818] : memref<2x50x300xf32, #tpu.memory_space<vmem>> -> memref<1x50x300xf32, #tpu.memory_space<vmem>>
        %dma_start3A_820 = tpu.memref_squeeze %dma_start3A_819 : memref<1x50x300xf32, #tpu.memory_space<vmem>> -> memref<50x300xf32, #tpu.memory_space<vmem>>
        %dma_start3A_821 = arith.constant 0 : i32
        %dma_start3A_822 = tpu.memref_slice %dma_start3A_820[%sub3A_816, %dma_start3A_821] : memref<50x300xf32, #tpu.memory_space<vmem>> -> memref<1x300xf32, #tpu.memory_space<vmem>>
        %dma_start3A_823 = arith.constant 0 : i32
        %dma_start3A_824 = tpu.memref_slice %arg3[%squeeze3A_789, %dma_start3A_823] : memref<400000x300xf32, #tpu.memory_space<hbm>> -> memref<1x300xf32, #tpu.memory_space<hbm>>
        %dma_start3A_825 = arith.constant 0 : i32
        %dma_start3A_826 = arith.constant 0 : i32
        %dma_start3A_827 = tpu.memref_slice %arg7[%select_n3A_813, %dma_start3A_825, %dma_start3A_826] : memref<2x50x300xf32, #tpu.memory_space<vmem>> -> memref<1x50x300xf32, #tpu.memory_space<vmem>>
        %dma_start3A_828 = tpu.memref_squeeze %dma_start3A_827 : memref<1x50x300xf32, #tpu.memory_space<vmem>> -> memref<50x300xf32, #tpu.memory_space<vmem>>
        %dma_start3A_829 = arith.constant 0 : i32
        %dma_start3A_830 = tpu.memref_slice %dma_start3A_828[%sub3A_816, %dma_start3A_829] : memref<50x300xf32, #tpu.memory_space<vmem>> -> memref<1x300xf32, #tpu.memory_space<vmem>>
        %dma_start3A_831 = arith.constant 0 : i32
        %dma_start3A_832 = tpu.memref_slice %arg3[%squeeze3A_789, %dma_start3A_831] : memref<400000x300xf32, #tpu.memory_space<hbm>> -> memref<1x300xf32, #tpu.memory_space<hbm>>
        tpu.enqueue_dma source(%dma_start3A_832 : memref<1x300xf32, #tpu.memory_space<hbm>>) target(%dma_start3A_830 : memref<1x300xf32, #tpu.memory_space<vmem>>) target_semaphore(%arg9 : memref<!tpu.dma_semaphore, #tpu.memory_space<semaphore_mem>>)
        %mul3A_833 = arith.constant 16 : i32
        %mul3A_834 = arith.muli %scan3A_734, %mul3A_833 : i32
        %add3A_835 = arith.constant 2 : i32
        %add3A_836 = arith.addi %mul3A_834, %add3A_835 : i32
        %slice3A_837 = vector.extract_strided_slice %get3A_742 {offsets = [2], sizes = [1], strides = [1]} : vector<16xi32> to vector<1xi32>
        %squeeze3A_838 = vector.extract %slice3A_837[0] : i32 from vector<1xi32>
        %jit3A_839 = arith.constant 50 : i32
        %div3A_840 = arith.divsi %add3A_836, %jit3A_839 : i32
        %sign3A_841 = arith.constant 0 : i32
        %sign3A_842 = arith.cmpi sgt, %add3A_836, %sign3A_841 : i32
        %sign3A_843 = arith.extui %sign3A_842 : i1 to i32
        %sign3A_844 = arith.constant 0 : i32
        %sign3A_845 = arith.cmpi slt, %add3A_836, %sign3A_844 : i32
        %sign3A_846 = arith.extui %sign3A_845 : i1 to i32
        %sign3A_847 = arith.subi %sign3A_843, %sign3A_846 : i32
        %sign3A_848 = arith.constant 0 : i32
        %sign3A_849 = arith.cmpi sgt, %jit3A_839, %sign3A_848 : i32
        %sign3A_850 = arith.extui %sign3A_849 : i1 to i32
        %sign3A_851 = arith.constant 0 : i32
        %sign3A_852 = arith.cmpi slt, %jit3A_839, %sign3A_851 : i32
        %sign3A_853 = arith.extui %sign3A_852 : i1 to i32
        %sign3A_854 = arith.subi %sign3A_850, %sign3A_853 : i32
        %ne3A_855 = arith.cmpi ne, %sign3A_847, %sign3A_854 : i32
        %rem3A_856 = arith.remsi %add3A_836, %jit3A_839 : i32
        %ne3A_857 = arith.constant 0 : i32
        %ne3A_858 = arith.cmpi ne, %rem3A_856, %ne3A_857 : i32
        %and3A_859 = arith.andi %ne3A_855, %ne3A_858 : i1
        %sub3A_860 = arith.constant 1 : i32
        %sub3A_861 = arith.subi %div3A_840, %sub3A_860 : i32
        %select_n3A_862 = arith.select %and3A_859, %sub3A_861, %div3A_840 : i32
        %mul3A_863 = arith.constant 50 : i32
        %mul3A_864 = arith.muli %select_n3A_862, %mul3A_863 : i32
        %sub3A_865 = arith.subi %add3A_836, %mul3A_864 : i32
        %dma_start3A_866 = arith.constant 0 : i32
        %dma_start3A_867 = arith.constant 0 : i32
        %dma_start3A_868 = tpu.memref_slice %arg7[%select_n3A_862, %dma_start3A_866, %dma_start3A_867] : memref<2x50x300xf32, #tpu.memory_space<vmem>> -> memref<1x50x300xf32, #tpu.memory_space<vmem>>
        %dma_start3A_869 = tpu.memref_squeeze %dma_start3A_868 : memref<1x50x300xf32, #tpu.memory_space<vmem>> -> memref<50x300xf32, #tpu.memory_space<vmem>>
        %dma_start3A_870 = arith.constant 0 : i32
        %dma_start3A_871 = tpu.memref_slice %dma_start3A_869[%sub3A_865, %dma_start3A_870] : memref<50x300xf32, #tpu.memory_space<vmem>> -> memref<1x300xf32, #tpu.memory_space<vmem>>
        %dma_start3A_872 = arith.constant 0 : i32
        %dma_start3A_873 = tpu.memref_slice %arg3[%squeeze3A_838, %dma_start3A_872] : memref<400000x300xf32, #tpu.memory_space<hbm>> -> memref<1x300xf32, #tpu.memory_space<hbm>>
        %dma_start3A_874 = arith.constant 0 : i32
        %dma_start3A_875 = arith.constant 0 : i32
        %dma_start3A_876 = tpu.memref_slice %arg7[%select_n3A_862, %dma_start3A_874, %dma_start3A_875] : memref<2x50x300xf32, #tpu.memory_space<vmem>> -> memref<1x50x300xf32, #tpu.memory_space<vmem>>
        %dma_start3A_877 = tpu.memref_squeeze %dma_start3A_876 : memref<1x50x300xf32, #tpu.memory_space<vmem>> -> memref<50x300xf32, #tpu.memory_space<vmem>>
        %dma_start3A_878 = arith.constant 0 : i32
        %dma_start3A_879 = tpu.memref_slice %dma_start3A_877[%sub3A_865, %dma_start3A_878] : memref<50x300xf32, #tpu.memory_space<vmem>> -> memref<1x300xf32, #tpu.memory_space<vmem>>
        %dma_start3A_880 = arith.constant 0 : i32
        %dma_start3A_881 = tpu.memref_slice %arg3[%squeeze3A_838, %dma_start3A_880] : memref<400000x300xf32, #tpu.memory_space<hbm>> -> memref<1x300xf32, #tpu.memory_space<hbm>>
        tpu.enqueue_dma source(%dma_start3A_881 : memref<1x300xf32, #tpu.memory_space<hbm>>) target(%dma_start3A_879 : memref<1x300xf32, #tpu.memory_space<vmem>>) target_semaphore(%arg9 : memref<!tpu.dma_semaphore, #tpu.memory_space<semaphore_mem>>)
        %mul3A_882 = arith.constant 16 : i32
        %mul3A_883 = arith.muli %scan3A_734, %mul3A_882 : i32
        %add3A_884 = arith.constant 3 : i32
        %add3A_885 = arith.addi %mul3A_883, %add3A_884 : i32
        %slice3A_886 = vector.extract_strided_slice %get3A_742 {offsets = [3], sizes = [1], strides = [1]} : vector<16xi32> to vector<1xi32>
        %squeeze3A_887 = vector.extract %slice3A_886[0] : i32 from vector<1xi32>
        %jit3A_888 = arith.constant 50 : i32
        %div3A_889 = arith.divsi %add3A_885, %jit3A_888 : i32
        %sign3A_890 = arith.constant 0 : i32
        %sign3A_891 = arith.cmpi sgt, %add3A_885, %sign3A_890 : i32
        %sign3A_892 = arith.extui %sign3A_891 : i1 to i32
        %sign3A_893 = arith.constant 0 : i32
        %sign3A_894 = arith.cmpi slt, %add3A_885, %sign3A_893 : i32
        %sign3A_895 = arith.extui %sign3A_894 : i1 to i32
        %sign3A_896 = arith.subi %sign3A_892, %sign3A_895 : i32
        %sign3A_897 = arith.constant 0 : i32
        %sign3A_898 = arith.cmpi sgt, %jit3A_888, %sign3A_897 : i32
        %sign3A_899 = arith.extui %sign3A_898 : i1 to i32
        %sign3A_900 = arith.constant 0 : i32
        %sign3A_901 = arith.cmpi slt, %jit3A_888, %sign3A_900 : i32
        %sign3A_902 = arith.extui %sign3A_901 : i1 to i32
        %sign3A_903 = arith.subi %sign3A_899, %sign3A_902 : i32
        %ne3A_904 = arith.cmpi ne, %sign3A_896, %sign3A_903 : i32
        %rem3A_905 = arith.remsi %add3A_885, %jit3A_888 : i32
        %ne3A_906 = arith.constant 0 : i32
        %ne3A_907 = arith.cmpi ne, %rem3A_905, %ne3A_906 : i32
        %and3A_908 = arith.andi %ne3A_904, %ne3A_907 : i1
        %sub3A_909 = arith.constant 1 : i32
        %sub3A_910 = arith.subi %div3A_889, %sub3A_909 : i32
        %select_n3A_911 = arith.select %and3A_908, %sub3A_910, %div3A_889 : i32
        %mul3A_912 = arith.constant 50 : i32
        %mul3A_913 = arith.muli %select_n3A_911, %mul3A_912 : i32
        %sub3A_914 = arith.subi %add3A_885, %mul3A_913 : i32
        %dma_start3A_915 = arith.constant 0 : i32
        %dma_start3A_916 = arith.constant 0 : i32
        %dma_start3A_917 = tpu.memref_slice %arg7[%select_n3A_911, %dma_start3A_915, %dma_start3A_916] : memref<2x50x300xf32, #tpu.memory_space<vmem>> -> memref<1x50x300xf32, #tpu.memory_space<vmem>>
        %dma_start3A_918 = tpu.memref_squeeze %dma_start3A_917 : memref<1x50x300xf32, #tpu.memory_space<vmem>> -> memref<50x300xf32, #tpu.memory_space<vmem>>
        %dma_start3A_919 = arith.constant 0 : i32
        %dma_start3A_920 = tpu.memref_slice %dma_start3A_918[%sub3A_914, %dma_start3A_919] : memref<50x300xf32, #tpu.memory_space<vmem>> -> memref<1x300xf32, #tpu.memory_space<vmem>>
        %dma_start3A_921 = arith.constant 0 : i32
        %dma_start3A_922 = tpu.memref_slice %arg3[%squeeze3A_887, %dma_start3A_921] : memref<400000x300xf32, #tpu.memory_space<hbm>> -> memref<1x300xf32, #tpu.memory_space<hbm>>
        %dma_start3A_923 = arith.constant 0 : i32
        %dma_start3A_924 = arith.constant 0 : i32
        %dma_start3A_925 = tpu.memref_slice %arg7[%select_n3A_911, %dma_start3A_923, %dma_start3A_924] : memref<2x50x300xf32, #tpu.memory_space<vmem>> -> memref<1x50x300xf32, #tpu.memory_space<vmem>>
        %dma_start3A_926 = tpu.memref_squeeze %dma_start3A_925 : memref<1x50x300xf32, #tpu.memory_space<vmem>> -> memref<50x300xf32, #tpu.memory_space<vmem>>
        %dma_start3A_927 = arith.constant 0 : i32
        %dma_start3A_928 = tpu.memref_slice %dma_start3A_926[%sub3A_914, %dma_start3A_927] : memref<50x300xf32, #tpu.memory_space<vmem>> -> memref<1x300xf32, #tpu.memory_space<vmem>>
        %dma_start3A_929 = arith.constant 0 : i32
        %dma_start3A_930 = tpu.memref_slice %arg3[%squeeze3A_887, %dma_start3A_929] : memref<400000x300xf32, #tpu.memory_space<hbm>> -> memref<1x300xf32, #tpu.memory_space<hbm>>
        tpu.enqueue_dma source(%dma_start3A_930 : memref<1x300xf32, #tpu.memory_space<hbm>>) target(%dma_start3A_928 : memref<1x300xf32, #tpu.memory_space<vmem>>) target_semaphore(%arg9 : memref<!tpu.dma_semaphore, #tpu.memory_space<semaphore_mem>>)
        %mul3A_931 = arith.constant 16 : i32
        %mul3A_932 = arith.muli %scan3A_734, %mul3A_931 : i32
        %add3A_933 = arith.constant 4 : i32
        %add3A_934 = arith.addi %mul3A_932, %add3A_933 : i32
        %slice3A_935 = vector.extract_strided_slice %get3A_742 {offsets = [4], sizes = [1], strides = [1]} : vector<16xi32> to vector<1xi32>
        %squeeze3A_936 = vector.extract %slice3A_935[0] : i32 from vector<1xi32>
        %jit3A_937 = arith.constant 50 : i32
        %div3A_938 = arith.divsi %add3A_934, %jit3A_937 : i32
        %sign3A_939 = arith.constant 0 : i32
        %sign3A_940 = arith.cmpi sgt, %add3A_934, %sign3A_939 : i32
        %sign3A_941 = arith.extui %sign3A_940 : i1 to i32
        %sign3A_942 = arith.constant 0 : i32
        %sign3A_943 = arith.cmpi slt, %add3A_934, %sign3A_942 : i32
        %sign3A_944 = arith.extui %sign3A_943 : i1 to i32
        %sign3A_945 = arith.subi %sign3A_941, %sign3A_944 : i32
        %sign3A_946 = arith.constant 0 : i32
        %sign3A_947 = arith.cmpi sgt, %jit3A_937, %sign3A_946 : i32
        %sign3A_948 = arith.extui %sign3A_947 : i1 to i32
        %sign3A_949 = arith.constant 0 : i32
        %sign3A_950 = arith.cmpi slt, %jit3A_937, %sign3A_949 : i32
        %sign3A_951 = arith.extui %sign3A_950 : i1 to i32
        %sign3A_952 = arith.subi %sign3A_948, %sign3A_951 : i32
        %ne3A_953 = arith.cmpi ne, %sign3A_945, %sign3A_952 : i32
        %rem3A_954 = arith.remsi %add3A_934, %jit3A_937 : i32
        %ne3A_955 = arith.constant 0 : i32
        %ne3A_956 = arith.cmpi ne, %rem3A_954, %ne3A_955 : i32
        %and3A_957 = arith.andi %ne3A_953, %ne3A_956 : i1
        %sub3A_958 = arith.constant 1 : i32
        %sub3A_959 = arith.subi %div3A_938, %sub3A_958 : i32
        %select_n3A_960 = arith.select %and3A_957, %sub3A_959, %div3A_938 : i32
        %mul3A_961 = arith.constant 50 : i32
        %mul3A_962 = arith.muli %select_n3A_960, %mul3A_961 : i32
        %sub3A_963 = arith.subi %add3A_934, %mul3A_962 : i32
        %dma_start3A_964 = arith.constant 0 : i32
        %dma_start3A_965 = arith.constant 0 : i32
        %dma_start3A_966 = tpu.memref_slice %arg7[%select_n3A_960, %dma_start3A_964, %dma_start3A_965] : memref<2x50x300xf32, #tpu.memory_space<vmem>> -> memref<1x50x300xf32, #tpu.memory_space<vmem>>
        %dma_start3A_967 = tpu.memref_squeeze %dma_start3A_966 : memref<1x50x300xf32, #tpu.memory_space<vmem>> -> memref<50x300xf32, #tpu.memory_space<vmem>>
        %dma_start3A_968 = arith.constant 0 : i32
        %dma_start3A_969 = tpu.memref_slice %dma_start3A_967[%sub3A_963, %dma_start3A_968] : memref<50x300xf32, #tpu.memory_space<vmem>> -> memref<1x300xf32, #tpu.memory_space<vmem>>
        %dma_start3A_970 = arith.constant 0 : i32
        %dma_start3A_971 = tpu.memref_slice %arg3[%squeeze3A_936, %dma_start3A_970] : memref<400000x300xf32, #tpu.memory_space<hbm>> -> memref<1x300xf32, #tpu.memory_space<hbm>>
        %dma_start3A_972 = arith.constant 0 : i32
        %dma_start3A_973 = arith.constant 0 : i32
        %dma_start3A_974 = tpu.memref_slice %arg7[%select_n3A_960, %dma_start3A_972, %dma_start3A_973] : memref<2x50x300xf32, #tpu.memory_space<vmem>> -> memref<1x50x300xf32, #tpu.memory_space<vmem>>
        %dma_start3A_975 = tpu.memref_squeeze %dma_start3A_974 : memref<1x50x300xf32, #tpu.memory_space<vmem>> -> memref<50x300xf32, #tpu.memory_space<vmem>>
        %dma_start3A_976 = arith.constant 0 : i32
        %dma_start3A_977 = tpu.memref_slice %dma_start3A_975[%sub3A_963, %dma_start3A_976] : memref<50x300xf32, #tpu.memory_space<vmem>> -> memref<1x300xf32, #tpu.memory_space<vmem>>
        %dma_start3A_978 = arith.constant 0 : i32
        %dma_start3A_979 = tpu.memref_slice %arg3[%squeeze3A_936, %dma_start3A_978] : memref<400000x300xf32, #tpu.memory_space<hbm>> -> memref<1x300xf32, #tpu.memory_space<hbm>>
        tpu.enqueue_dma source(%dma_start3A_979 : memref<1x300xf32, #tpu.memory_space<hbm>>) target(%dma_start3A_977 : memref<1x300xf32, #tpu.memory_space<vmem>>) target_semaphore(%arg9 : memref<!tpu.dma_semaphore, #tpu.memory_space<semaphore_mem>>)
        %mul3A_980 = arith.constant 16 : i32
        %mul3A_981 = arith.muli %scan3A_734, %mul3A_980 : i32
        %add3A_982 = arith.constant 5 : i32
        %add3A_983 = arith.addi %mul3A_981, %add3A_982 : i32
        %slice3A_984 = vector.extract_strided_slice %get3A_742 {offsets = [5], sizes = [1], strides = [1]} : vector<16xi32> to vector<1xi32>
        %squeeze3A_985 = vector.extract %slice3A_984[0] : i32 from vector<1xi32>
        %jit3A_986 = arith.constant 50 : i32
        %div3A_987 = arith.divsi %add3A_983, %jit3A_986 : i32
        %sign3A_988 = arith.constant 0 : i32
        %sign3A_989 = arith.cmpi sgt, %add3A_983, %sign3A_988 : i32
        %sign3A_990 = arith.extui %sign3A_989 : i1 to i32
        %sign3A_991 = arith.constant 0 : i32
        %sign3A_992 = arith.cmpi slt, %add3A_983, %sign3A_991 : i32
        %sign3A_993 = arith.extui %sign3A_992 : i1 to i32
        %sign3A_994 = arith.subi %sign3A_990, %sign3A_993 : i32
        %sign3A_995 = arith.constant 0 : i32
        %sign3A_996 = arith.cmpi sgt, %jit3A_986, %sign3A_995 : i32
        %sign3A_997 = arith.extui %sign3A_996 : i1 to i32
        %sign3A_998 = arith.constant 0 : i32
        %sign3A_999 = arith.cmpi slt, %jit3A_986, %sign3A_998 : i32
        %sign3A_1000 = arith.extui %sign3A_999 : i1 to i32
        %sign3A_1001 = arith.subi %sign3A_997, %sign3A_1000 : i32
        %ne3A_1002 = arith.cmpi ne, %sign3A_994, %sign3A_1001 : i32
        %rem3A_1003 = arith.remsi %add3A_983, %jit3A_986 : i32
        %ne3A_1004 = arith.constant 0 : i32
        %ne3A_1005 = arith.cmpi ne, %rem3A_1003, %ne3A_1004 : i32
        %and3A_1006 = arith.andi %ne3A_1002, %ne3A_1005 : i1
        %sub3A_1007 = arith.constant 1 : i32
        %sub3A_1008 = arith.subi %div3A_987, %sub3A_1007 : i32
        %select_n3A_1009 = arith.select %and3A_1006, %sub3A_1008, %div3A_987 : i32
        %mul3A_1010 = arith.constant 50 : i32
        %mul3A_1011 = arith.muli %select_n3A_1009, %mul3A_1010 : i32
        %sub3A_1012 = arith.subi %add3A_983, %mul3A_1011 : i32
        %dma_start3A_1013 = arith.constant 0 : i32
        %dma_start3A_1014 = arith.constant 0 : i32
        %dma_start3A_1015 = tpu.memref_slice %arg7[%select_n3A_1009, %dma_start3A_1013, %dma_start3A_1014] : memref<2x50x300xf32, #tpu.memory_space<vmem>> -> memref<1x50x300xf32, #tpu.memory_space<vmem>>
        %dma_start3A_1016 = tpu.memref_squeeze %dma_start3A_1015 : memref<1x50x300xf32, #tpu.memory_space<vmem>> -> memref<50x300xf32, #tpu.memory_space<vmem>>
        %dma_start3A_1017 = arith.constant 0 : i32
        %dma_start3A_1018 = tpu.memref_slice %dma_start3A_1016[%sub3A_1012, %dma_start3A_1017] : memref<50x300xf32, #tpu.memory_space<vmem>> -> memref<1x300xf32, #tpu.memory_space<vmem>>
        %dma_start3A_1019 = arith.constant 0 : i32
        %dma_start3A_1020 = tpu.memref_slice %arg3[%squeeze3A_985, %dma_start3A_1019] : memref<400000x300xf32, #tpu.memory_space<hbm>> -> memref<1x300xf32, #tpu.memory_space<hbm>>
        %dma_start3A_1021 = arith.constant 0 : i32
        %dma_start3A_1022 = arith.constant 0 : i32
        %dma_start3A_1023 = tpu.memref_slice %arg7[%select_n3A_1009, %dma_start3A_1021, %dma_start3A_1022] : memref<2x50x300xf32, #tpu.memory_space<vmem>> -> memref<1x50x300xf32, #tpu.memory_space<vmem>>
        %dma_start3A_1024 = tpu.memref_squeeze %dma_start3A_1023 : memref<1x50x300xf32, #tpu.memory_space<vmem>> -> memref<50x300xf32, #tpu.memory_space<vmem>>
        %dma_start3A_1025 = arith.constant 0 : i32
        %dma_start3A_1026 = tpu.memref_slice %dma_start3A_1024[%sub3A_1012, %dma_start3A_1025] : memref<50x300xf32, #tpu.memory_space<vmem>> -> memref<1x300xf32, #tpu.memory_space<vmem>>
        %dma_start3A_1027 = arith.constant 0 : i32
        %dma_start3A_1028 = tpu.memref_slice %arg3[%squeeze3A_985, %dma_start3A_1027] : memref<400000x300xf32, #tpu.memory_space<hbm>> -> memref<1x300xf32, #tpu.memory_space<hbm>>
        tpu.enqueue_dma source(%dma_start3A_1028 : memref<1x300xf32, #tpu.memory_space<hbm>>) target(%dma_start3A_1026 : memref<1x300xf32, #tpu.memory_space<vmem>>) target_semaphore(%arg9 : memref<!tpu.dma_semaphore, #tpu.memory_space<semaphore_mem>>)
        %mul3A_1029 = arith.constant 16 : i32
        %mul3A_1030 = arith.muli %scan3A_734, %mul3A_1029 : i32
        %add3A_1031 = arith.constant 6 : i32
        %add3A_1032 = arith.addi %mul3A_1030, %add3A_1031 : i32
        %slice3A_1033 = vector.extract_strided_slice %get3A_742 {offsets = [6], sizes = [1], strides = [1]} : vector<16xi32> to vector<1xi32>
        %squeeze3A_1034 = vector.extract %slice3A_1033[0] : i32 from vector<1xi32>
        %jit3A_1035 = arith.constant 50 : i32
        %div3A_1036 = arith.divsi %add3A_1032, %jit3A_1035 : i32
        %sign3A_1037 = arith.constant 0 : i32
        %sign3A_1038 = arith.cmpi sgt, %add3A_1032, %sign3A_1037 : i32
        %sign3A_1039 = arith.extui %sign3A_1038 : i1 to i32
        %sign3A_1040 = arith.constant 0 : i32
        %sign3A_1041 = arith.cmpi slt, %add3A_1032, %sign3A_1040 : i32
        %sign3A_1042 = arith.extui %sign3A_1041 : i1 to i32
        %sign3A_1043 = arith.subi %sign3A_1039, %sign3A_1042 : i32
        %sign3A_1044 = arith.constant 0 : i32
        %sign3A_1045 = arith.cmpi sgt, %jit3A_1035, %sign3A_1044 : i32
        %sign3A_1046 = arith.extui %sign3A_1045 : i1 to i32
        %sign3A_1047 = arith.constant 0 : i32
        %sign3A_1048 = arith.cmpi slt, %jit3A_1035, %sign3A_1047 : i32
        %sign3A_1049 = arith.extui %sign3A_1048 : i1 to i32
        %sign3A_1050 = arith.subi %sign3A_1046, %sign3A_1049 : i32
        %ne3A_1051 = arith.cmpi ne, %sign3A_1043, %sign3A_1050 : i32
        %rem3A_1052 = arith.remsi %add3A_1032, %jit3A_1035 : i32
        %ne3A_1053 = arith.constant 0 : i32
        %ne3A_1054 = arith.cmpi ne, %rem3A_1052, %ne3A_1053 : i32
        %and3A_1055 = arith.andi %ne3A_1051, %ne3A_1054 : i1
        %sub3A_1056 = arith.constant 1 : i32
        %sub3A_1057 = arith.subi %div3A_1036, %sub3A_1056 : i32
        %select_n3A_1058 = arith.select %and3A_1055, %sub3A_1057, %div3A_1036 : i32
        %mul3A_1059 = arith.constant 50 : i32
        %mul3A_1060 = arith.muli %select_n3A_1058, %mul3A_1059 : i32
        %sub3A_1061 = arith.subi %add3A_1032, %mul3A_1060 : i32
        %dma_start3A_1062 = arith.constant 0 : i32
        %dma_start3A_1063 = arith.constant 0 : i32
        %dma_start3A_1064 = tpu.memref_slice %arg7[%select_n3A_1058, %dma_start3A_1062, %dma_start3A_1063] : memref<2x50x300xf32, #tpu.memory_space<vmem>> -> memref<1x50x300xf32, #tpu.memory_space<vmem>>
        %dma_start3A_1065 = tpu.memref_squeeze %dma_start3A_1064 : memref<1x50x300xf32, #tpu.memory_space<vmem>> -> memref<50x300xf32, #tpu.memory_space<vmem>>
        %dma_start3A_1066 = arith.constant 0 : i32
        %dma_start3A_1067 = tpu.memref_slice %dma_start3A_1065[%sub3A_1061, %dma_start3A_1066] : memref<50x300xf32, #tpu.memory_space<vmem>> -> memref<1x300xf32, #tpu.memory_space<vmem>>
        %dma_start3A_1068 = arith.constant 0 : i32
        %dma_start3A_1069 = tpu.memref_slice %arg3[%squeeze3A_1034, %dma_start3A_1068] : memref<400000x300xf32, #tpu.memory_space<hbm>> -> memref<1x300xf32, #tpu.memory_space<hbm>>
        %dma_start3A_1070 = arith.constant 0 : i32
        %dma_start3A_1071 = arith.constant 0 : i32
        %dma_start3A_1072 = tpu.memref_slice %arg7[%select_n3A_1058, %dma_start3A_1070, %dma_start3A_1071] : memref<2x50x300xf32, #tpu.memory_space<vmem>> -> memref<1x50x300xf32, #tpu.memory_space<vmem>>
        %dma_start3A_1073 = tpu.memref_squeeze %dma_start3A_1072 : memref<1x50x300xf32, #tpu.memory_space<vmem>> -> memref<50x300xf32, #tpu.memory_space<vmem>>
        %dma_start3A_1074 = arith.constant 0 : i32
        %dma_start3A_1075 = tpu.memref_slice %dma_start3A_1073[%sub3A_1061, %dma_start3A_1074] : memref<50x300xf32, #tpu.memory_space<vmem>> -> memref<1x300xf32, #tpu.memory_space<vmem>>
        %dma_start3A_1076 = arith.constant 0 : i32
        %dma_start3A_1077 = tpu.memref_slice %arg3[%squeeze3A_1034, %dma_start3A_1076] : memref<400000x300xf32, #tpu.memory_space<hbm>> -> memref<1x300xf32, #tpu.memory_space<hbm>>
        tpu.enqueue_dma source(%dma_start3A_1077 : memref<1x300xf32, #tpu.memory_space<hbm>>) target(%dma_start3A_1075 : memref<1x300xf32, #tpu.memory_space<vmem>>) target_semaphore(%arg9 : memref<!tpu.dma_semaphore, #tpu.memory_space<semaphore_mem>>)
        %mul3A_1078 = arith.constant 16 : i32
        %mul3A_1079 = arith.muli %scan3A_734, %mul3A_1078 : i32
        %add3A_1080 = arith.constant 7 : i32
        %add3A_1081 = arith.addi %mul3A_1079, %add3A_1080 : i32
        %slice3A_1082 = vector.extract_strided_slice %get3A_742 {offsets = [7], sizes = [1], strides = [1]} : vector<16xi32> to vector<1xi32>
        %squeeze3A_1083 = vector.extract %slice3A_1082[0] : i32 from vector<1xi32>
        %jit3A_1084 = arith.constant 50 : i32
        %div3A_1085 = arith.divsi %add3A_1081, %jit3A_1084 : i32
        %sign3A_1086 = arith.constant 0 : i32
        %sign3A_1087 = arith.cmpi sgt, %add3A_1081, %sign3A_1086 : i32
        %sign3A_1088 = arith.extui %sign3A_1087 : i1 to i32
        %sign3A_1089 = arith.constant 0 : i32
        %sign3A_1090 = arith.cmpi slt, %add3A_1081, %sign3A_1089 : i32
        %sign3A_1091 = arith.extui %sign3A_1090 : i1 to i32
        %sign3A_1092 = arith.subi %sign3A_1088, %sign3A_1091 : i32
        %sign3A_1093 = arith.constant 0 : i32
        %sign3A_1094 = arith.cmpi sgt, %jit3A_1084, %sign3A_1093 : i32
        %sign3A_1095 = arith.extui %sign3A_1094 : i1 to i32
        %sign3A_1096 = arith.constant 0 : i32
        %sign3A_1097 = arith.cmpi slt, %jit3A_1084, %sign3A_1096 : i32
        %sign3A_1098 = arith.extui %sign3A_1097 : i1 to i32
        %sign3A_1099 = arith.subi %sign3A_1095, %sign3A_1098 : i32
        %ne3A_1100 = arith.cmpi ne, %sign3A_1092, %sign3A_1099 : i32
        %rem3A_1101 = arith.remsi %add3A_1081, %jit3A_1084 : i32
        %ne3A_1102 = arith.constant 0 : i32
        %ne3A_1103 = arith.cmpi ne, %rem3A_1101, %ne3A_1102 : i32
        %and3A_1104 = arith.andi %ne3A_1100, %ne3A_1103 : i1
        %sub3A_1105 = arith.constant 1 : i32
        %sub3A_1106 = arith.subi %div3A_1085, %sub3A_1105 : i32
        %select_n3A_1107 = arith.select %and3A_1104, %sub3A_1106, %div3A_1085 : i32
        %mul3A_1108 = arith.constant 50 : i32
        %mul3A_1109 = arith.muli %select_n3A_1107, %mul3A_1108 : i32
        %sub3A_1110 = arith.subi %add3A_1081, %mul3A_1109 : i32
        %dma_start3A_1111 = arith.constant 0 : i32
        %dma_start3A_1112 = arith.constant 0 : i32
        %dma_start3A_1113 = tpu.memref_slice %arg7[%select_n3A_1107, %dma_start3A_1111, %dma_start3A_1112] : memref<2x50x300xf32, #tpu.memory_space<vmem>> -> memref<1x50x300xf32, #tpu.memory_space<vmem>>
        %dma_start3A_1114 = tpu.memref_squeeze %dma_start3A_1113 : memref<1x50x300xf32, #tpu.memory_space<vmem>> -> memref<50x300xf32, #tpu.memory_space<vmem>>
        %dma_start3A_1115 = arith.constant 0 : i32
        %dma_start3A_1116 = tpu.memref_slice %dma_start3A_1114[%sub3A_1110, %dma_start3A_1115] : memref<50x300xf32, #tpu.memory_space<vmem>> -> memref<1x300xf32, #tpu.memory_space<vmem>>
        %dma_start3A_1117 = arith.constant 0 : i32
        %dma_start3A_1118 = tpu.memref_slice %arg3[%squeeze3A_1083, %dma_start3A_1117] : memref<400000x300xf32, #tpu.memory_space<hbm>> -> memref<1x300xf32, #tpu.memory_space<hbm>>
        %dma_start3A_1119 = arith.constant 0 : i32
        %dma_start3A_1120 = arith.constant 0 : i32
        %dma_start3A_1121 = tpu.memref_slice %arg7[%select_n3A_1107, %dma_start3A_1119, %dma_start3A_1120] : memref<2x50x300xf32, #tpu.memory_space<vmem>> -> memref<1x50x300xf32, #tpu.memory_space<vmem>>
        %dma_start3A_1122 = tpu.memref_squeeze %dma_start3A_1121 : memref<1x50x300xf32, #tpu.memory_space<vmem>> -> memref<50x300xf32, #tpu.memory_space<vmem>>
        %dma_start3A_1123 = arith.constant 0 : i32
        %dma_start3A_1124 = tpu.memref_slice %dma_start3A_1122[%sub3A_1110, %dma_start3A_1123] : memref<50x300xf32, #tpu.memory_space<vmem>> -> memref<1x300xf32, #tpu.memory_space<vmem>>
        %dma_start3A_1125 = arith.constant 0 : i32
        %dma_start3A_1126 = tpu.memref_slice %arg3[%squeeze3A_1083, %dma_start3A_1125] : memref<400000x300xf32, #tpu.memory_space<hbm>> -> memref<1x300xf32, #tpu.memory_space<hbm>>
        tpu.enqueue_dma source(%dma_start3A_1126 : memref<1x300xf32, #tpu.memory_space<hbm>>) target(%dma_start3A_1124 : memref<1x300xf32, #tpu.memory_space<vmem>>) target_semaphore(%arg9 : memref<!tpu.dma_semaphore, #tpu.memory_space<semaphore_mem>>)
        %mul3A_1127 = arith.constant 16 : i32
        %mul3A_1128 = arith.muli %scan3A_734, %mul3A_1127 : i32
        %add3A_1129 = arith.constant 8 : i32
        %add3A_1130 = arith.addi %mul3A_1128, %add3A_1129 : i32
        %slice3A_1131 = vector.extract_strided_slice %get3A_742 {offsets = [8], sizes = [1], strides = [1]} : vector<16xi32> to vector<1xi32>
        %squeeze3A_1132 = vector.extract %slice3A_1131[0] : i32 from vector<1xi32>
        %jit3A_1133 = arith.constant 50 : i32
        %div3A_1134 = arith.divsi %add3A_1130, %jit3A_1133 : i32
        %sign3A_1135 = arith.constant 0 : i32
        %sign3A_1136 = arith.cmpi sgt, %add3A_1130, %sign3A_1135 : i32
        %sign3A_1137 = arith.extui %sign3A_1136 : i1 to i32
        %sign3A_1138 = arith.constant 0 : i32
        %sign3A_1139 = arith.cmpi slt, %add3A_1130, %sign3A_1138 : i32
        %sign3A_1140 = arith.extui %sign3A_1139 : i1 to i32
        %sign3A_1141 = arith.subi %sign3A_1137, %sign3A_1140 : i32
        %sign3A_1142 = arith.constant 0 : i32
        %sign3A_1143 = arith.cmpi sgt, %jit3A_1133, %sign3A_1142 : i32
        %sign3A_1144 = arith.extui %sign3A_1143 : i1 to i32
        %sign3A_1145 = arith.constant 0 : i32
        %sign3A_1146 = arith.cmpi slt, %jit3A_1133, %sign3A_1145 : i32
        %sign3A_1147 = arith.extui %sign3A_1146 : i1 to i32
        %sign3A_1148 = arith.subi %sign3A_1144, %sign3A_1147 : i32
        %ne3A_1149 = arith.cmpi ne, %sign3A_1141, %sign3A_1148 : i32
        %rem3A_1150 = arith.remsi %add3A_1130, %jit3A_1133 : i32
        %ne3A_1151 = arith.constant 0 : i32
        %ne3A_1152 = arith.cmpi ne, %rem3A_1150, %ne3A_1151 : i32
        %and3A_1153 = arith.andi %ne3A_1149, %ne3A_1152 : i1
        %sub3A_1154 = arith.constant 1 : i32
        %sub3A_1155 = arith.subi %div3A_1134, %sub3A_1154 : i32
        %select_n3A_1156 = arith.select %and3A_1153, %sub3A_1155, %div3A_1134 : i32
        %mul3A_1157 = arith.constant 50 : i32
        %mul3A_1158 = arith.muli %select_n3A_1156, %mul3A_1157 : i32
        %sub3A_1159 = arith.subi %add3A_1130, %mul3A_1158 : i32
        %dma_start3A_1160 = arith.constant 0 : i32
        %dma_start3A_1161 = arith.constant 0 : i32
        %dma_start3A_1162 = tpu.memref_slice %arg7[%select_n3A_1156, %dma_start3A_1160, %dma_start3A_1161] : memref<2x50x300xf32, #tpu.memory_space<vmem>> -> memref<1x50x300xf32, #tpu.memory_space<vmem>>
        %dma_start3A_1163 = tpu.memref_squeeze %dma_start3A_1162 : memref<1x50x300xf32, #tpu.memory_space<vmem>> -> memref<50x300xf32, #tpu.memory_space<vmem>>
        %dma_start3A_1164 = arith.constant 0 : i32
        %dma_start3A_1165 = tpu.memref_slice %dma_start3A_1163[%sub3A_1159, %dma_start3A_1164] : memref<50x300xf32, #tpu.memory_space<vmem>> -> memref<1x300xf32, #tpu.memory_space<vmem>>
        %dma_start3A_1166 = arith.constant 0 : i32
        %dma_start3A_1167 = tpu.memref_slice %arg3[%squeeze3A_1132, %dma_start3A_1166] : memref<400000x300xf32, #tpu.memory_space<hbm>> -> memref<1x300xf32, #tpu.memory_space<hbm>>
        %dma_start3A_1168 = arith.constant 0 : i32
        %dma_start3A_1169 = arith.constant 0 : i32
        %dma_start3A_1170 = tpu.memref_slice %arg7[%select_n3A_1156, %dma_start3A_1168, %dma_start3A_1169] : memref<2x50x300xf32, #tpu.memory_space<vmem>> -> memref<1x50x300xf32, #tpu.memory_space<vmem>>
        %dma_start3A_1171 = tpu.memref_squeeze %dma_start3A_1170 : memref<1x50x300xf32, #tpu.memory_space<vmem>> -> memref<50x300xf32, #tpu.memory_space<vmem>>
        %dma_start3A_1172 = arith.constant 0 : i32
        %dma_start3A_1173 = tpu.memref_slice %dma_start3A_1171[%sub3A_1159, %dma_start3A_1172] : memref<50x300xf32, #tpu.memory_space<vmem>> -> memref<1x300xf32, #tpu.memory_space<vmem>>
        %dma_start3A_1174 = arith.constant 0 : i32
        %dma_start3A_1175 = tpu.memref_slice %arg3[%squeeze3A_1132, %dma_start3A_1174] : memref<400000x300xf32, #tpu.memory_space<hbm>> -> memref<1x300xf32, #tpu.memory_space<hbm>>
        tpu.enqueue_dma source(%dma_start3A_1175 : memref<1x300xf32, #tpu.memory_space<hbm>>) target(%dma_start3A_1173 : memref<1x300xf32, #tpu.memory_space<vmem>>) target_semaphore(%arg9 : memref<!tpu.dma_semaphore, #tpu.memory_space<semaphore_mem>>)
        %mul3A_1176 = arith.constant 16 : i32
        %mul3A_1177 = arith.muli %scan3A_734, %mul3A_1176 : i32
        %add3A_1178 = arith.constant 9 : i32
        %add3A_1179 = arith.addi %mul3A_1177, %add3A_1178 : i32
        %slice3A_1180 = vector.extract_strided_slice %get3A_742 {offsets = [9], sizes = [1], strides = [1]} : vector<16xi32> to vector<1xi32>
        %squeeze3A_1181 = vector.extract %slice3A_1180[0] : i32 from vector<1xi32>
        %jit3A_1182 = arith.constant 50 : i32
        %div3A_1183 = arith.divsi %add3A_1179, %jit3A_1182 : i32
        %sign3A_1184 = arith.constant 0 : i32
        %sign3A_1185 = arith.cmpi sgt, %add3A_1179, %sign3A_1184 : i32
        %sign3A_1186 = arith.extui %sign3A_1185 : i1 to i32
        %sign3A_1187 = arith.constant 0 : i32
        %sign3A_1188 = arith.cmpi slt, %add3A_1179, %sign3A_1187 : i32
        %sign3A_1189 = arith.extui %sign3A_1188 : i1 to i32
        %sign3A_1190 = arith.subi %sign3A_1186, %sign3A_1189 : i32
        %sign3A_1191 = arith.constant 0 : i32
        %sign3A_1192 = arith.cmpi sgt, %jit3A_1182, %sign3A_1191 : i32
        %sign3A_1193 = arith.extui %sign3A_1192 : i1 to i32
        %sign3A_1194 = arith.constant 0 : i32
        %sign3A_1195 = arith.cmpi slt, %jit3A_1182, %sign3A_1194 : i32
        %sign3A_1196 = arith.extui %sign3A_1195 : i1 to i32
        %sign3A_1197 = arith.subi %sign3A_1193, %sign3A_1196 : i32
        %ne3A_1198 = arith.cmpi ne, %sign3A_1190, %sign3A_1197 : i32
        %rem3A_1199 = arith.remsi %add3A_1179, %jit3A_1182 : i32
        %ne3A_1200 = arith.constant 0 : i32
        %ne3A_1201 = arith.cmpi ne, %rem3A_1199, %ne3A_1200 : i32
        %and3A_1202 = arith.andi %ne3A_1198, %ne3A_1201 : i1
        %sub3A_1203 = arith.constant 1 : i32
        %sub3A_1204 = arith.subi %div3A_1183, %sub3A_1203 : i32
        %select_n3A_1205 = arith.select %and3A_1202, %sub3A_1204, %div3A_1183 : i32
        %mul3A_1206 = arith.constant 50 : i32
        %mul3A_1207 = arith.muli %select_n3A_1205, %mul3A_1206 : i32
        %sub3A_1208 = arith.subi %add3A_1179, %mul3A_1207 : i32
        %dma_start3A_1209 = arith.constant 0 : i32
        %dma_start3A_1210 = arith.constant 0 : i32
        %dma_start3A_1211 = tpu.memref_slice %arg7[%select_n3A_1205, %dma_start3A_1209, %dma_start3A_1210] : memref<2x50x300xf32, #tpu.memory_space<vmem>> -> memref<1x50x300xf32, #tpu.memory_space<vmem>>
        %dma_start3A_1212 = tpu.memref_squeeze %dma_start3A_1211 : memref<1x50x300xf32, #tpu.memory_space<vmem>> -> memref<50x300xf32, #tpu.memory_space<vmem>>
        %dma_start3A_1213 = arith.constant 0 : i32
        %dma_start3A_1214 = tpu.memref_slice %dma_start3A_1212[%sub3A_1208, %dma_start3A_1213] : memref<50x300xf32, #tpu.memory_space<vmem>> -> memref<1x300xf32, #tpu.memory_space<vmem>>
        %dma_start3A_1215 = arith.constant 0 : i32
        %dma_start3A_1216 = tpu.memref_slice %arg3[%squeeze3A_1181, %dma_start3A_1215] : memref<400000x300xf32, #tpu.memory_space<hbm>> -> memref<1x300xf32, #tpu.memory_space<hbm>>
        %dma_start3A_1217 = arith.constant 0 : i32
        %dma_start3A_1218 = arith.constant 0 : i32
        %dma_start3A_1219 = tpu.memref_slice %arg7[%select_n3A_1205, %dma_start3A_1217, %dma_start3A_1218] : memref<2x50x300xf32, #tpu.memory_space<vmem>> -> memref<1x50x300xf32, #tpu.memory_space<vmem>>
        %dma_start3A_1220 = tpu.memref_squeeze %dma_start3A_1219 : memref<1x50x300xf32, #tpu.memory_space<vmem>> -> memref<50x300xf32, #tpu.memory_space<vmem>>
        %dma_start3A_1221 = arith.constant 0 : i32
        %dma_start3A_1222 = tpu.memref_slice %dma_start3A_1220[%sub3A_1208, %dma_start3A_1221] : memref<50x300xf32, #tpu.memory_space<vmem>> -> memref<1x300xf32, #tpu.memory_space<vmem>>
        %dma_start3A_1223 = arith.constant 0 : i32
        %dma_start3A_1224 = tpu.memref_slice %arg3[%squeeze3A_1181, %dma_start3A_1223] : memref<400000x300xf32, #tpu.memory_space<hbm>> -> memref<1x300xf32, #tpu.memory_space<hbm>>
        tpu.enqueue_dma source(%dma_start3A_1224 : memref<1x300xf32, #tpu.memory_space<hbm>>) target(%dma_start3A_1222 : memref<1x300xf32, #tpu.memory_space<vmem>>) target_semaphore(%arg9 : memref<!tpu.dma_semaphore, #tpu.memory_space<semaphore_mem>>)
        %mul3A_1225 = arith.constant 16 : i32
        %mul3A_1226 = arith.muli %scan3A_734, %mul3A_1225 : i32
        %add3A_1227 = arith.constant 10 : i32
        %add3A_1228 = arith.addi %mul3A_1226, %add3A_1227 : i32
        %slice3A_1229 = vector.extract_strided_slice %get3A_742 {offsets = [10], sizes = [1], strides = [1]} : vector<16xi32> to vector<1xi32>
        %squeeze3A_1230 = vector.extract %slice3A_1229[0] : i32 from vector<1xi32>
        %jit3A_1231 = arith.constant 50 : i32
        %div3A_1232 = arith.divsi %add3A_1228, %jit3A_1231 : i32
        %sign3A_1233 = arith.constant 0 : i32
        %sign3A_1234 = arith.cmpi sgt, %add3A_1228, %sign3A_1233 : i32
        %sign3A_1235 = arith.extui %sign3A_1234 : i1 to i32
        %sign3A_1236 = arith.constant 0 : i32
        %sign3A_1237 = arith.cmpi slt, %add3A_1228, %sign3A_1236 : i32
        %sign3A_1238 = arith.extui %sign3A_1237 : i1 to i32
        %sign3A_1239 = arith.subi %sign3A_1235, %sign3A_1238 : i32
        %sign3A_1240 = arith.constant 0 : i32
        %sign3A_1241 = arith.cmpi sgt, %jit3A_1231, %sign3A_1240 : i32
        %sign3A_1242 = arith.extui %sign3A_1241 : i1 to i32
        %sign3A_1243 = arith.constant 0 : i32
        %sign3A_1244 = arith.cmpi slt, %jit3A_1231, %sign3A_1243 : i32
        %sign3A_1245 = arith.extui %sign3A_1244 : i1 to i32
        %sign3A_1246 = arith.subi %sign3A_1242, %sign3A_1245 : i32
        %ne3A_1247 = arith.cmpi ne, %sign3A_1239, %sign3A_1246 : i32
        %rem3A_1248 = arith.remsi %add3A_1228, %jit3A_1231 : i32
        %ne3A_1249 = arith.constant 0 : i32
        %ne3A_1250 = arith.cmpi ne, %rem3A_1248, %ne3A_1249 : i32
        %and3A_1251 = arith.andi %ne3A_1247, %ne3A_1250 : i1
        %sub3A_1252 = arith.constant 1 : i32
        %sub3A_1253 = arith.subi %div3A_1232, %sub3A_1252 : i32
        %select_n3A_1254 = arith.select %and3A_1251, %sub3A_1253, %div3A_1232 : i32
        %mul3A_1255 = arith.constant 50 : i32
        %mul3A_1256 = arith.muli %select_n3A_1254, %mul3A_1255 : i32
        %sub3A_1257 = arith.subi %add3A_1228, %mul3A_1256 : i32
        %dma_start3A_1258 = arith.constant 0 : i32
        %dma_start3A_1259 = arith.constant 0 : i32
        %dma_start3A_1260 = tpu.memref_slice %arg7[%select_n3A_1254, %dma_start3A_1258, %dma_start3A_1259] : memref<2x50x300xf32, #tpu.memory_space<vmem>> -> memref<1x50x300xf32, #tpu.memory_space<vmem>>
        %dma_start3A_1261 = tpu.memref_squeeze %dma_start3A_1260 : memref<1x50x300xf32, #tpu.memory_space<vmem>> -> memref<50x300xf32, #tpu.memory_space<vmem>>
        %dma_start3A_1262 = arith.constant 0 : i32
        %dma_start3A_1263 = tpu.memref_slice %dma_start3A_1261[%sub3A_1257, %dma_start3A_1262] : memref<50x300xf32, #tpu.memory_space<vmem>> -> memref<1x300xf32, #tpu.memory_space<vmem>>
        %dma_start3A_1264 = arith.constant 0 : i32
        %dma_start3A_1265 = tpu.memref_slice %arg3[%squeeze3A_1230, %dma_start3A_1264] : memref<400000x300xf32, #tpu.memory_space<hbm>> -> memref<1x300xf32, #tpu.memory_space<hbm>>
        %dma_start3A_1266 = arith.constant 0 : i32
        %dma_start3A_1267 = arith.constant 0 : i32
        %dma_start3A_1268 = tpu.memref_slice %arg7[%select_n3A_1254, %dma_start3A_1266, %dma_start3A_1267] : memref<2x50x300xf32, #tpu.memory_space<vmem>> -> memref<1x50x300xf32, #tpu.memory_space<vmem>>
        %dma_start3A_1269 = tpu.memref_squeeze %dma_start3A_1268 : memref<1x50x300xf32, #tpu.memory_space<vmem>> -> memref<50x300xf32, #tpu.memory_space<vmem>>
        %dma_start3A_1270 = arith.constant 0 : i32
        %dma_start3A_1271 = tpu.memref_slice %dma_start3A_1269[%sub3A_1257, %dma_start3A_1270] : memref<50x300xf32, #tpu.memory_space<vmem>> -> memref<1x300xf32, #tpu.memory_space<vmem>>
        %dma_start3A_1272 = arith.constant 0 : i32
        %dma_start3A_1273 = tpu.memref_slice %arg3[%squeeze3A_1230, %dma_start3A_1272] : memref<400000x300xf32, #tpu.memory_space<hbm>> -> memref<1x300xf32, #tpu.memory_space<hbm>>
        tpu.enqueue_dma source(%dma_start3A_1273 : memref<1x300xf32, #tpu.memory_space<hbm>>) target(%dma_start3A_1271 : memref<1x300xf32, #tpu.memory_space<vmem>>) target_semaphore(%arg9 : memref<!tpu.dma_semaphore, #tpu.memory_space<semaphore_mem>>)
        %mul3A_1274 = arith.constant 16 : i32
        %mul3A_1275 = arith.muli %scan3A_734, %mul3A_1274 : i32
        %add3A_1276 = arith.constant 11 : i32
        %add3A_1277 = arith.addi %mul3A_1275, %add3A_1276 : i32
        %slice3A_1278 = vector.extract_strided_slice %get3A_742 {offsets = [11], sizes = [1], strides = [1]} : vector<16xi32> to vector<1xi32>
        %squeeze3A_1279 = vector.extract %slice3A_1278[0] : i32 from vector<1xi32>
        %jit3A_1280 = arith.constant 50 : i32
        %div3A_1281 = arith.divsi %add3A_1277, %jit3A_1280 : i32
        %sign3A_1282 = arith.constant 0 : i32
        %sign3A_1283 = arith.cmpi sgt, %add3A_1277, %sign3A_1282 : i32
        %sign3A_1284 = arith.extui %sign3A_1283 : i1 to i32
        %sign3A_1285 = arith.constant 0 : i32
        %sign3A_1286 = arith.cmpi slt, %add3A_1277, %sign3A_1285 : i32
        %sign3A_1287 = arith.extui %sign3A_1286 : i1 to i32
        %sign3A_1288 = arith.subi %sign3A_1284, %sign3A_1287 : i32
        %sign3A_1289 = arith.constant 0 : i32
        %sign3A_1290 = arith.cmpi sgt, %jit3A_1280, %sign3A_1289 : i32
        %sign3A_1291 = arith.extui %sign3A_1290 : i1 to i32
        %sign3A_1292 = arith.constant 0 : i32
        %sign3A_1293 = arith.cmpi slt, %jit3A_1280, %sign3A_1292 : i32
        %sign3A_1294 = arith.extui %sign3A_1293 : i1 to i32
        %sign3A_1295 = arith.subi %sign3A_1291, %sign3A_1294 : i32
        %ne3A_1296 = arith.cmpi ne, %sign3A_1288, %sign3A_1295 : i32
        %rem3A_1297 = arith.remsi %add3A_1277, %jit3A_1280 : i32
        %ne3A_1298 = arith.constant 0 : i32
        %ne3A_1299 = arith.cmpi ne, %rem3A_1297, %ne3A_1298 : i32
        %and3A_1300 = arith.andi %ne3A_1296, %ne3A_1299 : i1
        %sub3A_1301 = arith.constant 1 : i32
        %sub3A_1302 = arith.subi %div3A_1281, %sub3A_1301 : i32
        %select_n3A_1303 = arith.select %and3A_1300, %sub3A_1302, %div3A_1281 : i32
        %mul3A_1304 = arith.constant 50 : i32
        %mul3A_1305 = arith.muli %select_n3A_1303, %mul3A_1304 : i32
        %sub3A_1306 = arith.subi %add3A_1277, %mul3A_1305 : i32
        %dma_start3A_1307 = arith.constant 0 : i32
        %dma_start3A_1308 = arith.constant 0 : i32
        %dma_start3A_1309 = tpu.memref_slice %arg7[%select_n3A_1303, %dma_start3A_1307, %dma_start3A_1308] : memref<2x50x300xf32, #tpu.memory_space<vmem>> -> memref<1x50x300xf32, #tpu.memory_space<vmem>>
        %dma_start3A_1310 = tpu.memref_squeeze %dma_start3A_1309 : memref<1x50x300xf32, #tpu.memory_space<vmem>> -> memref<50x300xf32, #tpu.memory_space<vmem>>
        %dma_start3A_1311 = arith.constant 0 : i32
        %dma_start3A_1312 = tpu.memref_slice %dma_start3A_1310[%sub3A_1306, %dma_start3A_1311] : memref<50x300xf32, #tpu.memory_space<vmem>> -> memref<1x300xf32, #tpu.memory_space<vmem>>
        %dma_start3A_1313 = arith.constant 0 : i32
        %dma_start3A_1314 = tpu.memref_slice %arg3[%squeeze3A_1279, %dma_start3A_1313] : memref<400000x300xf32, #tpu.memory_space<hbm>> -> memref<1x300xf32, #tpu.memory_space<hbm>>
        %dma_start3A_1315 = arith.constant 0 : i32
        %dma_start3A_1316 = arith.constant 0 : i32
        %dma_start3A_1317 = tpu.memref_slice %arg7[%select_n3A_1303, %dma_start3A_1315, %dma_start3A_1316] : memref<2x50x300xf32, #tpu.memory_space<vmem>> -> memref<1x50x300xf32, #tpu.memory_space<vmem>>
        %dma_start3A_1318 = tpu.memref_squeeze %dma_start3A_1317 : memref<1x50x300xf32, #tpu.memory_space<vmem>> -> memref<50x300xf32, #tpu.memory_space<vmem>>
        %dma_start3A_1319 = arith.constant 0 : i32
        %dma_start3A_1320 = tpu.memref_slice %dma_start3A_1318[%sub3A_1306, %dma_start3A_1319] : memref<50x300xf32, #tpu.memory_space<vmem>> -> memref<1x300xf32, #tpu.memory_space<vmem>>
        %dma_start3A_1321 = arith.constant 0 : i32
        %dma_start3A_1322 = tpu.memref_slice %arg3[%squeeze3A_1279, %dma_start3A_1321] : memref<400000x300xf32, #tpu.memory_space<hbm>> -> memref<1x300xf32, #tpu.memory_space<hbm>>
        tpu.enqueue_dma source(%dma_start3A_1322 : memref<1x300xf32, #tpu.memory_space<hbm>>) target(%dma_start3A_1320 : memref<1x300xf32, #tpu.memory_space<vmem>>) target_semaphore(%arg9 : memref<!tpu.dma_semaphore, #tpu.memory_space<semaphore_mem>>)
        %mul3A_1323 = arith.constant 16 : i32
        %mul3A_1324 = arith.muli %scan3A_734, %mul3A_1323 : i32
        %add3A_1325 = arith.constant 12 : i32
        %add3A_1326 = arith.addi %mul3A_1324, %add3A_1325 : i32
        %slice3A_1327 = vector.extract_strided_slice %get3A_742 {offsets = [12], sizes = [1], strides = [1]} : vector<16xi32> to vector<1xi32>
        %squeeze3A_1328 = vector.extract %slice3A_1327[0] : i32 from vector<1xi32>
        %jit3A_1329 = arith.constant 50 : i32
        %div3A_1330 = arith.divsi %add3A_1326, %jit3A_1329 : i32
        %sign3A_1331 = arith.constant 0 : i32
        %sign3A_1332 = arith.cmpi sgt, %add3A_1326, %sign3A_1331 : i32
        %sign3A_1333 = arith.extui %sign3A_1332 : i1 to i32
        %sign3A_1334 = arith.constant 0 : i32
        %sign3A_1335 = arith.cmpi slt, %add3A_1326, %sign3A_1334 : i32
        %sign3A_1336 = arith.extui %sign3A_1335 : i1 to i32
        %sign3A_1337 = arith.subi %sign3A_1333, %sign3A_1336 : i32
        %sign3A_1338 = arith.constant 0 : i32
        %sign3A_1339 = arith.cmpi sgt, %jit3A_1329, %sign3A_1338 : i32
        %sign3A_1340 = arith.extui %sign3A_1339 : i1 to i32
        %sign3A_1341 = arith.constant 0 : i32
        %sign3A_1342 = arith.cmpi slt, %jit3A_1329, %sign3A_1341 : i32
        %sign3A_1343 = arith.extui %sign3A_1342 : i1 to i32
        %sign3A_1344 = arith.subi %sign3A_1340, %sign3A_1343 : i32
        %ne3A_1345 = arith.cmpi ne, %sign3A_1337, %sign3A_1344 : i32
        %rem3A_1346 = arith.remsi %add3A_1326, %jit3A_1329 : i32
        %ne3A_1347 = arith.constant 0 : i32
        %ne3A_1348 = arith.cmpi ne, %rem3A_1346, %ne3A_1347 : i32
        %and3A_1349 = arith.andi %ne3A_1345, %ne3A_1348 : i1
        %sub3A_1350 = arith.constant 1 : i32
        %sub3A_1351 = arith.subi %div3A_1330, %sub3A_1350 : i32
        %select_n3A_1352 = arith.select %and3A_1349, %sub3A_1351, %div3A_1330 : i32
        %mul3A_1353 = arith.constant 50 : i32
        %mul3A_1354 = arith.muli %select_n3A_1352, %mul3A_1353 : i32
        %sub3A_1355 = arith.subi %add3A_1326, %mul3A_1354 : i32
        %dma_start3A_1356 = arith.constant 0 : i32
        %dma_start3A_1357 = arith.constant 0 : i32
        %dma_start3A_1358 = tpu.memref_slice %arg7[%select_n3A_1352, %dma_start3A_1356, %dma_start3A_1357] : memref<2x50x300xf32, #tpu.memory_space<vmem>> -> memref<1x50x300xf32, #tpu.memory_space<vmem>>
        %dma_start3A_1359 = tpu.memref_squeeze %dma_start3A_1358 : memref<1x50x300xf32, #tpu.memory_space<vmem>> -> memref<50x300xf32, #tpu.memory_space<vmem>>
        %dma_start3A_1360 = arith.constant 0 : i32
        %dma_start3A_1361 = tpu.memref_slice %dma_start3A_1359[%sub3A_1355, %dma_start3A_1360] : memref<50x300xf32, #tpu.memory_space<vmem>> -> memref<1x300xf32, #tpu.memory_space<vmem>>
        %dma_start3A_1362 = arith.constant 0 : i32
        %dma_start3A_1363 = tpu.memref_slice %arg3[%squeeze3A_1328, %dma_start3A_1362] : memref<400000x300xf32, #tpu.memory_space<hbm>> -> memref<1x300xf32, #tpu.memory_space<hbm>>
        %dma_start3A_1364 = arith.constant 0 : i32
        %dma_start3A_1365 = arith.constant 0 : i32
        %dma_start3A_1366 = tpu.memref_slice %arg7[%select_n3A_1352, %dma_start3A_1364, %dma_start3A_1365] : memref<2x50x300xf32, #tpu.memory_space<vmem>> -> memref<1x50x300xf32, #tpu.memory_space<vmem>>
        %dma_start3A_1367 = tpu.memref_squeeze %dma_start3A_1366 : memref<1x50x300xf32, #tpu.memory_space<vmem>> -> memref<50x300xf32, #tpu.memory_space<vmem>>
        %dma_start3A_1368 = arith.constant 0 : i32
        %dma_start3A_1369 = tpu.memref_slice %dma_start3A_1367[%sub3A_1355, %dma_start3A_1368] : memref<50x300xf32, #tpu.memory_space<vmem>> -> memref<1x300xf32, #tpu.memory_space<vmem>>
        %dma_start3A_1370 = arith.constant 0 : i32
        %dma_start3A_1371 = tpu.memref_slice %arg3[%squeeze3A_1328, %dma_start3A_1370] : memref<400000x300xf32, #tpu.memory_space<hbm>> -> memref<1x300xf32, #tpu.memory_space<hbm>>
        tpu.enqueue_dma source(%dma_start3A_1371 : memref<1x300xf32, #tpu.memory_space<hbm>>) target(%dma_start3A_1369 : memref<1x300xf32, #tpu.memory_space<vmem>>) target_semaphore(%arg9 : memref<!tpu.dma_semaphore, #tpu.memory_space<semaphore_mem>>)
        %mul3A_1372 = arith.constant 16 : i32
        %mul3A_1373 = arith.muli %scan3A_734, %mul3A_1372 : i32
        %add3A_1374 = arith.constant 13 : i32
        %add3A_1375 = arith.addi %mul3A_1373, %add3A_1374 : i32
        %slice3A_1376 = vector.extract_strided_slice %get3A_742 {offsets = [13], sizes = [1], strides = [1]} : vector<16xi32> to vector<1xi32>
        %squeeze3A_1377 = vector.extract %slice3A_1376[0] : i32 from vector<1xi32>
        %jit3A_1378 = arith.constant 50 : i32
        %div3A_1379 = arith.divsi %add3A_1375, %jit3A_1378 : i32
        %sign3A_1380 = arith.constant 0 : i32
        %sign3A_1381 = arith.cmpi sgt, %add3A_1375, %sign3A_1380 : i32
        %sign3A_1382 = arith.extui %sign3A_1381 : i1 to i32
        %sign3A_1383 = arith.constant 0 : i32
        %sign3A_1384 = arith.cmpi slt, %add3A_1375, %sign3A_1383 : i32
        %sign3A_1385 = arith.extui %sign3A_1384 : i1 to i32
        %sign3A_1386 = arith.subi %sign3A_1382, %sign3A_1385 : i32
        %sign3A_1387 = arith.constant 0 : i32
        %sign3A_1388 = arith.cmpi sgt, %jit3A_1378, %sign3A_1387 : i32
        %sign3A_1389 = arith.extui %sign3A_1388 : i1 to i32
        %sign3A_1390 = arith.constant 0 : i32
        %sign3A_1391 = arith.cmpi slt, %jit3A_1378, %sign3A_1390 : i32
        %sign3A_1392 = arith.extui %sign3A_1391 : i1 to i32
        %sign3A_1393 = arith.subi %sign3A_1389, %sign3A_1392 : i32
        %ne3A_1394 = arith.cmpi ne, %sign3A_1386, %sign3A_1393 : i32
        %rem3A_1395 = arith.remsi %add3A_1375, %jit3A_1378 : i32
        %ne3A_1396 = arith.constant 0 : i32
        %ne3A_1397 = arith.cmpi ne, %rem3A_1395, %ne3A_1396 : i32
        %and3A_1398 = arith.andi %ne3A_1394, %ne3A_1397 : i1
        %sub3A_1399 = arith.constant 1 : i32
        %sub3A_1400 = arith.subi %div3A_1379, %sub3A_1399 : i32
        %select_n3A_1401 = arith.select %and3A_1398, %sub3A_1400, %div3A_1379 : i32
        %mul3A_1402 = arith.constant 50 : i32
        %mul3A_1403 = arith.muli %select_n3A_1401, %mul3A_1402 : i32
        %sub3A_1404 = arith.subi %add3A_1375, %mul3A_1403 : i32
        %dma_start3A_1405 = arith.constant 0 : i32
        %dma_start3A_1406 = arith.constant 0 : i32
        %dma_start3A_1407 = tpu.memref_slice %arg7[%select_n3A_1401, %dma_start3A_1405, %dma_start3A_1406] : memref<2x50x300xf32, #tpu.memory_space<vmem>> -> memref<1x50x300xf32, #tpu.memory_space<vmem>>
        %dma_start3A_1408 = tpu.memref_squeeze %dma_start3A_1407 : memref<1x50x300xf32, #tpu.memory_space<vmem>> -> memref<50x300xf32, #tpu.memory_space<vmem>>
        %dma_start3A_1409 = arith.constant 0 : i32
        %dma_start3A_1410 = tpu.memref_slice %dma_start3A_1408[%sub3A_1404, %dma_start3A_1409] : memref<50x300xf32, #tpu.memory_space<vmem>> -> memref<1x300xf32, #tpu.memory_space<vmem>>
        %dma_start3A_1411 = arith.constant 0 : i32
        %dma_start3A_1412 = tpu.memref_slice %arg3[%squeeze3A_1377, %dma_start3A_1411] : memref<400000x300xf32, #tpu.memory_space<hbm>> -> memref<1x300xf32, #tpu.memory_space<hbm>>
        %dma_start3A_1413 = arith.constant 0 : i32
        %dma_start3A_1414 = arith.constant 0 : i32
        %dma_start3A_1415 = tpu.memref_slice %arg7[%select_n3A_1401, %dma_start3A_1413, %dma_start3A_1414] : memref<2x50x300xf32, #tpu.memory_space<vmem>> -> memref<1x50x300xf32, #tpu.memory_space<vmem>>
        %dma_start3A_1416 = tpu.memref_squeeze %dma_start3A_1415 : memref<1x50x300xf32, #tpu.memory_space<vmem>> -> memref<50x300xf32, #tpu.memory_space<vmem>>
        %dma_start3A_1417 = arith.constant 0 : i32
        %dma_start3A_1418 = tpu.memref_slice %dma_start3A_1416[%sub3A_1404, %dma_start3A_1417] : memref<50x300xf32, #tpu.memory_space<vmem>> -> memref<1x300xf32, #tpu.memory_space<vmem>>
        %dma_start3A_1419 = arith.constant 0 : i32
        %dma_start3A_1420 = tpu.memref_slice %arg3[%squeeze3A_1377, %dma_start3A_1419] : memref<400000x300xf32, #tpu.memory_space<hbm>> -> memref<1x300xf32, #tpu.memory_space<hbm>>
        tpu.enqueue_dma source(%dma_start3A_1420 : memref<1x300xf32, #tpu.memory_space<hbm>>) target(%dma_start3A_1418 : memref<1x300xf32, #tpu.memory_space<vmem>>) target_semaphore(%arg9 : memref<!tpu.dma_semaphore, #tpu.memory_space<semaphore_mem>>)
        %mul3A_1421 = arith.constant 16 : i32
        %mul3A_1422 = arith.muli %scan3A_734, %mul3A_1421 : i32
        %add3A_1423 = arith.constant 14 : i32
        %add3A_1424 = arith.addi %mul3A_1422, %add3A_1423 : i32
        %slice3A_1425 = vector.extract_strided_slice %get3A_742 {offsets = [14], sizes = [1], strides = [1]} : vector<16xi32> to vector<1xi32>
        %squeeze3A_1426 = vector.extract %slice3A_1425[0] : i32 from vector<1xi32>
        %jit3A_1427 = arith.constant 50 : i32
        %div3A_1428 = arith.divsi %add3A_1424, %jit3A_1427 : i32
        %sign3A_1429 = arith.constant 0 : i32
        %sign3A_1430 = arith.cmpi sgt, %add3A_1424, %sign3A_1429 : i32
        %sign3A_1431 = arith.extui %sign3A_1430 : i1 to i32
        %sign3A_1432 = arith.constant 0 : i32
        %sign3A_1433 = arith.cmpi slt, %add3A_1424, %sign3A_1432 : i32
        %sign3A_1434 = arith.extui %sign3A_1433 : i1 to i32
        %sign3A_1435 = arith.subi %sign3A_1431, %sign3A_1434 : i32
        %sign3A_1436 = arith.constant 0 : i32
        %sign3A_1437 = arith.cmpi sgt, %jit3A_1427, %sign3A_1436 : i32
        %sign3A_1438 = arith.extui %sign3A_1437 : i1 to i32
        %sign3A_1439 = arith.constant 0 : i32
        %sign3A_1440 = arith.cmpi slt, %jit3A_1427, %sign3A_1439 : i32
        %sign3A_1441 = arith.extui %sign3A_1440 : i1 to i32
        %sign3A_1442 = arith.subi %sign3A_1438, %sign3A_1441 : i32
        %ne3A_1443 = arith.cmpi ne, %sign3A_1435, %sign3A_1442 : i32
        %rem3A_1444 = arith.remsi %add3A_1424, %jit3A_1427 : i32
        %ne3A_1445 = arith.constant 0 : i32
        %ne3A_1446 = arith.cmpi ne, %rem3A_1444, %ne3A_1445 : i32
        %and3A_1447 = arith.andi %ne3A_1443, %ne3A_1446 : i1
        %sub3A_1448 = arith.constant 1 : i32
        %sub3A_1449 = arith.subi %div3A_1428, %sub3A_1448 : i32
        %select_n3A_1450 = arith.select %and3A_1447, %sub3A_1449, %div3A_1428 : i32
        %mul3A_1451 = arith.constant 50 : i32
        %mul3A_1452 = arith.muli %select_n3A_1450, %mul3A_1451 : i32
        %sub3A_1453 = arith.subi %add3A_1424, %mul3A_1452 : i32
        %dma_start3A_1454 = arith.constant 0 : i32
        %dma_start3A_1455 = arith.constant 0 : i32
        %dma_start3A_1456 = tpu.memref_slice %arg7[%select_n3A_1450, %dma_start3A_1454, %dma_start3A_1455] : memref<2x50x300xf32, #tpu.memory_space<vmem>> -> memref<1x50x300xf32, #tpu.memory_space<vmem>>
        %dma_start3A_1457 = tpu.memref_squeeze %dma_start3A_1456 : memref<1x50x300xf32, #tpu.memory_space<vmem>> -> memref<50x300xf32, #tpu.memory_space<vmem>>
        %dma_start3A_1458 = arith.constant 0 : i32
        %dma_start3A_1459 = tpu.memref_slice %dma_start3A_1457[%sub3A_1453, %dma_start3A_1458] : memref<50x300xf32, #tpu.memory_space<vmem>> -> memref<1x300xf32, #tpu.memory_space<vmem>>
        %dma_start3A_1460 = arith.constant 0 : i32
        %dma_start3A_1461 = tpu.memref_slice %arg3[%squeeze3A_1426, %dma_start3A_1460] : memref<400000x300xf32, #tpu.memory_space<hbm>> -> memref<1x300xf32, #tpu.memory_space<hbm>>
        %dma_start3A_1462 = arith.constant 0 : i32
        %dma_start3A_1463 = arith.constant 0 : i32
        %dma_start3A_1464 = tpu.memref_slice %arg7[%select_n3A_1450, %dma_start3A_1462, %dma_start3A_1463] : memref<2x50x300xf32, #tpu.memory_space<vmem>> -> memref<1x50x300xf32, #tpu.memory_space<vmem>>
        %dma_start3A_1465 = tpu.memref_squeeze %dma_start3A_1464 : memref<1x50x300xf32, #tpu.memory_space<vmem>> -> memref<50x300xf32, #tpu.memory_space<vmem>>
        %dma_start3A_1466 = arith.constant 0 : i32
        %dma_start3A_1467 = tpu.memref_slice %dma_start3A_1465[%sub3A_1453, %dma_start3A_1466] : memref<50x300xf32, #tpu.memory_space<vmem>> -> memref<1x300xf32, #tpu.memory_space<vmem>>
        %dma_start3A_1468 = arith.constant 0 : i32
        %dma_start3A_1469 = tpu.memref_slice %arg3[%squeeze3A_1426, %dma_start3A_1468] : memref<400000x300xf32, #tpu.memory_space<hbm>> -> memref<1x300xf32, #tpu.memory_space<hbm>>
        tpu.enqueue_dma source(%dma_start3A_1469 : memref<1x300xf32, #tpu.memory_space<hbm>>) target(%dma_start3A_1467 : memref<1x300xf32, #tpu.memory_space<vmem>>) target_semaphore(%arg9 : memref<!tpu.dma_semaphore, #tpu.memory_space<semaphore_mem>>)
        %mul3A_1470 = arith.constant 16 : i32
        %mul3A_1471 = arith.muli %scan3A_734, %mul3A_1470 : i32
        %add3A_1472 = arith.constant 15 : i32
        %add3A_1473 = arith.addi %mul3A_1471, %add3A_1472 : i32
        %slice3A_1474 = vector.extract_strided_slice %get3A_742 {offsets = [15], sizes = [1], strides = [1]} : vector<16xi32> to vector<1xi32>
        %squeeze3A_1475 = vector.extract %slice3A_1474[0] : i32 from vector<1xi32>
        %jit3A_1476 = arith.constant 50 : i32
        %div3A_1477 = arith.divsi %add3A_1473, %jit3A_1476 : i32
        %sign3A_1478 = arith.constant 0 : i32
        %sign3A_1479 = arith.cmpi sgt, %add3A_1473, %sign3A_1478 : i32
        %sign3A_1480 = arith.extui %sign3A_1479 : i1 to i32
        %sign3A_1481 = arith.constant 0 : i32
        %sign3A_1482 = arith.cmpi slt, %add3A_1473, %sign3A_1481 : i32
        %sign3A_1483 = arith.extui %sign3A_1482 : i1 to i32
        %sign3A_1484 = arith.subi %sign3A_1480, %sign3A_1483 : i32
        %sign3A_1485 = arith.constant 0 : i32
        %sign3A_1486 = arith.cmpi sgt, %jit3A_1476, %sign3A_1485 : i32
        %sign3A_1487 = arith.extui %sign3A_1486 : i1 to i32
        %sign3A_1488 = arith.constant 0 : i32
        %sign3A_1489 = arith.cmpi slt, %jit3A_1476, %sign3A_1488 : i32
        %sign3A_1490 = arith.extui %sign3A_1489 : i1 to i32
        %sign3A_1491 = arith.subi %sign3A_1487, %sign3A_1490 : i32
        %ne3A_1492 = arith.cmpi ne, %sign3A_1484, %sign3A_1491 : i32
        %rem3A_1493 = arith.remsi %add3A_1473, %jit3A_1476 : i32
        %ne3A_1494 = arith.constant 0 : i32
        %ne3A_1495 = arith.cmpi ne, %rem3A_1493, %ne3A_1494 : i32
        %and3A_1496 = arith.andi %ne3A_1492, %ne3A_1495 : i1
        %sub3A_1497 = arith.constant 1 : i32
        %sub3A_1498 = arith.subi %div3A_1477, %sub3A_1497 : i32
        %select_n3A_1499 = arith.select %and3A_1496, %sub3A_1498, %div3A_1477 : i32
        %mul3A_1500 = arith.constant 50 : i32
        %mul3A_1501 = arith.muli %select_n3A_1499, %mul3A_1500 : i32
        %sub3A_1502 = arith.subi %add3A_1473, %mul3A_1501 : i32
        %dma_start3A_1503 = arith.constant 0 : i32
        %dma_start3A_1504 = arith.constant 0 : i32
        %dma_start3A_1505 = tpu.memref_slice %arg7[%select_n3A_1499, %dma_start3A_1503, %dma_start3A_1504] : memref<2x50x300xf32, #tpu.memory_space<vmem>> -> memref<1x50x300xf32, #tpu.memory_space<vmem>>
        %dma_start3A_1506 = tpu.memref_squeeze %dma_start3A_1505 : memref<1x50x300xf32, #tpu.memory_space<vmem>> -> memref<50x300xf32, #tpu.memory_space<vmem>>
        %dma_start3A_1507 = arith.constant 0 : i32
        %dma_start3A_1508 = tpu.memref_slice %dma_start3A_1506[%sub3A_1502, %dma_start3A_1507] : memref<50x300xf32, #tpu.memory_space<vmem>> -> memref<1x300xf32, #tpu.memory_space<vmem>>
        %dma_start3A_1509 = arith.constant 0 : i32
        %dma_start3A_1510 = tpu.memref_slice %arg3[%squeeze3A_1475, %dma_start3A_1509] : memref<400000x300xf32, #tpu.memory_space<hbm>> -> memref<1x300xf32, #tpu.memory_space<hbm>>
        %dma_start3A_1511 = arith.constant 0 : i32
        %dma_start3A_1512 = arith.constant 0 : i32
        %dma_start3A_1513 = tpu.memref_slice %arg7[%select_n3A_1499, %dma_start3A_1511, %dma_start3A_1512] : memref<2x50x300xf32, #tpu.memory_space<vmem>> -> memref<1x50x300xf32, #tpu.memory_space<vmem>>
        %dma_start3A_1514 = tpu.memref_squeeze %dma_start3A_1513 : memref<1x50x300xf32, #tpu.memory_space<vmem>> -> memref<50x300xf32, #tpu.memory_space<vmem>>
        %dma_start3A_1515 = arith.constant 0 : i32
        %dma_start3A_1516 = tpu.memref_slice %dma_start3A_1514[%sub3A_1502, %dma_start3A_1515] : memref<50x300xf32, #tpu.memory_space<vmem>> -> memref<1x300xf32, #tpu.memory_space<vmem>>
        %dma_start3A_1517 = arith.constant 0 : i32
        %dma_start3A_1518 = tpu.memref_slice %arg3[%squeeze3A_1475, %dma_start3A_1517] : memref<400000x300xf32, #tpu.memory_space<hbm>> -> memref<1x300xf32, #tpu.memory_space<hbm>>
        tpu.enqueue_dma source(%dma_start3A_1518 : memref<1x300xf32, #tpu.memory_space<hbm>>) target(%dma_start3A_1516 : memref<1x300xf32, #tpu.memory_space<vmem>>) target_semaphore(%arg9 : memref<!tpu.dma_semaphore, #tpu.memory_space<semaphore_mem>>)
      }
      %scan3A_642 = arith.constant 6 : i32
      %mul3A_643 = arith.constant 100 : i32
      %mul3A_644 = arith.muli %add3A_636, %mul3A_643 : i32
      %add3A_645 = arith.constant 96 : i32
      %add3A_646 = arith.addi %mul3A_644, %add3A_645 : i32
      %get3A_647 = arith.index_cast %add3A_646 : i32 to index
      %get3A_648 = tpu.vector_load %arg5[%get3A_647] {strides = array<i32>} : memref<6416xi32, #tpu.memory_space<vmem>>, vector<16xi32>,
      %get3A_649 = vector.shape_cast %get3A_648 : vector<16xi32> to vector<16xi32>
      %slice3A_650 = vector.extract_strided_slice %get3A_649 {offsets = [0], sizes = [1], strides = [1]} : vector<16xi32> to vector<1xi32>
      %squeeze3A_651 = vector.extract %slice3A_650[0] : i32 from vector<1xi32>
      %dma_start3A_652 = arith.constant 1 : i32
      %dma_start3A_653 = arith.constant 0 : i32
      %dma_start3A_654 = arith.constant 0 : i32
      %dma_start3A_655 = tpu.memref_slice %arg7[%dma_start3A_652, %dma_start3A_653, %dma_start3A_654] : memref<2x50x300xf32, #tpu.memory_space<vmem>> -> memref<1x50x300xf32, #tpu.memory_space<vmem>>
      %dma_start3A_656 = tpu.memref_squeeze %dma_start3A_655 : memref<1x50x300xf32, #tpu.memory_space<vmem>> -> memref<50x300xf32, #tpu.memory_space<vmem>>
      %dma_start3A_657 = arith.constant 46 : i32
      %dma_start3A_658 = arith.constant 0 : i32
      %dma_start3A_659 = tpu.memref_slice %dma_start3A_656[%dma_start3A_657, %dma_start3A_658] : memref<50x300xf32, #tpu.memory_space<vmem>> -> memref<1x300xf32, #tpu.memory_space<vmem>>
      %dma_start3A_660 = arith.constant 0 : i32
      %dma_start3A_661 = tpu.memref_slice %arg3[%squeeze3A_651, %dma_start3A_660] : memref<400000x300xf32, #tpu.memory_space<hbm>> -> memref<1x300xf32, #tpu.memory_space<hbm>>
      %dma_start3A_662 = arith.constant 0 : i32
      %dma_start3A_663 = arith.constant 0 : i32
      %dma_start3A_664 = tpu.memref_slice %arg7[%dma_start3A_652, %dma_start3A_662, %dma_start3A_663] : memref<2x50x300xf32, #tpu.memory_space<vmem>> -> memref<1x50x300xf32, #tpu.memory_space<vmem>>
      %dma_start3A_665 = tpu.memref_squeeze %dma_start3A_664 : memref<1x50x300xf32, #tpu.memory_space<vmem>> -> memref<50x300xf32, #tpu.memory_space<vmem>>
      %dma_start3A_666 = arith.constant 46 : i32
      %dma_start3A_667 = arith.constant 0 : i32
      %dma_start3A_668 = tpu.memref_slice %dma_start3A_665[%dma_start3A_666, %dma_start3A_667] : memref<50x300xf32, #tpu.memory_space<vmem>> -> memref<1x300xf32, #tpu.memory_space<vmem>>
      %dma_start3A_669 = arith.constant 0 : i32
      %dma_start3A_670 = tpu.memref_slice %arg3[%squeeze3A_651, %dma_start3A_669] : memref<400000x300xf32, #tpu.memory_space<hbm>> -> memref<1x300xf32, #tpu.memory_space<hbm>>
      tpu.enqueue_dma source(%dma_start3A_670 : memref<1x300xf32, #tpu.memory_space<hbm>>) target(%dma_start3A_668 : memref<1x300xf32, #tpu.memory_space<vmem>>) target_semaphore(%arg9 : memref<!tpu.dma_semaphore, #tpu.memory_space<semaphore_mem>>)
      %slice3A_671 = vector.extract_strided_slice %get3A_649 {offsets = [1], sizes = [1], strides = [1]} : vector<16xi32> to vector<1xi32>
      %squeeze3A_672 = vector.extract %slice3A_671[0] : i32 from vector<1xi32>
      %dma_start3A_673 = arith.constant 1 : i32
      %dma_start3A_674 = arith.constant 0 : i32
      %dma_start3A_675 = arith.constant 0 : i32
      %dma_start3A_676 = tpu.memref_slice %arg7[%dma_start3A_673, %dma_start3A_674, %dma_start3A_675] : memref<2x50x300xf32, #tpu.memory_space<vmem>> -> memref<1x50x300xf32, #tpu.memory_space<vmem>>
      %dma_start3A_677 = tpu.memref_squeeze %dma_start3A_676 : memref<1x50x300xf32, #tpu.memory_space<vmem>> -> memref<50x300xf32, #tpu.memory_space<vmem>>
      %dma_start3A_678 = arith.constant 47 : i32
      %dma_start3A_679 = arith.constant 0 : i32
      %dma_start3A_680 = tpu.memref_slice %dma_start3A_677[%dma_start3A_678, %dma_start3A_679] : memref<50x300xf32, #tpu.memory_space<vmem>> -> memref<1x300xf32, #tpu.memory_space<vmem>>
      %dma_start3A_681 = arith.constant 0 : i32
      %dma_start3A_682 = tpu.memref_slice %arg3[%squeeze3A_672, %dma_start3A_681] : memref<400000x300xf32, #tpu.memory_space<hbm>> -> memref<1x300xf32, #tpu.memory_space<hbm>>
      %dma_start3A_683 = arith.constant 0 : i32
      %dma_start3A_684 = arith.constant 0 : i32
      %dma_start3A_685 = tpu.memref_slice %arg7[%dma_start3A_673, %dma_start3A_683, %dma_start3A_684] : memref<2x50x300xf32, #tpu.memory_space<vmem>> -> memref<1x50x300xf32, #tpu.memory_space<vmem>>
      %dma_start3A_686 = tpu.memref_squeeze %dma_start3A_685 : memref<1x50x300xf32, #tpu.memory_space<vmem>> -> memref<50x300xf32, #tpu.memory_space<vmem>>
      %dma_start3A_687 = arith.constant 47 : i32
      %dma_start3A_688 = arith.constant 0 : i32
      %dma_start3A_689 = tpu.memref_slice %dma_start3A_686[%dma_start3A_687, %dma_start3A_688] : memref<50x300xf32, #tpu.memory_space<vmem>> -> memref<1x300xf32, #tpu.memory_space<vmem>>
      %dma_start3A_690 = arith.constant 0 : i32
      %dma_start3A_691 = tpu.memref_slice %arg3[%squeeze3A_672, %dma_start3A_690] : memref<400000x300xf32, #tpu.memory_space<hbm>> -> memref<1x300xf32, #tpu.memory_space<hbm>>
      tpu.enqueue_dma source(%dma_start3A_691 : memref<1x300xf32, #tpu.memory_space<hbm>>) target(%dma_start3A_689 : memref<1x300xf32, #tpu.memory_space<vmem>>) target_semaphore(%arg9 : memref<!tpu.dma_semaphore, #tpu.memory_space<semaphore_mem>>)
      %slice3A_692 = vector.extract_strided_slice %get3A_649 {offsets = [2], sizes = [1], strides = [1]} : vector<16xi32> to vector<1xi32>
      %squeeze3A_693 = vector.extract %slice3A_692[0] : i32 from vector<1xi32>
      %dma_start3A_694 = arith.constant 1 : i32
      %dma_start3A_695 = arith.constant 0 : i32
      %dma_start3A_696 = arith.constant 0 : i32
      %dma_start3A_697 = tpu.memref_slice %arg7[%dma_start3A_694, %dma_start3A_695, %dma_start3A_696] : memref<2x50x300xf32, #tpu.memory_space<vmem>> -> memref<1x50x300xf32, #tpu.memory_space<vmem>>
      %dma_start3A_698 = tpu.memref_squeeze %dma_start3A_697 : memref<1x50x300xf32, #tpu.memory_space<vmem>> -> memref<50x300xf32, #tpu.memory_space<vmem>>
      %dma_start3A_699 = arith.constant 48 : i32
      %dma_start3A_700 = arith.constant 0 : i32
      %dma_start3A_701 = tpu.memref_slice %dma_start3A_698[%dma_start3A_699, %dma_start3A_700] : memref<50x300xf32, #tpu.memory_space<vmem>> -> memref<1x300xf32, #tpu.memory_space<vmem>>
      %dma_start3A_702 = arith.constant 0 : i32
      %dma_start3A_703 = tpu.memref_slice %arg3[%squeeze3A_693, %dma_start3A_702] : memref<400000x300xf32, #tpu.memory_space<hbm>> -> memref<1x300xf32, #tpu.memory_space<hbm>>
      %dma_start3A_704 = arith.constant 0 : i32
      %dma_start3A_705 = arith.constant 0 : i32
      %dma_start3A_706 = tpu.memref_slice %arg7[%dma_start3A_694, %dma_start3A_704, %dma_start3A_705] : memref<2x50x300xf32, #tpu.memory_space<vmem>> -> memref<1x50x300xf32, #tpu.memory_space<vmem>>
      %dma_start3A_707 = tpu.memref_squeeze %dma_start3A_706 : memref<1x50x300xf32, #tpu.memory_space<vmem>> -> memref<50x300xf32, #tpu.memory_space<vmem>>
      %dma_start3A_708 = arith.constant 48 : i32
      %dma_start3A_709 = arith.constant 0 : i32
      %dma_start3A_710 = tpu.memref_slice %dma_start3A_707[%dma_start3A_708, %dma_start3A_709] : memref<50x300xf32, #tpu.memory_space<vmem>> -> memref<1x300xf32, #tpu.memory_space<vmem>>
      %dma_start3A_711 = arith.constant 0 : i32
      %dma_start3A_712 = tpu.memref_slice %arg3[%squeeze3A_693, %dma_start3A_711] : memref<400000x300xf32, #tpu.memory_space<hbm>> -> memref<1x300xf32, #tpu.memory_space<hbm>>
      tpu.enqueue_dma source(%dma_start3A_712 : memref<1x300xf32, #tpu.memory_space<hbm>>) target(%dma_start3A_710 : memref<1x300xf32, #tpu.memory_space<vmem>>) target_semaphore(%arg9 : memref<!tpu.dma_semaphore, #tpu.memory_space<semaphore_mem>>)
      %slice3A_713 = vector.extract_strided_slice %get3A_649 {offsets = [3], sizes = [1], strides = [1]} : vector<16xi32> to vector<1xi32>
      %squeeze3A_714 = vector.extract %slice3A_713[0] : i32 from vector<1xi32>
      %dma_start3A_715 = arith.constant 1 : i32
      %dma_start3A_716 = arith.constant 0 : i32
      %dma_start3A_717 = arith.constant 0 : i32
      %dma_start3A_718 = tpu.memref_slice %arg7[%dma_start3A_715, %dma_start3A_716, %dma_start3A_717] : memref<2x50x300xf32, #tpu.memory_space<vmem>> -> memref<1x50x300xf32, #tpu.memory_space<vmem>>
      %dma_start3A_719 = tpu.memref_squeeze %dma_start3A_718 : memref<1x50x300xf32, #tpu.memory_space<vmem>> -> memref<50x300xf32, #tpu.memory_space<vmem>>
      %dma_start3A_720 = arith.constant 49 : i32
      %dma_start3A_721 = arith.constant 0 : i32
      %dma_start3A_722 = tpu.memref_slice %dma_start3A_719[%dma_start3A_720, %dma_start3A_721] : memref<50x300xf32, #tpu.memory_space<vmem>> -> memref<1x300xf32, #tpu.memory_space<vmem>>
      %dma_start3A_723 = arith.constant 0 : i32
      %dma_start3A_724 = tpu.memref_slice %arg3[%squeeze3A_714, %dma_start3A_723] : memref<400000x300xf32, #tpu.memory_space<hbm>> -> memref<1x300xf32, #tpu.memory_space<hbm>>
      %dma_start3A_725 = arith.constant 0 : i32
      %dma_start3A_726 = arith.constant 0 : i32
      %dma_start3A_727 = tpu.memref_slice %arg7[%dma_start3A_715, %dma_start3A_725, %dma_start3A_726] : memref<2x50x300xf32, #tpu.memory_space<vmem>> -> memref<1x50x300xf32, #tpu.memory_space<vmem>>
      %dma_start3A_728 = tpu.memref_squeeze %dma_start3A_727 : memref<1x50x300xf32, #tpu.memory_space<vmem>> -> memref<50x300xf32, #tpu.memory_space<vmem>>
      %dma_start3A_729 = arith.constant 49 : i32
      %dma_start3A_730 = arith.constant 0 : i32
      %dma_start3A_731 = tpu.memref_slice %dma_start3A_728[%dma_start3A_729, %dma_start3A_730] : memref<50x300xf32, #tpu.memory_space<vmem>> -> memref<1x300xf32, #tpu.memory_space<vmem>>
      %dma_start3A_732 = arith.constant 0 : i32
      %dma_start3A_733 = tpu.memref_slice %arg3[%squeeze3A_714, %dma_start3A_732] : memref<400000x300xf32, #tpu.memory_space<hbm>> -> memref<1x300xf32, #tpu.memory_space<hbm>>
      tpu.enqueue_dma source(%dma_start3A_733 : memref<1x300xf32, #tpu.memory_space<hbm>>) target(%dma_start3A_731 : memref<1x300xf32, #tpu.memory_space<vmem>>) target_semaphore(%arg9 : memref<!tpu.dma_semaphore, #tpu.memory_space<semaphore_mem>>)
    }
    %scan3A_189 = arith.constant 31 : i32
    %scan3A_190 = arith.constant 0 : i32
    %scan3A_191 = arith.constant 0 : i32
    %scan3A_192 = arith.constant 100 : i32
    %scan3A_193 = arith.addi %scan3A_191, %scan3A_192 : i32
    %scan3A_194 = arith.constant 1 : i32
    scf.for %scan3A_357 = %scan3A_191 to %scan3A_193 step %scan3A_194  : i32 {
      %dma_wait3A_358 = arith.constant 0 : i32
      %dma_wait3A_359 = arith.constant 0 : i32
      %dma_wait3A_360 = arith.constant 0 : i32
      %dma_wait3A_361 = tpu.memref_slice %arg6[%dma_wait3A_358, %dma_wait3A_359, %dma_wait3A_360] : memref<2x50x300xf32, #tpu.memory_space<vmem>> -> memref<1x50x300xf32, #tpu.memory_space<vmem>>
      %dma_wait3A_362 = tpu.memref_squeeze %dma_wait3A_361 : memref<1x50x300xf32, #tpu.memory_space<vmem>> -> memref<50x300xf32, #tpu.memory_space<vmem>>
      %dma_wait3A_363 = arith.constant 0 : i32
      %dma_wait3A_364 = arith.constant 0 : i32
      %dma_wait3A_365 = tpu.memref_slice %dma_wait3A_362[%dma_wait3A_363, %dma_wait3A_364] : memref<50x300xf32, #tpu.memory_space<vmem>> -> memref<1x300xf32, #tpu.memory_space<vmem>>
      %dma_wait3A_366 = arith.constant 0 : i32
      %dma_wait3A_367 = arith.constant 0 : i32
      %dma_wait3A_368 = tpu.memref_slice %arg3[%dma_wait3A_366, %dma_wait3A_367] : memref<400000x300xf32, #tpu.memory_space<hbm>> -> memref<1x300xf32, #tpu.memory_space<hbm>>
      %dma_wait3A_369 = arith.constant 0 : i32
      %dma_wait3A_370 = arith.constant 0 : i32
      %dma_wait3A_371 = tpu.memref_slice %arg6[%dma_wait3A_358, %dma_wait3A_369, %dma_wait3A_370] : memref<2x50x300xf32, #tpu.memory_space<vmem>> -> memref<1x50x300xf32, #tpu.memory_space<vmem>>
      %dma_wait3A_372 = tpu.memref_squeeze %dma_wait3A_371 : memref<1x50x300xf32, #tpu.memory_space<vmem>> -> memref<50x300xf32, #tpu.memory_space<vmem>>
      %dma_wait3A_373 = arith.constant 0 : i32
      %dma_wait3A_374 = arith.constant 0 : i32
      %dma_wait3A_375 = tpu.memref_slice %dma_wait3A_372[%dma_wait3A_373, %dma_wait3A_374] : memref<50x300xf32, #tpu.memory_space<vmem>> -> memref<1x300xf32, #tpu.memory_space<vmem>>
      %dma_wait3A_376 = arith.constant 0 : i32
      %dma_wait3A_377 = arith.constant 0 : i32
      %dma_wait3A_378 = tpu.memref_slice %arg3[%dma_wait3A_376, %dma_wait3A_377] : memref<400000x300xf32, #tpu.memory_space<hbm>> -> memref<1x300xf32, #tpu.memory_space<hbm>>
      tpu.wait_dma2 semaphore(%arg8 : memref<!tpu.dma_semaphore, #tpu.memory_space<semaphore_mem>>) src(%dma_wait3A_378 : memref<1x300xf32, #tpu.memory_space<hbm>>) dst(%dma_wait3A_375 : memref<1x300xf32, #tpu.memory_space<vmem>>)
    }
    %scan3A_195 = arith.constant 100 : i32
    %mul3A_196 = arith.constant 128 : i32
    %mul3A_197 = arith.muli %add3A, %mul3A_196 : i32
    %add3A_198 = arith.constant 124 : i32
    %add3A_199 = arith.addi %mul3A_197, %add3A_198 : i32
    %add3A_200 = arith.constant 0 : i32
    %add3A_201 = arith.addi %add3A_199, %add3A_200 : i32
    %dma_start3A_202 = arith.constant 0 : i32
    %dma_start3A_203 = arith.constant 0 : i32
    %dma_start3A_204 = arith.constant 0 : i32
    %dma_start3A_205 = tpu.memref_slice %arg6[%dma_start3A_202, %dma_start3A_203, %dma_start3A_204] : memref<2x50x300xf32, #tpu.memory_space<vmem>> -> memref<1x50x300xf32, #tpu.memory_space<vmem>>
    %dma_start3A_206 = tpu.memref_squeeze %dma_start3A_205 : memref<1x50x300xf32, #tpu.memory_space<vmem>> -> memref<50x300xf32, #tpu.memory_space<vmem>>
    %dma_start3A_207 = arith.constant 0 : i32
    %dma_start3A_208 = arith.constant 0 : i32
    %dma_start3A_209 = tpu.memref_slice %arg4[%add3A_201, %dma_start3A_207, %dma_start3A_208] : memref<4096x50x300xf32, #tpu.memory_space<hbm>> -> memref<1x50x300xf32, #tpu.memory_space<hbm>>
    %dma_start3A_210 = tpu.memref_squeeze %dma_start3A_209 : memref<1x50x300xf32, #tpu.memory_space<hbm>> -> memref<50x300xf32, #tpu.memory_space<hbm>>
    %dma_start3A_211 = arith.constant 0 : i32
    %dma_start3A_212 = arith.constant 0 : i32
    %dma_start3A_213 = tpu.memref_slice %arg4[%add3A_201, %dma_start3A_211, %dma_start3A_212] : memref<4096x50x300xf32, #tpu.memory_space<hbm>> -> memref<1x50x300xf32, #tpu.memory_space<hbm>>
    %dma_start3A_214 = tpu.memref_squeeze %dma_start3A_213 : memref<1x50x300xf32, #tpu.memory_space<hbm>> -> memref<50x300xf32, #tpu.memory_space<hbm>>
    %dma_start3A_215 = arith.constant 0 : i32
    %dma_start3A_216 = arith.constant 0 : i32
    %dma_start3A_217 = tpu.memref_slice %arg6[%dma_start3A_202, %dma_start3A_215, %dma_start3A_216] : memref<2x50x300xf32, #tpu.memory_space<vmem>> -> memref<1x50x300xf32, #tpu.memory_space<vmem>>
    %dma_start3A_218 = tpu.memref_squeeze %dma_start3A_217 : memref<1x50x300xf32, #tpu.memory_space<vmem>> -> memref<50x300xf32, #tpu.memory_space<vmem>>
    tpu.enqueue_dma source(%dma_start3A_218 : memref<50x300xf32, #tpu.memory_space<vmem>>) target(%dma_start3A_214 : memref<50x300xf32, #tpu.memory_space<hbm>>) target_semaphore(%arg10 : memref<!tpu.dma_semaphore, #tpu.memory_space<semaphore_mem>>)
    %add3A_219 = arith.constant 1 : i32
    %add3A_220 = arith.addi %add3A_199, %add3A_219 : i32
    %dma_start3A_221 = arith.constant 1 : i32
    %dma_start3A_222 = arith.constant 0 : i32
    %dma_start3A_223 = arith.constant 0 : i32
    %dma_start3A_224 = tpu.memref_slice %arg6[%dma_start3A_221, %dma_start3A_222, %dma_start3A_223] : memref<2x50x300xf32, #tpu.memory_space<vmem>> -> memref<1x50x300xf32, #tpu.memory_space<vmem>>
    %dma_start3A_225 = tpu.memref_squeeze %dma_start3A_224 : memref<1x50x300xf32, #tpu.memory_space<vmem>> -> memref<50x300xf32, #tpu.memory_space<vmem>>
    %dma_start3A_226 = arith.constant 0 : i32
    %dma_start3A_227 = arith.constant 0 : i32
    %dma_start3A_228 = tpu.memref_slice %arg4[%add3A_220, %dma_start3A_226, %dma_start3A_227] : memref<4096x50x300xf32, #tpu.memory_space<hbm>> -> memref<1x50x300xf32, #tpu.memory_space<hbm>>
    %dma_start3A_229 = tpu.memref_squeeze %dma_start3A_228 : memref<1x50x300xf32, #tpu.memory_space<hbm>> -> memref<50x300xf32, #tpu.memory_space<hbm>>
    %dma_start3A_230 = arith.constant 0 : i32
    %dma_start3A_231 = arith.constant 0 : i32
    %dma_start3A_232 = tpu.memref_slice %arg4[%add3A_220, %dma_start3A_230, %dma_start3A_231] : memref<4096x50x300xf32, #tpu.memory_space<hbm>> -> memref<1x50x300xf32, #tpu.memory_space<hbm>>
    %dma_start3A_233 = tpu.memref_squeeze %dma_start3A_232 : memref<1x50x300xf32, #tpu.memory_space<hbm>> -> memref<50x300xf32, #tpu.memory_space<hbm>>
    %dma_start3A_234 = arith.constant 0 : i32
    %dma_start3A_235 = arith.constant 0 : i32
    %dma_start3A_236 = tpu.memref_slice %arg6[%dma_start3A_221, %dma_start3A_234, %dma_start3A_235] : memref<2x50x300xf32, #tpu.memory_space<vmem>> -> memref<1x50x300xf32, #tpu.memory_space<vmem>>
    %dma_start3A_237 = tpu.memref_squeeze %dma_start3A_236 : memref<1x50x300xf32, #tpu.memory_space<vmem>> -> memref<50x300xf32, #tpu.memory_space<vmem>>
    tpu.enqueue_dma source(%dma_start3A_237 : memref<50x300xf32, #tpu.memory_space<vmem>>) target(%dma_start3A_233 : memref<50x300xf32, #tpu.memory_space<hbm>>) target_semaphore(%arg10 : memref<!tpu.dma_semaphore, #tpu.memory_space<semaphore_mem>>)
    %scan3A_238 = arith.constant 0 : i32
    %scan3A_239 = arith.constant 0 : i32
    %scan3A_240 = arith.constant 100 : i32
    %scan3A_241 = arith.addi %scan3A_239, %scan3A_240 : i32
    %scan3A_242 = arith.constant 1 : i32
    scf.for %scan3A_357 = %scan3A_239 to %scan3A_241 step %scan3A_242  : i32 {
      %dma_wait3A_358 = arith.constant 0 : i32
      %dma_wait3A_359 = arith.constant 0 : i32
      %dma_wait3A_360 = arith.constant 0 : i32
      %dma_wait3A_361 = tpu.memref_slice %arg7[%dma_wait3A_358, %dma_wait3A_359, %dma_wait3A_360] : memref<2x50x300xf32, #tpu.memory_space<vmem>> -> memref<1x50x300xf32, #tpu.memory_space<vmem>>
      %dma_wait3A_362 = tpu.memref_squeeze %dma_wait3A_361 : memref<1x50x300xf32, #tpu.memory_space<vmem>> -> memref<50x300xf32, #tpu.memory_space<vmem>>
      %dma_wait3A_363 = arith.constant 0 : i32
      %dma_wait3A_364 = arith.constant 0 : i32
      %dma_wait3A_365 = tpu.memref_slice %dma_wait3A_362[%dma_wait3A_363, %dma_wait3A_364] : memref<50x300xf32, #tpu.memory_space<vmem>> -> memref<1x300xf32, #tpu.memory_space<vmem>>
      %dma_wait3A_366 = arith.constant 0 : i32
      %dma_wait3A_367 = arith.constant 0 : i32
      %dma_wait3A_368 = tpu.memref_slice %arg3[%dma_wait3A_366, %dma_wait3A_367] : memref<400000x300xf32, #tpu.memory_space<hbm>> -> memref<1x300xf32, #tpu.memory_space<hbm>>
      %dma_wait3A_369 = arith.constant 0 : i32
      %dma_wait3A_370 = arith.constant 0 : i32
      %dma_wait3A_371 = tpu.memref_slice %arg7[%dma_wait3A_358, %dma_wait3A_369, %dma_wait3A_370] : memref<2x50x300xf32, #tpu.memory_space<vmem>> -> memref<1x50x300xf32, #tpu.memory_space<vmem>>
      %dma_wait3A_372 = tpu.memref_squeeze %dma_wait3A_371 : memref<1x50x300xf32, #tpu.memory_space<vmem>> -> memref<50x300xf32, #tpu.memory_space<vmem>>
      %dma_wait3A_373 = arith.constant 0 : i32
      %dma_wait3A_374 = arith.constant 0 : i32
      %dma_wait3A_375 = tpu.memref_slice %dma_wait3A_372[%dma_wait3A_373, %dma_wait3A_374] : memref<50x300xf32, #tpu.memory_space<vmem>> -> memref<1x300xf32, #tpu.memory_space<vmem>>
      %dma_wait3A_376 = arith.constant 0 : i32
      %dma_wait3A_377 = arith.constant 0 : i32
      %dma_wait3A_378 = tpu.memref_slice %arg3[%dma_wait3A_376, %dma_wait3A_377] : memref<400000x300xf32, #tpu.memory_space<hbm>> -> memref<1x300xf32, #tpu.memory_space<hbm>>
      tpu.wait_dma2 semaphore(%arg9 : memref<!tpu.dma_semaphore, #tpu.memory_space<semaphore_mem>>) src(%dma_wait3A_378 : memref<1x300xf32, #tpu.memory_space<hbm>>) dst(%dma_wait3A_375 : memref<1x300xf32, #tpu.memory_space<vmem>>)
    }
    %scan3A_243 = arith.constant 100 : i32
    %mul3A_244 = arith.constant 128 : i32
    %mul3A_245 = arith.muli %add3A, %mul3A_244 : i32
    %add3A_246 = arith.constant 126 : i32
    %add3A_247 = arith.addi %mul3A_245, %add3A_246 : i32
    %add3A_248 = arith.constant 0 : i32
    %add3A_249 = arith.addi %add3A_247, %add3A_248 : i32
    %dma_start3A_250 = arith.constant 0 : i32
    %dma_start3A_251 = arith.constant 0 : i32
    %dma_start3A_252 = arith.constant 0 : i32
    %dma_start3A_253 = tpu.memref_slice %arg7[%dma_start3A_250, %dma_start3A_251, %dma_start3A_252] : memref<2x50x300xf32, #tpu.memory_space<vmem>> -> memref<1x50x300xf32, #tpu.memory_space<vmem>>
    %dma_start3A_254 = tpu.memref_squeeze %dma_start3A_253 : memref<1x50x300xf32, #tpu.memory_space<vmem>> -> memref<50x300xf32, #tpu.memory_space<vmem>>
    %dma_start3A_255 = arith.constant 0 : i32
    %dma_start3A_256 = arith.constant 0 : i32
    %dma_start3A_257 = tpu.memref_slice %arg4[%add3A_249, %dma_start3A_255, %dma_start3A_256] : memref<4096x50x300xf32, #tpu.memory_space<hbm>> -> memref<1x50x300xf32, #tpu.memory_space<hbm>>
    %dma_start3A_258 = tpu.memref_squeeze %dma_start3A_257 : memref<1x50x300xf32, #tpu.memory_space<hbm>> -> memref<50x300xf32, #tpu.memory_space<hbm>>
    %dma_start3A_259 = arith.constant 0 : i32
    %dma_start3A_260 = arith.constant 0 : i32
    %dma_start3A_261 = tpu.memref_slice %arg4[%add3A_249, %dma_start3A_259, %dma_start3A_260] : memref<4096x50x300xf32, #tpu.memory_space<hbm>> -> memref<1x50x300xf32, #tpu.memory_space<hbm>>
    %dma_start3A_262 = tpu.memref_squeeze %dma_start3A_261 : memref<1x50x300xf32, #tpu.memory_space<hbm>> -> memref<50x300xf32, #tpu.memory_space<hbm>>
    %dma_start3A_263 = arith.constant 0 : i32
    %dma_start3A_264 = arith.constant 0 : i32
    %dma_start3A_265 = tpu.memref_slice %arg7[%dma_start3A_250, %dma_start3A_263, %dma_start3A_264] : memref<2x50x300xf32, #tpu.memory_space<vmem>> -> memref<1x50x300xf32, #tpu.memory_space<vmem>>
    %dma_start3A_266 = tpu.memref_squeeze %dma_start3A_265 : memref<1x50x300xf32, #tpu.memory_space<vmem>> -> memref<50x300xf32, #tpu.memory_space<vmem>>
    tpu.enqueue_dma source(%dma_start3A_266 : memref<50x300xf32, #tpu.memory_space<vmem>>) target(%dma_start3A_262 : memref<50x300xf32, #tpu.memory_space<hbm>>) target_semaphore(%arg11 : memref<!tpu.dma_semaphore, #tpu.memory_space<semaphore_mem>>)
    %add3A_267 = arith.constant 1 : i32
    %add3A_268 = arith.addi %add3A_247, %add3A_267 : i32
    %dma_start3A_269 = arith.constant 1 : i32
    %dma_start3A_270 = arith.constant 0 : i32
    %dma_start3A_271 = arith.constant 0 : i32
    %dma_start3A_272 = tpu.memref_slice %arg7[%dma_start3A_269, %dma_start3A_270, %dma_start3A_271] : memref<2x50x300xf32, #tpu.memory_space<vmem>> -> memref<1x50x300xf32, #tpu.memory_space<vmem>>
    %dma_start3A_273 = tpu.memref_squeeze %dma_start3A_272 : memref<1x50x300xf32, #tpu.memory_space<vmem>> -> memref<50x300xf32, #tpu.memory_space<vmem>>
    %dma_start3A_274 = arith.constant 0 : i32
    %dma_start3A_275 = arith.constant 0 : i32
    %dma_start3A_276 = tpu.memref_slice %arg4[%add3A_268, %dma_start3A_274, %dma_start3A_275] : memref<4096x50x300xf32, #tpu.memory_space<hbm>> -> memref<1x50x300xf32, #tpu.memory_space<hbm>>
    %dma_start3A_277 = tpu.memref_squeeze %dma_start3A_276 : memref<1x50x300xf32, #tpu.memory_space<hbm>> -> memref<50x300xf32, #tpu.memory_space<hbm>>
    %dma_start3A_278 = arith.constant 0 : i32
    %dma_start3A_279 = arith.constant 0 : i32
    %dma_start3A_280 = tpu.memref_slice %arg4[%add3A_268, %dma_start3A_278, %dma_start3A_279] : memref<4096x50x300xf32, #tpu.memory_space<hbm>> -> memref<1x50x300xf32, #tpu.memory_space<hbm>>
    %dma_start3A_281 = tpu.memref_squeeze %dma_start3A_280 : memref<1x50x300xf32, #tpu.memory_space<hbm>> -> memref<50x300xf32, #tpu.memory_space<hbm>>
    %dma_start3A_282 = arith.constant 0 : i32
    %dma_start3A_283 = arith.constant 0 : i32
    %dma_start3A_284 = tpu.memref_slice %arg7[%dma_start3A_269, %dma_start3A_282, %dma_start3A_283] : memref<2x50x300xf32, #tpu.memory_space<vmem>> -> memref<1x50x300xf32, #tpu.memory_space<vmem>>
    %dma_start3A_285 = tpu.memref_squeeze %dma_start3A_284 : memref<1x50x300xf32, #tpu.memory_space<vmem>> -> memref<50x300xf32, #tpu.memory_space<vmem>>
    tpu.enqueue_dma source(%dma_start3A_285 : memref<50x300xf32, #tpu.memory_space<vmem>>) target(%dma_start3A_281 : memref<50x300xf32, #tpu.memory_space<hbm>>) target_semaphore(%arg11 : memref<!tpu.dma_semaphore, #tpu.memory_space<semaphore_mem>>)
    %dma_wait3A = arith.constant 0 : i32
    %dma_wait3A_286 = arith.constant 0 : i32
    %dma_wait3A_287 = arith.constant 0 : i32
    %dma_wait3A_288 = arith.constant 0 : i32
    %dma_wait3A_289 = tpu.memref_slice %arg6[%dma_wait3A, %dma_wait3A_287, %dma_wait3A_288] : memref<2x50x300xf32, #tpu.memory_space<vmem>> -> memref<1x50x300xf32, #tpu.memory_space<vmem>>
    %dma_wait3A_290 = tpu.memref_squeeze %dma_wait3A_289 : memref<1x50x300xf32, #tpu.memory_space<vmem>> -> memref<50x300xf32, #tpu.memory_space<vmem>>
    %dma_wait3A_291 = arith.constant 0 : i32
    %dma_wait3A_292 = arith.constant 0 : i32
    %dma_wait3A_293 = tpu.memref_slice %arg4[%dma_wait3A_286, %dma_wait3A_291, %dma_wait3A_292] : memref<4096x50x300xf32, #tpu.memory_space<hbm>> -> memref<1x50x300xf32, #tpu.memory_space<hbm>>
    %dma_wait3A_294 = tpu.memref_squeeze %dma_wait3A_293 : memref<1x50x300xf32, #tpu.memory_space<hbm>> -> memref<50x300xf32, #tpu.memory_space<hbm>>
    %dma_wait3A_295 = arith.constant 0 : i32
    %dma_wait3A_296 = arith.constant 0 : i32
    %dma_wait3A_297 = tpu.memref_slice %arg4[%dma_wait3A_286, %dma_wait3A_295, %dma_wait3A_296] : memref<4096x50x300xf32, #tpu.memory_space<hbm>> -> memref<1x50x300xf32, #tpu.memory_space<hbm>>
    %dma_wait3A_298 = tpu.memref_squeeze %dma_wait3A_297 : memref<1x50x300xf32, #tpu.memory_space<hbm>> -> memref<50x300xf32, #tpu.memory_space<hbm>>
    %dma_wait3A_299 = arith.constant 0 : i32
    %dma_wait3A_300 = arith.constant 0 : i32
    %dma_wait3A_301 = tpu.memref_slice %arg6[%dma_wait3A, %dma_wait3A_299, %dma_wait3A_300] : memref<2x50x300xf32, #tpu.memory_space<vmem>> -> memref<1x50x300xf32, #tpu.memory_space<vmem>>
    %dma_wait3A_302 = tpu.memref_squeeze %dma_wait3A_301 : memref<1x50x300xf32, #tpu.memory_space<vmem>> -> memref<50x300xf32, #tpu.memory_space<vmem>>
    tpu.wait_dma2 semaphore(%arg10 : memref<!tpu.dma_semaphore, #tpu.memory_space<semaphore_mem>>) src(%dma_wait3A_302 : memref<50x300xf32, #tpu.memory_space<vmem>>) dst(%dma_wait3A_298 : memref<50x300xf32, #tpu.memory_space<hbm>>)
    %dma_wait3A_303 = arith.constant 0 : i32
    %dma_wait3A_304 = arith.constant 0 : i32
    %dma_wait3A_305 = arith.constant 0 : i32
    %dma_wait3A_306 = arith.constant 0 : i32
    %dma_wait3A_307 = tpu.memref_slice %arg6[%dma_wait3A_303, %dma_wait3A_305, %dma_wait3A_306] : memref<2x50x300xf32, #tpu.memory_space<vmem>> -> memref<1x50x300xf32, #tpu.memory_space<vmem>>
    %dma_wait3A_308 = tpu.memref_squeeze %dma_wait3A_307 : memref<1x50x300xf32, #tpu.memory_space<vmem>> -> memref<50x300xf32, #tpu.memory_space<vmem>>
    %dma_wait3A_309 = arith.constant 0 : i32
    %dma_wait3A_310 = arith.constant 0 : i32
    %dma_wait3A_311 = tpu.memref_slice %arg4[%dma_wait3A_304, %dma_wait3A_309, %dma_wait3A_310] : memref<4096x50x300xf32, #tpu.memory_space<hbm>> -> memref<1x50x300xf32, #tpu.memory_space<hbm>>
    %dma_wait3A_312 = tpu.memref_squeeze %dma_wait3A_311 : memref<1x50x300xf32, #tpu.memory_space<hbm>> -> memref<50x300xf32, #tpu.memory_space<hbm>>
    %dma_wait3A_313 = arith.constant 0 : i32
    %dma_wait3A_314 = arith.constant 0 : i32
    %dma_wait3A_315 = tpu.memref_slice %arg4[%dma_wait3A_304, %dma_wait3A_313, %dma_wait3A_314] : memref<4096x50x300xf32, #tpu.memory_space<hbm>> -> memref<1x50x300xf32, #tpu.memory_space<hbm>>
    %dma_wait3A_316 = tpu.memref_squeeze %dma_wait3A_315 : memref<1x50x300xf32, #tpu.memory_space<hbm>> -> memref<50x300xf32, #tpu.memory_space<hbm>>
    %dma_wait3A_317 = arith.constant 0 : i32
    %dma_wait3A_318 = arith.constant 0 : i32
    %dma_wait3A_319 = tpu.memref_slice %arg6[%dma_wait3A_303, %dma_wait3A_317, %dma_wait3A_318] : memref<2x50x300xf32, #tpu.memory_space<vmem>> -> memref<1x50x300xf32, #tpu.memory_space<vmem>>
    %dma_wait3A_320 = tpu.memref_squeeze %dma_wait3A_319 : memref<1x50x300xf32, #tpu.memory_space<vmem>> -> memref<50x300xf32, #tpu.memory_space<vmem>>
    tpu.wait_dma2 semaphore(%arg10 : memref<!tpu.dma_semaphore, #tpu.memory_space<semaphore_mem>>) src(%dma_wait3A_320 : memref<50x300xf32, #tpu.memory_space<vmem>>) dst(%dma_wait3A_316 : memref<50x300xf32, #tpu.memory_space<hbm>>)
    %dma_wait3A_321 = arith.constant 0 : i32
    %dma_wait3A_322 = arith.constant 0 : i32
    %dma_wait3A_323 = arith.constant 0 : i32
    %dma_wait3A_324 = arith.constant 0 : i32
    %dma_wait3A_325 = tpu.memref_slice %arg7[%dma_wait3A_321, %dma_wait3A_323, %dma_wait3A_324] : memref<2x50x300xf32, #tpu.memory_space<vmem>> -> memref<1x50x300xf32, #tpu.memory_space<vmem>>
    %dma_wait3A_326 = tpu.memref_squeeze %dma_wait3A_325 : memref<1x50x300xf32, #tpu.memory_space<vmem>> -> memref<50x300xf32, #tpu.memory_space<vmem>>
    %dma_wait3A_327 = arith.constant 0 : i32
    %dma_wait3A_328 = arith.constant 0 : i32
    %dma_wait3A_329 = tpu.memref_slice %arg4[%dma_wait3A_322, %dma_wait3A_327, %dma_wait3A_328] : memref<4096x50x300xf32, #tpu.memory_space<hbm>> -> memref<1x50x300xf32, #tpu.memory_space<hbm>>
    %dma_wait3A_330 = tpu.memref_squeeze %dma_wait3A_329 : memref<1x50x300xf32, #tpu.memory_space<hbm>> -> memref<50x300xf32, #tpu.memory_space<hbm>>
    %dma_wait3A_331 = arith.constant 0 : i32
    %dma_wait3A_332 = arith.constant 0 : i32
    %dma_wait3A_333 = tpu.memref_slice %arg4[%dma_wait3A_322, %dma_wait3A_331, %dma_wait3A_332] : memref<4096x50x300xf32, #tpu.memory_space<hbm>> -> memref<1x50x300xf32, #tpu.memory_space<hbm>>
    %dma_wait3A_334 = tpu.memref_squeeze %dma_wait3A_333 : memref<1x50x300xf32, #tpu.memory_space<hbm>> -> memref<50x300xf32, #tpu.memory_space<hbm>>
    %dma_wait3A_335 = arith.constant 0 : i32
    %dma_wait3A_336 = arith.constant 0 : i32
    %dma_wait3A_337 = tpu.memref_slice %arg7[%dma_wait3A_321, %dma_wait3A_335, %dma_wait3A_336] : memref<2x50x300xf32, #tpu.memory_space<vmem>> -> memref<1x50x300xf32, #tpu.memory_space<vmem>>
    %dma_wait3A_338 = tpu.memref_squeeze %dma_wait3A_337 : memref<1x50x300xf32, #tpu.memory_space<vmem>> -> memref<50x300xf32, #tpu.memory_space<vmem>>
    tpu.wait_dma2 semaphore(%arg11 : memref<!tpu.dma_semaphore, #tpu.memory_space<semaphore_mem>>) src(%dma_wait3A_338 : memref<50x300xf32, #tpu.memory_space<vmem>>) dst(%dma_wait3A_334 : memref<50x300xf32, #tpu.memory_space<hbm>>)
    %dma_wait3A_339 = arith.constant 0 : i32
    %dma_wait3A_340 = arith.constant 0 : i32
    %dma_wait3A_341 = arith.constant 0 : i32
    %dma_wait3A_342 = arith.constant 0 : i32
    %dma_wait3A_343 = tpu.memref_slice %arg7[%dma_wait3A_339, %dma_wait3A_341, %dma_wait3A_342] : memref<2x50x300xf32, #tpu.memory_space<vmem>> -> memref<1x50x300xf32, #tpu.memory_space<vmem>>
    %dma_wait3A_344 = tpu.memref_squeeze %dma_wait3A_343 : memref<1x50x300xf32, #tpu.memory_space<vmem>> -> memref<50x300xf32, #tpu.memory_space<vmem>>
    %dma_wait3A_345 = arith.constant 0 : i32
    %dma_wait3A_346 = arith.constant 0 : i32
    %dma_wait3A_347 = tpu.memref_slice %arg4[%dma_wait3A_340, %dma_wait3A_345, %dma_wait3A_346] : memref<4096x50x300xf32, #tpu.memory_space<hbm>> -> memref<1x50x300xf32, #tpu.memory_space<hbm>>
    %dma_wait3A_348 = tpu.memref_squeeze %dma_wait3A_347 : memref<1x50x300xf32, #tpu.memory_space<hbm>> -> memref<50x300xf32, #tpu.memory_space<hbm>>
    %dma_wait3A_349 = arith.constant 0 : i32
    %dma_wait3A_350 = arith.constant 0 : i32
    %dma_wait3A_351 = tpu.memref_slice %arg4[%dma_wait3A_340, %dma_wait3A_349, %dma_wait3A_350] : memref<4096x50x300xf32, #tpu.memory_space<hbm>> -> memref<1x50x300xf32, #tpu.memory_space<hbm>>
    %dma_wait3A_352 = tpu.memref_squeeze %dma_wait3A_351 : memref<1x50x300xf32, #tpu.memory_space<hbm>> -> memref<50x300xf32, #tpu.memory_space<hbm>>
    %dma_wait3A_353 = arith.constant 0 : i32
    %dma_wait3A_354 = arith.constant 0 : i32
    %dma_wait3A_355 = tpu.memref_slice %arg7[%dma_wait3A_339, %dma_wait3A_353, %dma_wait3A_354] : memref<2x50x300xf32, #tpu.memory_space<vmem>> -> memref<1x50x300xf32, #tpu.memory_space<vmem>>
    %dma_wait3A_356 = tpu.memref_squeeze %dma_wait3A_355 : memref<1x50x300xf32, #tpu.memory_space<vmem>> -> memref<50x300xf32, #tpu.memory_space<vmem>>
    tpu.wait_dma2 semaphore(%arg11 : memref<!tpu.dma_semaphore, #tpu.memory_space<semaphore_mem>>) src(%dma_wait3A_356 : memref<50x300xf32, #tpu.memory_space<vmem>>) dst(%dma_wait3A_352 : memref<50x300xf32, #tpu.memory_space<hbm>>)
    return
  }
}

</mosaic_0001>

<sc_bundles>
// kernel: kernel.3.cloned.1.call-start
scs
__scs_entry_jumppad:
0x0: {  	(pc) =	sbr.rel $0x88, $3  }
0x1: {  	(tag) =	ssettag $0x0;
	lr =	simm.s32 $0x1  }
0x2: {  	[smem:$0x3F9F] =	sst lr;
	_ =	strace $0xD0000000  }
0x3: {  	_ = 	snop  }
0x4: {  	_ = 	snop  }
0x5: {  	_ = 	snop  }
0x6: {  	_ = 	snop  }
0x7: {  	_ = 	snop  }
__scs_overlays_trampoline_lowered:
0x8: {  	[smem:$0x3FAE] =	sst s0  }
0x9: {  	[smem:$0x3FAF] =	sst s1  }
0xa: {  	[smem:$0x3FB0] =	sst s2  }
0xb: {  	[smem:$0x3FB1] =	sst s3  }
0xc: {  	[smem:$0x3FB2] =	sst s4  }
0xd: {  	[smem:$0x3FB3] =	sst s5  }
0xe: {  	[smem:$0x3FB4] =	sst s6  }
0xf: {  	[smem:$0x3FB5] =	sst s7  }
0x10: {  	[smem:$0x3FB6] =	sst s8  }
0x11: {  	[smem:$0x3FB7] =	sst s9;
	s0 =	simm.s32 @!p0 $0x0  }
0x12: {  	s1 =	sld [smem:$0x3F9D];
	s0 =	simm.s32 @p0 $0x1  }
0x13: {  	[smem:$0x3FB8] =	sst s0;
	s0 =	simm.s32 @!p1 $0x0  }
0x14: {  	s2 =	sld [smem:$0x3F9C];
	s0 =	simm.s32 @p1 $0x1  }
0x15: {  	[smem:$0x3FB9] =	sst s0;
	s0 =	simm.s32 @!p2 $0x0  }
0x16: {  	s3 =	sld [smem:$0x3FDB];
	s0 =	simm.s32 @p2 $0x1  }
0x17: {  	s4 =	simm.s32 $0x1BF5;
	[smem:$0x3FBB] =	sst s0  }
0x18: {  	s0 =	sld [smem:$0x3F9E];
	_ =	swait.ge [sflag:s4], $0x0  }
0x19: {  	s7 =	sld [smem:$0x3F9F]  }
0x1a: {  	s8 =	sadd.s32 $0xFFFFE003, lr  }
0x1b: {  	s9 =	sadd.s32 $0xFFFFFEF7, lr;
	s5 =	simm.s32 $0xFFFFFFFF;
	p2 =	slt.u32 s8, $0xFFFFF086  }
0x1c: {  	p1 =	slt.u32 s9, $0xF7A;
	s5 =	simm.s32 @!p2 $0x0  }
0x1d: {  	s5 =	simm.s32 @p1 $0x1;
	p0 =	seq.s32 s7, s2  }
0x1e: {  	s7 =	smul.u32 @!p0 $0xF7A, s2;
	p2 =	seq.s32 @!p0 s5, $0x0  }
0x1f: {  	s9 =	smul.u32 $0xF7A, s1;
	s8 =	simm.s32 @!p0 $0x1BF5;
	p2 =	por !p2, p0  }
0x20: {  	[sflag:s8] =	ssyncset.s32 @!p0 $0xFFFFF086;
	s6 =	sadd.s32 @!p0 s3, s7;
	s7 =	simm.s32 @!p0 $0x108  }
0x21: {  	s3 =	sadd.s32 s3, s9;
	s6 =	sadd.s32 @!p0 $0x88, s6;
	s7 =	simm.s32 @p2 $0x1082  }
0x22: {  	[simem:s7], [sflag:s8] =	dma.local @!p0 [hbm:s6], $0xF7A  }
0x23: {  	s9 =	sor.u32 $0xD0000000, s2;
	s6 =	simm.s32 $0x108;
	_ =	swait.ge @!p0 [sflag:s8], $0x0  }
0x24: {  	s3 =	sadd.s32 $0x88, s3;
	s6 =	simm.s32 @!p1 $0x1082;
	[sflag:s4] =	ssyncset.s32 $0xFFFFF086  }
0x25: {  	[simem:s6], [sflag:s4] =	dma.local [hbm:s3], $0xF7A  }
0x26: {  	[smem:$0x3F9F] =	sst s1;
	(tag) =	ssettag s2;
	_ =	strace s9  }
0x27: {  	s1 =	sld [smem:$0x3FAF]  }
0x28: {  	s2 =	sld [smem:$0x3FB0]  }
0x29: {  	s4 =	sld [smem:$0x3FB2]  }
0x2a: {  	p0 =	seq.s32 s5, $0x0;
	s5 =	sld [smem:$0x3FB3]  }
0x2b: {  	s6 =	sld [smem:$0x3FB4]  }
0x2c: {  	s7 =	sld [smem:$0x3FB5]  }
0x2d: {  	s3 =	simm.s32 $0x108;
	s8 =	sld [smem:$0x3FB6]  }
0x2e: {  	s3 =	simm.s32 @!p0 $0x1082;
	s9 =	sld [smem:$0x3FB7]  }
0x2f: {  	lr =	sadd.s32 s0, s3;
	s0 =	sld [smem:$0x3FAE]  }
0x30: {  	s3 =	sld [smem:$0x3FB1]  }
0x31: {  	[smem:$0x3FBA] =	sst s10  }
0x32: {  	s10 =	sld [smem:$0x3FB8];
	_ =	sdelay $0x3  }
0x33: {  	p0 =	seq.s32 s10, $0x1;
	s10 =	sld [smem:$0x3FBA];
	_ =	sdelay $0x3  }
0x34: {  	[smem:$0x3FBA] =	sst s10  }
0x35: {  	s10 =	sld [smem:$0x3FB9];
	_ =	sdelay $0x3  }
0x36: {  	p1 =	seq.s32 s10, $0x1;
	s10 =	sld [smem:$0x3FBA];
	_ =	sdelay $0x3  }
0x37: {  	[smem:$0x3FBA] =	sst s10  }
0x38: {  	s10 =	sld [smem:$0x3FBB]  }
0x39: {  	_ = 	snop;
	(pc) =	sbr.ind lr, $3  }
0x3a: {  	_ = 	snop  }
0x3b: {  	_ = 	snop  }
0x3c: {  	p2 =	seq.s32 s10, $0x1;
	s10 =	sld [smem:$0x3FBA]  }
0x3d: {  	_ =	shalt  }
0x3e: {  	_ =	shalt  }
0x3f: {  	_ =	shalt  }
0x40: {  	_ =	shalt  }
0x41: {  	_ =	shalt  }
0x42: {  	_ =	shalt  }
0x43: {  	_ =	shalt  }
0x44: {  	_ =	shalt  }
0x45: {  	_ =	shalt  }
0x46: {  	_ =	shalt  }
0x47: {  	_ =	shalt  }
0x48: {  	_ =	shalt  }
0x49: {  	_ =	shalt  }
0x4a: {  	_ =	shalt  }
0x4b: {  	_ =	shalt  }
0x4c: {  	_ =	shalt  }
0x4d: {  	_ =	shalt  }
0x4e: {  	_ =	shalt  }
0x4f: {  	_ =	shalt  }
0x50: {  	_ =	shalt  }
0x51: {  	_ =	shalt  }
0x52: {  	_ =	shalt  }
0x53: {  	_ =	shalt  }
0x54: {  	_ =	shalt  }
0x55: {  	_ =	shalt  }
0x56: {  	_ =	shalt  }
0x57: {  	_ =	shalt  }
0x58: {  	_ =	shalt  }
0x59: {  	_ =	shalt  }
0x5a: {  	_ =	shalt  }
0x5b: {  	_ =	shalt  }
0x5c: {  	_ =	shalt  }
0x5d: {  	_ =	shalt  }
0x5e: {  	_ =	shalt  }
0x5f: {  	_ =	shalt  }
0x60: {  	_ =	shalt  }
0x61: {  	_ =	shalt  }
0x62: {  	_ =	shalt  }
0x63: {  	_ =	shalt  }
0x64: {  	_ =	shalt  }
0x65: {  	_ =	shalt  }
0x66: {  	_ =	shalt  }
0x67: {  	_ =	shalt  }
0x68: {  	_ =	shalt  }
0x69: {  	_ =	shalt  }
0x6a: {  	_ =	shalt  }
0x6b: {  	_ =	shalt  }
0x6c: {  	_ =	shalt  }
0x6d: {  	_ =	shalt  }
0x6e: {  	_ =	shalt  }
0x6f: {  	_ =	shalt  }
0x70: {  	_ =	shalt  }
0x71: {  	_ =	shalt  }
0x72: {  	_ =	shalt  }
0x73: {  	_ =	shalt  }
0x74: {  	_ =	shalt  }
0x75: {  	_ =	shalt  }
0x76: {  	_ =	shalt  }
0x77: {  	_ =	shalt  }
0x78: {  	_ =	shalt  }
0x79: {  	_ =	shalt  }
0x7a: {  	_ =	shalt  }
0x7b: {  	_ =	shalt  }
0x7c: {  	_ =	shalt  }
0x7d: {  	_ =	shalt  }
0x7e: {  	_ =	shalt  }
0x7f: {  	_ =	shalt  }
0x80: {  	_ =	shalt  }
0x81: {  	_ =	shalt  }
0x82: {  	_ =	shalt  }
0x83: {  	_ =	shalt  }
0x84: {  	_ =	shalt  }
0x85: {  	_ =	shalt  }
0x86: {  	_ =	shalt  }
0x87: {  	_ =	shalt  }
.Lfunc_end0:
.L_simem_size_0:
called_computation_lowered:
.L_overlay_start_0:
0x88: {  	s2 =	sld [smem:$0x3FD9]  }
0x89: {  	s3 =	sld [smem:$0x3FFE];
	_ =	sdelay $0x1  }
0x8a: {  	s1 =	srdreg.scid  }
0x8b: {  	s0 =	sand.u32 $0x1, s1  }
0x8c: {  	s17 =	sshll.u32 s0, $0xA;
	s2 =	sadd.s32 s3, s2  }
0x8d: {  	s2 =	sadd.s32 s2, s17  }
0x8e: {  	[smem:$0x3FC6] =	sst s2  }
0x8f: {  	_ = 	snop  }
0x90: {  	s2 =	sld [smem:$0x3FD0];
	(tm) =	ssettm $0x1  }
0x91: {  	s18 =	sld [smem:$0x3FFB];
	_ =	sdelay $0x3  }
0x92: {  	_ =	strace s18  }
0x93: {  	s3 =	sld [smem:$0x3FFC];
	_ =	sdelay $0x3  }
0x94: {  	_ =	strace s3  }
0x95: {  	s3 =	sld [smem:$0x3FFD];
	_ =	sdelay $0x3  }
0x96: {  	_ =	strace s3  }
0x97: {  	_ =	strace $0x8FFFFFFF  }
0x98: {  	s19 =	sld [smem:$0x3FDB];
	_ =	sdelay $0x1  }
0x99: {  	s4 =	simm.s32 $_scs_section_size  }
0x9a: {  	s5 =	simm.s32 $_size__tile_overlayer_lowered;
	s6 =	simm.s32 $_tile_overlayer_lowered  }
0x9b: {  	s22 =	simm.s32 $0x1BFF;
	s21 =	sshll.u32 s6, $0x1;
	s3 =	sadd.s32 s4, s19  }
0x9c: {  	s7 =	simm.s32 $0x0;
	s20 =	sshll.u32 s5, $0x1;
	s5 =	sadd.s32 s21, s3  }
0x9d: {  	[timem:s7], [sflag:s22] =	dma.local [hbm:s5], s20  }
0x9e: {  	_ =	swait.ge [sflag:s22], s20  }
0x9f: {  	s4 =	ssub.s32 $0x0, s20;
	[sflag:s22] =	ssyncset.done $0x0  }
0xa0: {  	[sflag:s22] =	ssyncadd.s32 s4;
	_ =	sdelay $0x1  }
0xa1: {  	s23 =	simm.s32 $0x1B8B  }
0xa2: {  	_ =	swait.ge [sflag:s23], $0x1  }
0xa3: {  	[sflag:s23] =	ssyncset.done $0x0  }
0xa4: {  	s25 =	simm.s32 $0x1B8E;
	s24 =	sld [smem:$0x3FFE];
	[sflag:s23] =	ssyncadd.s32 $0xFFFFFFFF  }
0xa5: {  	s26 =	simm.s32 $execute0_lowered;
	[smem:$0x3FD2] =	sst s25  }
0xa6: {  	s5 =	sshll.u32 s26, $0x1;
	_ =	strace $0x80000046;
	[dreg:$0x1] =	wrdreg $0xFFFFFFFF  }
0xa7: {  	s28 =	simm.s32 $_size_execute0_lowered;
	s3 =	sadd.s32 s3, s5;
	[dreg:$0x0] =	wrdreg $0x0  }
0xa8: {  	s5 =	sshll.u32 s28, $0x1;
	[dreg:$0x2] =	wrdreg s3  }
0xa9: {  	[dreg:$0x3] =	wrdreg s5  }
0xaa: {  	[dreg:$0x4] =	wrdreg $0xC0  }
0xab: {  	_ =	task [dreg:s7], $0x5FFFF  }
0xac: {  	[dreg:$0x1] =	wrdreg $0xFFFFFFFF  }
0xad: {  	[dreg:$0x0] =	wrdreg $0x60  }
0xae: {  	[dreg:$0x2] =	wrdreg s2  }
0xaf: {  	[dreg:$0x3] =	wrdreg s24  }
0xb0: {  	[dreg:$0x4] =	wrdreg $0x9  }
0xb1: {  	_ =	task.clear_ibuf [dreg:s7], $0x5FFFF;
	_ =	strace $0x90000046  }
0xb2: {  	s29 =	simm.s32 $0x9;
	_ =	strace $0x80000048  }
0xb3: {  	_ =	swait.ge [sflag:s29], $0x1  }
0xb4: {  	[sflag:s29] =	ssyncadd.s32 $0xFFFFFFFF  }
0xb5: {  	_ =	strace $0x90000048  }
0xb6: {  	_ =	sfence  }
0xb7: {  	s30 =	sld [smem:$0x0];
	_ =	sdelay $0x2  }
0xb8: {  	s31 =	sshll.u32 s1, $0xD;
	s1 =	sshrl.u32 s1, $0x2  }
0xb9: {  	s3 =	sand.u32 $0x4000, s31;
	s1 =	sadd.s32 s1, s30  }
0xba: {  	s0 =	sor.u32 s3, s0;
	s1 =	sshll.u32 s1, $0x11  }
0xbb: {  	s0 =	sor.u32 s1, s0  }
0xbc: {  	s0 =	sadd.s32 $0x8F2B, s0  }
0xbd: {  	[sflag:s0] =	ssyncadd.remote.s32 $0x1  }
0xbe: {  	_ =	sfence.sel $0xFFFF  }
0xbf: {  	[dreg:$0x0] =	wrdreg $0xFFFFFFFF;
	(pc) =	sbr.abs _section_cstart, $3  }
0xc0: {  	[dreg:$0x1] =	wrdreg $0xFFFFFFFF  }
0xc1: {  	_ =	task.clear_ibuf [dreg:s7], $0x2FFFF;
	_ =	strace $0x9FFFFFFF  }
0xc2: {  	(tm) =	ssettm $0x7FFFFFFF  }
0xc3: {  	_ =	shalt  }
tec
execute0_lowered:
.L_overlay_start_1:
0x0: {  	(tag) =	ssettag $0x1  }
0x1: {  	s0 =	rddreg [dreg:$0x0]  }
0x2: {  	s1 =	rddreg [dreg:$0x1]  }
0x3: {  	s3 =	srdreg.scid;
	s4 =	stileid.u32;
	s2 =	simm.s32 $0x0  }
0x4: {  	s3 =	sand.u32 $0x1, s3;
	s4 =	sshll.u32 s4, $0x1;
	[smem:$0x7FF] =	sst s2  }
0x5: {  	s23 =	sadd.s32 $0x124FC00, s1;
	s5 =	sor.u32 s3, s4;
	_ =	strace $0x80000047  }
0x6: {  	s6 =	ssub.s32 $0x2, s3;
	[dreg:$0x3] =	wrdreg s23;
	s7 =	smul.u32 $0x2A0000, s5  }
0x7: {  	s8 =	sshrl.u32 s6, $0x1;
	s9 =	smul.u32 $0x320, s5;
	s5 =	sshll.u32 s5, $0x7  }
0x8: {  	s24 =	ssub.s32 s6, s8;
	[dreg:$0x5] =	wrdreg s5;
	s26 =	sor.u32 $0x2, s5  }
0x9: {  	s7 =	sshrl.u32 s7, $0x3;
	s0 =	sadd.s32 s0, s9;
	[dreg:$0x6] =	wrdreg s26  }
0xa: {  	s31 =	smax.u32 s24, $0x1;
	[dreg:$0x4] =	wrdreg s0;
	s25 =	sadd.s32 s23, s7  }
0xb: {  	[dreg:$0xb] =	wrdreg s31;
	s28 =	sadd.s32 $0x51600, s25  }
0xc: {  	s29 =	sadd.s32 $0x52080, s25;
	[dreg:$0x7] =	wrdreg s28  }
0xd: {  	s13 =	simm.s32 $0x1;
	s30 =	sadd.s32 $0x52B00, s25;
	[dreg:$0x8] =	wrdreg s29  }
0xe: {  	s15 =	simm.s32 $0x2;
	s0 =	sadd.s32 $0x53580, s25;
	[dreg:$0x9] =	wrdreg s30  }
0xf: {  	s3 =	sadd.s32 $0x400, s1;
	s4 =	simm.s32 $0x0;
	[dreg:$0xa] =	wrdreg s0  }
.LBB2_1:
0x10: {  	[dreg:$0xc] =	wrdreg s4  }
0x11: {  	s0 =	rddreg [dreg:$0x4];
	s17 =	simm.s32 $0x5;
	s18 =	simm.s32 $0xF  }
0x12: {  	s19 =	simm.s32 $0x780;
	s20 =	simm.s32 $0xE;
	s21 =	simm.s32 $0xD  }
0x13: {  	s22 =	simm.s32 $0xC;
	s23 =	simm.s32 $0xB;
	s24 =	simm.s32 $0xA  }
0x14: {  	s25 =	simm.s32 $0x9;
	s26 =	simm.s32 $0x8;
	s1 =	simm.s32 $0x6  }
0x15: {  	[tilespmem:s2], [sflag:$0x5] =	stream.linear.gather [hbm4b:s0+s2], $0x1900, $0x38;
	[tilespmem:$0x16980] =	vst v63  }
0x16: {  	s5 =	simm.s32 $0x0;
	s8 =	simm.s32 $0x2;
	_ =	swait.ge [sflag:s17], $0x1900  }
0x17: {  	s9 =	simm.s32 $0x3;
	s10 =	simm.s32 $0x4;
	[sflag:s17] =	ssyncset.done $0x0  }
0x18: {  	s11 =	simm.s32 $0x0;
	s0 =	simm.s32 $0x7;
	[sflag:s17] =	ssyncadd.s32 $0xFFFFE700  }
.LBB2_2:
0x19: {  	v0 =	vld [tilespmem:s5+$0x0];
	_ =	sdelay $0x4  }
0x1a: {  	(v2sf) =	vpush v0, $0x0;
	_ =	sdelay $0x5  }
0x1b: {  	(v2sf) =	vpush v0, $0x1;
	_ =	sdelay $0x6  }
0x1c: {  	p0 =	sgt.u32 s11, $0x3;
	s12 =	simm.s32 $0xFFFFFFCE  }
0x1d: {  	s12 =	simm.s32 @!p0 $0x0  }
0x1e: {  	s12 =	sadd.s32 s18, s12;
	s28 =	spop (v2sf)  }
0x1f: {  	s31 =	simm.s32 $0x300;
	s30 =	sadd.s32 $0xFFFFFFF1, s12;
	s29 =	sshrl.u32 s28, $0x3  }
0x20: {  	s30 =	sshrl.u32 s30, $0x3;
	s28 =	sshll.u32 s28, $0x7;
	s29 =	smul.u32 $0xC00, s29  }
0x21: {  	s31 =	simm.s32 @!p0 $0x0;
	s30 =	smul.u32 $0x3000, s30;
	s28 =	sand.u32 $0x380, s28  }
0x22: {  	s12 =	sadd.s32 $0xFFFFFFF2, s12;
	s28 =	sor.u32 s28, s29;
	s29 =	simm.s32 $0x6D80  }
0x23: {  	s30 =	sshra.s32 s30, $0x2;
	s29 =	simm.s32 @!p0 $0x1980;
	s28 =	sshrl.u32 s28, $0x3  }
0x24: {  	s16 =	spop (v2sf);
	s30 =	sadd.s32 s30, s29;
	s28 =	sadd.s32 s3, s28  }
0x25: {  	s30 =	sadd.s32 s31, s30;
	s4 =	sadd.s32 $0x80, s28;
	s6 =	sadd.s32 $0x100, s28  }
0x26: {  	[tilespmem:s30], [sflag:$0x1] =	stream.linear.gather [hbm4b:s28+s2], $0x80, $0x38;
	[tilespmem:$0x16980] =	vst v63  }
0x27: {  	s14 =	sadd.s32 $0x400, s30;
	s7 =	sadd.s32 $0x800, s30;
	s30 =	sshrl.u32 s16, $0x3  }
0x28: {  	(v2sf) =	vpush v0, $0x2;
	[tilespmem:s14], [sflag:$0x1] =	stream.linear.gather [hbm4b:s4+s2], $0x80, $0x38;
	[tilespmem:$0x16980] =	vst v63  }
0x29: {  	s31 =	sshrl.u32 s12, $0x3;
	s28 =	smul.u32 $0xC00, s30;
	s14 =	sshll.u32 s16, $0x7  }
0x2a: {  	s12 =	sshll.u32 s12, $0x7;
	s30 =	smul.u32 $0x3000, s31;
	s14 =	sand.u32 $0x380, s14  }
0x2b: {  	[tilespmem:s7], [sflag:$0x1] =	stream.linear.gather [hbm4b:s6+s2], $0x80, $0x38;
	[tilespmem:$0x16980] =	vst v63  }
0x2c: {  	s12 =	sand.u32 $0x380, s12;
	s4 =	sshra.s32 s30, $0x2;
	s14 =	sor.u32 s14, s28  }
0x2d: {  	s31 =	sadd.s32 $0xFFFFFFF3, s18;
	s28 =	sadd.s32 s4, s29;
	s14 =	sshrl.u32 s14, $0x3  }
0x2e: {  	s6 =	smulhi.u32 $0x51EB851F, s8;
	s12 =	sadd.s32 s12, s28;
	s14 =	sadd.s32 s3, s14  }
0x2f: {  	[tilespmem:s12], [sflag:$0x1] =	stream.linear.gather [hbm4b:s14+s2], $0x80, $0x38;
	[tilespmem:$0x16980] =	vst v63  }
0x30: {  	s16 =	sadd.s32 $0x400, s12;
	s28 =	sshrl.u32 s6, $0x4;
	s7 =	sadd.s32 $0x80, s14  }
0x31: {  	[tilespmem:s16], [sflag:$0x1] =	stream.linear.gather [hbm4b:s7+s2], $0x80, $0x38;
	[tilespmem:$0x16980] =	vst v63  }
0x32: {  	s14 =	sadd.s32 $0x100, s14;
	s12 =	sadd.s32 $0x800, s12;
	s30 =	smul.u32 $0x32, s28  }
0x33: {  	[tilespmem:s12], [sflag:$0x1] =	stream.linear.gather [hbm4b:s14+s2], $0x80, $0x38;
	[tilespmem:$0x16980] =	vst v63  }
0x34: {  	s14 =	smulhi.u32 $0x51EB851F, s31  }
0x35: {  	s12 =	ssub.s32 s18, s30  }
0x36: {  	s28 =	smul.u32 $0x1900, s28;
	s12 =	sadd.s32 $0xFFFFFFF3, s12;
	s14 =	sshrl.u32 s14, $0x4  }
0x37: {  	s4 =	spop (v2sf);
	(v2sf) =	vpush v0, $0x3;
	s12 =	sshrl.u32 s12, $0x3;
	s14 =	smul.u32 $0x15000, s14  }
0x38: {  	s6 =	sshrl.u32 s4, $0x3;
	s29 =	sshll.u32 s4, $0x7;
	s12 =	smul.u32 $0x3000, s12  }
0x39: {  	s28 =	ssub.s32 s19, s28;
	s29 =	sand.u32 $0x380, s29;
	s30 =	smul.u32 $0xC00, s6  }
0x3a: {  	s28 =	sadd.s32 $0xFFFFF980, s28;
	s14 =	sshra.s32 s14, $0x2;
	s12 =	sshra.s32 s12, $0x2  }
0x3b: {  	s28 =	sand.u32 $0x300, s28;
	s29 =	sor.u32 s29, s30;
	s12 =	sadd.s32 s12, s14  }
0x3c: {  	s16 =	smulhi.u32 $0x51EB851F, s9;
	s7 =	sshrl.u32 s29, $0x3;
	s12 =	sor.u32 s28, s12  }
0x3d: {  	s14 =	sadd.s32 s3, s7;
	s7 =	sadd.s32 $0xFFFFFFF4, s18;
	s28 =	sadd.s32 $0x1980, s12  }
0x3e: {  	[tilespmem:s28], [sflag:$0x1] =	stream.linear.gather [hbm4b:s14+s2], $0x80, $0x38;
	[tilespmem:$0x16980] =	vst v63  }
0x3f: {  	s31 =	sadd.s32 $0x80, s14;
	s4 =	sadd.s32 $0x1D80, s12;
	s28 =	sshrl.u32 s16, $0x4  }
0x40: {  	[tilespmem:s4], [sflag:$0x1] =	stream.linear.gather [hbm4b:s31+s2], $0x80, $0x38;
	[tilespmem:$0x16980] =	vst v63  }
0x41: {  	s12 =	sadd.s32 $0x2180, s12;
	s14 =	sadd.s32 $0x100, s14;
	s6 =	smul.u32 $0x32, s28  }
0x42: {  	[tilespmem:s12], [sflag:$0x1] =	stream.linear.gather [hbm4b:s14+s2], $0x80, $0x38;
	[tilespmem:$0x16980] =	vst v63  }
0x43: {  	s14 =	smulhi.u32 $0x51EB851F, s7  }
0x44: {  	s12 =	ssub.s32 s18, s6  }
0x45: {  	s28 =	smul.u32 $0x1900, s28;
	s12 =	sadd.s32 $0xFFFFFFF4, s12;
	s14 =	sshrl.u32 s14, $0x4  }
0x46: {  	s16 =	spop (v2sf);
	(v2sf) =	vpush v0, $0x4;
	s12 =	sshrl.u32 s12, $0x3;
	s14 =	smul.u32 $0x15000, s14  }
0x47: {  	s28 =	ssub.s32 s19, s28;
	s31 =	sshrl.u32 s16, $0x3;
	s12 =	smul.u32 $0x3000, s12  }
0x48: {  	s29 =	sshll.u32 s16, $0x7;
	s28 =	sadd.s32 $0xFFFFFA00, s28;
	s30 =	smul.u32 $0xC00, s31  }
0x49: {  	s29 =	sand.u32 $0x380, s29;
	s14 =	sshra.s32 s14, $0x2;
	s12 =	sshra.s32 s12, $0x2  }
0x4a: {  	s28 =	sand.u32 $0x380, s28;
	s29 =	sor.u32 s29, s30;
	s12 =	sadd.s32 s12, s14  }
0x4b: {  	s6 =	smulhi.u32 $0x51EB851F, s10;
	s4 =	sshrl.u32 s29, $0x3;
	s12 =	sor.u32 s28, s12  }
0x4c: {  	s31 =	sadd.s32 $0xFFFFFFF5, s18;
	s14 =	sadd.s32 s3, s4;
	s28 =	sadd.s32 $0x1980, s12  }
0x4d: {  	[tilespmem:s28], [sflag:$0x1] =	stream.linear.gather [hbm4b:s14+s2], $0x80, $0x38;
	[tilespmem:$0x16980] =	vst v63  }
0x4e: {  	s7 =	sadd.s32 $0x80, s14;
	s16 =	sadd.s32 $0x1D80, s12;
	s28 =	sshrl.u32 s6, $0x4  }
0x4f: {  	[tilespmem:s16], [sflag:$0x1] =	stream.linear.gather [hbm4b:s7+s2], $0x80, $0x38;
	[tilespmem:$0x16980] =	vst v63  }
0x50: {  	s12 =	sadd.s32 $0x2180, s12;
	s14 =	sadd.s32 $0x100, s14;
	s30 =	smul.u32 $0x32, s28  }
0x51: {  	[tilespmem:s12], [sflag:$0x1] =	stream.linear.gather [hbm4b:s14+s2], $0x80, $0x38;
	[tilespmem:$0x16980] =	vst v63  }
0x52: {  	s14 =	smulhi.u32 $0x51EB851F, s31  }
0x53: {  	s12 =	ssub.s32 s18, s30  }
0x54: {  	s28 =	smul.u32 $0x1900, s28;
	s12 =	sadd.s32 $0xFFFFFFF5, s12;
	s14 =	sshrl.u32 s14, $0x4  }
0x55: {  	s4 =	spop (v2sf);
	(v2sf) =	vpush v0, $0x5;
	s12 =	sshrl.u32 s12, $0x3;
	s14 =	smul.u32 $0x15000, s14  }
0x56: {  	s28 =	ssub.s32 s19, s28;
	s6 =	sshrl.u32 s4, $0x3;
	s12 =	smul.u32 $0x3000, s12  }
0x57: {  	s28 =	sadd.s32 $0xFFFFFA80, s28;
	s29 =	sshll.u32 s4, $0x7;
	s30 =	smul.u32 $0xC00, s6  }
0x58: {  	s29 =	sand.u32 $0x380, s29;
	s14 =	sshra.s32 s14, $0x2;
	s12 =	sshra.s32 s12, $0x2  }
0x59: {  	s28 =	sand.u32 $0x300, s28;
	s29 =	sor.u32 s29, s30;
	s12 =	sadd.s32 s12, s14  }
0x5a: {  	s16 =	smulhi.u32 $0x51EB851F, s17;
	s7 =	sshrl.u32 s29, $0x3;
	s12 =	sor.u32 s28, s12  }
0x5b: {  	s14 =	sadd.s32 s3, s7;
	s7 =	sadd.s32 $0xFFFFFFF6, s18;
	s28 =	sadd.s32 $0x1980, s12  }
0x5c: {  	[tilespmem:s28], [sflag:$0x1] =	stream.linear.gather [hbm4b:s14+s2], $0x80, $0x38;
	[tilespmem:$0x16980] =	vst v63  }
0x5d: {  	s31 =	sadd.s32 $0x80, s14;
	s4 =	sadd.s32 $0x1D80, s12;
	s28 =	sshrl.u32 s16, $0x4  }
0x5e: {  	[tilespmem:s4], [sflag:$0x1] =	stream.linear.gather [hbm4b:s31+s2], $0x80, $0x38;
	[tilespmem:$0x16980] =	vst v63  }
0x5f: {  	s12 =	sadd.s32 $0x2180, s12;
	s14 =	sadd.s32 $0x100, s14;
	s6 =	smul.u32 $0x32, s28  }
0x60: {  	[tilespmem:s12], [sflag:$0x1] =	stream.linear.gather [hbm4b:s14+s2], $0x80, $0x38;
	[tilespmem:$0x16980] =	vst v63  }
0x61: {  	s14 =	smulhi.u32 $0x51EB851F, s7  }
0x62: {  	s12 =	ssub.s32 s18, s6  }
0x63: {  	s28 =	smul.u32 $0x1900, s28;
	s12 =	sadd.s32 $0xFFFFFFF6, s12;
	s14 =	sshrl.u32 s14, $0x4  }
0x64: {  	s12 =	sshrl.u32 s12, $0x3;
	s16 =	spop (v2sf);
	s14 =	smul.u32 $0x15000, s14;
	(v2sf) =	vpush v0, $0x6  }
0x65: {  	s28 =	ssub.s32 s19, s28;
	s12 =	smul.u32 $0x3000, s12;
	s31 =	sshrl.u32 s16, $0x3  }
0x66: {  	s28 =	sadd.s32 $0xFFFFFB00, s28;
	s29 =	sshll.u32 s16, $0x7;
	s30 =	smul.u32 $0xC00, s31  }
0x67: {  	s29 =	sand.u32 $0x380, s29;
	s14 =	sshra.s32 s14, $0x2;
	s12 =	sshra.s32 s12, $0x2  }
0x68: {  	s28 =	sand.u32 $0x380, s28;
	s12 =	sadd.s32 s12, s14;
	s29 =	sor.u32 s29, s30  }
0x69: {  	s6 =	smulhi.u32 $0x51EB851F, s1;
	s12 =	sor.u32 s28, s12;
	s4 =	sshrl.u32 s29, $0x3  }
0x6a: {  	s31 =	sadd.s32 $0xFFFFFFF7, s18;
	s28 =	sadd.s32 $0x1980, s12;
	s14 =	sadd.s32 s3, s4  }
0x6b: {  	[tilespmem:s28], [sflag:$0x1] =	stream.linear.gather [hbm4b:s14+s2], $0x80, $0x38;
	[tilespmem:$0x16980] =	vst v63  }
0x6c: {  	s16 =	sadd.s32 $0x1D80, s12;
	s7 =	sadd.s32 $0x80, s14;
	s28 =	sshrl.u32 s6, $0x4  }
0x6d: {  	[tilespmem:s16], [sflag:$0x1] =	stream.linear.gather [hbm4b:s7+s2], $0x80, $0x38;
	[tilespmem:$0x16980] =	vst v63  }
0x6e: {  	s12 =	sadd.s32 $0x2180, s12;
	s14 =	sadd.s32 $0x100, s14;
	s30 =	smul.u32 $0x32, s28  }
0x6f: {  	[tilespmem:s12], [sflag:$0x1] =	stream.linear.gather [hbm4b:s14+s2], $0x80, $0x38;
	[tilespmem:$0x16980] =	vst v63  }
0x70: {  	s14 =	smulhi.u32 $0x51EB851F, s31  }
0x71: {  	s12 =	ssub.s32 s18, s30  }
0x72: {  	s28 =	smul.u32 $0x1900, s28;
	s12 =	sadd.s32 $0xFFFFFFF7, s12;
	s14 =	sshrl.u32 s14, $0x4  }
0x73: {  	(v2sf) =	vpush v0, $0x7;
	s12 =	sshrl.u32 s12, $0x3;
	s14 =	smul.u32 $0x15000, s14;
	s4 =	spop (v2sf)  }
0x74: {  	s28 =	ssub.s32 s19, s28;
	s12 =	smul.u32 $0x3000, s12;
	s6 =	sshrl.u32 s4, $0x3  }
0x75: {  	s28 =	sadd.s32 $0xFFFFFB80, s28;
	s29 =	sshll.u32 s4, $0x7;
	s30 =	smul.u32 $0xC00, s6  }
0x76: {  	s14 =	sshra.s32 s14, $0x2;
	s12 =	sshra.s32 s12, $0x2;
	s29 =	sand.u32 $0x380, s29  }
0x77: {  	s28 =	sand.u32 $0x300, s28;
	s12 =	sadd.s32 s12, s14;
	s29 =	sor.u32 s29, s30  }
0x78: {  	s16 =	smulhi.u32 $0x51EB851F, s0;
	s12 =	sor.u32 s28, s12;
	s7 =	sshrl.u32 s29, $0x3  }
0x79: {  	s28 =	sadd.s32 $0x1980, s12;
	s4 =	sadd.s32 $0x1D80, s12;
	s14 =	sadd.s32 s3, s7  }
0x7a: {  	[tilespmem:s28], [sflag:$0x1] =	stream.linear.gather [hbm4b:s14+s2], $0x80, $0x38;
	[tilespmem:$0x16980] =	vst v63  }
0x7b: {  	s12 =	sadd.s32 $0x2180, s12;
	s31 =	sadd.s32 $0x80, s14;
	s28 =	sshrl.u32 s16, $0x4  }
0x7c: {  	[tilespmem:s4], [sflag:$0x1] =	stream.linear.gather [hbm4b:s31+s2], $0x80, $0x38;
	[tilespmem:$0x16980] =	vst v63  }
0x7d: {  	s7 =	sadd.s32 $0xFFFFFFF8, s18;
	s14 =	sadd.s32 $0x100, s14;
	s6 =	smul.u32 $0x32, s28  }
0x7e: {  	[tilespmem:s12], [sflag:$0x1] =	stream.linear.gather [hbm4b:s14+s2], $0x80, $0x38;
	[tilespmem:$0x16980] =	vst v63  }
0x7f: {  	(v2sf) =	vpush v0, $0x8;
	s14 =	smulhi.u32 $0x51EB851F, s7  }
0x80: {  	s12 =	ssub.s32 s18, s6  }
0x81: {  	s28 =	smul.u32 $0x1900, s28;
	s12 =	sadd.s32 $0xFFFFFFF8, s12;
	s14 =	sshrl.u32 s14, $0x4  }
0x82: {  	s16 =	spop (v2sf);
	s12 =	sshrl.u32 s12, $0x3;
	s14 =	smul.u32 $0x15000, s14  }
0x83: {  	s29 =	sshll.u32 s16, $0x7;
	s31 =	sshrl.u32 s16, $0x3;
	s12 =	smul.u32 $0x3000, s12  }
0x84: {  	s29 =	sand.u32 $0x380, s29;
	s30 =	smul.u32 $0xC00, s31;
	s28 =	ssub.s32 s19, s28  }
0x85: {  	s28 =	sadd.s32 $0xFFFFFC00, s28;
	s14 =	sshra.s32 s14, $0x2;
	s12 =	sshra.s32 s12, $0x2  }
0x86: {  	s29 =	sor.u32 s29, s30;
	s28 =	sand.u32 $0x380, s28;
	s12 =	sadd.s32 s12, s14  }
0x87: {  	s6 =	smulhi.u32 $0x51EB851F, s26;
	s4 =	sshrl.u32 s29, $0x3;
	s12 =	sor.u32 s28, s12  }
0x88: {  	s14 =	sadd.s32 s3, s4;
	s4 =	sadd.s32 $0xFFFFFFF9, s18;
	s28 =	sadd.s32 $0x1980, s12  }
0x89: {  	[tilespmem:s28], [sflag:$0x1] =	stream.linear.gather [hbm4b:s14+s2], $0x80, $0x38;
	[tilespmem:$0x16980] =	vst v63  }
0x8a: {  	s7 =	sadd.s32 $0x80, s14;
	s16 =	sadd.s32 $0x1D80, s12;
	s28 =	sshrl.u32 s6, $0x4  }
0x8b: {  	[tilespmem:s16], [sflag:$0x1] =	stream.linear.gather [hbm4b:s7+s2], $0x80, $0x38;
	[tilespmem:$0x16980] =	vst v63  }
0x8c: {  	s12 =	sadd.s32 $0x2180, s12;
	s14 =	sadd.s32 $0x100, s14;
	s31 =	smul.u32 $0x32, s28  }
0x8d: {  	[tilespmem:s12], [sflag:$0x1] =	stream.linear.gather [hbm4b:s14+s2], $0x80, $0x38;
	[tilespmem:$0x16980] =	vst v63  }
0x8e: {  	s6 =	spop (v2sf);
	s14 =	smulhi.u32 $0x51EB851F, s4  }
0x8f: {  	s7 =	sshrl.u32 s6, $0x3;
	s12 =	ssub.s32 s18, s31  }
0x90: {  	s29 =	smul.u32 $0xC00, s7;
	s12 =	sadd.s32 $0xFFFFFFF9, s12;
	s14 =	sshrl.u32 s14, $0x4  }
0x91: {  	(v2sf) =	vpush v0, $0x9;
	s12 =	sshrl.u32 s12, $0x3;
	s16 =	smul.u32 $0x15000, s14  }
0x92: {  	s28 =	sshll.u32 s6, $0x7;
	s12 =	smul.u32 $0x3000, s12  }
0x93: {  	s28 =	sand.u32 $0x380, s28;
	s14 =	smul.u32 $0x300, s14  }
0x94: {  	s6 =	smulhi.u32 $0x51EB851F, s25;
	s30 =	sshra.s32 s16, $0x2;
	s12 =	sshra.s32 s12, $0x2  }
0x95: {  	s28 =	sor.u32 s28, s29;
	s14 =	sand.u32 $0x300, s14;
	s12 =	sadd.s32 s12, s30  }
0x96: {  	s28 =	sshrl.u32 s28, $0x3;
	s12 =	sor.u32 s14, s12  }
0x97: {  	s31 =	sadd.s32 s3, s28;
	s28 =	sshrl.u32 s6, $0x4;
	s4 =	sadd.s32 $0x1980, s12  }
0x98: {  	[tilespmem:s4], [sflag:$0x1] =	stream.linear.gather [hbm4b:s31+s2], $0x80, $0x38;
	[tilespmem:$0x16980] =	vst v63  }
0x99: {  	s7 =	sadd.s32 $0x80, s31;
	s30 =	smul.u32 $0x32, s28;
	s16 =	sadd.s32 $0x1D80, s12  }
0x9a: {  	[tilespmem:s16], [sflag:$0x1] =	stream.linear.gather [hbm4b:s7+s2], $0x80, $0x38;
	[tilespmem:$0x16980] =	vst v63  }
0x9b: {  	s14 =	sadd.s32 $0x100, s31;
	s12 =	sadd.s32 $0x2180, s12;
	s31 =	sadd.s32 $0xFFFFFFFA, s18  }
0x9c: {  	[tilespmem:s12], [sflag:$0x1] =	stream.linear.gather [hbm4b:s14+s2], $0x80, $0x38;
	[tilespmem:$0x16980] =	vst v63  }
0x9d: {  	s14 =	smulhi.u32 $0x51EB851F, s31  }
0x9e: {  	s12 =	ssub.s32 s18, s30  }
0x9f: {  	s28 =	smul.u32 $0x1900, s28;
	s12 =	sadd.s32 $0xFFFFFFFA, s12;
	s14 =	sshrl.u32 s14, $0x4  }
0xa0: {  	s4 =	spop (v2sf);
	(v2sf) =	vpush v0, $0xA;
	s12 =	sshrl.u32 s12, $0x3;
	s14 =	smul.u32 $0x15000, s14  }
0xa1: {  	s28 =	ssub.s32 s19, s28;
	s6 =	sshrl.u32 s4, $0x3;
	s12 =	smul.u32 $0x3000, s12  }
0xa2: {  	s28 =	sadd.s32 $0xFFFFFD00, s28;
	s29 =	sshll.u32 s4, $0x7;
	s30 =	smul.u32 $0xC00, s6  }
0xa3: {  	s29 =	sand.u32 $0x380, s29;
	s14 =	sshra.s32 s14, $0x2;
	s12 =	sshra.s32 s12, $0x2  }
0xa4: {  	s28 =	sand.u32 $0x380, s28;
	s29 =	sor.u32 s29, s30;
	s12 =	sadd.s32 s12, s14  }
0xa5: {  	s16 =	smulhi.u32 $0x51EB851F, s24;
	s7 =	sshrl.u32 s29, $0x3;
	s12 =	sor.u32 s28, s12  }
0xa6: {  	s14 =	sadd.s32 s3, s7;
	s7 =	sadd.s32 $0xFFFFFFFB, s18;
	s28 =	sadd.s32 $0x1980, s12  }
0xa7: {  	[tilespmem:s28], [sflag:$0x1] =	stream.linear.gather [hbm4b:s14+s2], $0x80, $0x38;
	[tilespmem:$0x16980] =	vst v63  }
0xa8: {  	s31 =	sadd.s32 $0x80, s14;
	s4 =	sadd.s32 $0x1D80, s12;
	s28 =	sshrl.u32 s16, $0x4  }
0xa9: {  	[tilespmem:s4], [sflag:$0x1] =	stream.linear.gather [hbm4b:s31+s2], $0x80, $0x38;
	[tilespmem:$0x16980] =	vst v63  }
0xaa: {  	s12 =	sadd.s32 $0x2180, s12;
	s14 =	sadd.s32 $0x100, s14;
	s6 =	smul.u32 $0x32, s28  }
0xab: {  	[tilespmem:s12], [sflag:$0x1] =	stream.linear.gather [hbm4b:s14+s2], $0x80, $0x38;
	[tilespmem:$0x16980] =	vst v63  }
0xac: {  	s14 =	smulhi.u32 $0x51EB851F, s7  }
0xad: {  	s12 =	ssub.s32 s18, s6  }
0xae: {  	s28 =	smul.u32 $0x1900, s28;
	s12 =	sadd.s32 $0xFFFFFFFB, s12;
	s14 =	sshrl.u32 s14, $0x4  }
0xaf: {  	s16 =	spop (v2sf);
	(v2sf) =	vpush v0, $0xB;
	s12 =	sshrl.u32 s12, $0x3;
	s14 =	smul.u32 $0x15000, s14  }
0xb0: {  	s28 =	ssub.s32 s19, s28;
	s31 =	sshrl.u32 s16, $0x3;
	s12 =	smul.u32 $0x3000, s12  }
0xb1: {  	s28 =	sadd.s32 $0xFFFFFD80, s28;
	s29 =	sshll.u32 s16, $0x7;
	s30 =	smul.u32 $0xC00, s31  }
0xb2: {  	s29 =	sand.u32 $0x380, s29;
	s14 =	sshra.s32 s14, $0x2;
	s12 =	sshra.s32 s12, $0x2  }
0xb3: {  	s28 =	sand.u32 $0x300, s28;
	s29 =	sor.u32 s29, s30;
	s12 =	sadd.s32 s12, s14  }
0xb4: {  	s6 =	smulhi.u32 $0x51EB851F, s23;
	s4 =	sshrl.u32 s29, $0x3;
	s12 =	sor.u32 s28, s12  }
0xb5: {  	s31 =	sadd.s32 $0xFFFFFFFC, s18;
	s14 =	sadd.s32 s3, s4;
	s28 =	sadd.s32 $0x1980, s12  }
0xb6: {  	[tilespmem:s28], [sflag:$0x1] =	stream.linear.gather [hbm4b:s14+s2], $0x80, $0x38;
	[tilespmem:$0x16980] =	vst v63  }
0xb7: {  	s7 =	sadd.s32 $0x80, s14;
	s16 =	sadd.s32 $0x1D80, s12;
	s28 =	sshrl.u32 s6, $0x4  }
0xb8: {  	[tilespmem:s16], [sflag:$0x1] =	stream.linear.gather [hbm4b:s7+s2], $0x80, $0x38;
	[tilespmem:$0x16980] =	vst v63  }
0xb9: {  	s12 =	sadd.s32 $0x2180, s12;
	s14 =	sadd.s32 $0x100, s14;
	s30 =	smul.u32 $0x32, s28  }
0xba: {  	[tilespmem:s12], [sflag:$0x1] =	stream.linear.gather [hbm4b:s14+s2], $0x80, $0x38;
	[tilespmem:$0x16980] =	vst v63  }
0xbb: {  	s14 =	smulhi.u32 $0x51EB851F, s31  }
0xbc: {  	s12 =	ssub.s32 s18, s30  }
0xbd: {  	s28 =	smul.u32 $0x1900, s28;
	s12 =	sadd.s32 $0xFFFFFFFC, s12;
	s14 =	sshrl.u32 s14, $0x4  }
0xbe: {  	s4 =	spop (v2sf);
	s12 =	sshrl.u32 s12, $0x3;
	(v2sf) =	vpush v0, $0xC;
	s14 =	smul.u32 $0x15000, s14  }
0xbf: {  	s28 =	ssub.s32 s19, s28;
	s6 =	sshrl.u32 s4, $0x3;
	s12 =	smul.u32 $0x3000, s12  }
0xc0: {  	s28 =	sadd.s32 $0xFFFFFE00, s28;
	s29 =	sshll.u32 s4, $0x7;
	s30 =	smul.u32 $0xC00, s6  }
0xc1: {  	s29 =	sand.u32 $0x380, s29;
	s14 =	sshra.s32 s14, $0x2;
	s12 =	sshra.s32 s12, $0x2  }
0xc2: {  	s28 =	sand.u32 $0x380, s28;
	s29 =	sor.u32 s29, s30;
	s12 =	sadd.s32 s12, s14  }
0xc3: {  	s16 =	smulhi.u32 $0x51EB851F, s22;
	s7 =	sshrl.u32 s29, $0x3;
	s12 =	sor.u32 s28, s12  }
0xc4: {  	s14 =	sadd.s32 s3, s7;
	s28 =	sadd.s32 $0x1980, s12;
	s4 =	sadd.s32 $0x1D80, s12  }
0xc5: {  	[tilespmem:s28], [sflag:$0x1] =	stream.linear.gather [hbm4b:s14+s2], $0x80, $0x38;
	[tilespmem:$0x16980] =	vst v63  }
0xc6: {  	s12 =	sadd.s32 $0x2180, s12;
	s31 =	sadd.s32 $0x80, s14;
	s28 =	sshrl.u32 s16, $0x4  }
0xc7: {  	[tilespmem:s4], [sflag:$0x1] =	stream.linear.gather [hbm4b:s31+s2], $0x80, $0x38;
	[tilespmem:$0x16980] =	vst v63  }
0xc8: {  	s7 =	sadd.s32 $0xFFFFFFFD, s18;
	s14 =	sadd.s32 $0x100, s14;
	s6 =	smul.u32 $0x32, s28  }
0xc9: {  	[tilespmem:s12], [sflag:$0x1] =	stream.linear.gather [hbm4b:s14+s2], $0x80, $0x38;
	[tilespmem:$0x16980] =	vst v63  }
0xca: {  	s11 =	sadd.s32 $0x1, s11;
	s5 =	sadd.s32 $0x10, s5;
	s14 =	smulhi.u32 $0x51EB851F, s7  }
0xcb: {  	p0 =	sne.s32 s18, $0x5F;
	s8 =	sadd.s32 $0x10, s8;
	s12 =	ssub.s32 s18, s6  }
0xcc: {  	s28 =	smul.u32 $0x1900, s28;
	s12 =	sadd.s32 $0xFFFFFFFD, s12;
	s14 =	sshrl.u32 s14, $0x4  }
0xcd: {  	s12 =	sshrl.u32 s12, $0x3;
	s14 =	smul.u32 $0x15000, s14;
	s16 =	spop (v2sf);
	(v2sf) =	vpush v0, $0xD  }
0xce: {  	s28 =	ssub.s32 s19, s28;
	s12 =	smul.u32 $0x3000, s12;
	s31 =	sshrl.u32 s16, $0x3  }
0xcf: {  	s28 =	sadd.s32 $0xFFFFFE80, s28;
	s29 =	sshll.u32 s16, $0x7;
	s30 =	smul.u32 $0xC00, s31  }
0xd0: {  	s14 =	sshra.s32 s14, $0x2;
	s12 =	sshra.s32 s12, $0x2;
	s29 =	sand.u32 $0x380, s29  }
0xd1: {  	s28 =	sand.u32 $0x300, s28;
	s12 =	sadd.s32 s12, s14;
	s29 =	sor.u32 s29, s30  }
0xd2: {  	s6 =	smulhi.u32 $0x51EB851F, s21;
	s12 =	sor.u32 s28, s12;
	s4 =	sshrl.u32 s29, $0x3  }
0xd3: {  	s28 =	sadd.s32 $0x1980, s12;
	s16 =	sadd.s32 $0x1D80, s12;
	s14 =	sadd.s32 s3, s4  }
0xd4: {  	[tilespmem:s28], [sflag:$0x1] =	stream.linear.gather [hbm4b:s14+s2], $0x80, $0x38;
	[tilespmem:$0x16980] =	vst v63  }
0xd5: {  	s12 =	sadd.s32 $0x2180, s12;
	s7 =	sadd.s32 $0x80, s14;
	s28 =	sshrl.u32 s6, $0x4  }
0xd6: {  	[tilespmem:s16], [sflag:$0x1] =	stream.linear.gather [hbm4b:s7+s2], $0x80, $0x38;
	[tilespmem:$0x16980] =	vst v63  }
0xd7: {  	s30 =	sadd.s32 $0xFFFFFFFE, s18;
	s14 =	sadd.s32 $0x100, s14;
	s29 =	smul.u32 $0x32, s28  }
0xd8: {  	[tilespmem:s12], [sflag:$0x1] =	stream.linear.gather [hbm4b:s14+s2], $0x80, $0x38;
	[tilespmem:$0x16980] =	vst v63  }
0xd9: {  	s9 =	sadd.s32 $0x10, s9;
	s10 =	sadd.s32 $0x10, s10;
	(v2sf) =	vpush v0, $0xE;
	s14 =	smulhi.u32 $0x51EB851F, s30  }
0xda: {  	s17 =	sadd.s32 $0x10, s17;
	s1 =	sadd.s32 $0x10, s1;
	s12 =	ssub.s32 s18, s29  }
0xdb: {  	s28 =	smul.u32 $0x1900, s28;
	s12 =	sadd.s32 $0xFFFFFFFE, s12;
	s14 =	sshrl.u32 s14, $0x4  }
0xdc: {  	s12 =	sshrl.u32 s12, $0x3;
	s14 =	smul.u32 $0x15000, s14;
	s31 =	spop (v2sf)  }
0xdd: {  	s28 =	ssub.s32 s19, s28;
	s12 =	smul.u32 $0x3000, s12;
	s4 =	sshrl.u32 s31, $0x3  }
0xde: {  	s28 =	sadd.s32 $0xFFFFFF00, s28;
	s29 =	sshll.u32 s31, $0x7;
	s30 =	smul.u32 $0xC00, s4  }
0xdf: {  	s14 =	sshra.s32 s14, $0x2;
	s12 =	sshra.s32 s12, $0x2;
	s29 =	sand.u32 $0x380, s29  }
0xe0: {  	s28 =	sand.u32 $0x380, s28;
	s12 =	sadd.s32 s12, s14;
	s29 =	sor.u32 s29, s30  }
0xe1: {  	s7 =	smulhi.u32 $0x51EB851F, s20;
	s12 =	sor.u32 s28, s12;
	s6 =	sshrl.u32 s29, $0x3  }
0xe2: {  	s28 =	sadd.s32 $0x1980, s12;
	s31 =	sadd.s32 $0x1D80, s12;
	s14 =	sadd.s32 s3, s6  }
0xe3: {  	[tilespmem:s28], [sflag:$0x1] =	stream.linear.gather [hbm4b:s14+s2], $0x80, $0x38;
	[tilespmem:$0x16980] =	vst v63  }
0xe4: {  	s12 =	sadd.s32 $0x2180, s12;
	s16 =	sadd.s32 $0x80, s14;
	s28 =	sshrl.u32 s7, $0x4  }
0xe5: {  	[tilespmem:s31], [sflag:$0x1] =	stream.linear.gather [hbm4b:s16+s2], $0x80, $0x38;
	[tilespmem:$0x16980] =	vst v63  }
0xe6: {  	s6 =	sadd.s32 $0xFFFFFFFF, s18;
	s14 =	sadd.s32 $0x100, s14;
	s4 =	smul.u32 $0x32, s28  }
0xe7: {  	[tilespmem:s12], [sflag:$0x1] =	stream.linear.gather [hbm4b:s14+s2], $0x80, $0x38;
	[tilespmem:$0x16980] =	vst v63  }
0xe8: {  	s0 =	sadd.s32 $0x10, s0;
	(v2sf) =	vpush v0, $0xF;
	s7 =	spop (v2sf);
	s14 =	smulhi.u32 $0x51EB851F, s6  }
0xe9: {  	s28 =	smul.u32 $0x1900, s28;
	s16 =	sshrl.u32 s7, $0x3;
	s12 =	sxor.u32 $0xFFFFFFFF, s4  }
0xea: {  	s30 =	smul.u32 $0xC00, s16;
	s12 =	sadd.s32 s18, s12;
	s14 =	sshrl.u32 s14, $0x4  }
0xeb: {  	s29 =	sshll.u32 s7, $0x7;
	s12 =	sshrl.u32 s12, $0x3;
	s14 =	smul.u32 $0x15000, s14  }
0xec: {  	s29 =	sand.u32 $0x380, s29;
	s28 =	ssub.s32 s19, s28;
	s12 =	smul.u32 $0x3000, s12  }
0xed: {  	s26 =	sadd.s32 $0x10, s26;
	s28 =	sadd.s32 $0xFFFFFF80, s28;
	s29 =	sor.u32 s29, s30  }
0xee: {  	s28 =	sand.u32 $0x300, s28;
	s14 =	sshra.s32 s14, $0x2;
	s12 =	sshra.s32 s12, $0x2  }
0xef: {  	s30 =	smulhi.u32 $0x51EB851F, s18;
	s29 =	sshrl.u32 s29, $0x3;
	s12 =	sadd.s32 s12, s14  }
0xf0: {  	s25 =	sadd.s32 $0x10, s25;
	s14 =	sadd.s32 s3, s29;
	s12 =	sor.u32 s28, s12  }
0xf1: {  	s28 =	sshrl.u32 s30, $0x4;
	s4 =	sadd.s32 $0x80, s14;
	s31 =	sadd.s32 $0x1980, s12  }
0xf2: {  	[tilespmem:s31], [sflag:$0x1] =	stream.linear.gather [hbm4b:s14+s2], $0x80, $0x38;
	[tilespmem:$0x16980] =	vst v63  }
0xf3: {  	s6 =	sadd.s32 $0x1D80, s12;
	s7 =	smul.u32 $0x32, s28;
	s12 =	sadd.s32 $0x2180, s12  }
0xf4: {  	[tilespmem:s6], [sflag:$0x1] =	stream.linear.gather [hbm4b:s4+s2], $0x80, $0x38;
	[tilespmem:$0x16980] =	vst v63  }
0xf5: {  	s16 =	smul.u32 $0x1900, s28;
	s14 =	sadd.s32 $0x100, s14;
	s31 =	ssub.s32 s18, s7  }
0xf6: {  	[tilespmem:s12], [sflag:$0x1] =	stream.linear.gather [hbm4b:s14+s2], $0x80, $0x38;
	[tilespmem:$0x16980] =	vst v63  }
0xf7: {  	s28 =	smul.u32 $0x15000, s28;
	s4 =	spop (v2sf);
	s14 =	sshrl.u32 s31, $0x3  }
0xf8: {  	s24 =	sadd.s32 $0x10, s24;
	s6 =	sshrl.u32 s4, $0x3;
	s14 =	smul.u32 $0x3000, s14  }
0xf9: {  	s28 =	sshra.s32 s28, $0x2;
	s29 =	sshll.u32 s4, $0x7;
	s30 =	smul.u32 $0xC00, s6  }
0xfa: {  	s29 =	sand.u32 $0x380, s29;
	s12 =	ssub.s32 s19, s16;
	s14 =	sshra.s32 s14, $0x2  }
0xfb: {  	s12 =	sand.u32 $0x380, s12;
	s29 =	sor.u32 s29, s30;
	s14 =	sadd.s32 s14, s28  }
0xfc: {  	s23 =	sadd.s32 $0x10, s23;
	s7 =	sshrl.u32 s29, $0x3;
	s12 =	sor.u32 s12, s14  }
0xfd: {  	s22 =	sadd.s32 $0x10, s22;
	s16 =	sadd.s32 s3, s7;
	s29 =	sadd.s32 $0x1980, s12  }
0xfe: {  	[tilespmem:s29], [sflag:$0x1] =	stream.linear.gather [hbm4b:s16+s2], $0x80, $0x38;
	[tilespmem:$0x16980] =	vst v63  }
.Ltmp0:
0xff: {  	s21 =	sadd.s32 $0x10, s21;
	s20 =	sadd.s32 $0x10, s20;
	(pc) =	sbr.rel @p0 .LBB2_2-.Ltmp0, $4  }
0x100: {  	s18 =	sadd.s32 $0x10, s18;
	s30 =	sadd.s32 $0x80, s16;
	s31 =	sadd.s32 $0x1D80, s12  }
0x101: {  	[tilespmem:s31], [sflag:$0x1] =	stream.linear.gather [hbm4b:s30+s2], $0x80, $0x38;
	[tilespmem:$0x16980] =	vst v63  }
0x102: {  	s19 =	sadd.s32 $0x800, s19;
	s14 =	sadd.s32 $0x100, s16;
	s12 =	sadd.s32 $0x2180, s12  }
0x103: {  	[tilespmem:s12], [sflag:$0x1] =	stream.linear.gather [hbm4b:s14+s2], $0x80, $0x38;
	[tilespmem:$0x16980] =	vst v63  }
0x104: {  	v0 =	vld [tilespmem:$0x60];
	_ =	sdelay $0x4  }
0x105: {  	(v2sf) =	vpush v0, $0x0;
	_ =	sdelay $0x7  }
0x106: {  	(v2sf) =	vpush v0, $0x1;
	_ =	sdelay $0x6  }
0x107: {  	s0 =	spop (v2sf)  }
0x108: {  	s1 =	sshrl.u32 s0, $0x3  }
0x109: {  	s0 =	sshll.u32 s0, $0x7;
	s1 =	smul.u32 $0xC00, s1  }
0x10a: {  	(v2sf) =	vpush v0, $0x2;
	s0 =	sand.u32 $0x380, s0  }
0x10b: {  	s0 =	sor.u32 s0, s1  }
0x10c: {  	s0 =	sshrl.u32 s0, $0x3  }
0x10d: {  	s17 =	simm.s32 $0x0;
	s7 =	simm.s32 $0xAC80;
	s0 =	sadd.s32 s3, s0  }
0x10e: {  	[tilespmem:s7], [sflag:$0x1] =	stream.linear.gather [hbm4b:s0+s17], $0x80, $0x38;
	[tilespmem:$0x16980] =	vst v63  }
0x10f: {  	s4 =	simm.s32 $0xB080;
	s10 =	spop (v2sf);
	s8 =	sadd.s32 $0x80, s0  }
0x110: {  	[tilespmem:s4], [sflag:$0x1] =	stream.linear.gather [hbm4b:s8+s17], $0x80, $0x38;
	[tilespmem:$0x16980] =	vst v63  }
0x111: {  	s9 =	simm.s32 $0xB480;
	s11 =	sshrl.u32 s10, $0x3;
	s0 =	sadd.s32 $0x100, s0  }
0x112: {  	[tilespmem:s9], [sflag:$0x1] =	stream.linear.gather [hbm4b:s0+s17], $0x80, $0x38;
	[tilespmem:$0x16980] =	vst v63  }
0x113: {  	s1 =	smul.u32 $0xC00, s11;
	s0 =	sshll.u32 s10, $0x7  }
0x114: {  	(v2sf) =	vpush v0, $0x3;
	s0 =	sand.u32 $0x380, s0  }
0x115: {  	s0 =	sor.u32 s0, s1  }
0x116: {  	s0 =	sshrl.u32 s0, $0x3  }
0x117: {  	s12 =	simm.s32 $0xAD00;
	s0 =	sadd.s32 s3, s0  }
0x118: {  	[tilespmem:s12], [sflag:$0x1] =	stream.linear.gather [hbm4b:s0+s17], $0x80, $0x38;
	[tilespmem:$0x16980] =	vst v63  }
0x119: {  	s16 =	simm.s32 $0xB100;
	s18 =	spop (v2sf);
	s14 =	sadd.s32 $0x80, s0  }
0x11a: {  	[tilespmem:s16], [sflag:$0x1] =	stream.linear.gather [hbm4b:s14+s17], $0x80, $0x38;
	[tilespmem:$0x16980] =	vst v63  }
0x11b: {  	s19 =	simm.s32 $0xB500;
	s0 =	sadd.s32 $0x100, s0;
	s20 =	sshrl.u32 s18, $0x3  }
0x11c: {  	[tilespmem:s19], [sflag:$0x1] =	stream.linear.gather [hbm4b:s0+s17], $0x80, $0x38;
	[tilespmem:$0x16980] =	vst v63  }
0x11d: {  	s1 =	sshll.u32 s18, $0x7;
	s0 =	smul.u32 $0xC00, s20  }
0x11e: {  	s1 =	sand.u32 $0x380, s1  }
0x11f: {  	s0 =	sor.u32 s1, s0  }
0x120: {  	s21 =	simm.s32 $0xB580;
	s23 =	simm.s32 $0xB980;
	s0 =	sshrl.u32 s0, $0x3  }
0x121: {  	s24 =	simm.s32 $0xBD80;
	s28 =	simm.s32 $0xB600;
	s0 =	sadd.s32 s3, s0  }
0x122: {  	[tilespmem:s21], [sflag:$0x1] =	stream.linear.gather [hbm4b:s0+s17], $0x80, $0x38;
	[tilespmem:$0x16980] =	vst v63  }
0x123: {  	s30 =	simm.s32 $0xBA00;
	s25 =	spop (v2sf);
	s22 =	sadd.s32 $0x80, s0  }
0x124: {  	[tilespmem:s23], [sflag:$0x1] =	stream.linear.gather [hbm4b:s22+s17], $0x80, $0x38;
	[tilespmem:$0x16980] =	vst v63  }
0x125: {  	s31 =	simm.s32 $0xBE00;
	s26 =	sshrl.u32 s25, $0x3;
	s0 =	sadd.s32 $0x100, s0  }
0x126: {  	[tilespmem:s24], [sflag:$0x1] =	stream.linear.gather [hbm4b:s0+s17], $0x80, $0x38;
	[tilespmem:$0x16980] =	vst v63  }
0x127: {  	s5 =	simm.s32 $0x5;
	s1 =	smul.u32 $0xC00, s26;
	s0 =	sshll.u32 s25, $0x7  }
0x128: {  	s11 =	simm.s32 $0x64;
	s8 =	simm.s32 $0x4;
	s0 =	sand.u32 $0x380, s0  }
0x129: {  	s9 =	simm.s32 $0x3;
	s10 =	simm.s32 $0x2;
	s0 =	sor.u32 s0, s1  }
0x12a: {  	s18 =	simm.s32 $0xF;
	s19 =	simm.s32 $0x780;
	s0 =	sshrl.u32 s0, $0x3  }
0x12b: {  	s20 =	simm.s32 $0xE;
	s26 =	simm.s32 $0x8;
	s0 =	sadd.s32 s3, s0  }
0x12c: {  	[tilespmem:s28], [sflag:$0x1] =	stream.linear.gather [hbm4b:s0+s17], $0x80, $0x38;
	[tilespmem:$0x16980] =	vst v63  }
0x12d: {  	s21 =	simm.s32 $0xD;
	s22 =	simm.s32 $0xC;
	s29 =	sadd.s32 $0x80, s0  }
0x12e: {  	[tilespmem:s30], [sflag:$0x1] =	stream.linear.gather [hbm4b:s29+s17], $0x80, $0x38;
	[tilespmem:$0x16980] =	vst v63  }
0x12f: {  	s23 =	simm.s32 $0xB;
	s24 =	simm.s32 $0xA;
	s0 =	sadd.s32 $0x100, s0  }
0x130: {  	[tilespmem:s31], [sflag:$0x1] =	stream.linear.gather [hbm4b:s0+s17], $0x80, $0x38;
	[tilespmem:$0x16980] =	vst v63  }
0x131: {  	s25 =	simm.s32 $0x9;
	s1 =	simm.s32 $0x6;
	s0 =	simm.s32 $0x7  }
.LBB2_4:
0x132: {  	v0 =	vld [tilespmem:s11+$0x0];
	_ =	sdelay $0x4  }
0x133: {  	(v2sf) =	vpush v0, $0x0;
	_ =	sdelay $0x8  }
0x134: {  	(v2sf) =	vpush v0, $0x1;
	_ =	sdelay $0x3  }
0x135: {  	p0 =	sgt.u32 s17, $0x3;
	s12 =	simm.s32 $0xFFFFFFCE  }
0x136: {  	s12 =	simm.s32 @!p0 $0x0  }
0x137: {  	s12 =	sadd.s32 s18, s12;
	s14 =	spop (v2sf)  }
0x138: {  	s29 =	sadd.s32 $0xFFFFFFF1, s12;
	s28 =	sshrl.u32 s14, $0x3  }
0x139: {  	s29 =	sshrl.u32 s29, $0x3;
	s14 =	sshll.u32 s14, $0x7;
	s28 =	smul.u32 $0xC00, s28  }
0x13a: {  	s29 =	smul.u32 $0x3000, s29;
	s14 =	sand.u32 $0x380, s14  }
0x13b: {  	s14 =	sor.u32 s14, s28;
	s28 =	simm.s32 $0x11580  }
0x13c: {  	s30 =	simm.s32 $0x300;
	s29 =	sshra.s32 s29, $0x2;
	s28 =	simm.s32 @!p0 $0xC180  }
0x13d: {  	s30 =	simm.s32 @!p0 $0x0;
	s14 =	sshrl.u32 s14, $0x3;
	s29 =	sadd.s32 s29, s28  }
0x13e: {  	s12 =	sadd.s32 $0xFFFFFFF2, s12;
	s14 =	sadd.s32 s3, s14;
	s29 =	sadd.s32 s30, s29  }
0x13f: {  	[tilespmem:s29], [sflag:$0x2] =	stream.linear.gather [hbm4b:s14+s2], $0x80, $0x38;
	[tilespmem:$0x16980] =	vst v63  }
0x140: {  	s16 =	spop (v2sf);
	s7 =	sadd.s32 $0x80, s14;
	s31 =	sadd.s32 $0x400, s29  }
0x141: {  	[tilespmem:s31], [sflag:$0x2] =	stream.linear.gather [hbm4b:s7+s2], $0x80, $0x38;
	[tilespmem:$0x16980] =	vst v63  }
0x142: {  	s30 =	sshrl.u32 s16, $0x3;
	s14 =	sadd.s32 $0x100, s14;
	s29 =	sadd.s32 $0x800, s29  }
0x143: {  	(v2sf) =	vpush v0, $0x2;
	[tilespmem:s29], [sflag:$0x2] =	stream.linear.gather [hbm4b:s14+s2], $0x80, $0x38;
	[tilespmem:$0x16980] =	vst v63  }
0x144: {  	s31 =	sshrl.u32 s12, $0x3;
	s29 =	smul.u32 $0xC00, s30  }
0x145: {  	s14 =	sshll.u32 s16, $0x7;
	s30 =	smul.u32 $0x3000, s31  }
0x146: {  	s6 =	smulhi.u32 $0x51EB851F, s10;
	s14 =	sand.u32 $0x380, s14  }
0x147: {  	s12 =	sshll.u32 s12, $0x7;
	s14 =	sor.u32 s14, s29;
	s4 =	sshra.s32 s30, $0x2  }
0x148: {  	s12 =	sand.u32 $0x380, s12;
	s14 =	sshrl.u32 s14, $0x3;
	s28 =	sadd.s32 s4, s28  }
0x149: {  	s31 =	sadd.s32 $0xFFFFFFF3, s18;
	s14 =	sadd.s32 s3, s14;
	s12 =	sadd.s32 s12, s28  }
0x14a: {  	[tilespmem:s12], [sflag:$0x2] =	stream.linear.gather [hbm4b:s14+s2], $0x80, $0x38;
	[tilespmem:$0x16980] =	vst v63  }
0x14b: {  	s28 =	sshrl.u32 s6, $0x4;
	s7 =	sadd.s32 $0x80, s14;
	s16 =	sadd.s32 $0x400, s12  }
0x14c: {  	[tilespmem:s16], [sflag:$0x2] =	stream.linear.gather [hbm4b:s7+s2], $0x80, $0x38;
	[tilespmem:$0x16980] =	vst v63  }
0x14d: {  	s14 =	sadd.s32 $0x100, s14;
	s12 =	sadd.s32 $0x800, s12;
	s30 =	smul.u32 $0x32, s28  }
0x14e: {  	[tilespmem:s12], [sflag:$0x2] =	stream.linear.gather [hbm4b:s14+s2], $0x80, $0x38;
	[tilespmem:$0x16980] =	vst v63  }
0x14f: {  	s14 =	smulhi.u32 $0x51EB851F, s31  }
0x150: {  	s12 =	ssub.s32 s18, s30  }
0x151: {  	s28 =	smul.u32 $0x1900, s28;
	s12 =	sadd.s32 $0xFFFFFFF3, s12;
	s14 =	sshrl.u32 s14, $0x4  }
0x152: {  	s4 =	spop (v2sf);
	(v2sf) =	vpush v0, $0x3;
	s12 =	sshrl.u32 s12, $0x3;
	s14 =	smul.u32 $0x15000, s14  }
0x153: {  	s6 =	sshrl.u32 s4, $0x3;
	s29 =	sshll.u32 s4, $0x7;
	s12 =	smul.u32 $0x3000, s12  }
0x154: {  	s29 =	sand.u32 $0x380, s29;
	s28 =	ssub.s32 s19, s28;
	s30 =	smul.u32 $0xC00, s6  }
0x155: {  	s28 =	sadd.s32 $0xFFFFF980, s28;
	s14 =	sshra.s32 s14, $0x2;
	s12 =	sshra.s32 s12, $0x2  }
0x156: {  	s28 =	sand.u32 $0x300, s28;
	s29 =	sor.u32 s29, s30;
	s12 =	sadd.s32 s12, s14  }
0x157: {  	s16 =	smulhi.u32 $0x51EB851F, s9;
	s7 =	sshrl.u32 s29, $0x3;
	s12 =	sor.u32 s28, s12  }
0x158: {  	s14 =	sadd.s32 s3, s7;
	s7 =	sadd.s32 $0xFFFFFFF4, s18;
	s28 =	sadd.s32 $0xC180, s12  }
0x159: {  	[tilespmem:s28], [sflag:$0x2] =	stream.linear.gather [hbm4b:s14+s2], $0x80, $0x38;
	[tilespmem:$0x16980] =	vst v63  }
0x15a: {  	s31 =	sadd.s32 $0x80, s14;
	s4 =	sadd.s32 $0xC580, s12;
	s28 =	sshrl.u32 s16, $0x4  }
0x15b: {  	[tilespmem:s4], [sflag:$0x2] =	stream.linear.gather [hbm4b:s31+s2], $0x80, $0x38;
	[tilespmem:$0x16980] =	vst v63  }
0x15c: {  	s12 =	sadd.s32 $0xC980, s12;
	s14 =	sadd.s32 $0x100, s14;
	s6 =	smul.u32 $0x32, s28  }
0x15d: {  	[tilespmem:s12], [sflag:$0x2] =	stream.linear.gather [hbm4b:s14+s2], $0x80, $0x38;
	[tilespmem:$0x16980] =	vst v63  }
0x15e: {  	s14 =	smulhi.u32 $0x51EB851F, s7  }
0x15f: {  	s12 =	ssub.s32 s18, s6  }
0x160: {  	s28 =	smul.u32 $0x1900, s28;
	s12 =	sadd.s32 $0xFFFFFFF4, s12;
	s14 =	sshrl.u32 s14, $0x4  }
0x161: {  	s16 =	spop (v2sf);
	(v2sf) =	vpush v0, $0x4;
	s12 =	sshrl.u32 s12, $0x3;
	s14 =	smul.u32 $0x15000, s14  }
0x162: {  	s31 =	sshrl.u32 s16, $0x3;
	s29 =	sshll.u32 s16, $0x7;
	s12 =	smul.u32 $0x3000, s12  }
0x163: {  	s30 =	smul.u32 $0xC00, s31;
	s29 =	sand.u32 $0x380, s29;
	s28 =	ssub.s32 s19, s28  }
0x164: {  	s28 =	sadd.s32 $0xFFFFFA00, s28;
	s14 =	sshra.s32 s14, $0x2;
	s12 =	sshra.s32 s12, $0x2  }
0x165: {  	s29 =	sor.u32 s29, s30;
	s28 =	sand.u32 $0x380, s28;
	s12 =	sadd.s32 s12, s14  }
0x166: {  	s31 =	sadd.s32 $0xFFFFFFF5, s18;
	s4 =	sshrl.u32 s29, $0x3;
	s12 =	sor.u32 s28, s12  }
0x167: {  	s6 =	smulhi.u32 $0x51EB851F, s8;
	s14 =	sadd.s32 s3, s4;
	s28 =	sadd.s32 $0xC180, s12  }
0x168: {  	[tilespmem:s28], [sflag:$0x2] =	stream.linear.gather [hbm4b:s14+s2], $0x80, $0x38;
	[tilespmem:$0x16980] =	vst v63  }
0x169: {  	s7 =	sadd.s32 $0x80, s14;
	s16 =	sadd.s32 $0xC580, s12;
	s28 =	sshrl.u32 s6, $0x4  }
0x16a: {  	[tilespmem:s16], [sflag:$0x2] =	stream.linear.gather [hbm4b:s7+s2], $0x80, $0x38;
	[tilespmem:$0x16980] =	vst v63  }
0x16b: {  	s12 =	sadd.s32 $0xC980, s12;
	s14 =	sadd.s32 $0x100, s14;
	s30 =	smul.u32 $0x32, s28  }
0x16c: {  	[tilespmem:s12], [sflag:$0x2] =	stream.linear.gather [hbm4b:s14+s2], $0x80, $0x38;
	[tilespmem:$0x16980] =	vst v63  }
0x16d: {  	s14 =	smulhi.u32 $0x51EB851F, s31  }
0x16e: {  	s12 =	ssub.s32 s18, s30  }
0x16f: {  	s28 =	smul.u32 $0x1900, s28;
	s12 =	sadd.s32 $0xFFFFFFF5, s12;
	s14 =	sshrl.u32 s14, $0x4  }
0x170: {  	s4 =	spop (v2sf);
	(v2sf) =	vpush v0, $0x5;
	s12 =	sshrl.u32 s12, $0x3;
	s14 =	smul.u32 $0x15000, s14  }
0x171: {  	s28 =	ssub.s32 s19, s28;
	s6 =	sshrl.u32 s4, $0x3;
	s12 =	smul.u32 $0x3000, s12  }
0x172: {  	s29 =	sshll.u32 s4, $0x7;
	s28 =	sadd.s32 $0xFFFFFA80, s28;
	s30 =	smul.u32 $0xC00, s6  }
0x173: {  	s29 =	sand.u32 $0x380, s29;
	s14 =	sshra.s32 s14, $0x2;
	s12 =	sshra.s32 s12, $0x2  }
0x174: {  	s28 =	sand.u32 $0x300, s28;
	s29 =	sor.u32 s29, s30;
	s12 =	sadd.s32 s12, s14  }
0x175: {  	s16 =	smulhi.u32 $0x51EB851F, s5;
	s7 =	sshrl.u32 s29, $0x3;
	s12 =	sor.u32 s28, s12  }
0x176: {  	s14 =	sadd.s32 s3, s7;
	s7 =	sadd.s32 $0xFFFFFFF6, s18;
	s28 =	sadd.s32 $0xC180, s12  }
0x177: {  	[tilespmem:s28], [sflag:$0x2] =	stream.linear.gather [hbm4b:s14+s2], $0x80, $0x38;
	[tilespmem:$0x16980] =	vst v63  }
0x178: {  	s31 =	sadd.s32 $0x80, s14;
	s4 =	sadd.s32 $0xC580, s12;
	s28 =	sshrl.u32 s16, $0x4  }
0x179: {  	[tilespmem:s4], [sflag:$0x2] =	stream.linear.gather [hbm4b:s31+s2], $0x80, $0x38;
	[tilespmem:$0x16980] =	vst v63  }
0x17a: {  	s12 =	sadd.s32 $0xC980, s12;
	s14 =	sadd.s32 $0x100, s14;
	s6 =	smul.u32 $0x32, s28  }
0x17b: {  	[tilespmem:s12], [sflag:$0x2] =	stream.linear.gather [hbm4b:s14+s2], $0x80, $0x38;
	[tilespmem:$0x16980] =	vst v63  }
0x17c: {  	s14 =	smulhi.u32 $0x51EB851F, s7  }
0x17d: {  	s12 =	ssub.s32 s18, s6  }
0x17e: {  	s28 =	smul.u32 $0x1900, s28;
	s12 =	sadd.s32 $0xFFFFFFF6, s12;
	s14 =	sshrl.u32 s14, $0x4  }
0x17f: {  	s16 =	spop (v2sf);
	(v2sf) =	vpush v0, $0x6;
	s12 =	sshrl.u32 s12, $0x3;
	s14 =	smul.u32 $0x15000, s14  }
0x180: {  	s28 =	ssub.s32 s19, s28;
	s31 =	sshrl.u32 s16, $0x3;
	s12 =	smul.u32 $0x3000, s12  }
0x181: {  	s28 =	sadd.s32 $0xFFFFFB00, s28;
	s29 =	sshll.u32 s16, $0x7;
	s30 =	smul.u32 $0xC00, s31  }
0x182: {  	s29 =	sand.u32 $0x380, s29;
	s14 =	sshra.s32 s14, $0x2;
	s12 =	sshra.s32 s12, $0x2  }
0x183: {  	s28 =	sand.u32 $0x380, s28;
	s29 =	sor.u32 s29, s30;
	s12 =	sadd.s32 s12, s14  }
0x184: {  	s6 =	smulhi.u32 $0x51EB851F, s1;
	s4 =	sshrl.u32 s29, $0x3;
	s12 =	sor.u32 s28, s12  }
0x185: {  	s31 =	sadd.s32 $0xFFFFFFF7, s18;
	s14 =	sadd.s32 s3, s4;
	s28 =	sadd.s32 $0xC180, s12  }
0x186: {  	[tilespmem:s28], [sflag:$0x2] =	stream.linear.gather [hbm4b:s14+s2], $0x80, $0x38;
	[tilespmem:$0x16980] =	vst v63  }
0x187: {  	s7 =	sadd.s32 $0x80, s14;
	s16 =	sadd.s32 $0xC580, s12;
	s28 =	sshrl.u32 s6, $0x4  }
0x188: {  	[tilespmem:s16], [sflag:$0x2] =	stream.linear.gather [hbm4b:s7+s2], $0x80, $0x38;
	[tilespmem:$0x16980] =	vst v63  }
0x189: {  	s12 =	sadd.s32 $0xC980, s12;
	s14 =	sadd.s32 $0x100, s14;
	s30 =	smul.u32 $0x32, s28  }
0x18a: {  	[tilespmem:s12], [sflag:$0x2] =	stream.linear.gather [hbm4b:s14+s2], $0x80, $0x38;
	[tilespmem:$0x16980] =	vst v63  }
0x18b: {  	s14 =	smulhi.u32 $0x51EB851F, s31  }
0x18c: {  	s12 =	ssub.s32 s18, s30  }
0x18d: {  	s28 =	smul.u32 $0x1900, s28;
	s12 =	sadd.s32 $0xFFFFFFF7, s12;
	s14 =	sshrl.u32 s14, $0x4  }
0x18e: {  	(v2sf) =	vpush v0, $0x7;
	s12 =	sshrl.u32 s12, $0x3;
	s4 =	spop (v2sf);
	s14 =	smul.u32 $0x15000, s14  }
0x18f: {  	s28 =	ssub.s32 s19, s28;
	s12 =	smul.u32 $0x3000, s12;
	s6 =	sshrl.u32 s4, $0x3  }
0x190: {  	s28 =	sadd.s32 $0xFFFFFB80, s28;
	s29 =	sshll.u32 s4, $0x7;
	s30 =	smul.u32 $0xC00, s6  }
0x191: {  	s29 =	sand.u32 $0x380, s29;
	s14 =	sshra.s32 s14, $0x2;
	s12 =	sshra.s32 s12, $0x2  }
0x192: {  	s28 =	sand.u32 $0x300, s28;
	s12 =	sadd.s32 s12, s14;
	s29 =	sor.u32 s29, s30  }
0x193: {  	s16 =	smulhi.u32 $0x51EB851F, s0;
	s12 =	sor.u32 s28, s12;
	s7 =	sshrl.u32 s29, $0x3  }
0x194: {  	s28 =	sadd.s32 $0xC180, s12;
	s4 =	sadd.s32 $0xC580, s12;
	s14 =	sadd.s32 s3, s7  }
0x195: {  	[tilespmem:s28], [sflag:$0x2] =	stream.linear.gather [hbm4b:s14+s2], $0x80, $0x38;
	[tilespmem:$0x16980] =	vst v63  }
0x196: {  	s12 =	sadd.s32 $0xC980, s12;
	s31 =	sadd.s32 $0x80, s14;
	s28 =	sshrl.u32 s16, $0x4  }
0x197: {  	[tilespmem:s4], [sflag:$0x2] =	stream.linear.gather [hbm4b:s31+s2], $0x80, $0x38;
	[tilespmem:$0x16980] =	vst v63  }
0x198: {  	s7 =	sadd.s32 $0xFFFFFFF8, s18;
	s14 =	sadd.s32 $0x100, s14;
	s6 =	smul.u32 $0x32, s28  }
0x199: {  	[tilespmem:s12], [sflag:$0x2] =	stream.linear.gather [hbm4b:s14+s2], $0x80, $0x38;
	[tilespmem:$0x16980] =	vst v63  }
0x19a: {  	(v2sf) =	vpush v0, $0x8;
	s14 =	smulhi.u32 $0x51EB851F, s7  }
0x19b: {  	s12 =	ssub.s32 s18, s6  }
0x19c: {  	s28 =	smul.u32 $0x1900, s28;
	s12 =	sadd.s32 $0xFFFFFFF8, s12;
	s14 =	sshrl.u32 s14, $0x4  }
0x19d: {  	s16 =	spop (v2sf);
	s12 =	sshrl.u32 s12, $0x3;
	s14 =	smul.u32 $0x15000, s14  }
0x19e: {  	s29 =	sshll.u32 s16, $0x7;
	s31 =	sshrl.u32 s16, $0x3;
	s12 =	smul.u32 $0x3000, s12  }
0x19f: {  	s29 =	sand.u32 $0x380, s29;
	s30 =	smul.u32 $0xC00, s31;
	s28 =	ssub.s32 s19, s28  }
0x1a0: {  	s28 =	sadd.s32 $0xFFFFFC00, s28;
	s14 =	sshra.s32 s14, $0x2;
	s12 =	sshra.s32 s12, $0x2  }
0x1a1: {  	s29 =	sor.u32 s29, s30;
	s28 =	sand.u32 $0x380, s28;
	s12 =	sadd.s32 s12, s14  }
0x1a2: {  	s6 =	smulhi.u32 $0x51EB851F, s26;
	s4 =	sshrl.u32 s29, $0x3;
	s12 =	sor.u32 s28, s12  }
0x1a3: {  	s14 =	sadd.s32 s3, s4;
	s4 =	sadd.s32 $0xFFFFFFF9, s18;
	s28 =	sadd.s32 $0xC180, s12  }
0x1a4: {  	[tilespmem:s28], [sflag:$0x2] =	stream.linear.gather [hbm4b:s14+s2], $0x80, $0x38;
	[tilespmem:$0x16980] =	vst v63  }
0x1a5: {  	s7 =	sadd.s32 $0x80, s14;
	s16 =	sadd.s32 $0xC580, s12;
	s28 =	sshrl.u32 s6, $0x4  }
0x1a6: {  	[tilespmem:s16], [sflag:$0x2] =	stream.linear.gather [hbm4b:s7+s2], $0x80, $0x38;
	[tilespmem:$0x16980] =	vst v63  }
0x1a7: {  	s12 =	sadd.s32 $0xC980, s12;
	s14 =	sadd.s32 $0x100, s14;
	s31 =	smul.u32 $0x32, s28  }
0x1a8: {  	[tilespmem:s12], [sflag:$0x2] =	stream.linear.gather [hbm4b:s14+s2], $0x80, $0x38;
	[tilespmem:$0x16980] =	vst v63  }
0x1a9: {  	s6 =	spop (v2sf);
	s14 =	smulhi.u32 $0x51EB851F, s4  }
0x1aa: {  	s7 =	sshrl.u32 s6, $0x3;
	s12 =	ssub.s32 s18, s31  }
0x1ab: {  	s29 =	smul.u32 $0xC00, s7;
	s12 =	sadd.s32 $0xFFFFFFF9, s12;
	s14 =	sshrl.u32 s14, $0x4  }
0x1ac: {  	(v2sf) =	vpush v0, $0x9;
	s12 =	sshrl.u32 s12, $0x3;
	s16 =	smul.u32 $0x15000, s14  }
0x1ad: {  	s28 =	sshll.u32 s6, $0x7;
	s12 =	smul.u32 $0x3000, s12  }
0x1ae: {  	s28 =	sand.u32 $0x380, s28;
	s14 =	smul.u32 $0x300, s14  }
0x1af: {  	s6 =	smulhi.u32 $0x51EB851F, s25;
	s30 =	sshra.s32 s16, $0x2;
	s12 =	sshra.s32 s12, $0x2  }
0x1b0: {  	s28 =	sor.u32 s28, s29;
	s14 =	sand.u32 $0x300, s14;
	s12 =	sadd.s32 s12, s30  }
0x1b1: {  	s28 =	sshrl.u32 s28, $0x3;
	s12 =	sor.u32 s14, s12  }
0x1b2: {  	s31 =	sadd.s32 s3, s28;
	s28 =	sshrl.u32 s6, $0x4;
	s4 =	sadd.s32 $0xC180, s12  }
0x1b3: {  	[tilespmem:s4], [sflag:$0x2] =	stream.linear.gather [hbm4b:s31+s2], $0x80, $0x38;
	[tilespmem:$0x16980] =	vst v63  }
0x1b4: {  	s7 =	sadd.s32 $0x80, s31;
	s30 =	smul.u32 $0x32, s28;
	s16 =	sadd.s32 $0xC580, s12  }
0x1b5: {  	[tilespmem:s16], [sflag:$0x2] =	stream.linear.gather [hbm4b:s7+s2], $0x80, $0x38;
	[tilespmem:$0x16980] =	vst v63  }
0x1b6: {  	s14 =	sadd.s32 $0x100, s31;
	s12 =	sadd.s32 $0xC980, s12;
	s31 =	sadd.s32 $0xFFFFFFFA, s18  }
0x1b7: {  	[tilespmem:s12], [sflag:$0x2] =	stream.linear.gather [hbm4b:s14+s2], $0x80, $0x38;
	[tilespmem:$0x16980] =	vst v63  }
0x1b8: {  	s14 =	smulhi.u32 $0x51EB851F, s31  }
0x1b9: {  	s12 =	ssub.s32 s18, s30  }
0x1ba: {  	s28 =	smul.u32 $0x1900, s28;
	s12 =	sadd.s32 $0xFFFFFFFA, s12;
	s14 =	sshrl.u32 s14, $0x4  }
0x1bb: {  	s4 =	spop (v2sf);
	(v2sf) =	vpush v0, $0xA;
	s12 =	sshrl.u32 s12, $0x3;
	s14 =	smul.u32 $0x15000, s14  }
0x1bc: {  	s28 =	ssub.s32 s19, s28;
	s6 =	sshrl.u32 s4, $0x3;
	s12 =	smul.u32 $0x3000, s12  }
0x1bd: {  	s28 =	sadd.s32 $0xFFFFFD00, s28;
	s29 =	sshll.u32 s4, $0x7;
	s30 =	smul.u32 $0xC00, s6  }
0x1be: {  	s29 =	sand.u32 $0x380, s29;
	s14 =	sshra.s32 s14, $0x2;
	s12 =	sshra.s32 s12, $0x2  }
0x1bf: {  	s28 =	sand.u32 $0x380, s28;
	s29 =	sor.u32 s29, s30;
	s12 =	sadd.s32 s12, s14  }
0x1c0: {  	s16 =	smulhi.u32 $0x51EB851F, s24;
	s7 =	sshrl.u32 s29, $0x3;
	s12 =	sor.u32 s28, s12  }
0x1c1: {  	s14 =	sadd.s32 s3, s7;
	s7 =	sadd.s32 $0xFFFFFFFB, s18;
	s28 =	sadd.s32 $0xC180, s12  }
0x1c2: {  	[tilespmem:s28], [sflag:$0x2] =	stream.linear.gather [hbm4b:s14+s2], $0x80, $0x38;
	[tilespmem:$0x16980] =	vst v63  }
0x1c3: {  	s31 =	sadd.s32 $0x80, s14;
	s4 =	sadd.s32 $0xC580, s12;
	s28 =	sshrl.u32 s16, $0x4  }
0x1c4: {  	[tilespmem:s4], [sflag:$0x2] =	stream.linear.gather [hbm4b:s31+s2], $0x80, $0x38;
	[tilespmem:$0x16980] =	vst v63  }
0x1c5: {  	s12 =	sadd.s32 $0xC980, s12;
	s14 =	sadd.s32 $0x100, s14;
	s6 =	smul.u32 $0x32, s28  }
0x1c6: {  	[tilespmem:s12], [sflag:$0x2] =	stream.linear.gather [hbm4b:s14+s2], $0x80, $0x38;
	[tilespmem:$0x16980] =	vst v63  }
0x1c7: {  	s14 =	smulhi.u32 $0x51EB851F, s7  }
0x1c8: {  	s12 =	ssub.s32 s18, s6  }
0x1c9: {  	s28 =	smul.u32 $0x1900, s28;
	s12 =	sadd.s32 $0xFFFFFFFB, s12;
	s14 =	sshrl.u32 s14, $0x4  }
0x1ca: {  	s16 =	spop (v2sf);
	(v2sf) =	vpush v0, $0xB;
	s12 =	sshrl.u32 s12, $0x3;
	s14 =	smul.u32 $0x15000, s14  }
0x1cb: {  	s28 =	ssub.s32 s19, s28;
	s31 =	sshrl.u32 s16, $0x3;
	s12 =	smul.u32 $0x3000, s12  }
0x1cc: {  	s28 =	sadd.s32 $0xFFFFFD80, s28;
	s29 =	sshll.u32 s16, $0x7;
	s30 =	smul.u32 $0xC00, s31  }
0x1cd: {  	s29 =	sand.u32 $0x380, s29;
	s14 =	sshra.s32 s14, $0x2;
	s12 =	sshra.s32 s12, $0x2  }
0x1ce: {  	s28 =	sand.u32 $0x300, s28;
	s29 =	sor.u32 s29, s30;
	s12 =	sadd.s32 s12, s14  }
0x1cf: {  	s6 =	smulhi.u32 $0x51EB851F, s23;
	s4 =	sshrl.u32 s29, $0x3;
	s12 =	sor.u32 s28, s12  }
0x1d0: {  	s31 =	sadd.s32 $0xFFFFFFFC, s18;
	s14 =	sadd.s32 s3, s4;
	s28 =	sadd.s32 $0xC180, s12  }
0x1d1: {  	[tilespmem:s28], [sflag:$0x2] =	stream.linear.gather [hbm4b:s14+s2], $0x80, $0x38;
	[tilespmem:$0x16980] =	vst v63  }
0x1d2: {  	s7 =	sadd.s32 $0x80, s14;
	s16 =	sadd.s32 $0xC580, s12;
	s28 =	sshrl.u32 s6, $0x4  }
0x1d3: {  	[tilespmem:s16], [sflag:$0x2] =	stream.linear.gather [hbm4b:s7+s2], $0x80, $0x38;
	[tilespmem:$0x16980] =	vst v63  }
0x1d4: {  	s12 =	sadd.s32 $0xC980, s12;
	s14 =	sadd.s32 $0x100, s14;
	s30 =	smul.u32 $0x32, s28  }
0x1d5: {  	[tilespmem:s12], [sflag:$0x2] =	stream.linear.gather [hbm4b:s14+s2], $0x80, $0x38;
	[tilespmem:$0x16980] =	vst v63  }
0x1d6: {  	s14 =	smulhi.u32 $0x51EB851F, s31  }
0x1d7: {  	s12 =	ssub.s32 s18, s30  }
0x1d8: {  	s28 =	smul.u32 $0x1900, s28;
	s12 =	sadd.s32 $0xFFFFFFFC, s12;
	s14 =	sshrl.u32 s14, $0x4  }
0x1d9: {  	s4 =	spop (v2sf);
	s12 =	sshrl.u32 s12, $0x3;
	(v2sf) =	vpush v0, $0xC;
	s14 =	smul.u32 $0x15000, s14  }
0x1da: {  	s28 =	ssub.s32 s19, s28;
	s6 =	sshrl.u32 s4, $0x3;
	s12 =	smul.u32 $0x3000, s12  }
0x1db: {  	s28 =	sadd.s32 $0xFFFFFE00, s28;
	s29 =	sshll.u32 s4, $0x7;
	s30 =	smul.u32 $0xC00, s6  }
0x1dc: {  	s29 =	sand.u32 $0x380, s29;
	s14 =	sshra.s32 s14, $0x2;
	s12 =	sshra.s32 s12, $0x2  }
0x1dd: {  	s28 =	sand.u32 $0x380, s28;
	s29 =	sor.u32 s29, s30;
	s12 =	sadd.s32 s12, s14  }
0x1de: {  	s16 =	smulhi.u32 $0x51EB851F, s22;
	s7 =	sshrl.u32 s29, $0x3;
	s12 =	sor.u32 s28, s12  }
0x1df: {  	s14 =	sadd.s32 s3, s7;
	s28 =	sadd.s32 $0xC180, s12;
	s4 =	sadd.s32 $0xC580, s12  }
0x1e0: {  	[tilespmem:s28], [sflag:$0x2] =	stream.linear.gather [hbm4b:s14+s2], $0x80, $0x38;
	[tilespmem:$0x16980] =	vst v63  }
0x1e1: {  	s12 =	sadd.s32 $0xC980, s12;
	s31 =	sadd.s32 $0x80, s14;
	s28 =	sshrl.u32 s16, $0x4  }
0x1e2: {  	[tilespmem:s4], [sflag:$0x2] =	stream.linear.gather [hbm4b:s31+s2], $0x80, $0x38;
	[tilespmem:$0x16980] =	vst v63  }
0x1e3: {  	s7 =	sadd.s32 $0xFFFFFFFD, s18;
	s14 =	sadd.s32 $0x100, s14;
	s6 =	smul.u32 $0x32, s28  }
0x1e4: {  	[tilespmem:s12], [sflag:$0x2] =	stream.linear.gather [hbm4b:s14+s2], $0x80, $0x38;
	[tilespmem:$0x16980] =	vst v63  }
0x1e5: {  	s17 =	sadd.s32 $0x1, s17;
	s10 =	sadd.s32 $0x10, s10;
	s14 =	smulhi.u32 $0x51EB851F, s7  }
0x1e6: {  	s11 =	sadd.s32 $0x10, s11;
	p0 =	sne.s32 s18, $0x5F;
	s12 =	ssub.s32 s18, s6  }
0x1e7: {  	s28 =	smul.u32 $0x1900, s28;
	s12 =	sadd.s32 $0xFFFFFFFD, s12;
	s14 =	sshrl.u32 s14, $0x4  }
0x1e8: {  	s12 =	sshrl.u32 s12, $0x3;
	s14 =	smul.u32 $0x15000, s14;
	s16 =	spop (v2sf);
	(v2sf) =	vpush v0, $0xD  }
0x1e9: {  	s28 =	ssub.s32 s19, s28;
	s12 =	smul.u32 $0x3000, s12;
	s31 =	sshrl.u32 s16, $0x3  }
0x1ea: {  	s28 =	sadd.s32 $0xFFFFFE80, s28;
	s29 =	sshll.u32 s16, $0x7;
	s30 =	smul.u32 $0xC00, s31  }
0x1eb: {  	s14 =	sshra.s32 s14, $0x2;
	s12 =	sshra.s32 s12, $0x2;
	s29 =	sand.u32 $0x380, s29  }
0x1ec: {  	s28 =	sand.u32 $0x300, s28;
	s12 =	sadd.s32 s12, s14;
	s29 =	sor.u32 s29, s30  }
0x1ed: {  	s6 =	smulhi.u32 $0x51EB851F, s21;
	s12 =	sor.u32 s28, s12;
	s4 =	sshrl.u32 s29, $0x3  }
0x1ee: {  	s28 =	sadd.s32 $0xC180, s12;
	s16 =	sadd.s32 $0xC580, s12;
	s14 =	sadd.s32 s3, s4  }
0x1ef: {  	[tilespmem:s28], [sflag:$0x2] =	stream.linear.gather [hbm4b:s14+s2], $0x80, $0x38;
	[tilespmem:$0x16980] =	vst v63  }
0x1f0: {  	s12 =	sadd.s32 $0xC980, s12;
	s7 =	sadd.s32 $0x80, s14;
	s28 =	sshrl.u32 s6, $0x4  }
0x1f1: {  	[tilespmem:s16], [sflag:$0x2] =	stream.linear.gather [hbm4b:s7+s2], $0x80, $0x38;
	[tilespmem:$0x16980] =	vst v63  }
0x1f2: {  	s30 =	sadd.s32 $0xFFFFFFFE, s18;
	s14 =	sadd.s32 $0x100, s14;
	s29 =	smul.u32 $0x32, s28  }
0x1f3: {  	[tilespmem:s12], [sflag:$0x2] =	stream.linear.gather [hbm4b:s14+s2], $0x80, $0x38;
	[tilespmem:$0x16980] =	vst v63  }
0x1f4: {  	s9 =	sadd.s32 $0x10, s9;
	s8 =	sadd.s32 $0x10, s8;
	(v2sf) =	vpush v0, $0xE;
	s14 =	smulhi.u32 $0x51EB851F, s30  }
0x1f5: {  	s5 =	sadd.s32 $0x10, s5;
	s1 =	sadd.s32 $0x10, s1;
	s12 =	ssub.s32 s18, s29  }
0x1f6: {  	s28 =	smul.u32 $0x1900, s28;
	s12 =	sadd.s32 $0xFFFFFFFE, s12;
	s14 =	sshrl.u32 s14, $0x4  }
0x1f7: {  	s12 =	sshrl.u32 s12, $0x3;
	s14 =	smul.u32 $0x15000, s14;
	s31 =	spop (v2sf)  }
0x1f8: {  	s28 =	ssub.s32 s19, s28;
	s12 =	smul.u32 $0x3000, s12;
	s4 =	sshrl.u32 s31, $0x3  }
0x1f9: {  	s28 =	sadd.s32 $0xFFFFFF00, s28;
	s29 =	sshll.u32 s31, $0x7;
	s30 =	smul.u32 $0xC00, s4  }
0x1fa: {  	s14 =	sshra.s32 s14, $0x2;
	s12 =	sshra.s32 s12, $0x2;
	s29 =	sand.u32 $0x380, s29  }
0x1fb: {  	s28 =	sand.u32 $0x380, s28;
	s12 =	sadd.s32 s12, s14;
	s29 =	sor.u32 s29, s30  }
0x1fc: {  	s7 =	smulhi.u32 $0x51EB851F, s20;
	s12 =	sor.u32 s28, s12;
	s6 =	sshrl.u32 s29, $0x3  }
0x1fd: {  	s28 =	sadd.s32 $0xC180, s12;
	s31 =	sadd.s32 $0xC580, s12;
	s14 =	sadd.s32 s3, s6  }
0x1fe: {  	[tilespmem:s28], [sflag:$0x2] =	stream.linear.gather [hbm4b:s14+s2], $0x80, $0x38;
	[tilespmem:$0x16980] =	vst v63  }
0x1ff: {  	s12 =	sadd.s32 $0xC980, s12;
	s16 =	sadd.s32 $0x80, s14;
	s28 =	sshrl.u32 s7, $0x4  }
0x200: {  	[tilespmem:s31], [sflag:$0x2] =	stream.linear.gather [hbm4b:s16+s2], $0x80, $0x38;
	[tilespmem:$0x16980] =	vst v63  }
0x201: {  	s6 =	sadd.s32 $0xFFFFFFFF, s18;
	s14 =	sadd.s32 $0x100, s14;
	s4 =	smul.u32 $0x32, s28  }
0x202: {  	[tilespmem:s12], [sflag:$0x2] =	stream.linear.gather [hbm4b:s14+s2], $0x80, $0x38;
	[tilespmem:$0x16980] =	vst v63  }
0x203: {  	s0 =	sadd.s32 $0x10, s0;
	(v2sf) =	vpush v0, $0xF;
	s7 =	spop (v2sf);
	s14 =	smulhi.u32 $0x51EB851F, s6  }
0x204: {  	s28 =	smul.u32 $0x1900, s28;
	s16 =	sshrl.u32 s7, $0x3;
	s12 =	sxor.u32 $0xFFFFFFFF, s4  }
0x205: {  	s30 =	smul.u32 $0xC00, s16;
	s12 =	sadd.s32 s18, s12;
	s14 =	sshrl.u32 s14, $0x4  }
0x206: {  	s29 =	sshll.u32 s7, $0x7;
	s12 =	sshrl.u32 s12, $0x3;
	s14 =	smul.u32 $0x15000, s14  }
0x207: {  	s29 =	sand.u32 $0x380, s29;
	s28 =	ssub.s32 s19, s28;
	s12 =	smul.u32 $0x3000, s12  }
0x208: {  	s26 =	sadd.s32 $0x10, s26;
	s28 =	sadd.s32 $0xFFFFFF80, s28;
	s29 =	sor.u32 s29, s30  }
0x209: {  	s28 =	sand.u32 $0x300, s28;
	s14 =	sshra.s32 s14, $0x2;
	s12 =	sshra.s32 s12, $0x2  }
0x20a: {  	s30 =	smulhi.u32 $0x51EB851F, s18;
	s29 =	sshrl.u32 s29, $0x3;
	s12 =	sadd.s32 s12, s14  }
0x20b: {  	s25 =	sadd.s32 $0x10, s25;
	s14 =	sadd.s32 s3, s29;
	s12 =	sor.u32 s28, s12  }
0x20c: {  	s28 =	sshrl.u32 s30, $0x4;
	s4 =	sadd.s32 $0x80, s14;
	s31 =	sadd.s32 $0xC180, s12  }
0x20d: {  	[tilespmem:s31], [sflag:$0x2] =	stream.linear.gather [hbm4b:s14+s2], $0x80, $0x38;
	[tilespmem:$0x16980] =	vst v63  }
0x20e: {  	s6 =	sadd.s32 $0xC580, s12;
	s7 =	smul.u32 $0x32, s28;
	s12 =	sadd.s32 $0xC980, s12  }
0x20f: {  	[tilespmem:s6], [sflag:$0x2] =	stream.linear.gather [hbm4b:s4+s2], $0x80, $0x38;
	[tilespmem:$0x16980] =	vst v63  }
0x210: {  	s16 =	smul.u32 $0x1900, s28;
	s14 =	sadd.s32 $0x100, s14;
	s31 =	ssub.s32 s18, s7  }
0x211: {  	[tilespmem:s12], [sflag:$0x2] =	stream.linear.gather [hbm4b:s14+s2], $0x80, $0x38;
	[tilespmem:$0x16980] =	vst v63  }
0x212: {  	s28 =	smul.u32 $0x15000, s28;
	s4 =	spop (v2sf);
	s14 =	sshrl.u32 s31, $0x3  }
0x213: {  	s24 =	sadd.s32 $0x10, s24;
	s6 =	sshrl.u32 s4, $0x3;
	s14 =	smul.u32 $0x3000, s14  }
0x214: {  	s28 =	sshra.s32 s28, $0x2;
	s29 =	sshll.u32 s4, $0x7;
	s30 =	smul.u32 $0xC00, s6  }
0x215: {  	s29 =	sand.u32 $0x380, s29;
	s12 =	ssub.s32 s19, s16;
	s14 =	sshra.s32 s14, $0x2  }
0x216: {  	s12 =	sand.u32 $0x380, s12;
	s29 =	sor.u32 s29, s30;
	s14 =	sadd.s32 s14, s28  }
0x217: {  	s23 =	sadd.s32 $0x10, s23;
	s7 =	sshrl.u32 s29, $0x3;
	s12 =	sor.u32 s12, s14  }
0x218: {  	s22 =	sadd.s32 $0x10, s22;
	s16 =	sadd.s32 s3, s7;
	s29 =	sadd.s32 $0xC180, s12  }
0x219: {  	[tilespmem:s29], [sflag:$0x2] =	stream.linear.gather [hbm4b:s16+s2], $0x80, $0x38;
	[tilespmem:$0x16980] =	vst v63  }
.Ltmp1:
0x21a: {  	s21 =	sadd.s32 $0x10, s21;
	s20 =	sadd.s32 $0x10, s20;
	(pc) =	sbr.rel @p0 .LBB2_4-.Ltmp1, $4  }
0x21b: {  	s18 =	sadd.s32 $0x10, s18;
	s30 =	sadd.s32 $0x80, s16;
	s31 =	sadd.s32 $0xC580, s12  }
0x21c: {  	[tilespmem:s31], [sflag:$0x2] =	stream.linear.gather [hbm4b:s30+s2], $0x80, $0x38;
	[tilespmem:$0x16980] =	vst v63  }
0x21d: {  	s19 =	sadd.s32 $0x800, s19;
	s14 =	sadd.s32 $0x100, s16;
	s12 =	sadd.s32 $0xC980, s12  }
0x21e: {  	[tilespmem:s12], [sflag:$0x2] =	stream.linear.gather [hbm4b:s14+s2], $0x80, $0x38;
	[tilespmem:$0x16980] =	vst v63  }
0x21f: {  	v0 =	vld [tilespmem:$0xC4];
	_ =	sdelay $0x4  }
0x220: {  	(v2sf) =	vpush v0, $0x0;
	_ =	sdelay $0x7  }
0x221: {  	(v2sf) =	vpush v0, $0x1;
	_ =	sdelay $0x6  }
0x222: {  	s0 =	spop (v2sf)  }
0x223: {  	s1 =	sshrl.u32 s0, $0x3  }
0x224: {  	s0 =	sshll.u32 s0, $0x7;
	s1 =	smul.u32 $0xC00, s1  }
0x225: {  	(v2sf) =	vpush v0, $0x2;
	s0 =	sand.u32 $0x380, s0  }
0x226: {  	s0 =	sor.u32 s0, s1  }
0x227: {  	s0 =	sshrl.u32 s0, $0x3  }
0x228: {  	s17 =	simm.s32 $0x0;
	s7 =	simm.s32 $0x15480;
	s0 =	sadd.s32 s3, s0  }
0x229: {  	[tilespmem:s7], [sflag:$0x2] =	stream.linear.gather [hbm4b:s0+s17], $0x80, $0x38;
	[tilespmem:$0x16980] =	vst v63  }
0x22a: {  	s4 =	simm.s32 $0x15880;
	s10 =	spop (v2sf);
	s8 =	sadd.s32 $0x80, s0  }
0x22b: {  	[tilespmem:s4], [sflag:$0x2] =	stream.linear.gather [hbm4b:s8+s17], $0x80, $0x38;
	[tilespmem:$0x16980] =	vst v63  }
0x22c: {  	s9 =	simm.s32 $0x15C80;
	s11 =	sshrl.u32 s10, $0x3;
	s0 =	sadd.s32 $0x100, s0  }
0x22d: {  	[tilespmem:s9], [sflag:$0x2] =	stream.linear.gather [hbm4b:s0+s17], $0x80, $0x38;
	[tilespmem:$0x16980] =	vst v63  }
0x22e: {  	s1 =	smul.u32 $0xC00, s11;
	s0 =	sshll.u32 s10, $0x7  }
0x22f: {  	(v2sf) =	vpush v0, $0x3;
	s0 =	sand.u32 $0x380, s0  }
0x230: {  	s0 =	sor.u32 s0, s1  }
0x231: {  	s0 =	sshrl.u32 s0, $0x3  }
0x232: {  	s12 =	simm.s32 $0x15500;
	s0 =	sadd.s32 s3, s0  }
0x233: {  	[tilespmem:s12], [sflag:$0x2] =	stream.linear.gather [hbm4b:s0+s17], $0x80, $0x38;
	[tilespmem:$0x16980] =	vst v63  }
0x234: {  	s16 =	simm.s32 $0x15900;
	s18 =	spop (v2sf);
	s14 =	sadd.s32 $0x80, s0  }
0x235: {  	[tilespmem:s16], [sflag:$0x2] =	stream.linear.gather [hbm4b:s14+s17], $0x80, $0x38;
	[tilespmem:$0x16980] =	vst v63  }
0x236: {  	s19 =	simm.s32 $0x15D00;
	s0 =	sadd.s32 $0x100, s0;
	s20 =	sshrl.u32 s18, $0x3  }
0x237: {  	[tilespmem:s19], [sflag:$0x2] =	stream.linear.gather [hbm4b:s0+s17], $0x80, $0x38;
	[tilespmem:$0x16980] =	vst v63  }
0x238: {  	s1 =	sshll.u32 s18, $0x7;
	s0 =	smul.u32 $0xC00, s20  }
0x239: {  	s1 =	sand.u32 $0x380, s1  }
0x23a: {  	s0 =	sor.u32 s1, s0  }
0x23b: {  	s0 =	sshrl.u32 s0, $0x3  }
0x23c: {  	s21 =	simm.s32 $0x15D80;
	s0 =	sadd.s32 s3, s0  }
0x23d: {  	[tilespmem:s21], [sflag:$0x2] =	stream.linear.gather [hbm4b:s0+s17], $0x80, $0x38;
	[tilespmem:$0x16980] =	vst v63  }
0x23e: {  	s23 =	simm.s32 $0x16180;
	s25 =	spop (v2sf);
	s22 =	sadd.s32 $0x80, s0  }
0x23f: {  	[tilespmem:s23], [sflag:$0x2] =	stream.linear.gather [hbm4b:s22+s17], $0x80, $0x38;
	[tilespmem:$0x16980] =	vst v63  }
0x240: {  	s24 =	simm.s32 $0x16580;
	s26 =	sshrl.u32 s25, $0x3;
	s0 =	sadd.s32 $0x100, s0  }
0x241: {  	[tilespmem:s24], [sflag:$0x2] =	stream.linear.gather [hbm4b:s0+s17], $0x80, $0x38;
	[tilespmem:$0x16980] =	vst v63  }
0x242: {  	s1 =	smul.u32 $0xC00, s26;
	s0 =	sshll.u32 s25, $0x7  }
0x243: {  	s0 =	sand.u32 $0x380, s0  }
0x244: {  	s0 =	sor.u32 s0, s1  }
0x245: {  	s0 =	sshrl.u32 s0, $0x3  }
0x246: {  	s28 =	simm.s32 $0x15E00;
	s0 =	sadd.s32 s3, s0  }
0x247: {  	[tilespmem:s28], [sflag:$0x2] =	stream.linear.gather [hbm4b:s0+s17], $0x80, $0x38;
	[tilespmem:$0x16980] =	vst v63  }
0x248: {  	s30 =	simm.s32 $0x16200;
	s31 =	simm.s32 $0x16600;
	s29 =	sadd.s32 $0x80, s0  }
0x249: {  	[tilespmem:s30], [sflag:$0x2] =	stream.linear.gather [hbm4b:s29+s17], $0x80, $0x38;
	[tilespmem:$0x16980] =	vst v63  }
0x24a: {  	s12 =	simm.s32 $0xC8;
	s19 =	simm.s32 $0x12C;
	s0 =	sadd.s32 $0x100, s0  }
0x24b: {  	[tilespmem:s31], [sflag:$0x2] =	stream.linear.gather [hbm4b:s0+s17], $0x80, $0x38;
	[tilespmem:$0x16980] =	vst v63  }
.LBB2_6:
0x24c: {  	_ =	swait.ge [sflag:s13], $0x180  }
0x24d: {  	s0 =	simm.s32 $0x63;
	[sflag:s13] =	ssyncset.done $0x0  }
.LBB2_7:
0x24e: {  	p0 =	sne.s32 s0, $0x1;
	s0 =	sadd.s32 $0xFFFFFFFF, s0;
	[sflag:s13] =	ssyncadd.s32 $0xFFFFFE80  }
.Ltmp2:
0x24f: {  	(pc) =	sbr.rel @p0 .LBB2_7-.Ltmp2, $3  }
0x250: {  	_ =	sdelay $0x1  }
0x251: {  	_ =	swait.ge [sflag:s13], $0x180  }
0x252: {  	[sflag:s13] =	ssyncset.done $0x0  }
0x253: {  	s21 =	sshll.u32 s17, $0x2;
	s0 =	rddreg [dreg:$0x5]  }
0x254: {  	s0 =	sor.u32 s0, s21  }
0x255: {  	[sflag:s13] =	ssyncadd.s32 $0xFFFFFE80;
	s4 =	rddreg [dreg:$0x3];
	s1 =	smul.u32 $0xA80, s0  }
0x256: {  	s22 =	simm.s32 $0x0;
	s5 =	simm.s32 $0x1980;
	s0 =	smul.u32 $0x5400, s0  }
0x257: {  	s25 =	simm.s32 $0x6D80;
	s23 =	simm.s32 $0x3;
	s26 =	smul.u32 $0x320, s17  }
0x258: {  	s24 =	simm.s32 $0xF;
	s1 =	sadd.s32 s4, s1;
	s0 =	sshrl.u32 s0, $0x3  }
0x259: {  	[hbm4b:s1+s22] =	stream.linear.scatter [tilespmem:s5], [sflag:$0x3], $0x5400, $0x38;
	[tilespmem:$0x16980] =	vst v63  }
0x25a: {  	s28 =	simm.s32 $0xD;
	s29 =	simm.s32 $0xC;
	s0 =	sadd.s32 s4, s0  }
0x25b: {  	s30 =	simm.s32 $0xB;
	s31 =	simm.s32 $0xA;
	s0 =	sadd.s32 $0xA80, s0  }
0x25c: {  	[hbm4b:s0+s22] =	stream.linear.scatter [tilespmem:s25], [sflag:$0x3], $0x5400, $0x38;
	[tilespmem:$0x16980] =	vst v63  }
0x25d: {  	s8 =	simm.s32 $0x6;
	s9 =	simm.s32 $0x5;
	_ =	swait.ge [sflag:s23], $0x5400  }
0x25e: {  	s10 =	simm.s32 $0x4;
	s11 =	simm.s32 $0x2;
	[sflag:s23] =	ssyncset.done $0x0  }
0x25f: {  	s18 =	smov.u32 s12;
	s1 =	simm.s32 $0x8;
	[sflag:s23] =	ssyncadd.s32 $0xFFFFAC00  }
0x260: {  	s5 =	simm.s32 $0x7;
	s0 =	sshra.s32 s26, $0x2;
	_ =	swait.ge [sflag:s23], $0x5400  }
0x261: {  	s25 =	simm.s32 $0x780;
	s26 =	simm.s32 $0xE;
	[sflag:s23] =	ssyncset.done $0x0  }
0x262: {  	[dreg:$0xd] =	wrdreg s0;
	s0 =	simm.s32 $0x9;
	[sflag:s23] =	ssyncadd.s32 $0xFFFFAC00  }
.LBB2_9:
0x263: {  	v0 =	vld [tilespmem:s18+$0x0];
	_ =	sdelay $0x4  }
0x264: {  	(v2sf) =	vpush v0, $0x0;
	_ =	sdelay $0xc  }
0x265: {  	p0 =	sgt.u32 s22, $0x3;
	s14 =	simm.s32 $0xFFFFFFCE;
	(v2sf) =	vpush v0, $0x1  }
0x266: {  	s14 =	simm.s32 @!p0 $0x0  }
0x267: {  	s14 =	sadd.s32 s24, s14;
	s16 =	spop (v2sf)  }
0x268: {  	s6 =	sadd.s32 $0xFFFFFFF1, s14;
	s7 =	sshrl.u32 s16, $0x3  }
0x269: {  	s6 =	sshrl.u32 s6, $0x3;
	s16 =	sshll.u32 s16, $0x7;
	s7 =	smul.u32 $0xC00, s7  }
0x26a: {  	s6 =	smul.u32 $0x3000, s6;
	s16 =	sand.u32 $0x380, s16  }
0x26b: {  	s7 =	sor.u32 s16, s7;
	s16 =	simm.s32 $0x6D80  }
0x26c: {  	s4 =	simm.s32 $0x300;
	s6 =	sshra.s32 s6, $0x2;
	s16 =	simm.s32 @!p0 $0x1980  }
0x26d: {  	s4 =	simm.s32 @!p0 $0x0;
	s7 =	sshrl.u32 s7, $0x3;
	s6 =	sadd.s32 s6, s16  }
0x26e: {  	s7 =	sadd.s32 s3, s7;
	s4 =	sadd.s32 s4, s6  }
0x26f: {  	[tilespmem:s4], [sflag:$0x1] =	stream.linear.gather [hbm4b:s7+s2], $0x80, $0x38;
	[tilespmem:$0x16980] =	vst v63  }
0x270: {  	s6 =	sadd.s32 $0x80, s7;
	s20 =	sadd.s32 $0x400, s4  }
0x271: {  	[tilespmem:s20], [sflag:$0x1] =	stream.linear.gather [hbm4b:s6+s2], $0x80, $0x38;
	[tilespmem:$0x16980] =	vst v63  }
0x272: {  	s4 =	sadd.s32 $0x800, s4;
	s20 =	sadd.s32 $0x100, s7  }
0x273: {  	[tilespmem:s4], [sflag:$0x1] =	stream.linear.gather [hbm4b:s20+s2], $0x80, $0x38;
	[tilespmem:$0x16980] =	vst v63  }
0x274: {  	s4 =	spop (v2sf)  }
0x275: {  	s20 =	sadd.s32 $0xFFFFFFF2, s14;
	(v2sf) =	vpush v0, $0x2;
	s7 =	sshrl.u32 s4, $0x3  }
0x276: {  	s14 =	sshrl.u32 s20, $0x3;
	s6 =	smul.u32 $0xC00, s7  }
0x277: {  	s4 =	sshll.u32 s4, $0x7;
	s14 =	smul.u32 $0x3000, s14  }
0x278: {  	s4 =	sand.u32 $0x380, s4;
	s7 =	sshll.u32 s20, $0x7  }
0x279: {  	s4 =	sor.u32 s4, s6;
	s14 =	sshra.s32 s14, $0x2;
	s6 =	sand.u32 $0x380, s7  }
0x27a: {  	s4 =	sshrl.u32 s4, $0x3;
	s7 =	sadd.s32 s14, s16;
	s14 =	sadd.s32 $0xFFFFFFF3, s24  }
0x27b: {  	s4 =	sadd.s32 s3, s4;
	s6 =	sadd.s32 s6, s7;
	s7 =	smulhi.u32 $0x51EB851F, s11  }
0x27c: {  	[tilespmem:s6], [sflag:$0x1] =	stream.linear.gather [hbm4b:s4+s2], $0x80, $0x38;
	[tilespmem:$0x16980] =	vst v63  }
0x27d: {  	s16 =	sadd.s32 $0x80, s4;
	s20 =	sadd.s32 $0x400, s6;
	s7 =	sshrl.u32 s7, $0x4  }
0x27e: {  	[tilespmem:s20], [sflag:$0x1] =	stream.linear.gather [hbm4b:s16+s2], $0x80, $0x38;
	[tilespmem:$0x16980] =	vst v63  }
0x27f: {  	s4 =	sadd.s32 $0x100, s4;
	s6 =	sadd.s32 $0x800, s6;
	s20 =	smul.u32 $0x32, s7  }
0x280: {  	[tilespmem:s6], [sflag:$0x1] =	stream.linear.gather [hbm4b:s4+s2], $0x80, $0x38;
	[tilespmem:$0x16980] =	vst v63  }
0x281: {  	s6 =	smulhi.u32 $0x51EB851F, s14  }
0x282: {  	s4 =	ssub.s32 s24, s20  }
0x283: {  	s7 =	smul.u32 $0x1900, s7;
	s4 =	sadd.s32 $0xFFFFFFF3, s4;
	s6 =	sshrl.u32 s6, $0x4  }
0x284: {  	s4 =	sshrl.u32 s4, $0x3;
	s6 =	smul.u32 $0x15000, s6;
	s16 =	spop (v2sf)  }
0x285: {  	s7 =	ssub.s32 s25, s7;
	s4 =	smul.u32 $0x3000, s4;
	(v2sf) =	vpush v0, $0x3;
	s20 =	sshrl.u32 s16, $0x3  }
0x286: {  	s7 =	sadd.s32 $0xFFFFF980, s7;
	s14 =	sshll.u32 s16, $0x7;
	s16 =	smul.u32 $0xC00, s20  }
0x287: {  	s6 =	sshra.s32 s6, $0x2;
	s4 =	sshra.s32 s4, $0x2;
	s14 =	sand.u32 $0x380, s14  }
0x288: {  	s7 =	sand.u32 $0x300, s7;
	s4 =	sadd.s32 s4, s6;
	s14 =	sor.u32 s14, s16  }
0x289: {  	s4 =	sor.u32 s7, s4;
	s14 =	sshrl.u32 s14, $0x3  }
0x28a: {  	s7 =	sadd.s32 $0x1980, s4;
	s6 =	sadd.s32 s3, s14  }
0x28b: {  	[tilespmem:s7], [sflag:$0x1] =	stream.linear.gather [hbm4b:s6+s2], $0x80, $0x38;
	[tilespmem:$0x16980] =	vst v63  }
0x28c: {  	s20 =	sadd.s32 $0x1D80, s4;
	s7 =	smulhi.u32 $0x51EB851F, s23;
	s16 =	sadd.s32 $0x80, s6  }
0x28d: {  	[tilespmem:s20], [sflag:$0x1] =	stream.linear.gather [hbm4b:s16+s2], $0x80, $0x38;
	[tilespmem:$0x16980] =	vst v63  }
0x28e: {  	s4 =	sadd.s32 $0x2180, s4;
	s7 =	sshrl.u32 s7, $0x4  }
0x28f: {  	s14 =	sadd.s32 $0xFFFFFFF4, s24;
	s6 =	sadd.s32 $0x100, s6;
	s20 =	smul.u32 $0x32, s7  }
0x290: {  	[tilespmem:s4], [sflag:$0x1] =	stream.linear.gather [hbm4b:s6+s2], $0x80, $0x38;
	[tilespmem:$0x16980] =	vst v63  }
0x291: {  	s6 =	smulhi.u32 $0x51EB851F, s14  }
0x292: {  	s4 =	ssub.s32 s24, s20  }
0x293: {  	s7 =	smul.u32 $0x1900, s7;
	s6 =	sshrl.u32 s6, $0x4;
	s4 =	sadd.s32 $0xFFFFFFF4, s4  }
0x294: {  	s4 =	sshrl.u32 s4, $0x3;
	s6 =	smul.u32 $0x15000, s6;
	s16 =	spop (v2sf)  }
0x295: {  	s7 =	ssub.s32 s25, s7;
	s4 =	smul.u32 $0x3000, s4;
	(v2sf) =	vpush v0, $0x4;
	s20 =	sshrl.u32 s16, $0x3  }
0x296: {  	s7 =	sadd.s32 $0xFFFFFA00, s7;
	s14 =	sshll.u32 s16, $0x7;
	s16 =	smul.u32 $0xC00, s20  }
0x297: {  	s6 =	sshra.s32 s6, $0x2;
	s14 =	sand.u32 $0x380, s14;
	s4 =	sshra.s32 s4, $0x2  }
0x298: {  	s7 =	sand.u32 $0x380, s7;
	s4 =	sadd.s32 s4, s6;
	s14 =	sor.u32 s14, s16  }
0x299: {  	s4 =	sor.u32 s7, s4;
	s14 =	sshrl.u32 s14, $0x3  }
0x29a: {  	s7 =	sadd.s32 $0x1980, s4;
	s6 =	sadd.s32 s3, s14  }
0x29b: {  	[tilespmem:s7], [sflag:$0x1] =	stream.linear.gather [hbm4b:s6+s2], $0x80, $0x38;
	[tilespmem:$0x16980] =	vst v63  }
0x29c: {  	s20 =	sadd.s32 $0x1D80, s4;
	s7 =	smulhi.u32 $0x51EB851F, s10;
	s16 =	sadd.s32 $0x80, s6  }
0x29d: {  	[tilespmem:s20], [sflag:$0x1] =	stream.linear.gather [hbm4b:s16+s2], $0x80, $0x38;
	[tilespmem:$0x16980] =	vst v63  }
0x29e: {  	s4 =	sadd.s32 $0x2180, s4;
	s7 =	sshrl.u32 s7, $0x4  }
0x29f: {  	s14 =	sadd.s32 $0xFFFFFFF5, s24;
	s6 =	sadd.s32 $0x100, s6;
	s20 =	smul.u32 $0x32, s7  }
0x2a0: {  	[tilespmem:s4], [sflag:$0x1] =	stream.linear.gather [hbm4b:s6+s2], $0x80, $0x38;
	[tilespmem:$0x16980] =	vst v63  }
0x2a1: {  	s6 =	smulhi.u32 $0x51EB851F, s14  }
0x2a2: {  	s4 =	ssub.s32 s24, s20  }
0x2a3: {  	s7 =	smul.u32 $0x1900, s7;
	s6 =	sshrl.u32 s6, $0x4;
	s4 =	sadd.s32 $0xFFFFFFF5, s4  }
0x2a4: {  	s4 =	sshrl.u32 s4, $0x3;
	s6 =	smul.u32 $0x15000, s6;
	s16 =	spop (v2sf)  }
0x2a5: {  	s7 =	ssub.s32 s25, s7;
	s4 =	smul.u32 $0x3000, s4;
	(v2sf) =	vpush v0, $0x5;
	s20 =	sshrl.u32 s16, $0x3  }
0x2a6: {  	s7 =	sadd.s32 $0xFFFFFA80, s7;
	s14 =	sshll.u32 s16, $0x7;
	s16 =	smul.u32 $0xC00, s20  }
0x2a7: {  	s6 =	sshra.s32 s6, $0x2;
	s14 =	sand.u32 $0x380, s14;
	s4 =	sshra.s32 s4, $0x2  }
0x2a8: {  	s7 =	sand.u32 $0x300, s7;
	s4 =	sadd.s32 s4, s6;
	s14 =	sor.u32 s14, s16  }
0x2a9: {  	s4 =	sor.u32 s7, s4;
	s14 =	sshrl.u32 s14, $0x3  }
0x2aa: {  	s7 =	sadd.s32 $0x1980, s4;
	s6 =	sadd.s32 s3, s14  }
0x2ab: {  	[tilespmem:s7], [sflag:$0x1] =	stream.linear.gather [hbm4b:s6+s2], $0x80, $0x38;
	[tilespmem:$0x16980] =	vst v63  }
0x2ac: {  	s20 =	sadd.s32 $0x1D80, s4;
	s7 =	smulhi.u32 $0x51EB851F, s9;
	s16 =	sadd.s32 $0x80, s6  }
0x2ad: {  	[tilespmem:s20], [sflag:$0x1] =	stream.linear.gather [hbm4b:s16+s2], $0x80, $0x38;
	[tilespmem:$0x16980] =	vst v63  }
0x2ae: {  	s4 =	sadd.s32 $0x2180, s4;
	s7 =	sshrl.u32 s7, $0x4  }
0x2af: {  	s14 =	sadd.s32 $0xFFFFFFF6, s24;
	s6 =	sadd.s32 $0x100, s6;
	s20 =	smul.u32 $0x32, s7  }
0x2b0: {  	[tilespmem:s4], [sflag:$0x1] =	stream.linear.gather [hbm4b:s6+s2], $0x80, $0x38;
	[tilespmem:$0x16980] =	vst v63  }
0x2b1: {  	s6 =	smulhi.u32 $0x51EB851F, s14  }
0x2b2: {  	s4 =	ssub.s32 s24, s20  }
0x2b3: {  	s7 =	smul.u32 $0x1900, s7;
	s6 =	sshrl.u32 s6, $0x4;
	s4 =	sadd.s32 $0xFFFFFFF6, s4  }
0x2b4: {  	s4 =	sshrl.u32 s4, $0x3;
	s6 =	smul.u32 $0x15000, s6;
	s16 =	spop (v2sf)  }
0x2b5: {  	s7 =	ssub.s32 s25, s7;
	s4 =	smul.u32 $0x3000, s4;
	(v2sf) =	vpush v0, $0x6;
	s20 =	sshrl.u32 s16, $0x3  }
0x2b6: {  	s7 =	sadd.s32 $0xFFFFFB00, s7;
	s14 =	sshll.u32 s16, $0x7;
	s16 =	smul.u32 $0xC00, s20  }
0x2b7: {  	s6 =	sshra.s32 s6, $0x2;
	s14 =	sand.u32 $0x380, s14;
	s4 =	sshra.s32 s4, $0x2  }
0x2b8: {  	s7 =	sand.u32 $0x380, s7;
	s4 =	sadd.s32 s4, s6;
	s14 =	sor.u32 s14, s16  }
0x2b9: {  	s4 =	sor.u32 s7, s4;
	s14 =	sshrl.u32 s14, $0x3  }
0x2ba: {  	s7 =	sadd.s32 $0x1980, s4;
	s6 =	sadd.s32 s3, s14  }
0x2bb: {  	[tilespmem:s7], [sflag:$0x1] =	stream.linear.gather [hbm4b:s6+s2], $0x80, $0x38;
	[tilespmem:$0x16980] =	vst v63  }
0x2bc: {  	s20 =	sadd.s32 $0x1D80, s4;
	s7 =	smulhi.u32 $0x51EB851F, s8;
	s16 =	sadd.s32 $0x80, s6  }
0x2bd: {  	[tilespmem:s20], [sflag:$0x1] =	stream.linear.gather [hbm4b:s16+s2], $0x80, $0x38;
	[tilespmem:$0x16980] =	vst v63  }
0x2be: {  	s4 =	sadd.s32 $0x2180, s4;
	s7 =	sshrl.u32 s7, $0x4  }
0x2bf: {  	s14 =	sadd.s32 $0xFFFFFFF7, s24;
	s6 =	sadd.s32 $0x100, s6;
	s20 =	smul.u32 $0x32, s7  }
0x2c0: {  	[tilespmem:s4], [sflag:$0x1] =	stream.linear.gather [hbm4b:s6+s2], $0x80, $0x38;
	[tilespmem:$0x16980] =	vst v63  }
0x2c1: {  	s6 =	smulhi.u32 $0x51EB851F, s14  }
0x2c2: {  	s4 =	ssub.s32 s24, s20  }
0x2c3: {  	s7 =	smul.u32 $0x1900, s7;
	s6 =	sshrl.u32 s6, $0x4;
	s4 =	sadd.s32 $0xFFFFFFF7, s4  }
0x2c4: {  	s4 =	sshrl.u32 s4, $0x3;
	s6 =	smul.u32 $0x15000, s6;
	s16 =	spop (v2sf)  }
0x2c5: {  	(v2sf) =	vpush v0, $0x7;
	s7 =	ssub.s32 s25, s7;
	s4 =	smul.u32 $0x3000, s4;
	s20 =	sshrl.u32 s16, $0x3  }
0x2c6: {  	s7 =	sadd.s32 $0xFFFFFB80, s7;
	s14 =	sshll.u32 s16, $0x7;
	s16 =	smul.u32 $0xC00, s20  }
0x2c7: {  	s6 =	sshra.s32 s6, $0x2;
	s14 =	sand.u32 $0x380, s14;
	s4 =	sshra.s32 s4, $0x2  }
0x2c8: {  	s7 =	sand.u32 $0x300, s7;
	s4 =	sadd.s32 s4, s6;
	s14 =	sor.u32 s14, s16  }
0x2c9: {  	s4 =	sor.u32 s7, s4;
	s14 =	sshrl.u32 s14, $0x3  }
0x2ca: {  	s7 =	sadd.s32 $0x1980, s4;
	s6 =	sadd.s32 s3, s14  }
0x2cb: {  	[tilespmem:s7], [sflag:$0x1] =	stream.linear.gather [hbm4b:s6+s2], $0x80, $0x38;
	[tilespmem:$0x16980] =	vst v63  }
0x2cc: {  	s20 =	sadd.s32 $0x1D80, s4;
	s7 =	smulhi.u32 $0x51EB851F, s5;
	s16 =	sadd.s32 $0x80, s6  }
0x2cd: {  	[tilespmem:s20], [sflag:$0x1] =	stream.linear.gather [hbm4b:s16+s2], $0x80, $0x38;
	[tilespmem:$0x16980] =	vst v63  }
0x2ce: {  	s4 =	sadd.s32 $0x2180, s4;
	s7 =	sshrl.u32 s7, $0x4  }
0x2cf: {  	s14 =	sadd.s32 $0xFFFFFFF8, s24;
	s6 =	sadd.s32 $0x100, s6;
	s20 =	smul.u32 $0x32, s7  }
0x2d0: {  	[tilespmem:s4], [sflag:$0x1] =	stream.linear.gather [hbm4b:s6+s2], $0x80, $0x38;
	[tilespmem:$0x16980] =	vst v63  }
0x2d1: {  	s6 =	smulhi.u32 $0x51EB851F, s14  }
0x2d2: {  	(v2sf) =	vpush v0, $0x8;
	s4 =	ssub.s32 s24, s20  }
0x2d3: {  	s7 =	smul.u32 $0x1900, s7;
	s6 =	sshrl.u32 s6, $0x4;
	s4 =	sadd.s32 $0xFFFFFFF8, s4  }
0x2d4: {  	s16 =	spop (v2sf);
	s4 =	sshrl.u32 s4, $0x3;
	s6 =	smul.u32 $0x15000, s6  }
0x2d5: {  	s14 =	sshll.u32 s16, $0x7;
	s20 =	sshrl.u32 s16, $0x3;
	s4 =	smul.u32 $0x3000, s4  }
0x2d6: {  	s14 =	sand.u32 $0x380, s14;
	s7 =	ssub.s32 s25, s7;
	s16 =	smul.u32 $0xC00, s20  }
0x2d7: {  	s7 =	sadd.s32 $0xFFFFFC00, s7;
	s6 =	sshra.s32 s6, $0x2;
	s4 =	sshra.s32 s4, $0x2  }
0x2d8: {  	s7 =	sand.u32 $0x380, s7;
	s14 =	sor.u32 s14, s16;
	s4 =	sadd.s32 s4, s6  }
0x2d9: {  	s14 =	sshrl.u32 s14, $0x3;
	s4 =	sor.u32 s7, s4  }
0x2da: {  	s6 =	sadd.s32 s3, s14;
	s7 =	sadd.s32 $0x1980, s4  }
0x2db: {  	[tilespmem:s7], [sflag:$0x1] =	stream.linear.gather [hbm4b:s6+s2], $0x80, $0x38;
	[tilespmem:$0x16980] =	vst v63  }
0x2dc: {  	s16 =	sadd.s32 $0x80, s6;
	s20 =	sadd.s32 $0x1D80, s4;
	s7 =	smulhi.u32 $0x51EB851F, s1  }
0x2dd: {  	[tilespmem:s20], [sflag:$0x1] =	stream.linear.gather [hbm4b:s16+s2], $0x80, $0x38;
	[tilespmem:$0x16980] =	vst v63  }
0x2de: {  	s14 =	sadd.s32 $0xFFFFFFF9, s24;
	s7 =	sshrl.u32 s7, $0x4  }
0x2df: {  	s4 =	sadd.s32 $0x2180, s4;
	s6 =	sadd.s32 $0x100, s6;
	s20 =	smul.u32 $0x32, s7  }
0x2e0: {  	[tilespmem:s4], [sflag:$0x1] =	stream.linear.gather [hbm4b:s6+s2], $0x80, $0x38;
	[tilespmem:$0x16980] =	vst v63  }
0x2e1: {  	s7 =	spop (v2sf);
	s6 =	smulhi.u32 $0x51EB851F, s14  }
0x2e2: {  	s16 =	sshrl.u32 s7, $0x3;
	s4 =	ssub.s32 s24, s20  }
0x2e3: {  	s14 =	smul.u32 $0xC00, s16;
	s6 =	sshrl.u32 s6, $0x4;
	s4 =	sadd.s32 $0xFFFFFFF9, s4  }
0x2e4: {  	(v2sf) =	vpush v0, $0x9;
	s4 =	sshrl.u32 s4, $0x3;
	s20 =	smul.u32 $0x15000, s6  }
0x2e5: {  	s7 =	sshll.u32 s7, $0x7;
	s4 =	smul.u32 $0x3000, s4  }
0x2e6: {  	s7 =	sand.u32 $0x380, s7;
	s6 =	smul.u32 $0x300, s6  }
0x2e7: {  	s7 =	sor.u32 s7, s14;
	s16 =	sshra.s32 s20, $0x2;
	s4 =	sshra.s32 s4, $0x2  }
0x2e8: {  	s7 =	sshrl.u32 s7, $0x3;
	s6 =	sand.u32 $0x300, s6;
	s4 =	sadd.s32 s4, s16  }
0x2e9: {  	s4 =	sor.u32 s6, s4;
	s6 =	sadd.s32 s3, s7  }
0x2ea: {  	s7 =	smulhi.u32 $0x51EB851F, s0;
	s14 =	sadd.s32 $0x1980, s4;
	s16 =	sadd.s32 $0x80, s6  }
0x2eb: {  	[tilespmem:s14], [sflag:$0x1] =	stream.linear.gather [hbm4b:s6+s2], $0x80, $0x38;
	[tilespmem:$0x16980] =	vst v63  }
0x2ec: {  	s20 =	sadd.s32 $0x1D80, s4;
	s4 =	sadd.s32 $0x2180, s4;
	s7 =	sshrl.u32 s7, $0x4  }
0x2ed: {  	[tilespmem:s20], [sflag:$0x1] =	stream.linear.gather [hbm4b:s16+s2], $0x80, $0x38;
	[tilespmem:$0x16980] =	vst v63  }
0x2ee: {  	s6 =	sadd.s32 $0x100, s6;
	s14 =	sadd.s32 $0xFFFFFFFA, s24;
	s20 =	smul.u32 $0x32, s7  }
0x2ef: {  	[tilespmem:s4], [sflag:$0x1] =	stream.linear.gather [hbm4b:s6+s2], $0x80, $0x38;
	[tilespmem:$0x16980] =	vst v63  }
0x2f0: {  	s6 =	smulhi.u32 $0x51EB851F, s14  }
0x2f1: {  	s4 =	ssub.s32 s24, s20  }
0x2f2: {  	s7 =	smul.u32 $0x1900, s7;
	s4 =	sadd.s32 $0xFFFFFFFA, s4;
	s6 =	sshrl.u32 s6, $0x4  }
0x2f3: {  	s16 =	spop (v2sf);
	s4 =	sshrl.u32 s4, $0x3;
	s6 =	smul.u32 $0x15000, s6  }
0x2f4: {  	(v2sf) =	vpush v0, $0xA;
	s7 =	ssub.s32 s25, s7;
	s20 =	sshrl.u32 s16, $0x3;
	s4 =	smul.u32 $0x3000, s4  }
0x2f5: {  	s14 =	sshll.u32 s16, $0x7;
	s7 =	sadd.s32 $0xFFFFFD00, s7;
	s16 =	smul.u32 $0xC00, s20  }
0x2f6: {  	s14 =	sand.u32 $0x380, s14;
	s6 =	sshra.s32 s6, $0x2;
	s4 =	sshra.s32 s4, $0x2  }
0x2f7: {  	s7 =	sand.u32 $0x380, s7;
	s14 =	sor.u32 s14, s16;
	s4 =	sadd.s32 s4, s6  }
0x2f8: {  	s14 =	sshrl.u32 s14, $0x3;
	s4 =	sor.u32 s7, s4  }
0x2f9: {  	s6 =	sadd.s32 s3, s14;
	s7 =	sadd.s32 $0x1980, s4  }
0x2fa: {  	[tilespmem:s7], [sflag:$0x1] =	stream.linear.gather [hbm4b:s6+s2], $0x80, $0x38;
	[tilespmem:$0x16980] =	vst v63  }
0x2fb: {  	s16 =	sadd.s32 $0x80, s6;
	s20 =	sadd.s32 $0x1D80, s4;
	s7 =	smulhi.u32 $0x51EB851F, s31  }
0x2fc: {  	[tilespmem:s20], [sflag:$0x1] =	stream.linear.gather [hbm4b:s16+s2], $0x80, $0x38;
	[tilespmem:$0x16980] =	vst v63  }
0x2fd: {  	s14 =	sadd.s32 $0xFFFFFFFB, s24;
	s7 =	sshrl.u32 s7, $0x4  }
0x2fe: {  	s4 =	sadd.s32 $0x2180, s4;
	s6 =	sadd.s32 $0x100, s6;
	s20 =	smul.u32 $0x32, s7  }
0x2ff: {  	[tilespmem:s4], [sflag:$0x1] =	stream.linear.gather [hbm4b:s6+s2], $0x80, $0x38;
	[tilespmem:$0x16980] =	vst v63  }
0x300: {  	s6 =	smulhi.u32 $0x51EB851F, s14  }
0x301: {  	s4 =	ssub.s32 s24, s20  }
0x302: {  	s7 =	smul.u32 $0x1900, s7;
	s6 =	sshrl.u32 s6, $0x4;
	s4 =	sadd.s32 $0xFFFFFFFB, s4  }
0x303: {  	s16 =	spop (v2sf);
	s4 =	sshrl.u32 s4, $0x3;
	s6 =	smul.u32 $0x15000, s6  }
0x304: {  	s7 =	ssub.s32 s25, s7;
	(v2sf) =	vpush v0, $0xB;
	s20 =	sshrl.u32 s16, $0x3;
	s4 =	smul.u32 $0x3000, s4  }
0x305: {  	s7 =	sadd.s32 $0xFFFFFD80, s7;
	s14 =	sshll.u32 s16, $0x7;
	s16 =	smul.u32 $0xC00, s20  }
0x306: {  	s14 =	sand.u32 $0x380, s14;
	s6 =	sshra.s32 s6, $0x2;
	s4 =	sshra.s32 s4, $0x2  }
0x307: {  	s7 =	sand.u32 $0x300, s7;
	s14 =	sor.u32 s14, s16;
	s4 =	sadd.s32 s4, s6  }
0x308: {  	s14 =	sshrl.u32 s14, $0x3;
	s4 =	sor.u32 s7, s4  }
0x309: {  	s6 =	sadd.s32 s3, s14;
	s7 =	sadd.s32 $0x1980, s4  }
0x30a: {  	[tilespmem:s7], [sflag:$0x1] =	stream.linear.gather [hbm4b:s6+s2], $0x80, $0x38;
	[tilespmem:$0x16980] =	vst v63  }
0x30b: {  	s16 =	sadd.s32 $0x80, s6;
	s20 =	sadd.s32 $0x1D80, s4;
	s7 =	smulhi.u32 $0x51EB851F, s30  }
0x30c: {  	[tilespmem:s20], [sflag:$0x1] =	stream.linear.gather [hbm4b:s16+s2], $0x80, $0x38;
	[tilespmem:$0x16980] =	vst v63  }
0x30d: {  	s14 =	sadd.s32 $0xFFFFFFFC, s24;
	s7 =	sshrl.u32 s7, $0x4  }
0x30e: {  	s4 =	sadd.s32 $0x2180, s4;
	s6 =	sadd.s32 $0x100, s6;
	s20 =	smul.u32 $0x32, s7  }
0x30f: {  	[tilespmem:s4], [sflag:$0x1] =	stream.linear.gather [hbm4b:s6+s2], $0x80, $0x38;
	[tilespmem:$0x16980] =	vst v63  }
0x310: {  	s6 =	smulhi.u32 $0x51EB851F, s14  }
0x311: {  	s4 =	ssub.s32 s24, s20  }
0x312: {  	s7 =	smul.u32 $0x1900, s7;
	s6 =	sshrl.u32 s6, $0x4;
	s4 =	sadd.s32 $0xFFFFFFFC, s4  }
0x313: {  	s16 =	spop (v2sf);
	s4 =	sshrl.u32 s4, $0x3;
	s6 =	smul.u32 $0x15000, s6  }
0x314: {  	s7 =	ssub.s32 s25, s7;
	(v2sf) =	vpush v0, $0xC;
	s20 =	sshrl.u32 s16, $0x3;
	s4 =	smul.u32 $0x3000, s4  }
0x315: {  	s7 =	sadd.s32 $0xFFFFFE00, s7;
	s14 =	sshll.u32 s16, $0x7;
	s16 =	smul.u32 $0xC00, s20  }
0x316: {  	s14 =	sand.u32 $0x380, s14;
	s6 =	sshra.s32 s6, $0x2;
	s4 =	sshra.s32 s4, $0x2  }
0x317: {  	s7 =	sand.u32 $0x380, s7;
	s14 =	sor.u32 s14, s16;
	s4 =	sadd.s32 s4, s6  }
0x318: {  	s14 =	sshrl.u32 s14, $0x3;
	s4 =	sor.u32 s7, s4  }
0x319: {  	s6 =	sadd.s32 s3, s14;
	s7 =	sadd.s32 $0x1980, s4  }
0x31a: {  	[tilespmem:s7], [sflag:$0x1] =	stream.linear.gather [hbm4b:s6+s2], $0x80, $0x38;
	[tilespmem:$0x16980] =	vst v63  }
0x31b: {  	s20 =	sadd.s32 $0x1D80, s4;
	s7 =	smulhi.u32 $0x51EB851F, s29;
	s16 =	sadd.s32 $0x80, s6  }
0x31c: {  	[tilespmem:s20], [sflag:$0x1] =	stream.linear.gather [hbm4b:s16+s2], $0x80, $0x38;
	[tilespmem:$0x16980] =	vst v63  }
0x31d: {  	s4 =	sadd.s32 $0x2180, s4;
	s7 =	sshrl.u32 s7, $0x4  }
0x31e: {  	s14 =	sadd.s32 $0xFFFFFFFD, s24;
	s6 =	sadd.s32 $0x100, s6;
	s20 =	smul.u32 $0x32, s7  }
0x31f: {  	[tilespmem:s4], [sflag:$0x1] =	stream.linear.gather [hbm4b:s6+s2], $0x80, $0x38;
	[tilespmem:$0x16980] =	vst v63  }
0x320: {  	s6 =	smulhi.u32 $0x51EB851F, s14  }
0x321: {  	s4 =	ssub.s32 s24, s20  }
0x322: {  	s7 =	smul.u32 $0x1900, s7;
	s6 =	sshrl.u32 s6, $0x4;
	s4 =	sadd.s32 $0xFFFFFFFD, s4  }
0x323: {  	s4 =	sshrl.u32 s4, $0x3;
	s6 =	smul.u32 $0x15000, s6;
	s16 =	spop (v2sf)  }
0x324: {  	s7 =	ssub.s32 s25, s7;
	s4 =	smul.u32 $0x3000, s4;
	(v2sf) =	vpush v0, $0xD;
	s20 =	sshrl.u32 s16, $0x3  }
0x325: {  	s7 =	sadd.s32 $0xFFFFFE80, s7;
	s14 =	sshll.u32 s16, $0x7;
	s16 =	smul.u32 $0xC00, s20  }
0x326: {  	s6 =	sshra.s32 s6, $0x2;
	s14 =	sand.u32 $0x380, s14;
	s4 =	sshra.s32 s4, $0x2  }
0x327: {  	s7 =	sand.u32 $0x300, s7;
	s4 =	sadd.s32 s4, s6;
	s14 =	sor.u32 s14, s16  }
0x328: {  	s4 =	sor.u32 s7, s4;
	s14 =	sshrl.u32 s14, $0x3  }
0x329: {  	s7 =	sadd.s32 $0x1980, s4;
	s6 =	sadd.s32 s3, s14  }
0x32a: {  	[tilespmem:s7], [sflag:$0x1] =	stream.linear.gather [hbm4b:s6+s2], $0x80, $0x38;
	[tilespmem:$0x16980] =	vst v63  }
0x32b: {  	s20 =	sadd.s32 $0x1D80, s4;
	s7 =	smulhi.u32 $0x51EB851F, s28;
	s16 =	sadd.s32 $0x80, s6  }
0x32c: {  	[tilespmem:s20], [sflag:$0x1] =	stream.linear.gather [hbm4b:s16+s2], $0x80, $0x38;
	[tilespmem:$0x16980] =	vst v63  }
0x32d: {  	s4 =	sadd.s32 $0x2180, s4;
	s7 =	sshrl.u32 s7, $0x4  }
0x32e: {  	s14 =	sadd.s32 $0xFFFFFFFE, s24;
	s6 =	sadd.s32 $0x100, s6;
	s20 =	smul.u32 $0x32, s7  }
0x32f: {  	[tilespmem:s4], [sflag:$0x1] =	stream.linear.gather [hbm4b:s6+s2], $0x80, $0x38;
	[tilespmem:$0x16980] =	vst v63  }
0x330: {  	s6 =	smulhi.u32 $0x51EB851F, s14  }
0x331: {  	s22 =	sadd.s32 $0x1, s22;
	s18 =	sadd.s32 $0x10, s18;
	s4 =	ssub.s32 s24, s20  }
0x332: {  	s7 =	smul.u32 $0x1900, s7;
	s6 =	sshrl.u32 s6, $0x4;
	s4 =	sadd.s32 $0xFFFFFFFE, s4  }
0x333: {  	s4 =	sshrl.u32 s4, $0x3;
	s6 =	smul.u32 $0x15000, s6;
	s16 =	spop (v2sf)  }
0x334: {  	(v2sf) =	vpush v0, $0xE;
	s7 =	ssub.s32 s25, s7;
	s4 =	smul.u32 $0x3000, s4;
	s20 =	sshrl.u32 s16, $0x3  }
0x335: {  	s7 =	sadd.s32 $0xFFFFFF00, s7;
	s14 =	sshll.u32 s16, $0x7;
	s16 =	smul.u32 $0xC00, s20  }
0x336: {  	s6 =	sshra.s32 s6, $0x2;
	s14 =	sand.u32 $0x380, s14;
	s4 =	sshra.s32 s4, $0x2  }
0x337: {  	s7 =	sand.u32 $0x380, s7;
	s4 =	sadd.s32 s4, s6;
	s14 =	sor.u32 s14, s16  }
0x338: {  	p0 =	sne.s32 s24, $0x5F;
	s4 =	sor.u32 s7, s4;
	s14 =	sshrl.u32 s14, $0x3  }
0x339: {  	s11 =	sadd.s32 $0x10, s11;
	s7 =	sadd.s32 $0x1980, s4;
	s6 =	sadd.s32 s3, s14  }
0x33a: {  	[tilespmem:s7], [sflag:$0x1] =	stream.linear.gather [hbm4b:s6+s2], $0x80, $0x38;
	[tilespmem:$0x16980] =	vst v63  }
0x33b: {  	s20 =	sadd.s32 $0x1D80, s4;
	s7 =	smulhi.u32 $0x51EB851F, s26;
	s16 =	sadd.s32 $0x80, s6  }
0x33c: {  	[tilespmem:s20], [sflag:$0x1] =	stream.linear.gather [hbm4b:s16+s2], $0x80, $0x38;
	[tilespmem:$0x16980] =	vst v63  }
0x33d: {  	s23 =	sadd.s32 $0x10, s23;
	s4 =	sadd.s32 $0x2180, s4;
	s7 =	sshrl.u32 s7, $0x4  }
0x33e: {  	s14 =	sadd.s32 $0xFFFFFFFF, s24;
	s6 =	sadd.s32 $0x100, s6;
	s20 =	smul.u32 $0x32, s7  }
0x33f: {  	[tilespmem:s4], [sflag:$0x1] =	stream.linear.gather [hbm4b:s6+s2], $0x80, $0x38;
	[tilespmem:$0x16980] =	vst v63  }
0x340: {  	s10 =	sadd.s32 $0x10, s10;
	s9 =	sadd.s32 $0x10, s9;
	s6 =	smulhi.u32 $0x51EB851F, s14  }
0x341: {  	s8 =	sadd.s32 $0x10, s8;
	s5 =	sadd.s32 $0x10, s5;
	(v2sf) =	vpush v0, $0xF;
	s4 =	sxor.u32 $0xFFFFFFFF, s20  }
0x342: {  	s7 =	smul.u32 $0x1900, s7;
	s6 =	sshrl.u32 s6, $0x4;
	s4 =	sadd.s32 s24, s4  }
0x343: {  	s16 =	spop (v2sf);
	s4 =	sshrl.u32 s4, $0x3;
	s6 =	smul.u32 $0x15000, s6  }
0x344: {  	s14 =	sshll.u32 s16, $0x7;
	s20 =	sshrl.u32 s16, $0x3;
	s4 =	smul.u32 $0x3000, s4  }
0x345: {  	s14 =	sand.u32 $0x380, s14;
	s7 =	ssub.s32 s25, s7;
	s16 =	smul.u32 $0xC00, s20  }
0x346: {  	s7 =	sadd.s32 $0xFFFFFF80, s7;
	s6 =	sshra.s32 s6, $0x2;
	s4 =	sshra.s32 s4, $0x2  }
0x347: {  	s7 =	sand.u32 $0x300, s7;
	s14 =	sor.u32 s14, s16;
	s4 =	sadd.s32 s4, s6  }
0x348: {  	s1 =	sadd.s32 $0x10, s1;
	s14 =	sshrl.u32 s14, $0x3;
	s4 =	sor.u32 s7, s4  }
0x349: {  	s16 =	smulhi.u32 $0x51EB851F, s24;
	s6 =	sadd.s32 s3, s14;
	s20 =	sadd.s32 $0x1980, s4  }
0x34a: {  	[tilespmem:s20], [sflag:$0x1] =	stream.linear.gather [hbm4b:s6+s2], $0x80, $0x38;
	[tilespmem:$0x16980] =	vst v63  }
0x34b: {  	s7 =	sshrl.u32 s16, $0x4;
	s16 =	sadd.s32 $0x80, s6;
	s20 =	sadd.s32 $0x1D80, s4  }
0x34c: {  	[tilespmem:s20], [sflag:$0x1] =	stream.linear.gather [hbm4b:s16+s2], $0x80, $0x38;
	[tilespmem:$0x16980] =	vst v63  }
0x34d: {  	s6 =	sadd.s32 $0x100, s6;
	s4 =	sadd.s32 $0x2180, s4;
	s20 =	smul.u32 $0x32, s7  }
0x34e: {  	[tilespmem:s4], [sflag:$0x1] =	stream.linear.gather [hbm4b:s6+s2], $0x80, $0x38;
	[tilespmem:$0x16980] =	vst v63  }
0x34f: {  	s0 =	sadd.s32 $0x10, s0;
	s4 =	smul.u32 $0x1900, s7;
	s14 =	ssub.s32 s24, s20  }
0x350: {  	s16 =	spop (v2sf);
	s7 =	smul.u32 $0x15000, s7;
	s6 =	sshrl.u32 s14, $0x3  }
0x351: {  	s20 =	sshrl.u32 s16, $0x3;
	s14 =	sshll.u32 s16, $0x7;
	s6 =	smul.u32 $0x3000, s6  }
0x352: {  	s31 =	sadd.s32 $0x10, s31;
	s16 =	smul.u32 $0xC00, s20;
	s14 =	sand.u32 $0x380, s14  }
0x353: {  	s4 =	ssub.s32 s25, s4;
	s7 =	sshra.s32 s7, $0x2;
	s6 =	sshra.s32 s6, $0x2  }
0x354: {  	s14 =	sor.u32 s14, s16;
	s4 =	sand.u32 $0x380, s4;
	s6 =	sadd.s32 s6, s7  }
0x355: {  	s30 =	sadd.s32 $0x10, s30;
	s20 =	sshrl.u32 s14, $0x3;
	s4 =	sor.u32 s4, s6  }
0x356: {  	s29 =	sadd.s32 $0x10, s29;
	s6 =	sadd.s32 s3, s20;
	s14 =	sadd.s32 $0x1980, s4  }
0x357: {  	[tilespmem:s14], [sflag:$0x1] =	stream.linear.gather [hbm4b:s6+s2], $0x80, $0x38;
	[tilespmem:$0x16980] =	vst v63  }
.Ltmp3:
0x358: {  	s28 =	sadd.s32 $0x10, s28;
	s26 =	sadd.s32 $0x10, s26;
	(pc) =	sbr.rel @p0 .LBB2_9-.Ltmp3, $4  }
0x359: {  	s24 =	sadd.s32 $0x10, s24;
	s16 =	sadd.s32 $0x80, s6;
	s20 =	sadd.s32 $0x1D80, s4  }
0x35a: {  	[tilespmem:s20], [sflag:$0x1] =	stream.linear.gather [hbm4b:s16+s2], $0x80, $0x38;
	[tilespmem:$0x16980] =	vst v63  }
0x35b: {  	s25 =	sadd.s32 $0x800, s25;
	s4 =	sadd.s32 $0x2180, s4;
	s6 =	sadd.s32 $0x100, s6  }
0x35c: {  	[tilespmem:s4], [sflag:$0x1] =	stream.linear.gather [hbm4b:s6+s2], $0x80, $0x38;
	[tilespmem:$0x16980] =	vst v63  }
0x35d: {  	s31 =	rddreg [dreg:$0xd]  }
0x35e: {  	v0 =	vld [tilespmem:s31+$0x128];
	_ =	sdelay $0x4  }
0x35f: {  	(v2sf) =	vpush v0, $0x0;
	_ =	sdelay $0x7  }
0x360: {  	(v2sf) =	vpush v0, $0x1;
	_ =	sdelay $0x6  }
0x361: {  	s0 =	spop (v2sf)  }
0x362: {  	s1 =	sshrl.u32 s0, $0x3  }
0x363: {  	s0 =	sshll.u32 s0, $0x7;
	s1 =	smul.u32 $0xC00, s1  }
0x364: {  	(v2sf) =	vpush v0, $0x2;
	s0 =	sand.u32 $0x380, s0  }
0x365: {  	s0 =	sor.u32 s0, s1  }
0x366: {  	s0 =	sshrl.u32 s0, $0x3  }
0x367: {  	s29 =	simm.s32 $0xAC80;
	s0 =	sadd.s32 s3, s0  }
0x368: {  	[tilespmem:s29], [sflag:$0x1] =	stream.linear.gather [hbm4b:s0+s2], $0x80, $0x38;
	[tilespmem:$0x16980] =	vst v63  }
0x369: {  	s4 =	simm.s32 $0xB080;
	s6 =	spop (v2sf);
	s30 =	sadd.s32 $0x80, s0  }
0x36a: {  	[tilespmem:s4], [sflag:$0x1] =	stream.linear.gather [hbm4b:s30+s2], $0x80, $0x38;
	[tilespmem:$0x16980] =	vst v63  }
0x36b: {  	s5 =	simm.s32 $0xB480;
	s7 =	sshrl.u32 s6, $0x3;
	s0 =	sadd.s32 $0x100, s0  }
0x36c: {  	[tilespmem:s5], [sflag:$0x1] =	stream.linear.gather [hbm4b:s0+s2], $0x80, $0x38;
	[tilespmem:$0x16980] =	vst v63  }
0x36d: {  	s1 =	smul.u32 $0xC00, s7;
	s0 =	sshll.u32 s6, $0x7  }
0x36e: {  	(v2sf) =	vpush v0, $0x3;
	s0 =	sand.u32 $0x380, s0  }
0x36f: {  	s0 =	sor.u32 s0, s1  }
0x370: {  	s0 =	sshrl.u32 s0, $0x3  }
0x371: {  	s8 =	simm.s32 $0xAD00;
	s0 =	sadd.s32 s3, s0  }
0x372: {  	[tilespmem:s8], [sflag:$0x1] =	stream.linear.gather [hbm4b:s0+s2], $0x80, $0x38;
	[tilespmem:$0x16980] =	vst v63  }
0x373: {  	s10 =	simm.s32 $0xB100;
	s11 =	spop (v2sf);
	s9 =	sadd.s32 $0x80, s0  }
0x374: {  	[tilespmem:s10], [sflag:$0x1] =	stream.linear.gather [hbm4b:s9+s2], $0x80, $0x38;
	[tilespmem:$0x16980] =	vst v63  }
0x375: {  	s14 =	simm.s32 $0xB500;
	s0 =	sadd.s32 $0x100, s0;
	s16 =	sshrl.u32 s11, $0x3  }
0x376: {  	[tilespmem:s14], [sflag:$0x1] =	stream.linear.gather [hbm4b:s0+s2], $0x80, $0x38;
	[tilespmem:$0x16980] =	vst v63  }
0x377: {  	s1 =	sshll.u32 s11, $0x7;
	s0 =	smul.u32 $0xC00, s16  }
0x378: {  	s1 =	sand.u32 $0x380, s1  }
0x379: {  	s0 =	sor.u32 s1, s0  }
0x37a: {  	s0 =	sshrl.u32 s0, $0x3  }
0x37b: {  	s18 =	simm.s32 $0xB580;
	s0 =	sadd.s32 s3, s0  }
0x37c: {  	[tilespmem:s18], [sflag:$0x1] =	stream.linear.gather [hbm4b:s0+s2], $0x80, $0x38;
	[tilespmem:$0x16980] =	vst v63  }
0x37d: {  	s22 =	simm.s32 $0xB980;
	s24 =	spop (v2sf);
	s20 =	sadd.s32 $0x80, s0  }
0x37e: {  	[tilespmem:s22], [sflag:$0x1] =	stream.linear.gather [hbm4b:s20+s2], $0x80, $0x38;
	[tilespmem:$0x16980] =	vst v63  }
0x37f: {  	s23 =	simm.s32 $0xBD80;
	s25 =	sshrl.u32 s24, $0x3;
	s0 =	sadd.s32 $0x100, s0  }
0x380: {  	[tilespmem:s23], [sflag:$0x1] =	stream.linear.gather [hbm4b:s0+s2], $0x80, $0x38;
	[tilespmem:$0x16980] =	vst v63  }
0x381: {  	s1 =	smul.u32 $0xC00, s25;
	s0 =	sshll.u32 s24, $0x7  }
0x382: {  	s0 =	sand.u32 $0x380, s0  }
0x383: {  	s0 =	sor.u32 s0, s1  }
0x384: {  	s0 =	sshrl.u32 s0, $0x3  }
0x385: {  	s26 =	simm.s32 $0xB600;
	s0 =	sadd.s32 s3, s0  }
0x386: {  	[tilespmem:s26], [sflag:$0x1] =	stream.linear.gather [hbm4b:s0+s2], $0x80, $0x38;
	[tilespmem:$0x16980] =	vst v63  }
0x387: {  	s29 =	simm.s32 $0xBA00;
	s28 =	sadd.s32 $0x80, s0  }
0x388: {  	[tilespmem:s29], [sflag:$0x1] =	stream.linear.gather [hbm4b:s28+s2], $0x80, $0x38;
	[tilespmem:$0x16980] =	vst v63  }
0x389: {  	s30 =	simm.s32 $0xBE00;
	s0 =	sadd.s32 $0x100, s0  }
0x38a: {  	[tilespmem:s30], [sflag:$0x1] =	stream.linear.gather [hbm4b:s0+s2], $0x80, $0x38;
	[tilespmem:$0x16980] =	vst v63  }
0x38b: {  	_ =	swait.ge [sflag:s15], $0x180  }
0x38c: {  	s0 =	simm.s32 $0x63;
	[sflag:s15] =	ssyncset.done $0x0  }
.LBB2_11:
0x38d: {  	p0 =	sne.s32 s0, $0x1;
	s0 =	sadd.s32 $0xFFFFFFFF, s0;
	[sflag:s15] =	ssyncadd.s32 $0xFFFFFE80  }
.Ltmp4:
0x38e: {  	(pc) =	sbr.rel @p0 .LBB2_11-.Ltmp4, $3  }
0x38f: {  	_ =	sdelay $0x1  }
0x390: {  	_ =	swait.ge [sflag:s15], $0x180  }
0x391: {  	[sflag:s15] =	ssyncset.done $0x0  }
0x392: {  	s0 =	rddreg [dreg:$0x6]  }
0x393: {  	s0 =	sor.u32 s0, s21  }
0x394: {  	s1 =	smul.u32 $0xA80, s0  }
0x395: {  	[sflag:s15] =	ssyncadd.s32 $0xFFFFFE80;
	s0 =	smul.u32 $0x5400, s0  }
0x396: {  	s4 =	rddreg [dreg:$0x3];
	s5 =	simm.s32 $0xC180;
	s26 =	simm.s32 $0x11580  }
0x397: {  	s21 =	simm.s32 $0x0;
	s1 =	sadd.s32 s4, s1;
	s0 =	sshrl.u32 s0, $0x3  }
0x398: {  	[hbm4b:s1+s21] =	stream.linear.scatter [tilespmem:s5], [sflag:$0x4], $0x5400, $0x38;
	[tilespmem:$0x16980] =	vst v63  }
0x399: {  	s22 =	simm.s32 $0x4;
	s23 =	simm.s32 $0xF;
	s0 =	sadd.s32 s4, s0  }
0x39a: {  	s24 =	simm.s32 $0x780;
	s25 =	simm.s32 $0xE;
	s0 =	sadd.s32 $0xA80, s0  }
0x39b: {  	[hbm4b:s0+s21] =	stream.linear.scatter [tilespmem:s26], [sflag:$0x4], $0x5400, $0x38;
	[tilespmem:$0x16980] =	vst v63  }
0x39c: {  	s28 =	simm.s32 $0xC;
	s29 =	simm.s32 $0xB;
	_ =	swait.ge [sflag:s22], $0x5400  }
0x39d: {  	s30 =	simm.s32 $0xA;
	s8 =	simm.s32 $0x6;
	[sflag:s22] =	ssyncset.done $0x0  }
0x39e: {  	s9 =	simm.s32 $0x5;
	s10 =	simm.s32 $0x3;
	[sflag:s22] =	ssyncadd.s32 $0xFFFFAC00  }
0x39f: {  	s11 =	simm.s32 $0x2;
	s18 =	smov.u32 s19;
	_ =	swait.ge [sflag:s22], $0x5400  }
0x3a0: {  	s1 =	simm.s32 $0x8;
	s5 =	simm.s32 $0x7;
	[sflag:s22] =	ssyncset.done $0x0  }
0x3a1: {  	s26 =	simm.s32 $0xD;
	s0 =	simm.s32 $0x9;
	[sflag:s22] =	ssyncadd.s32 $0xFFFFAC00  }
.LBB2_13:
0x3a2: {  	v0 =	vld [tilespmem:s18+$0x0];
	_ =	sdelay $0x4  }
0x3a3: {  	(v2sf) =	vpush v0, $0x0;
	_ =	sdelay $0xc  }
0x3a4: {  	p0 =	sgt.u32 s21, $0x3;
	s4 =	simm.s32 $0xFFFFFFCE;
	(v2sf) =	vpush v0, $0x1  }
0x3a5: {  	s4 =	simm.s32 @!p0 $0x0  }
0x3a6: {  	s4 =	sadd.s32 s23, s4;
	s6 =	spop (v2sf)  }
0x3a7: {  	s14 =	sadd.s32 $0xFFFFFFF1, s4;
	s7 =	sshrl.u32 s6, $0x3  }
0x3a8: {  	s14 =	sshrl.u32 s14, $0x3;
	s6 =	sshll.u32 s6, $0x7;
	s7 =	smul.u32 $0xC00, s7  }
0x3a9: {  	s14 =	smul.u32 $0x3000, s14;
	s6 =	sand.u32 $0x380, s6  }
0x3aa: {  	s6 =	sor.u32 s6, s7;
	s7 =	simm.s32 $0x11580  }
0x3ab: {  	s16 =	simm.s32 $0x300;
	s14 =	sshra.s32 s14, $0x2;
	s7 =	simm.s32 @!p0 $0xC180  }
0x3ac: {  	s16 =	simm.s32 @!p0 $0x0;
	s6 =	sshrl.u32 s6, $0x3;
	s14 =	sadd.s32 s14, s7  }
0x3ad: {  	s6 =	sadd.s32 s3, s6;
	s14 =	sadd.s32 s16, s14  }
0x3ae: {  	[tilespmem:s14], [sflag:$0x2] =	stream.linear.gather [hbm4b:s6+s2], $0x80, $0x38;
	[tilespmem:$0x16980] =	vst v63  }
0x3af: {  	s16 =	sadd.s32 $0x80, s6;
	s20 =	sadd.s32 $0x400, s14  }
0x3b0: {  	[tilespmem:s20], [sflag:$0x2] =	stream.linear.gather [hbm4b:s16+s2], $0x80, $0x38;
	[tilespmem:$0x16980] =	vst v63  }
0x3b1: {  	s6 =	sadd.s32 $0x100, s6;
	s14 =	sadd.s32 $0x800, s14  }
0x3b2: {  	[tilespmem:s14], [sflag:$0x2] =	stream.linear.gather [hbm4b:s6+s2], $0x80, $0x38;
	[tilespmem:$0x16980] =	vst v63  }
0x3b3: {  	s6 =	spop (v2sf)  }
0x3b4: {  	s4 =	sadd.s32 $0xFFFFFFF2, s4;
	(v2sf) =	vpush v0, $0x2;
	s16 =	sshrl.u32 s6, $0x3  }
0x3b5: {  	s20 =	sshrl.u32 s4, $0x3;
	s14 =	smul.u32 $0xC00, s16  }
0x3b6: {  	s6 =	sshll.u32 s6, $0x7;
	s16 =	smul.u32 $0x3000, s20  }
0x3b7: {  	s4 =	sshll.u32 s4, $0x7;
	s6 =	sand.u32 $0x380, s6  }
0x3b8: {  	s4 =	sand.u32 $0x380, s4;
	s6 =	sor.u32 s6, s14;
	s20 =	sshra.s32 s16, $0x2  }
0x3b9: {  	s14 =	sadd.s32 $0xFFFFFFF3, s23;
	s6 =	sshrl.u32 s6, $0x3;
	s7 =	sadd.s32 s20, s7  }
0x3ba: {  	s6 =	sadd.s32 s3, s6;
	s4 =	sadd.s32 s4, s7;
	s7 =	smulhi.u32 $0x51EB851F, s11  }
0x3bb: {  	[tilespmem:s4], [sflag:$0x2] =	stream.linear.gather [hbm4b:s6+s2], $0x80, $0x38;
	[tilespmem:$0x16980] =	vst v63  }
0x3bc: {  	s16 =	sadd.s32 $0x80, s6;
	s20 =	sadd.s32 $0x400, s4;
	s7 =	sshrl.u32 s7, $0x4  }
0x3bd: {  	[tilespmem:s20], [sflag:$0x2] =	stream.linear.gather [hbm4b:s16+s2], $0x80, $0x38;
	[tilespmem:$0x16980] =	vst v63  }
0x3be: {  	s6 =	sadd.s32 $0x100, s6;
	s4 =	sadd.s32 $0x800, s4;
	s20 =	smul.u32 $0x32, s7  }
0x3bf: {  	[tilespmem:s4], [sflag:$0x2] =	stream.linear.gather [hbm4b:s6+s2], $0x80, $0x38;
	[tilespmem:$0x16980] =	vst v63  }
0x3c0: {  	s6 =	smulhi.u32 $0x51EB851F, s14  }
0x3c1: {  	s4 =	ssub.s32 s23, s20  }
0x3c2: {  	s7 =	smul.u32 $0x1900, s7;
	s4 =	sadd.s32 $0xFFFFFFF3, s4;
	s6 =	sshrl.u32 s6, $0x4  }
0x3c3: {  	s4 =	sshrl.u32 s4, $0x3;
	s6 =	smul.u32 $0x15000, s6;
	s16 =	spop (v2sf)  }
0x3c4: {  	s7 =	ssub.s32 s24, s7;
	s4 =	smul.u32 $0x3000, s4;
	(v2sf) =	vpush v0, $0x3;
	s20 =	sshrl.u32 s16, $0x3  }
0x3c5: {  	s7 =	sadd.s32 $0xFFFFF980, s7;
	s14 =	sshll.u32 s16, $0x7;
	s16 =	smul.u32 $0xC00, s20  }
0x3c6: {  	s6 =	sshra.s32 s6, $0x2;
	s4 =	sshra.s32 s4, $0x2;
	s14 =	sand.u32 $0x380, s14  }
0x3c7: {  	s7 =	sand.u32 $0x300, s7;
	s4 =	sadd.s32 s4, s6;
	s14 =	sor.u32 s14, s16  }
0x3c8: {  	s4 =	sor.u32 s7, s4;
	s14 =	sshrl.u32 s14, $0x3  }
0x3c9: {  	s7 =	sadd.s32 $0xC180, s4;
	s6 =	sadd.s32 s3, s14  }
0x3ca: {  	[tilespmem:s7], [sflag:$0x2] =	stream.linear.gather [hbm4b:s6+s2], $0x80, $0x38;
	[tilespmem:$0x16980] =	vst v63  }
0x3cb: {  	s20 =	sadd.s32 $0xC580, s4;
	s7 =	smulhi.u32 $0x51EB851F, s10;
	s16 =	sadd.s32 $0x80, s6  }
0x3cc: {  	[tilespmem:s20], [sflag:$0x2] =	stream.linear.gather [hbm4b:s16+s2], $0x80, $0x38;
	[tilespmem:$0x16980] =	vst v63  }
0x3cd: {  	s4 =	sadd.s32 $0xC980, s4;
	s7 =	sshrl.u32 s7, $0x4  }
0x3ce: {  	s14 =	sadd.s32 $0xFFFFFFF4, s23;
	s6 =	sadd.s32 $0x100, s6;
	s20 =	smul.u32 $0x32, s7  }
0x3cf: {  	[tilespmem:s4], [sflag:$0x2] =	stream.linear.gather [hbm4b:s6+s2], $0x80, $0x38;
	[tilespmem:$0x16980] =	vst v63  }
0x3d0: {  	s6 =	smulhi.u32 $0x51EB851F, s14  }
0x3d1: {  	s4 =	ssub.s32 s23, s20  }
0x3d2: {  	s7 =	smul.u32 $0x1900, s7;
	s6 =	sshrl.u32 s6, $0x4;
	s4 =	sadd.s32 $0xFFFFFFF4, s4  }
0x3d3: {  	s4 =	sshrl.u32 s4, $0x3;
	s6 =	smul.u32 $0x15000, s6;
	s16 =	spop (v2sf)  }
0x3d4: {  	s7 =	ssub.s32 s24, s7;
	s4 =	smul.u32 $0x3000, s4;
	(v2sf) =	vpush v0, $0x4;
	s20 =	sshrl.u32 s16, $0x3  }
0x3d5: {  	s7 =	sadd.s32 $0xFFFFFA00, s7;
	s14 =	sshll.u32 s16, $0x7;
	s16 =	smul.u32 $0xC00, s20  }
0x3d6: {  	s6 =	sshra.s32 s6, $0x2;
	s14 =	sand.u32 $0x380, s14;
	s4 =	sshra.s32 s4, $0x2  }
0x3d7: {  	s7 =	sand.u32 $0x380, s7;
	s4 =	sadd.s32 s4, s6;
	s14 =	sor.u32 s14, s16  }
0x3d8: {  	s4 =	sor.u32 s7, s4;
	s14 =	sshrl.u32 s14, $0x3  }
0x3d9: {  	s7 =	sadd.s32 $0xC180, s4;
	s6 =	sadd.s32 s3, s14  }
0x3da: {  	[tilespmem:s7], [sflag:$0x2] =	stream.linear.gather [hbm4b:s6+s2], $0x80, $0x38;
	[tilespmem:$0x16980] =	vst v63  }
0x3db: {  	s20 =	sadd.s32 $0xC580, s4;
	s7 =	smulhi.u32 $0x51EB851F, s22;
	s16 =	sadd.s32 $0x80, s6  }
0x3dc: {  	[tilespmem:s20], [sflag:$0x2] =	stream.linear.gather [hbm4b:s16+s2], $0x80, $0x38;
	[tilespmem:$0x16980] =	vst v63  }
0x3dd: {  	s4 =	sadd.s32 $0xC980, s4;
	s7 =	sshrl.u32 s7, $0x4  }
0x3de: {  	s14 =	sadd.s32 $0xFFFFFFF5, s23;
	s6 =	sadd.s32 $0x100, s6;
	s20 =	smul.u32 $0x32, s7  }
0x3df: {  	[tilespmem:s4], [sflag:$0x2] =	stream.linear.gather [hbm4b:s6+s2], $0x80, $0x38;
	[tilespmem:$0x16980] =	vst v63  }
0x3e0: {  	s6 =	smulhi.u32 $0x51EB851F, s14  }
0x3e1: {  	s4 =	ssub.s32 s23, s20  }
0x3e2: {  	s7 =	smul.u32 $0x1900, s7;
	s6 =	sshrl.u32 s6, $0x4;
	s4 =	sadd.s32 $0xFFFFFFF5, s4  }
0x3e3: {  	s4 =	sshrl.u32 s4, $0x3;
	s6 =	smul.u32 $0x15000, s6;
	s16 =	spop (v2sf)  }
0x3e4: {  	s7 =	ssub.s32 s24, s7;
	s4 =	smul.u32 $0x3000, s4;
	(v2sf) =	vpush v0, $0x5;
	s20 =	sshrl.u32 s16, $0x3  }
0x3e5: {  	s7 =	sadd.s32 $0xFFFFFA80, s7;
	s14 =	sshll.u32 s16, $0x7;
	s16 =	smul.u32 $0xC00, s20  }
0x3e6: {  	s6 =	sshra.s32 s6, $0x2;
	s14 =	sand.u32 $0x380, s14;
	s4 =	sshra.s32 s4, $0x2  }
0x3e7: {  	s7 =	sand.u32 $0x300, s7;
	s4 =	sadd.s32 s4, s6;
	s14 =	sor.u32 s14, s16  }
0x3e8: {  	s4 =	sor.u32 s7, s4;
	s14 =	sshrl.u32 s14, $0x3  }
0x3e9: {  	s7 =	sadd.s32 $0xC180, s4;
	s6 =	sadd.s32 s3, s14  }
0x3ea: {  	[tilespmem:s7], [sflag:$0x2] =	stream.linear.gather [hbm4b:s6+s2], $0x80, $0x38;
	[tilespmem:$0x16980] =	vst v63  }
0x3eb: {  	s20 =	sadd.s32 $0xC580, s4;
	s7 =	smulhi.u32 $0x51EB851F, s9;
	s16 =	sadd.s32 $0x80, s6  }
0x3ec: {  	[tilespmem:s20], [sflag:$0x2] =	stream.linear.gather [hbm4b:s16+s2], $0x80, $0x38;
	[tilespmem:$0x16980] =	vst v63  }
0x3ed: {  	s4 =	sadd.s32 $0xC980, s4;
	s7 =	sshrl.u32 s7, $0x4  }
0x3ee: {  	s14 =	sadd.s32 $0xFFFFFFF6, s23;
	s6 =	sadd.s32 $0x100, s6;
	s20 =	smul.u32 $0x32, s7  }
0x3ef: {  	[tilespmem:s4], [sflag:$0x2] =	stream.linear.gather [hbm4b:s6+s2], $0x80, $0x38;
	[tilespmem:$0x16980] =	vst v63  }
0x3f0: {  	s6 =	smulhi.u32 $0x51EB851F, s14  }
0x3f1: {  	s4 =	ssub.s32 s23, s20  }
0x3f2: {  	s7 =	smul.u32 $0x1900, s7;
	s6 =	sshrl.u32 s6, $0x4;
	s4 =	sadd.s32 $0xFFFFFFF6, s4  }
0x3f3: {  	s4 =	sshrl.u32 s4, $0x3;
	s6 =	smul.u32 $0x15000, s6;
	s16 =	spop (v2sf)  }
0x3f4: {  	s7 =	ssub.s32 s24, s7;
	s4 =	smul.u32 $0x3000, s4;
	(v2sf) =	vpush v0, $0x6;
	s20 =	sshrl.u32 s16, $0x3  }
0x3f5: {  	s7 =	sadd.s32 $0xFFFFFB00, s7;
	s14 =	sshll.u32 s16, $0x7;
	s16 =	smul.u32 $0xC00, s20  }
0x3f6: {  	s6 =	sshra.s32 s6, $0x2;
	s14 =	sand.u32 $0x380, s14;
	s4 =	sshra.s32 s4, $0x2  }
0x3f7: {  	s7 =	sand.u32 $0x380, s7;
	s4 =	sadd.s32 s4, s6;
	s14 =	sor.u32 s14, s16  }
0x3f8: {  	s4 =	sor.u32 s7, s4;
	s14 =	sshrl.u32 s14, $0x3  }
0x3f9: {  	s7 =	sadd.s32 $0xC180, s4;
	s6 =	sadd.s32 s3, s14  }
0x3fa: {  	[tilespmem:s7], [sflag:$0x2] =	stream.linear.gather [hbm4b:s6+s2], $0x80, $0x38;
	[tilespmem:$0x16980] =	vst v63  }
0x3fb: {  	s20 =	sadd.s32 $0xC580, s4;
	s7 =	smulhi.u32 $0x51EB851F, s8;
	s16 =	sadd.s32 $0x80, s6  }
0x3fc: {  	[tilespmem:s20], [sflag:$0x2] =	stream.linear.gather [hbm4b:s16+s2], $0x80, $0x38;
	[tilespmem:$0x16980] =	vst v63  }
0x3fd: {  	s4 =	sadd.s32 $0xC980, s4;
	s7 =	sshrl.u32 s7, $0x4  }
0x3fe: {  	s14 =	sadd.s32 $0xFFFFFFF7, s23;
	s6 =	sadd.s32 $0x100, s6;
	s20 =	smul.u32 $0x32, s7  }
0x3ff: {  	[tilespmem:s4], [sflag:$0x2] =	stream.linear.gather [hbm4b:s6+s2], $0x80, $0x38;
	[tilespmem:$0x16980] =	vst v63  }
0x400: {  	s6 =	smulhi.u32 $0x51EB851F, s14  }
0x401: {  	s4 =	ssub.s32 s23, s20  }
0x402: {  	s7 =	smul.u32 $0x1900, s7;
	s6 =	sshrl.u32 s6, $0x4;
	s4 =	sadd.s32 $0xFFFFFFF7, s4  }
0x403: {  	s4 =	sshrl.u32 s4, $0x3;
	s6 =	smul.u32 $0x15000, s6;
	s16 =	spop (v2sf)  }
0x404: {  	(v2sf) =	vpush v0, $0x7;
	s7 =	ssub.s32 s24, s7;
	s4 =	smul.u32 $0x3000, s4;
	s20 =	sshrl.u32 s16, $0x3  }
0x405: {  	s7 =	sadd.s32 $0xFFFFFB80, s7;
	s14 =	sshll.u32 s16, $0x7;
	s16 =	smul.u32 $0xC00, s20  }
0x406: {  	s6 =	sshra.s32 s6, $0x2;
	s14 =	sand.u32 $0x380, s14;
	s4 =	sshra.s32 s4, $0x2  }
0x407: {  	s7 =	sand.u32 $0x300, s7;
	s4 =	sadd.s32 s4, s6;
	s14 =	sor.u32 s14, s16  }
0x408: {  	s4 =	sor.u32 s7, s4;
	s14 =	sshrl.u32 s14, $0x3  }
0x409: {  	s7 =	sadd.s32 $0xC180, s4;
	s6 =	sadd.s32 s3, s14  }
0x40a: {  	[tilespmem:s7], [sflag:$0x2] =	stream.linear.gather [hbm4b:s6+s2], $0x80, $0x38;
	[tilespmem:$0x16980] =	vst v63  }
0x40b: {  	s20 =	sadd.s32 $0xC580, s4;
	s7 =	smulhi.u32 $0x51EB851F, s5;
	s16 =	sadd.s32 $0x80, s6  }
0x40c: {  	[tilespmem:s20], [sflag:$0x2] =	stream.linear.gather [hbm4b:s16+s2], $0x80, $0x38;
	[tilespmem:$0x16980] =	vst v63  }
0x40d: {  	s4 =	sadd.s32 $0xC980, s4;
	s7 =	sshrl.u32 s7, $0x4  }
0x40e: {  	s14 =	sadd.s32 $0xFFFFFFF8, s23;
	s6 =	sadd.s32 $0x100, s6;
	s20 =	smul.u32 $0x32, s7  }
0x40f: {  	[tilespmem:s4], [sflag:$0x2] =	stream.linear.gather [hbm4b:s6+s2], $0x80, $0x38;
	[tilespmem:$0x16980] =	vst v63  }
0x410: {  	s6 =	smulhi.u32 $0x51EB851F, s14  }
0x411: {  	(v2sf) =	vpush v0, $0x8;
	s4 =	ssub.s32 s23, s20  }
0x412: {  	s7 =	smul.u32 $0x1900, s7;
	s6 =	sshrl.u32 s6, $0x4;
	s4 =	sadd.s32 $0xFFFFFFF8, s4  }
0x413: {  	s16 =	spop (v2sf);
	s4 =	sshrl.u32 s4, $0x3;
	s6 =	smul.u32 $0x15000, s6  }
0x414: {  	s14 =	sshll.u32 s16, $0x7;
	s20 =	sshrl.u32 s16, $0x3;
	s4 =	smul.u32 $0x3000, s4  }
0x415: {  	s14 =	sand.u32 $0x380, s14;
	s7 =	ssub.s32 s24, s7;
	s16 =	smul.u32 $0xC00, s20  }
0x416: {  	s7 =	sadd.s32 $0xFFFFFC00, s7;
	s6 =	sshra.s32 s6, $0x2;
	s4 =	sshra.s32 s4, $0x2  }
0x417: {  	s7 =	sand.u32 $0x380, s7;
	s14 =	sor.u32 s14, s16;
	s4 =	sadd.s32 s4, s6  }
0x418: {  	s14 =	sshrl.u32 s14, $0x3;
	s4 =	sor.u32 s7, s4  }
0x419: {  	s6 =	sadd.s32 s3, s14;
	s7 =	sadd.s32 $0xC180, s4  }
0x41a: {  	[tilespmem:s7], [sflag:$0x2] =	stream.linear.gather [hbm4b:s6+s2], $0x80, $0x38;
	[tilespmem:$0x16980] =	vst v63  }
0x41b: {  	s16 =	sadd.s32 $0x80, s6;
	s20 =	sadd.s32 $0xC580, s4;
	s7 =	smulhi.u32 $0x51EB851F, s1  }
0x41c: {  	[tilespmem:s20], [sflag:$0x2] =	stream.linear.gather [hbm4b:s16+s2], $0x80, $0x38;
	[tilespmem:$0x16980] =	vst v63  }
0x41d: {  	s14 =	sadd.s32 $0xFFFFFFF9, s23;
	s7 =	sshrl.u32 s7, $0x4  }
0x41e: {  	s4 =	sadd.s32 $0xC980, s4;
	s6 =	sadd.s32 $0x100, s6;
	s20 =	smul.u32 $0x32, s7  }
0x41f: {  	[tilespmem:s4], [sflag:$0x2] =	stream.linear.gather [hbm4b:s6+s2], $0x80, $0x38;
	[tilespmem:$0x16980] =	vst v63  }
0x420: {  	s7 =	spop (v2sf);
	s6 =	smulhi.u32 $0x51EB851F, s14  }
0x421: {  	s16 =	sshrl.u32 s7, $0x3;
	s4 =	ssub.s32 s23, s20  }
0x422: {  	s14 =	smul.u32 $0xC00, s16;
	s6 =	sshrl.u32 s6, $0x4;
	s4 =	sadd.s32 $0xFFFFFFF9, s4  }
0x423: {  	(v2sf) =	vpush v0, $0x9;
	s4 =	sshrl.u32 s4, $0x3;
	s20 =	smul.u32 $0x15000, s6  }
0x424: {  	s7 =	sshll.u32 s7, $0x7;
	s4 =	smul.u32 $0x3000, s4  }
0x425: {  	s7 =	sand.u32 $0x380, s7;
	s6 =	smul.u32 $0x300, s6  }
0x426: {  	s7 =	sor.u32 s7, s14;
	s16 =	sshra.s32 s20, $0x2;
	s4 =	sshra.s32 s4, $0x2  }
0x427: {  	s7 =	sshrl.u32 s7, $0x3;
	s6 =	sand.u32 $0x300, s6;
	s4 =	sadd.s32 s4, s16  }
0x428: {  	s4 =	sor.u32 s6, s4;
	s6 =	sadd.s32 s3, s7  }
0x429: {  	s7 =	smulhi.u32 $0x51EB851F, s0;
	s14 =	sadd.s32 $0xC180, s4;
	s16 =	sadd.s32 $0x80, s6  }
0x42a: {  	[tilespmem:s14], [sflag:$0x2] =	stream.linear.gather [hbm4b:s6+s2], $0x80, $0x38;
	[tilespmem:$0x16980] =	vst v63  }
0x42b: {  	s20 =	sadd.s32 $0xC580, s4;
	s4 =	sadd.s32 $0xC980, s4;
	s7 =	sshrl.u32 s7, $0x4  }
0x42c: {  	[tilespmem:s20], [sflag:$0x2] =	stream.linear.gather [hbm4b:s16+s2], $0x80, $0x38;
	[tilespmem:$0x16980] =	vst v63  }
0x42d: {  	s6 =	sadd.s32 $0x100, s6;
	s14 =	sadd.s32 $0xFFFFFFFA, s23;
	s20 =	smul.u32 $0x32, s7  }
0x42e: {  	[tilespmem:s4], [sflag:$0x2] =	stream.linear.gather [hbm4b:s6+s2], $0x80, $0x38;
	[tilespmem:$0x16980] =	vst v63  }
0x42f: {  	s6 =	smulhi.u32 $0x51EB851F, s14  }
0x430: {  	s4 =	ssub.s32 s23, s20  }
0x431: {  	s7 =	smul.u32 $0x1900, s7;
	s4 =	sadd.s32 $0xFFFFFFFA, s4;
	s6 =	sshrl.u32 s6, $0x4  }
0x432: {  	s16 =	spop (v2sf);
	s4 =	sshrl.u32 s4, $0x3;
	s6 =	smul.u32 $0x15000, s6  }
0x433: {  	(v2sf) =	vpush v0, $0xA;
	s7 =	ssub.s32 s24, s7;
	s20 =	sshrl.u32 s16, $0x3;
	s4 =	smul.u32 $0x3000, s4  }
0x434: {  	s14 =	sshll.u32 s16, $0x7;
	s7 =	sadd.s32 $0xFFFFFD00, s7;
	s16 =	smul.u32 $0xC00, s20  }
0x435: {  	s14 =	sand.u32 $0x380, s14;
	s6 =	sshra.s32 s6, $0x2;
	s4 =	sshra.s32 s4, $0x2  }
0x436: {  	s7 =	sand.u32 $0x380, s7;
	s14 =	sor.u32 s14, s16;
	s4 =	sadd.s32 s4, s6  }
0x437: {  	s14 =	sshrl.u32 s14, $0x3;
	s4 =	sor.u32 s7, s4  }
0x438: {  	s6 =	sadd.s32 s3, s14;
	s7 =	sadd.s32 $0xC180, s4  }
0x439: {  	[tilespmem:s7], [sflag:$0x2] =	stream.linear.gather [hbm4b:s6+s2], $0x80, $0x38;
	[tilespmem:$0x16980] =	vst v63  }
0x43a: {  	s16 =	sadd.s32 $0x80, s6;
	s20 =	sadd.s32 $0xC580, s4;
	s7 =	smulhi.u32 $0x51EB851F, s30  }
0x43b: {  	[tilespmem:s20], [sflag:$0x2] =	stream.linear.gather [hbm4b:s16+s2], $0x80, $0x38;
	[tilespmem:$0x16980] =	vst v63  }
0x43c: {  	s14 =	sadd.s32 $0xFFFFFFFB, s23;
	s7 =	sshrl.u32 s7, $0x4  }
0x43d: {  	s4 =	sadd.s32 $0xC980, s4;
	s6 =	sadd.s32 $0x100, s6;
	s20 =	smul.u32 $0x32, s7  }
0x43e: {  	[tilespmem:s4], [sflag:$0x2] =	stream.linear.gather [hbm4b:s6+s2], $0x80, $0x38;
	[tilespmem:$0x16980] =	vst v63  }
0x43f: {  	s6 =	smulhi.u32 $0x51EB851F, s14  }
0x440: {  	s4 =	ssub.s32 s23, s20  }
0x441: {  	s7 =	smul.u32 $0x1900, s7;
	s6 =	sshrl.u32 s6, $0x4;
	s4 =	sadd.s32 $0xFFFFFFFB, s4  }
0x442: {  	s16 =	spop (v2sf);
	s4 =	sshrl.u32 s4, $0x3;
	s6 =	smul.u32 $0x15000, s6  }
0x443: {  	s7 =	ssub.s32 s24, s7;
	(v2sf) =	vpush v0, $0xB;
	s20 =	sshrl.u32 s16, $0x3;
	s4 =	smul.u32 $0x3000, s4  }
0x444: {  	s7 =	sadd.s32 $0xFFFFFD80, s7;
	s14 =	sshll.u32 s16, $0x7;
	s16 =	smul.u32 $0xC00, s20  }
0x445: {  	s14 =	sand.u32 $0x380, s14;
	s6 =	sshra.s32 s6, $0x2;
	s4 =	sshra.s32 s4, $0x2  }
0x446: {  	s7 =	sand.u32 $0x300, s7;
	s14 =	sor.u32 s14, s16;
	s4 =	sadd.s32 s4, s6  }
0x447: {  	s14 =	sshrl.u32 s14, $0x3;
	s4 =	sor.u32 s7, s4  }
0x448: {  	s6 =	sadd.s32 s3, s14;
	s7 =	sadd.s32 $0xC180, s4  }
0x449: {  	[tilespmem:s7], [sflag:$0x2] =	stream.linear.gather [hbm4b:s6+s2], $0x80, $0x38;
	[tilespmem:$0x16980] =	vst v63  }
0x44a: {  	s16 =	sadd.s32 $0x80, s6;
	s20 =	sadd.s32 $0xC580, s4;
	s7 =	smulhi.u32 $0x51EB851F, s29  }
0x44b: {  	[tilespmem:s20], [sflag:$0x2] =	stream.linear.gather [hbm4b:s16+s2], $0x80, $0x38;
	[tilespmem:$0x16980] =	vst v63  }
0x44c: {  	s14 =	sadd.s32 $0xFFFFFFFC, s23;
	s7 =	sshrl.u32 s7, $0x4  }
0x44d: {  	s4 =	sadd.s32 $0xC980, s4;
	s6 =	sadd.s32 $0x100, s6;
	s20 =	smul.u32 $0x32, s7  }
0x44e: {  	[tilespmem:s4], [sflag:$0x2] =	stream.linear.gather [hbm4b:s6+s2], $0x80, $0x38;
	[tilespmem:$0x16980] =	vst v63  }
0x44f: {  	s6 =	smulhi.u32 $0x51EB851F, s14  }
0x450: {  	s4 =	ssub.s32 s23, s20  }
0x451: {  	s7 =	smul.u32 $0x1900, s7;
	s6 =	sshrl.u32 s6, $0x4;
	s4 =	sadd.s32 $0xFFFFFFFC, s4  }
0x452: {  	s16 =	spop (v2sf);
	s4 =	sshrl.u32 s4, $0x3;
	s6 =	smul.u32 $0x15000, s6  }
0x453: {  	s7 =	ssub.s32 s24, s7;
	(v2sf) =	vpush v0, $0xC;
	s20 =	sshrl.u32 s16, $0x3;
	s4 =	smul.u32 $0x3000, s4  }
0x454: {  	s7 =	sadd.s32 $0xFFFFFE00, s7;
	s14 =	sshll.u32 s16, $0x7;
	s16 =	smul.u32 $0xC00, s20  }
0x455: {  	s14 =	sand.u32 $0x380, s14;
	s6 =	sshra.s32 s6, $0x2;
	s4 =	sshra.s32 s4, $0x2  }
0x456: {  	s7 =	sand.u32 $0x380, s7;
	s14 =	sor.u32 s14, s16;
	s4 =	sadd.s32 s4, s6  }
0x457: {  	s14 =	sshrl.u32 s14, $0x3;
	s4 =	sor.u32 s7, s4  }
0x458: {  	s6 =	sadd.s32 s3, s14;
	s7 =	sadd.s32 $0xC180, s4  }
0x459: {  	[tilespmem:s7], [sflag:$0x2] =	stream.linear.gather [hbm4b:s6+s2], $0x80, $0x38;
	[tilespmem:$0x16980] =	vst v63  }
0x45a: {  	s20 =	sadd.s32 $0xC580, s4;
	s7 =	smulhi.u32 $0x51EB851F, s28;
	s16 =	sadd.s32 $0x80, s6  }
0x45b: {  	[tilespmem:s20], [sflag:$0x2] =	stream.linear.gather [hbm4b:s16+s2], $0x80, $0x38;
	[tilespmem:$0x16980] =	vst v63  }
0x45c: {  	s4 =	sadd.s32 $0xC980, s4;
	s7 =	sshrl.u32 s7, $0x4  }
0x45d: {  	s14 =	sadd.s32 $0xFFFFFFFD, s23;
	s6 =	sadd.s32 $0x100, s6;
	s20 =	smul.u32 $0x32, s7  }
0x45e: {  	[tilespmem:s4], [sflag:$0x2] =	stream.linear.gather [hbm4b:s6+s2], $0x80, $0x38;
	[tilespmem:$0x16980] =	vst v63  }
0x45f: {  	s6 =	smulhi.u32 $0x51EB851F, s14  }
0x460: {  	s4 =	ssub.s32 s23, s20  }
0x461: {  	s7 =	smul.u32 $0x1900, s7;
	s6 =	sshrl.u32 s6, $0x4;
	s4 =	sadd.s32 $0xFFFFFFFD, s4  }
0x462: {  	s4 =	sshrl.u32 s4, $0x3;
	s6 =	smul.u32 $0x15000, s6;
	s16 =	spop (v2sf)  }
0x463: {  	s7 =	ssub.s32 s24, s7;
	s4 =	smul.u32 $0x3000, s4;
	(v2sf) =	vpush v0, $0xD;
	s20 =	sshrl.u32 s16, $0x3  }
0x464: {  	s7 =	sadd.s32 $0xFFFFFE80, s7;
	s14 =	sshll.u32 s16, $0x7;
	s16 =	smul.u32 $0xC00, s20  }
0x465: {  	s6 =	sshra.s32 s6, $0x2;
	s14 =	sand.u32 $0x380, s14;
	s4 =	sshra.s32 s4, $0x2  }
0x466: {  	s7 =	sand.u32 $0x300, s7;
	s4 =	sadd.s32 s4, s6;
	s14 =	sor.u32 s14, s16  }
0x467: {  	s4 =	sor.u32 s7, s4;
	s14 =	sshrl.u32 s14, $0x3  }
0x468: {  	s7 =	sadd.s32 $0xC180, s4;
	s6 =	sadd.s32 s3, s14  }
0x469: {  	[tilespmem:s7], [sflag:$0x2] =	stream.linear.gather [hbm4b:s6+s2], $0x80, $0x38;
	[tilespmem:$0x16980] =	vst v63  }
0x46a: {  	s20 =	sadd.s32 $0xC580, s4;
	s7 =	smulhi.u32 $0x51EB851F, s26;
	s16 =	sadd.s32 $0x80, s6  }
0x46b: {  	[tilespmem:s20], [sflag:$0x2] =	stream.linear.gather [hbm4b:s16+s2], $0x80, $0x38;
	[tilespmem:$0x16980] =	vst v63  }
0x46c: {  	s4 =	sadd.s32 $0xC980, s4;
	s7 =	sshrl.u32 s7, $0x4  }
0x46d: {  	s14 =	sadd.s32 $0xFFFFFFFE, s23;
	s6 =	sadd.s32 $0x100, s6;
	s20 =	smul.u32 $0x32, s7  }
0x46e: {  	[tilespmem:s4], [sflag:$0x2] =	stream.linear.gather [hbm4b:s6+s2], $0x80, $0x38;
	[tilespmem:$0x16980] =	vst v63  }
0x46f: {  	s6 =	smulhi.u32 $0x51EB851F, s14  }
0x470: {  	s21 =	sadd.s32 $0x1, s21;
	s18 =	sadd.s32 $0x10, s18;
	s4 =	ssub.s32 s23, s20  }
0x471: {  	s7 =	smul.u32 $0x1900, s7;
	s6 =	sshrl.u32 s6, $0x4;
	s4 =	sadd.s32 $0xFFFFFFFE, s4  }
0x472: {  	s4 =	sshrl.u32 s4, $0x3;
	s6 =	smul.u32 $0x15000, s6;
	s16 =	spop (v2sf)  }
0x473: {  	(v2sf) =	vpush v0, $0xE;
	s7 =	ssub.s32 s24, s7;
	s4 =	smul.u32 $0x3000, s4;
	s20 =	sshrl.u32 s16, $0x3  }
0x474: {  	s7 =	sadd.s32 $0xFFFFFF00, s7;
	s14 =	sshll.u32 s16, $0x7;
	s16 =	smul.u32 $0xC00, s20  }
0x475: {  	s6 =	sshra.s32 s6, $0x2;
	s14 =	sand.u32 $0x380, s14;
	s4 =	sshra.s32 s4, $0x2  }
0x476: {  	s7 =	sand.u32 $0x380, s7;
	s4 =	sadd.s32 s4, s6;
	s14 =	sor.u32 s14, s16  }
0x477: {  	p0 =	sne.s32 s23, $0x5F;
	s4 =	sor.u32 s7, s4;
	s14 =	sshrl.u32 s14, $0x3  }
0x478: {  	s11 =	sadd.s32 $0x10, s11;
	s7 =	sadd.s32 $0xC180, s4;
	s6 =	sadd.s32 s3, s14  }
0x479: {  	[tilespmem:s7], [sflag:$0x2] =	stream.linear.gather [hbm4b:s6+s2], $0x80, $0x38;
	[tilespmem:$0x16980] =	vst v63  }
0x47a: {  	s20 =	sadd.s32 $0xC580, s4;
	s7 =	smulhi.u32 $0x51EB851F, s25;
	s16 =	sadd.s32 $0x80, s6  }
0x47b: {  	[tilespmem:s20], [sflag:$0x2] =	stream.linear.gather [hbm4b:s16+s2], $0x80, $0x38;
	[tilespmem:$0x16980] =	vst v63  }
0x47c: {  	s10 =	sadd.s32 $0x10, s10;
	s4 =	sadd.s32 $0xC980, s4;
	s7 =	sshrl.u32 s7, $0x4  }
0x47d: {  	s14 =	sadd.s32 $0xFFFFFFFF, s23;
	s6 =	sadd.s32 $0x100, s6;
	s20 =	smul.u32 $0x32, s7  }
0x47e: {  	[tilespmem:s4], [sflag:$0x2] =	stream.linear.gather [hbm4b:s6+s2], $0x80, $0x38;
	[tilespmem:$0x16980] =	vst v63  }
0x47f: {  	s22 =	sadd.s32 $0x10, s22;
	s9 =	sadd.s32 $0x10, s9;
	s6 =	smulhi.u32 $0x51EB851F, s14  }
0x480: {  	s8 =	sadd.s32 $0x10, s8;
	s5 =	sadd.s32 $0x10, s5;
	(v2sf) =	vpush v0, $0xF;
	s4 =	sxor.u32 $0xFFFFFFFF, s20  }
0x481: {  	s7 =	smul.u32 $0x1900, s7;
	s6 =	sshrl.u32 s6, $0x4;
	s4 =	sadd.s32 s23, s4  }
0x482: {  	s16 =	spop (v2sf);
	s4 =	sshrl.u32 s4, $0x3;
	s6 =	smul.u32 $0x15000, s6  }
0x483: {  	s14 =	sshll.u32 s16, $0x7;
	s20 =	sshrl.u32 s16, $0x3;
	s4 =	smul.u32 $0x3000, s4  }
0x484: {  	s14 =	sand.u32 $0x380, s14;
	s7 =	ssub.s32 s24, s7;
	s16 =	smul.u32 $0xC00, s20  }
0x485: {  	s7 =	sadd.s32 $0xFFFFFF80, s7;
	s6 =	sshra.s32 s6, $0x2;
	s4 =	sshra.s32 s4, $0x2  }
0x486: {  	s7 =	sand.u32 $0x300, s7;
	s14 =	sor.u32 s14, s16;
	s4 =	sadd.s32 s4, s6  }
0x487: {  	s1 =	sadd.s32 $0x10, s1;
	s14 =	sshrl.u32 s14, $0x3;
	s4 =	sor.u32 s7, s4  }
0x488: {  	s16 =	smulhi.u32 $0x51EB851F, s23;
	s6 =	sadd.s32 s3, s14;
	s20 =	sadd.s32 $0xC180, s4  }
0x489: {  	[tilespmem:s20], [sflag:$0x2] =	stream.linear.gather [hbm4b:s6+s2], $0x80, $0x38;
	[tilespmem:$0x16980] =	vst v63  }
0x48a: {  	s7 =	sshrl.u32 s16, $0x4;
	s16 =	sadd.s32 $0x80, s6;
	s20 =	sadd.s32 $0xC580, s4  }
0x48b: {  	[tilespmem:s20], [sflag:$0x2] =	stream.linear.gather [hbm4b:s16+s2], $0x80, $0x38;
	[tilespmem:$0x16980] =	vst v63  }
0x48c: {  	s6 =	sadd.s32 $0x100, s6;
	s4 =	sadd.s32 $0xC980, s4;
	s20 =	smul.u32 $0x32, s7  }
0x48d: {  	[tilespmem:s4], [sflag:$0x2] =	stream.linear.gather [hbm4b:s6+s2], $0x80, $0x38;
	[tilespmem:$0x16980] =	vst v63  }
0x48e: {  	s0 =	sadd.s32 $0x10, s0;
	s4 =	smul.u32 $0x1900, s7;
	s14 =	ssub.s32 s23, s20  }
0x48f: {  	s16 =	spop (v2sf);
	s7 =	smul.u32 $0x15000, s7;
	s6 =	sshrl.u32 s14, $0x3  }
0x490: {  	s20 =	sshrl.u32 s16, $0x3;
	s14 =	sshll.u32 s16, $0x7;
	s6 =	smul.u32 $0x3000, s6  }
0x491: {  	s30 =	sadd.s32 $0x10, s30;
	s16 =	smul.u32 $0xC00, s20;
	s14 =	sand.u32 $0x380, s14  }
0x492: {  	s4 =	ssub.s32 s24, s4;
	s7 =	sshra.s32 s7, $0x2;
	s6 =	sshra.s32 s6, $0x2  }
0x493: {  	s14 =	sor.u32 s14, s16;
	s4 =	sand.u32 $0x380, s4;
	s6 =	sadd.s32 s6, s7  }
0x494: {  	s29 =	sadd.s32 $0x10, s29;
	s20 =	sshrl.u32 s14, $0x3;
	s4 =	sor.u32 s4, s6  }
0x495: {  	s28 =	sadd.s32 $0x10, s28;
	s6 =	sadd.s32 s3, s20;
	s14 =	sadd.s32 $0xC180, s4  }
0x496: {  	[tilespmem:s14], [sflag:$0x2] =	stream.linear.gather [hbm4b:s6+s2], $0x80, $0x38;
	[tilespmem:$0x16980] =	vst v63  }
.Ltmp5:
0x497: {  	s26 =	sadd.s32 $0x10, s26;
	s25 =	sadd.s32 $0x10, s25;
	(pc) =	sbr.rel @p0 .LBB2_13-.Ltmp5, $4  }
0x498: {  	s23 =	sadd.s32 $0x10, s23;
	s16 =	sadd.s32 $0x80, s6;
	s20 =	sadd.s32 $0xC580, s4  }
0x499: {  	[tilespmem:s20], [sflag:$0x2] =	stream.linear.gather [hbm4b:s16+s2], $0x80, $0x38;
	[tilespmem:$0x16980] =	vst v63  }
0x49a: {  	s24 =	sadd.s32 $0x800, s24;
	s4 =	sadd.s32 $0xC980, s4;
	s6 =	sadd.s32 $0x100, s6  }
0x49b: {  	[tilespmem:s4], [sflag:$0x2] =	stream.linear.gather [hbm4b:s6+s2], $0x80, $0x38;
	[tilespmem:$0x16980] =	vst v63  }
0x49c: {  	v0 =	vld [tilespmem:s31+$0x18C];
	_ =	sdelay $0x4  }
0x49d: {  	(v2sf) =	vpush v0, $0x0;
	_ =	sdelay $0x7  }
0x49e: {  	(v2sf) =	vpush v0, $0x1;
	_ =	sdelay $0x6  }
0x49f: {  	s0 =	spop (v2sf)  }
0x4a0: {  	s1 =	sshrl.u32 s0, $0x3  }
0x4a1: {  	s0 =	sshll.u32 s0, $0x7;
	s1 =	smul.u32 $0xC00, s1  }
0x4a2: {  	(v2sf) =	vpush v0, $0x2;
	s0 =	sand.u32 $0x380, s0  }
0x4a3: {  	s0 =	sor.u32 s0, s1  }
0x4a4: {  	s0 =	sshrl.u32 s0, $0x3  }
0x4a5: {  	s5 =	simm.s32 $0x15480;
	s0 =	sadd.s32 s3, s0  }
0x4a6: {  	[tilespmem:s5], [sflag:$0x2] =	stream.linear.gather [hbm4b:s0+s2], $0x80, $0x38;
	[tilespmem:$0x16980] =	vst v63  }
0x4a7: {  	s4 =	simm.s32 $0x15880;
	s8 =	spop (v2sf);
	s6 =	sadd.s32 $0x80, s0  }
0x4a8: {  	[tilespmem:s4], [sflag:$0x2] =	stream.linear.gather [hbm4b:s6+s2], $0x80, $0x38;
	[tilespmem:$0x16980] =	vst v63  }
0x4a9: {  	s7 =	simm.s32 $0x15C80;
	s9 =	sshrl.u32 s8, $0x3;
	s0 =	sadd.s32 $0x100, s0  }
0x4aa: {  	[tilespmem:s7], [sflag:$0x2] =	stream.linear.gather [hbm4b:s0+s2], $0x80, $0x38;
	[tilespmem:$0x16980] =	vst v63  }
0x4ab: {  	s1 =	smul.u32 $0xC00, s9;
	s0 =	sshll.u32 s8, $0x7  }
0x4ac: {  	(v2sf) =	vpush v0, $0x3;
	s0 =	sand.u32 $0x380, s0  }
0x4ad: {  	s0 =	sor.u32 s0, s1  }
0x4ae: {  	s0 =	sshrl.u32 s0, $0x3  }
0x4af: {  	s10 =	simm.s32 $0x15500;
	s0 =	sadd.s32 s3, s0  }
0x4b0: {  	[tilespmem:s10], [sflag:$0x2] =	stream.linear.gather [hbm4b:s0+s2], $0x80, $0x38;
	[tilespmem:$0x16980] =	vst v63  }
0x4b1: {  	s14 =	simm.s32 $0x15900;
	s16 =	spop (v2sf);
	s11 =	sadd.s32 $0x80, s0  }
0x4b2: {  	[tilespmem:s14], [sflag:$0x2] =	stream.linear.gather [hbm4b:s11+s2], $0x80, $0x38;
	[tilespmem:$0x16980] =	vst v63  }
0x4b3: {  	s18 =	simm.s32 $0x15D00;
	s0 =	sadd.s32 $0x100, s0;
	s20 =	sshrl.u32 s16, $0x3  }
0x4b4: {  	[tilespmem:s18], [sflag:$0x2] =	stream.linear.gather [hbm4b:s0+s2], $0x80, $0x38;
	[tilespmem:$0x16980] =	vst v63  }
0x4b5: {  	s1 =	sshll.u32 s16, $0x7;
	s0 =	smul.u32 $0xC00, s20  }
0x4b6: {  	s1 =	sand.u32 $0x380, s1  }
0x4b7: {  	s0 =	sor.u32 s1, s0  }
0x4b8: {  	s0 =	sshrl.u32 s0, $0x3  }
0x4b9: {  	s21 =	simm.s32 $0x15D80;
	s0 =	sadd.s32 s3, s0  }
0x4ba: {  	[tilespmem:s21], [sflag:$0x2] =	stream.linear.gather [hbm4b:s0+s2], $0x80, $0x38;
	[tilespmem:$0x16980] =	vst v63  }
0x4bb: {  	s23 =	simm.s32 $0x16180;
	s25 =	spop (v2sf);
	s22 =	sadd.s32 $0x80, s0  }
0x4bc: {  	[tilespmem:s23], [sflag:$0x2] =	stream.linear.gather [hbm4b:s22+s2], $0x80, $0x38;
	[tilespmem:$0x16980] =	vst v63  }
0x4bd: {  	s24 =	simm.s32 $0x16580;
	s26 =	sshrl.u32 s25, $0x3;
	s0 =	sadd.s32 $0x100, s0  }
0x4be: {  	[tilespmem:s24], [sflag:$0x2] =	stream.linear.gather [hbm4b:s0+s2], $0x80, $0x38;
	[tilespmem:$0x16980] =	vst v63  }
0x4bf: {  	s1 =	smul.u32 $0xC00, s26;
	s0 =	sshll.u32 s25, $0x7  }
0x4c0: {  	s0 =	sand.u32 $0x380, s0  }
0x4c1: {  	s0 =	sor.u32 s0, s1  }
0x4c2: {  	s17 =	sadd.s32 $0x1, s17;
	s0 =	sshrl.u32 s0, $0x3  }
0x4c3: {  	s28 =	simm.s32 $0x15E00;
	p0 =	sne.s32 s17, $0x1F;
	s0 =	sadd.s32 s3, s0  }
0x4c4: {  	[tilespmem:s28], [sflag:$0x2] =	stream.linear.gather [hbm4b:s0+s2], $0x80, $0x38;
	[tilespmem:$0x16980] =	vst v63  }
.Ltmp6:
0x4c5: {  	_ = 	snop;
	(pc) =	sbr.rel @p0 .LBB2_6-.Ltmp6, $4  }
0x4c6: {  	s30 =	simm.s32 $0x16200;
	s31 =	simm.s32 $0x16600;
	s29 =	sadd.s32 $0x80, s0  }
0x4c7: {  	[tilespmem:s30], [sflag:$0x2] =	stream.linear.gather [hbm4b:s29+s2], $0x80, $0x38;
	[tilespmem:$0x16980] =	vst v63  }
0x4c8: {  	s12 =	sadd.s32 $0xC8, s12;
	s19 =	sadd.s32 $0xC8, s19;
	s0 =	sadd.s32 $0x100, s0  }
0x4c9: {  	[tilespmem:s31], [sflag:$0x2] =	stream.linear.gather [hbm4b:s0+s2], $0x80, $0x38;
	[tilespmem:$0x16980] =	vst v63  }
0x4ca: {  	_ =	swait.ge [sflag:s13], $0x180  }
0x4cb: {  	s0 =	simm.s32 $0x63;
	[sflag:s13] =	ssyncset.done $0x0;
	s4 =	rddreg [dreg:$0xc]  }
.LBB2_16:
0x4cc: {  	p0 =	sne.s32 s0, $0x1;
	s0 =	sadd.s32 $0xFFFFFFFF, s0;
	[sflag:s13] =	ssyncadd.s32 $0xFFFFFE80  }
.Ltmp7:
0x4cd: {  	(pc) =	sbr.rel @p0 .LBB2_16-.Ltmp7, $3  }
0x4ce: {  	_ =	sdelay $0x1  }
0x4cf: {  	_ =	swait.ge [sflag:s13], $0x180  }
0x4d0: {  	[sflag:s13] =	ssyncset.done $0x0  }
0x4d1: {  	[sflag:s13] =	ssyncadd.s32 $0xFFFFFE80;
	s0 =	rddreg [dreg:$0x7];
	s1 =	simm.s32 $0x1980  }
0x4d2: {  	[hbm4b:s0+s2] =	stream.linear.scatter [tilespmem:s1], [sflag:$0x3], $0x5400, $0x38;
	[tilespmem:$0x16980] =	vst v63  }
0x4d3: {  	s30 =	rddreg [dreg:$0x8];
	s31 =	simm.s32 $0x6D80  }
0x4d4: {  	[hbm4b:s30+s2] =	stream.linear.scatter [tilespmem:s31], [sflag:$0x3], $0x5400, $0x38;
	[tilespmem:$0x16980] =	vst v63  }
0x4d5: {  	_ =	swait.ge [sflag:s15], $0x180  }
0x4d6: {  	s0 =	simm.s32 $0x63;
	[sflag:s15] =	ssyncset.done $0x0  }
.LBB2_18:
0x4d7: {  	p0 =	sne.s32 s0, $0x1;
	s0 =	sadd.s32 $0xFFFFFFFF, s0;
	[sflag:s15] =	ssyncadd.s32 $0xFFFFFE80  }
.Ltmp8:
0x4d8: {  	(pc) =	sbr.rel @p0 .LBB2_18-.Ltmp8, $3  }
0x4d9: {  	_ =	sdelay $0x1  }
0x4da: {  	_ =	swait.ge [sflag:s15], $0x180  }
0x4db: {  	[sflag:s15] =	ssyncset.done $0x0  }
0x4dc: {  	[sflag:s15] =	ssyncadd.s32 $0xFFFFFE80;
	s0 =	rddreg [dreg:$0x9];
	s1 =	simm.s32 $0xC180  }
0x4dd: {  	[hbm4b:s0+s2] =	stream.linear.scatter [tilespmem:s1], [sflag:$0x4], $0x5400, $0x38;
	[tilespmem:$0x16980] =	vst v63  }
0x4de: {  	s26 =	rddreg [dreg:$0xa];
	s28 =	simm.s32 $0x11580;
	s29 =	simm.s32 $0x3  }
0x4df: {  	[hbm4b:s26+s2] =	stream.linear.scatter [tilespmem:s28], [sflag:$0x4], $0x5400, $0x38;
	[tilespmem:$0x16980] =	vst v63  }
0x4e0: {  	_ =	swait.ge [sflag:s29], $0x5400  }
0x4e1: {  	[sflag:s29] =	ssyncset.done $0x0  }
0x4e2: {  	[sflag:s29] =	ssyncadd.s32 $0xFFFFAC00  }
0x4e3: {  	_ =	swait.ge [sflag:s29], $0x5400  }
0x4e4: {  	[sflag:s29] =	ssyncset.done $0x0  }
0x4e5: {  	s30 =	simm.s32 $0x4;
	[sflag:s29] =	ssyncadd.s32 $0xFFFFAC00  }
0x4e6: {  	_ =	swait.ge [sflag:s30], $0x5400  }
0x4e7: {  	[sflag:s30] =	ssyncset.done $0x0  }
0x4e8: {  	[sflag:s30] =	ssyncadd.s32 $0xFFFFAC00  }
0x4e9: {  	_ =	swait.ge [sflag:s30], $0x5400  }
0x4ea: {  	s4 =	sadd.s32 $0x1, s4;
	s31 =	rddreg [dreg:$0xb]  }
0x4eb: {  	p0 =	sne.s32 s4, s31  }
.Ltmp9:
0x4ec: {  	_ = 	snop;
	(pc) =	sbr.rel @p0 .LBB2_1-.Ltmp9, $3  }
0x4ed: {  	_ =	sdelay $0x1  }
0x4ee: {  	[sflag:s30] =	ssyncset.done $0x0  }
0x4ef: {  	[sflag:s30] =	ssyncadd.s32 $0xFFFFAC00  }
0x4f0: {  	_ =	sfence.sel $0x180000  }
0x4f1: {  	[bflag:$0x0] =	sbarrier.arrive $0xFFFF  }
0x4f2: {  	_ =	strace $0x90000047  }
0x4f3: {  	s0 =	stileid.u32;
	[bflag:$0x2] =	sbarrier.arrive $0xFFFF  }
0x4f4: {  	p0 =	sne.s32 s0, $0x0;
	s0 =	rddreg [dreg:$0x2]  }
0x4f5: {  	s0 =	sadd.s32 @!p0 $0x100000, s0  }
0x4f6: {  	[sflag:s0] =	ssyncadd.tile.s32 @!p0 $0x1;
	_ =	shalt  }
.Lfunc_end2:
_tile_overlayer_lowered:
.L_overlay_start_2:
0x4f7: {  	(tag) =	ssettag $0x2  }
0x4f8: {  	s0 =	rddreg [dreg:$0x0];
	s2 =	stileid.u32  }
0x4f9: {  	s1 =	rddreg [dreg:$0x1];
	p0 =	sne.s32 s2, $0x0  }
0x4fa: {  	s3 =	rddreg [dreg:$0x2];
	[bflag:$0x3] =	sbarrier.arrive $0xFFFF;
	s2 =	simm.s32 @!p0 $0x1C05  }
0x4fb: {  	[timem:s3], [sflag:s2] =	dma.local @!p0 [hbm:s0], s1  }
0x4fc: {  	s0 =	simm.s32 @!p0 $0x5  }
0x4fd: {  	_ =	swait.ge @!p0 [sflag:s0], s1  }
0x4fe: {  	s1 =	ssub.s32 @!p0 $0x0, s1;
	[sflag:s0] =	ssyncset.done @!p0 $0x0  }
0x4ff: {  	[sflag:s0] =	ssyncadd.s32 @!p0 s1  }
0x500: {  	[bflag:$0x3] =	sbarrier.arrive $0xFFFF  }
0x501: {  	_ =	shalt  }

</sc_bundles>
